<compile_context>
chip_gen: v7x
topology: tpu7x:2x2x1
jax: 0.10.2.dev20260603
libtpu: 0.0.44.dev20260713+nightly
codegen_flags: <defaults>
</compile_context>

<pallas_src>
import jax
import jax.numpy as jnp
from jax import lax
from jax.experimental import pallas as pl
from jax.experimental.pallas import tpu as pltpu
from jax.experimental.pallas import tpu_sc as plsc

HIDDEN = 128
B = 1024
NEG = 200
GAMMA = 12.0
HIER_W = 0.1

NC = 2
NS = 16
L = 16
NW = NC * NS
BPW = B // NW
CHUNKS = ((0, 104), (104, 96))
HC = HIDDEN // L
NG = (NEG + L - 1) // L
SPANS = tuple(range(0, NEG - L, L)) + (NEG - L,)


def _score_kernel(pos_hbm, neg_hbm, es_hbm, ed_hbm, rel_hbm,
                  rdir_hbm, hier_hbm, out_hbm,
                  pos_v, pos0_v, pos1_v, pl0_v, nl_v, neg_v, hs_v, hd_v,
                  rl_v, rdir_v, hl_v, ts_v, td_v, tl_v, out_v, sem):
    _LANE = lax.iota(jnp.int32, L)
    _ZERO = jnp.zeros((L,), jnp.int32)
    _MASKS = [_LANE == j for j in range(L)]
    wid = lax.axis_index("s") * NC + lax.axis_index("c")
    base = wid * BPW

    pltpu.sync_copy(neg_hbm.at[pl.ds(base, BPW)], neg_v)
    pltpu.sync_copy(pos_hbm.at[pl.ds(base, BPW)], pos_v)
    pltpu.sync_copy(rdir_hbm, rdir_v)

    for k in range(BPW // L):
        rows = _LANE + k * L
        p0 = plsc.load_gather(pos_v, [rows, _ZERO])
        p1 = plsc.load_gather(pos_v, [rows, _ZERO + 1])
        pos0_v[pl.ds(k * L, L)] = p0
        pos1_v[pl.ds(k * L, L)] = p1
        pl0_v[pl.ds(k * L, L)] = lax.shift_right_logical(p0, 4)

    head_cps = [
        pltpu.async_copy(es_hbm.at[pos0_v], hs_v, sem),
        pltpu.async_copy(ed_hbm.at[pos0_v], hd_v, sem),
        pltpu.async_copy(rel_hbm.at[pos1_v], rl_v, sem),
        pltpu.async_copy(hier_hbm.at[pl0_v], hl_v, sem),
    ]
    for cp in head_cps:
        cp.wait()

    def b_body(b, carry):
        for off in SPANS:
            nl_v[pl.ds(off, L)] = lax.shift_right_logical(
                neg_v[b, pl.ds(off, L)], 4)
        cps = []
        for off, sz in CHUNKS:
            idx = neg_v.at[b, pl.ds(off, sz)]
            cps.append(pltpu.async_copy(es_hbm.at[idx], ts_v.at[pl.ds(off, sz)], sem))
            cps.append(pltpu.async_copy(ed_hbm.at[idx], td_v.at[pl.ds(off, sz)], sem))
            cps.append(pltpu.async_copy(hier_hbm.at[nl_v.at[pl.ds(off, sz)]],
                                        tl_v.at[pl.ds(off, sz)], sem))
        for cp in cps:
            cp.wait()

        bsplat = jnp.full((L,), b, jnp.int32)
        qs = [hs_v[b, pl.ds(c * L, L)] + rl_v[b, pl.ds(c * L, L)] for c in range(HC)]
        qd = [hd_v[b, pl.ds(c * L, L)] for c in range(HC)]
        p0b = plsc.load_gather(pos0_v, [bsplat])
        p1b = plsc.load_gather(pos1_v, [bsplat])
        c1v = HIER_W * plsc.load_gather(rdir_v, [p1b, _ZERO])
        c0v = GAMMA - c1v * plsc.load_gather(hl_v, [bsplat, p0b & 15])

        def group_score(ns, nidx):
            negg = plsc.load_gather(neg_v, [bsplat, nidx])
            tl_g = plsc.load_gather(tl_v, [nidx, negg & 15])
            svec = jnp.zeros((L,), jnp.float32)
            for j in range(L):
                n = ns[j]
                acc = jnp.abs(qs[0] - ts_v[n, pl.ds(0, L)])
                acc = acc + jnp.abs(qd[0] - td_v[n, pl.ds(0, L)])
                for c in range(1, HC):
                    acc = acc + jnp.abs(qs[c] - ts_v[n, pl.ds(c * L, L)])
                    acc = acc + jnp.abs(qd[c] - td_v[n, pl.ds(c * L, L)])
                s = jnp.sum(acc)
                svec = jnp.where(_MASKS[j], s, svec)
            return c0v - svec + c1v * tl_g

        def g_full(g, gcarry):
            n0 = g * L
            score = group_score([n0 + j for j in range(L)], _LANE + n0)
            plsc.store_scatter(out_v, [bsplat, _LANE + n0], score)
            return gcarry

        lax.fori_loop(0, NG - 1, g_full, 0)
        n0p = (NG - 1) * L
        scorep = group_score([min(n0p + j, NEG - 1) for j in range(L)],
                             jnp.minimum(_LANE + n0p, NEG - 1))
        plsc.store_scatter(out_v, [bsplat, _LANE + n0p], scorep,
                           mask=(_LANE + n0p) < NEG)
        return carry

    lax.fori_loop(0, BPW, b_body, 0)
    pltpu.sync_copy(out_v, out_hbm.at[pl.ds(base, BPW)])


@jax.jit
def kernel(positive_sample, negative_sample, entity_static, entity_dynamic,
           relation_emb, r_direction, entity_hierarchy):
    hier_r = entity_hierarchy.reshape(-1, L)
    mesh = plsc.VectorSubcoreMesh(core_axis_name="c", subcore_axis_name="s")
    f = pl.kernel(
        _score_kernel,
        mesh=mesh,
        compiler_params=pltpu.CompilerParams(use_tc_tiling_on_sc=False,
                                             needs_layout_passes=False),
        out_type=jax.ShapeDtypeStruct((B, NEG), jnp.float32),
        scratch_types=[
            pltpu.VMEM((BPW, 3), jnp.int32),
            pltpu.VMEM((BPW,), jnp.int32),
            pltpu.VMEM((BPW,), jnp.int32),
            pltpu.VMEM((BPW,), jnp.int32),
            pltpu.VMEM((NEG,), jnp.int32),
            pltpu.VMEM((BPW, NEG), jnp.int32),
            pltpu.VMEM((BPW, HIDDEN), jnp.float32),
            pltpu.VMEM((BPW, HIDDEN), jnp.float32),
            pltpu.VMEM((BPW, HIDDEN), jnp.float32),
            pltpu.VMEM((500, 1), jnp.float32),
            pltpu.VMEM((BPW, L), jnp.float32),
            pltpu.VMEM((NEG, HIDDEN), jnp.float32),
            pltpu.VMEM((NEG, HIDDEN), jnp.float32),
            pltpu.VMEM((NEG, L), jnp.float32),
            pltpu.VMEM((BPW, NEG), jnp.float32),
            pltpu.SemaphoreType.DMA,
        ],
    )
    return f(positive_sample, negative_sample, entity_static, entity_dynamic,
             relation_emb, r_direction, hier_r)

# --- scband reference (transcript-rebuilt; emitter-appended) ---
"""Pipeline reference for scband-kgemodel-with-multi-input-59493886984244 (READ-ONLY COPY).

The authoritative reference and input builder live on the scoring server;
editing this copy changes nothing except your own understanding.
"""

import jax, jax.numpy as jnp
import numpy as np

NUM_ENTITIES = 100000
NUM_RELATIONS = 500
HIDDEN = 128
B = 1024
NEG = 200
GAMMA = 12.0
HIERARCHY_WEIGHT = 0.1


def setup_inputs(seed: int = 0) -> dict:
    key = jax.random.key(seed)
    ks = jax.random.split(key, 7)
    positive_sample = jax.random.randint(ks[0], (B, 3), 0, NUM_RELATIONS, dtype=jnp.int32)
    negative_sample = jax.random.randint(ks[1], (B, NEG), 0, NUM_ENTITIES, dtype=jnp.int32)
    entity_static = jax.random.normal(ks[2], (NUM_ENTITIES, HIDDEN), dtype=jnp.float32) * 0.1
    entity_dynamic = jax.random.normal(ks[3], (NUM_ENTITIES, HIDDEN), dtype=jnp.float32) * 0.1
    relation_emb = jax.random.normal(ks[4], (NUM_RELATIONS, HIDDEN), dtype=jnp.float32) * 0.1
    r_direction = jax.random.normal(ks[5], (NUM_RELATIONS, 1), dtype=jnp.float32)
    entity_hierarchy = jax.random.normal(ks[6], (NUM_ENTITIES, 1), dtype=jnp.float32)
    return {
        "positive_sample": positive_sample,
        "negative_sample": negative_sample,
        "entity_static": entity_static,
        "entity_dynamic": entity_dynamic,
        "relation_emb": relation_emb,
        "r_direction": r_direction,
        "entity_hierarchy": entity_hierarchy,
    }


def reference(positive_sample, negative_sample, entity_static, entity_dynamic, relation_emb, r_direction, entity_hierarchy):
    # TAIL_BATCH path of KGEModelWithMultiInput.forward
    h_static = jnp.take(entity_static, positive_sample[:, 0], axis=0)[:, None, :]   # [B,1,H]
    h_dynamic = jnp.take(entity_dynamic, positive_sample[:, 0], axis=0)[:, None, :]  # [B,1,H]
    relation = jnp.take(relation_emb, positive_sample[:, 1], axis=0)[:, None, :]    # [B,1,H]
    t_static = jnp.take(entity_static, negative_sample, axis=0)    # [B,NEG,H]
    t_dynamic = jnp.take(entity_dynamic, negative_sample, axis=0)  # [B,NEG,H]
    r_dir = jnp.take(r_direction, positive_sample[:, 1], axis=0)[:, None, :]          # [B,1,1]
    head_level = jnp.take(entity_hierarchy, positive_sample[:, 0], axis=0)[:, None, :]  # [B,1,1]
    tail_level = jnp.take(entity_hierarchy, negative_sample, axis=0)                    # [B,NEG,1]
    # predict(): translational score on static part, matching score on dynamic part,
    # plus hierarchy-consistency term (representative concrete implementation).
    score = GAMMA \
        - jnp.sum(jnp.abs(h_static + relation - t_static), axis=-1) \
        - jnp.sum(jnp.abs(h_dynamic - t_dynamic), axis=-1)
    score = score + HIERARCHY_WEIGHT * jnp.squeeze(r_dir * (tail_level - head_level), axis=-1)
    return score  # [B, NEG]

if __name__ == "__main__":
    import jax
    _d = setup_inputs()
    print(jax.jit(kernel)(*tuple(_d.values())))

</pallas_src>

<mosaic_0001>
#map = affine_map<(d0, d1) -> (0, 0)>
module attributes {stable_mosaic.version = 14 : i64} {
  func.func @_score_kernel(%arg0: i32, %arg1: i32, %arg2: memref<1024x3xi32, #tpu.memory_space<hbm>>, %arg3: memref<1024x200xi32, #tpu.memory_space<hbm>>, %arg4: memref<100000x128xf32, #tpu.memory_space<hbm>>, %arg5: memref<100000x128xf32, #tpu.memory_space<hbm>>, %arg6: memref<500x128xf32, #tpu.memory_space<hbm>>, %arg7: memref<500x1xf32, #tpu.memory_space<hbm>>, %arg8: memref<6250x16xf32, #tpu.memory_space<hbm>>, %arg9: memref<1024x200xf32, #tpu.memory_space<hbm>>, %arg10: memref<32x3xi32, #tpu.memory_space<vmem>>, %arg11: memref<32xi32, #tpu.memory_space<vmem>>, %arg12: memref<32xi32, #tpu.memory_space<vmem>>, %arg13: memref<32xi32, #tpu.memory_space<vmem>>, %arg14: memref<200xi32, #tpu.memory_space<vmem>>, %arg15: memref<32x200xi32, #tpu.memory_space<vmem>>, %arg16: memref<32x128xf32, #tpu.memory_space<vmem>>, %arg17: memref<32x128xf32, #tpu.memory_space<vmem>>, %arg18: memref<32x128xf32, #tpu.memory_space<vmem>>, %arg19: memref<500x1xf32, #tpu.memory_space<vmem>>, %arg20: memref<32x16xf32, #tpu.memory_space<vmem>>, %arg21: memref<200x128xf32, #tpu.memory_space<vmem>>, %arg22: memref<200x128xf32, #tpu.memory_space<vmem>>, %arg23: memref<200x16xf32, #tpu.memory_space<vmem>>, %arg24: memref<32x200xf32, #tpu.memory_space<vmem>>, %arg25: memref<!tpu.dma_semaphore, #tpu.memory_space<semaphore_mem>>) attributes {dimension_semantics = [#tpu.dimension_semantics<core_parallel>, #tpu.dimension_semantics<subcore_parallel>], iteration_bounds = array<i64: 2, 16>, scalar_prefetch = 0 : i64, scratch_operands = 16 : i64, tpu.core_type = #tpu.core_type<sc_vector_subcore>, window_params = [{transform_indices = #map}, {transform_indices = #map}, {transform_indices = #map}, {transform_indices = #map}, {transform_indices = #map}, {transform_indices = #map}, {transform_indices = #map}, {transform_indices = #map}]} {
    %iota3A = tpu.iota {dimensions = array<i32: 0>} : vector<16xi32>
    %broadcast_in_dim3A = arith.constant 0 : i32
    %broadcast_in_dim3A_0 = vector.broadcast %broadcast_in_dim3A : i32 to vector<16xi32>
    %eq3A = arith.constant 0 : i32
    %eq3A_1 = vector.broadcast %eq3A : i32 to vector<16xi32>
    %eq3A_2 = arith.cmpi eq, %iota3A, %eq3A_1 : vector<16xi32>
    %eq3A_3 = arith.constant 1 : i32
    %eq3A_4 = vector.broadcast %eq3A_3 : i32 to vector<16xi32>
    %eq3A_5 = arith.cmpi eq, %iota3A, %eq3A_4 : vector<16xi32>
    %eq3A_6 = arith.constant 2 : i32
    %eq3A_7 = vector.broadcast %eq3A_6 : i32 to vector<16xi32>
    %eq3A_8 = arith.cmpi eq, %iota3A, %eq3A_7 : vector<16xi32>
    %eq3A_9 = arith.constant 3 : i32
    %eq3A_10 = vector.broadcast %eq3A_9 : i32 to vector<16xi32>
    %eq3A_11 = arith.cmpi eq, %iota3A, %eq3A_10 : vector<16xi32>
    %eq3A_12 = arith.constant 4 : i32
    %eq3A_13 = vector.broadcast %eq3A_12 : i32 to vector<16xi32>
    %eq3A_14 = arith.cmpi eq, %iota3A, %eq3A_13 : vector<16xi32>
    %eq3A_15 = arith.constant 5 : i32
    %eq3A_16 = vector.broadcast %eq3A_15 : i32 to vector<16xi32>
    %eq3A_17 = arith.cmpi eq, %iota3A, %eq3A_16 : vector<16xi32>
    %eq3A_18 = arith.constant 6 : i32
    %eq3A_19 = vector.broadcast %eq3A_18 : i32 to vector<16xi32>
    %eq3A_20 = arith.cmpi eq, %iota3A, %eq3A_19 : vector<16xi32>
    %eq3A_21 = arith.constant 7 : i32
    %eq3A_22 = vector.broadcast %eq3A_21 : i32 to vector<16xi32>
    %eq3A_23 = arith.cmpi eq, %iota3A, %eq3A_22 : vector<16xi32>
    %eq3A_24 = arith.constant 8 : i32
    %eq3A_25 = vector.broadcast %eq3A_24 : i32 to vector<16xi32>
    %eq3A_26 = arith.cmpi eq, %iota3A, %eq3A_25 : vector<16xi32>
    %eq3A_27 = arith.constant 9 : i32
    %eq3A_28 = vector.broadcast %eq3A_27 : i32 to vector<16xi32>
    %eq3A_29 = arith.cmpi eq, %iota3A, %eq3A_28 : vector<16xi32>
    %eq3A_30 = arith.constant 10 : i32
    %eq3A_31 = vector.broadcast %eq3A_30 : i32 to vector<16xi32>
    %eq3A_32 = arith.cmpi eq, %iota3A, %eq3A_31 : vector<16xi32>
    %eq3A_33 = arith.constant 11 : i32
    %eq3A_34 = vector.broadcast %eq3A_33 : i32 to vector<16xi32>
    %eq3A_35 = arith.cmpi eq, %iota3A, %eq3A_34 : vector<16xi32>
    %eq3A_36 = arith.constant 12 : i32
    %eq3A_37 = vector.broadcast %eq3A_36 : i32 to vector<16xi32>
    %eq3A_38 = arith.cmpi eq, %iota3A, %eq3A_37 : vector<16xi32>
    %eq3A_39 = arith.constant 13 : i32
    %eq3A_40 = vector.broadcast %eq3A_39 : i32 to vector<16xi32>
    %eq3A_41 = arith.cmpi eq, %iota3A, %eq3A_40 : vector<16xi32>
    %eq3A_42 = arith.constant 14 : i32
    %eq3A_43 = vector.broadcast %eq3A_42 : i32 to vector<16xi32>
    %eq3A_44 = arith.cmpi eq, %iota3A, %eq3A_43 : vector<16xi32>
    %eq3A_45 = arith.constant 15 : i32
    %eq3A_46 = vector.broadcast %eq3A_45 : i32 to vector<16xi32>
    %eq3A_47 = arith.cmpi eq, %iota3A, %eq3A_46 : vector<16xi32>
    %mul3A = arith.constant 2 : i32
    %mul3A_48 = arith.muli %arg1, %mul3A : i32
    %add3A = arith.addi %mul3A_48, %arg0 : i32
    %mul3A_49 = arith.constant 32 : i32
    %mul3A_50 = arith.muli %add3A, %mul3A_49 : i32
    "tpu.region"() ({
      %run_scoped3A = tpu.sem_alloc : memref<!tpu.dma_semaphore, #tpu.memory_space<semaphore_mem>>
      %dma_start3A_109 = arith.constant 0 : i32
      %dma_start3A_110 = tpu.memref_slice %arg3[%mul3A_50, %dma_start3A_109] : memref<1024x200xi32, #tpu.memory_space<hbm>> -> memref<32x200xi32, #tpu.memory_space<hbm>>
      %dma_start3A_111 = arith.constant 0 : i32
      %dma_start3A_112 = tpu.memref_slice %arg3[%mul3A_50, %dma_start3A_111] : memref<1024x200xi32, #tpu.memory_space<hbm>> -> memref<32x200xi32, #tpu.memory_space<hbm>>
      tpu.enqueue_dma source(%dma_start3A_112 : memref<32x200xi32, #tpu.memory_space<hbm>>) target(%arg15 : memref<32x200xi32, #tpu.memory_space<vmem>>) target_semaphore(%run_scoped3A : memref<!tpu.dma_semaphore, #tpu.memory_space<semaphore_mem>>)
      %dma_wait3A_113 = arith.constant 0 : i32
      %dma_wait3A_114 = tpu.memref_slice %arg3[%mul3A_50, %dma_wait3A_113] : memref<1024x200xi32, #tpu.memory_space<hbm>> -> memref<32x200xi32, #tpu.memory_space<hbm>>
      %dma_wait3A_115 = arith.constant 0 : i32
      %dma_wait3A_116 = tpu.memref_slice %arg3[%mul3A_50, %dma_wait3A_115] : memref<1024x200xi32, #tpu.memory_space<hbm>> -> memref<32x200xi32, #tpu.memory_space<hbm>>
      tpu.wait_dma2 semaphore(%run_scoped3A : memref<!tpu.dma_semaphore, #tpu.memory_space<semaphore_mem>>) src(%dma_wait3A_116 : memref<32x200xi32, #tpu.memory_space<hbm>>) dst(%arg15 : memref<32x200xi32, #tpu.memory_space<vmem>>)
      tpu.yield
    }) : () -> ()
    "tpu.region"() ({
      %run_scoped3A = tpu.sem_alloc : memref<!tpu.dma_semaphore, #tpu.memory_space<semaphore_mem>>
      %dma_start3A_109 = arith.constant 0 : i32
      %dma_start3A_110 = tpu.memref_slice %arg2[%mul3A_50, %dma_start3A_109] : memref<1024x3xi32, #tpu.memory_space<hbm>> -> memref<32x3xi32, #tpu.memory_space<hbm>>
      %dma_start3A_111 = arith.constant 0 : i32
      %dma_start3A_112 = tpu.memref_slice %arg2[%mul3A_50, %dma_start3A_111] : memref<1024x3xi32, #tpu.memory_space<hbm>> -> memref<32x3xi32, #tpu.memory_space<hbm>>
      tpu.enqueue_dma source(%dma_start3A_112 : memref<32x3xi32, #tpu.memory_space<hbm>>) target(%arg10 : memref<32x3xi32, #tpu.memory_space<vmem>>) target_semaphore(%run_scoped3A : memref<!tpu.dma_semaphore, #tpu.memory_space<semaphore_mem>>)
      %dma_wait3A_113 = arith.constant 0 : i32
      %dma_wait3A_114 = tpu.memref_slice %arg2[%mul3A_50, %dma_wait3A_113] : memref<1024x3xi32, #tpu.memory_space<hbm>> -> memref<32x3xi32, #tpu.memory_space<hbm>>
      %dma_wait3A_115 = arith.constant 0 : i32
      %dma_wait3A_116 = tpu.memref_slice %arg2[%mul3A_50, %dma_wait3A_115] : memref<1024x3xi32, #tpu.memory_space<hbm>> -> memref<32x3xi32, #tpu.memory_space<hbm>>
      tpu.wait_dma2 semaphore(%run_scoped3A : memref<!tpu.dma_semaphore, #tpu.memory_space<semaphore_mem>>) src(%dma_wait3A_116 : memref<32x3xi32, #tpu.memory_space<hbm>>) dst(%arg10 : memref<32x3xi32, #tpu.memory_space<vmem>>)
      tpu.yield
    }) : () -> ()
    "tpu.region"() ({
      %run_scoped3A = tpu.sem_alloc : memref<!tpu.dma_semaphore, #tpu.memory_space<semaphore_mem>>
      tpu.enqueue_dma source(%arg7 : memref<500x1xf32, #tpu.memory_space<hbm>>) target(%arg19 : memref<500x1xf32, #tpu.memory_space<vmem>>) target_semaphore(%run_scoped3A : memref<!tpu.dma_semaphore, #tpu.memory_space<semaphore_mem>>)
      tpu.wait_dma2 semaphore(%run_scoped3A : memref<!tpu.dma_semaphore, #tpu.memory_space<semaphore_mem>>) src(%arg7 : memref<500x1xf32, #tpu.memory_space<hbm>>) dst(%arg19 : memref<500x1xf32, #tpu.memory_space<vmem>>)
      tpu.yield
    }) : () -> ()
    %add3A_51 = arith.constant 0 : i32
    %add3A_52 = vector.broadcast %add3A_51 : i32 to vector<16xi32>
    %add3A_53 = arith.addi %iota3A, %add3A_52 : vector<16xi32>
    %gather3A = tpu.vector_load_idx %arg10[%add3A_53, %broadcast_in_dim3A_0] : memref<32x3xi32, #tpu.memory_space<vmem>>[vector<16xi32>, vector<16xi32>], vector<16xi32>,
    %add3A_54 = arith.constant 1 : i32
    %add3A_55 = vector.broadcast %add3A_54 : i32 to vector<16xi32>
    %add3A_56 = arith.addi %broadcast_in_dim3A_0, %add3A_55 : vector<16xi32>
    %gather3A_57 = tpu.vector_load_idx %arg10[%add3A_53, %add3A_56] : memref<32x3xi32, #tpu.memory_space<vmem>>[vector<16xi32>, vector<16xi32>], vector<16xi32>,
    %swap3A = arith.constant 0 : index
    %swap3A_58 = tpu.vector_load %arg11[%swap3A] {strides = array<i32>} : memref<32xi32, #tpu.memory_space<vmem>>, vector<16xi32>,
    tpu.vector_store %arg11[%swap3A], %gather3A {strides = array<i32>} : memref<32xi32, #tpu.memory_space<vmem>>, vector<16xi32>,
    %swap3A_59 = arith.constant 0 : index
    %swap3A_60 = tpu.vector_load %arg12[%swap3A_59] {strides = array<i32>} : memref<32xi32, #tpu.memory_space<vmem>>, vector<16xi32>,
    tpu.vector_store %arg12[%swap3A_59], %gather3A_57 {strides = array<i32>} : memref<32xi32, #tpu.memory_space<vmem>>, vector<16xi32>,
    %shift_right_logical3A = arith.constant 4 : i32
    %shift_right_logical3A_61 = vector.broadcast %shift_right_logical3A : i32 to vector<16xi32>
    %shift_right_logical3A_62 = arith.shrui %gather3A, %shift_right_logical3A_61 : vector<16xi32>
    %swap3A_63 = arith.constant 0 : index
    %swap3A_64 = tpu.vector_load %arg13[%swap3A_63] {strides = array<i32>} : memref<32xi32, #tpu.memory_space<vmem>>, vector<16xi32>,
    tpu.vector_store %arg13[%swap3A_63], %shift_right_logical3A_62 {strides = array<i32>} : memref<32xi32, #tpu.memory_space<vmem>>, vector<16xi32>,
    %add3A_65 = arith.constant 16 : i32
    %add3A_66 = vector.broadcast %add3A_65 : i32 to vector<16xi32>
    %add3A_67 = arith.addi %iota3A, %add3A_66 : vector<16xi32>
    %gather3A_68 = tpu.vector_load_idx %arg10[%add3A_67, %broadcast_in_dim3A_0] : memref<32x3xi32, #tpu.memory_space<vmem>>[vector<16xi32>, vector<16xi32>], vector<16xi32>,
    %add3A_69 = arith.constant 1 : i32
    %add3A_70 = vector.broadcast %add3A_69 : i32 to vector<16xi32>
    %add3A_71 = arith.addi %broadcast_in_dim3A_0, %add3A_70 : vector<16xi32>
    %gather3A_72 = tpu.vector_load_idx %arg10[%add3A_67, %add3A_71] : memref<32x3xi32, #tpu.memory_space<vmem>>[vector<16xi32>, vector<16xi32>], vector<16xi32>,
    %swap3A_73 = arith.constant 16 : index
    %swap3A_74 = tpu.vector_load %arg11[%swap3A_73] {strides = array<i32>} : memref<32xi32, #tpu.memory_space<vmem>>, vector<16xi32>,
    tpu.vector_store %arg11[%swap3A_73], %gather3A_68 {strides = array<i32>} : memref<32xi32, #tpu.memory_space<vmem>>, vector<16xi32>,
    %swap3A_75 = arith.constant 16 : index
    %swap3A_76 = tpu.vector_load %arg12[%swap3A_75] {strides = array<i32>} : memref<32xi32, #tpu.memory_space<vmem>>, vector<16xi32>,
    tpu.vector_store %arg12[%swap3A_75], %gather3A_72 {strides = array<i32>} : memref<32xi32, #tpu.memory_space<vmem>>, vector<16xi32>,
    %shift_right_logical3A_77 = arith.constant 4 : i32
    %shift_right_logical3A_78 = vector.broadcast %shift_right_logical3A_77 : i32 to vector<16xi32>
    %shift_right_logical3A_79 = arith.shrui %gather3A_68, %shift_right_logical3A_78 : vector<16xi32>
    %swap3A_80 = arith.constant 16 : index
    %swap3A_81 = tpu.vector_load %arg13[%swap3A_80] {strides = array<i32>} : memref<32xi32, #tpu.memory_space<vmem>>, vector<16xi32>,
    tpu.vector_store %arg13[%swap3A_80], %shift_right_logical3A_79 {strides = array<i32>} : memref<32xi32, #tpu.memory_space<vmem>>, vector<16xi32>,
    %dma_start3A = arith.constant 0 : i32
    %dma_start3A_82 = arith.constant 0 : i32
    %dma_start3A_83 = tpu.memref_slice %arg4[%dma_start3A, %dma_start3A_82] : memref<100000x128xf32, #tpu.memory_space<hbm>> -> memref<100000x128xf32, #tpu.memory_space<hbm>>
    tpu.enqueue_indirect_dma source(%dma_start3A_83 : memref<100000x128xf32, #tpu.memory_space<hbm>>) target(%arg16 : memref<32x128xf32, #tpu.memory_space<vmem>>) offsets(%arg11 : memref<32xi32, #tpu.memory_space<vmem>>) semaphore(%arg25 : memref<!tpu.dma_semaphore, #tpu.memory_space<semaphore_mem>>)
    %dma_start3A_84 = arith.constant 0 : i32
    %dma_start3A_85 = arith.constant 0 : i32
    %dma_start3A_86 = tpu.memref_slice %arg5[%dma_start3A_84, %dma_start3A_85] : memref<100000x128xf32, #tpu.memory_space<hbm>> -> memref<100000x128xf32, #tpu.memory_space<hbm>>
    tpu.enqueue_indirect_dma source(%dma_start3A_86 : memref<100000x128xf32, #tpu.memory_space<hbm>>) target(%arg17 : memref<32x128xf32, #tpu.memory_space<vmem>>) offsets(%arg11 : memref<32xi32, #tpu.memory_space<vmem>>) semaphore(%arg25 : memref<!tpu.dma_semaphore, #tpu.memory_space<semaphore_mem>>)
    %dma_start3A_87 = arith.constant 0 : i32
    %dma_start3A_88 = arith.constant 0 : i32
    %dma_start3A_89 = tpu.memref_slice %arg6[%dma_start3A_87, %dma_start3A_88] : memref<500x128xf32, #tpu.memory_space<hbm>> -> memref<500x128xf32, #tpu.memory_space<hbm>>
    tpu.enqueue_indirect_dma source(%dma_start3A_89 : memref<500x128xf32, #tpu.memory_space<hbm>>) target(%arg18 : memref<32x128xf32, #tpu.memory_space<vmem>>) offsets(%arg12 : memref<32xi32, #tpu.memory_space<vmem>>) semaphore(%arg25 : memref<!tpu.dma_semaphore, #tpu.memory_space<semaphore_mem>>)
    %dma_start3A_90 = arith.constant 0 : i32
    %dma_start3A_91 = arith.constant 0 : i32
    %dma_start3A_92 = tpu.memref_slice %arg8[%dma_start3A_90, %dma_start3A_91] : memref<6250x16xf32, #tpu.memory_space<hbm>> -> memref<6250x16xf32, #tpu.memory_space<hbm>>
    tpu.enqueue_indirect_dma source(%dma_start3A_92 : memref<6250x16xf32, #tpu.memory_space<hbm>>) target(%arg20 : memref<32x16xf32, #tpu.memory_space<vmem>>) offsets(%arg13 : memref<32xi32, #tpu.memory_space<vmem>>) semaphore(%arg25 : memref<!tpu.dma_semaphore, #tpu.memory_space<semaphore_mem>>)
    %dma_wait3A = arith.constant 0 : i32
    %dma_wait3A_93 = arith.constant 0 : i32
    %dma_wait3A_94 = tpu.memref_slice %arg4[%dma_wait3A, %dma_wait3A_93] : memref<100000x128xf32, #tpu.memory_space<hbm>> -> memref<100000x128xf32, #tpu.memory_space<hbm>>
    tpu.wait_indirect_dma semaphore(%arg25 : memref<!tpu.dma_semaphore, #tpu.memory_space<semaphore_mem>>) src(%dma_wait3A_94 : memref<100000x128xf32, #tpu.memory_space<hbm>>) dst(%arg16 : memref<32x128xf32, #tpu.memory_space<vmem>>)
    %dma_wait3A_95 = arith.constant 0 : i32
    %dma_wait3A_96 = arith.constant 0 : i32
    %dma_wait3A_97 = tpu.memref_slice %arg5[%dma_wait3A_95, %dma_wait3A_96] : memref<100000x128xf32, #tpu.memory_space<hbm>> -> memref<100000x128xf32, #tpu.memory_space<hbm>>
    tpu.wait_indirect_dma semaphore(%arg25 : memref<!tpu.dma_semaphore, #tpu.memory_space<semaphore_mem>>) src(%dma_wait3A_97 : memref<100000x128xf32, #tpu.memory_space<hbm>>) dst(%arg17 : memref<32x128xf32, #tpu.memory_space<vmem>>)
    %dma_wait3A_98 = arith.constant 0 : i32
    %dma_wait3A_99 = arith.constant 0 : i32
    %dma_wait3A_100 = tpu.memref_slice %arg6[%dma_wait3A_98, %dma_wait3A_99] : memref<500x128xf32, #tpu.memory_space<hbm>> -> memref<500x128xf32, #tpu.memory_space<hbm>>
    tpu.wait_indirect_dma semaphore(%arg25 : memref<!tpu.dma_semaphore, #tpu.memory_space<semaphore_mem>>) src(%dma_wait3A_100 : memref<500x128xf32, #tpu.memory_space<hbm>>) dst(%arg18 : memref<32x128xf32, #tpu.memory_space<vmem>>)
    %dma_wait3A_101 = arith.constant 0 : i32
    %dma_wait3A_102 = arith.constant 0 : i32
    %dma_wait3A_103 = tpu.memref_slice %arg8[%dma_wait3A_101, %dma_wait3A_102] : memref<6250x16xf32, #tpu.memory_space<hbm>> -> memref<6250x16xf32, #tpu.memory_space<hbm>>
    tpu.wait_indirect_dma semaphore(%arg25 : memref<!tpu.dma_semaphore, #tpu.memory_space<semaphore_mem>>) src(%dma_wait3A_103 : memref<6250x16xf32, #tpu.memory_space<hbm>>) dst(%arg20 : memref<32x16xf32, #tpu.memory_space<vmem>>)
    %scan3A = arith.constant 0 : i32
    %scan3A_104 = arith.constant 0 : i32
    %scan3A_105 = arith.constant 32 : i32
    %scan3A_106 = arith.addi %scan3A_104, %scan3A_105 : i32
    %scan3A_107 = arith.constant 1 : i32
    scf.for %scan3A_109 = %scan3A_104 to %scan3A_106 step %scan3A_107  : i32 {
      %get3A = arith.index_cast %scan3A_109 : i32 to index
      %get3A_110 = arith.constant 0 : index
      %get3A_111 = tpu.vector_load %arg15[%get3A, %get3A_110] {strides = array<i32>} : memref<32x200xi32, #tpu.memory_space<vmem>>, vector<16xi32>,
      %shift_right_logical3A_112 = arith.constant 4 : i32
      %shift_right_logical3A_113 = vector.broadcast %shift_right_logical3A_112 : i32 to vector<16xi32>
      %shift_right_logical3A_114 = arith.shrui %get3A_111, %shift_right_logical3A_113 : vector<16xi32>
      %swap3A_115 = arith.constant 0 : index
      %swap3A_116 = tpu.vector_load %arg14[%swap3A_115] {strides = array<i32>} : memref<200xi32, #tpu.memory_space<vmem>>, vector<16xi32>,
      tpu.vector_store %arg14[%swap3A_115], %shift_right_logical3A_114 {strides = array<i32>} : memref<200xi32, #tpu.memory_space<vmem>>, vector<16xi32>,
      %get3A_117 = arith.index_cast %scan3A_109 : i32 to index
      %get3A_118 = arith.constant 16 : index
      %get3A_119 = tpu.vector_load %arg15[%get3A_117, %get3A_118] {strides = array<i32>} : memref<32x200xi32, #tpu.memory_space<vmem>>, vector<16xi32>,
      %shift_right_logical3A_120 = arith.constant 4 : i32
      %shift_right_logical3A_121 = vector.broadcast %shift_right_logical3A_120 : i32 to vector<16xi32>
      %shift_right_logical3A_122 = arith.shrui %get3A_119, %shift_right_logical3A_121 : vector<16xi32>
      %swap3A_123 = arith.constant 16 : index
      %swap3A_124 = tpu.vector_load %arg14[%swap3A_123] {strides = array<i32>} : memref<200xi32, #tpu.memory_space<vmem>>, vector<16xi32>,
      tpu.vector_store %arg14[%swap3A_123], %shift_right_logical3A_122 {strides = array<i32>} : memref<200xi32, #tpu.memory_space<vmem>>, vector<16xi32>,
      %get3A_125 = arith.index_cast %scan3A_109 : i32 to index
      %get3A_126 = arith.constant 32 : index
      %get3A_127 = tpu.vector_load %arg15[%get3A_125, %get3A_126] {strides = array<i32>} : memref<32x200xi32, #tpu.memory_space<vmem>>, vector<16xi32>,
      %shift_right_logical3A_128 = arith.constant 4 : i32
      %shift_right_logical3A_129 = vector.broadcast %shift_right_logical3A_128 : i32 to vector<16xi32>
      %shift_right_logical3A_130 = arith.shrui %get3A_127, %shift_right_logical3A_129 : vector<16xi32>
      %swap3A_131 = arith.constant 32 : index
      %swap3A_132 = tpu.vector_load %arg14[%swap3A_131] {strides = array<i32>} : memref<200xi32, #tpu.memory_space<vmem>>, vector<16xi32>,
      tpu.vector_store %arg14[%swap3A_131], %shift_right_logical3A_130 {strides = array<i32>} : memref<200xi32, #tpu.memory_space<vmem>>, vector<16xi32>,
      %get3A_133 = arith.index_cast %scan3A_109 : i32 to index
      %get3A_134 = arith.constant 48 : index
      %get3A_135 = tpu.vector_load %arg15[%get3A_133, %get3A_134] {strides = array<i32>} : memref<32x200xi32, #tpu.memory_space<vmem>>, vector<16xi32>,
      %shift_right_logical3A_136 = arith.constant 4 : i32
      %shift_right_logical3A_137 = vector.broadcast %shift_right_logical3A_136 : i32 to vector<16xi32>
      %shift_right_logical3A_138 = arith.shrui %get3A_135, %shift_right_logical3A_137 : vector<16xi32>
      %swap3A_139 = arith.constant 48 : index
      %swap3A_140 = tpu.vector_load %arg14[%swap3A_139] {strides = array<i32>} : memref<200xi32, #tpu.memory_space<vmem>>, vector<16xi32>,
      tpu.vector_store %arg14[%swap3A_139], %shift_right_logical3A_138 {strides = array<i32>} : memref<200xi32, #tpu.memory_space<vmem>>, vector<16xi32>,
      %get3A_141 = arith.index_cast %scan3A_109 : i32 to index
      %get3A_142 = arith.constant 64 : index
      %get3A_143 = tpu.vector_load %arg15[%get3A_141, %get3A_142] {strides = array<i32>} : memref<32x200xi32, #tpu.memory_space<vmem>>, vector<16xi32>,
      %shift_right_logical3A_144 = arith.constant 4 : i32
      %shift_right_logical3A_145 = vector.broadcast %shift_right_logical3A_144 : i32 to vector<16xi32>
      %shift_right_logical3A_146 = arith.shrui %get3A_143, %shift_right_logical3A_145 : vector<16xi32>
      %swap3A_147 = arith.constant 64 : index
      %swap3A_148 = tpu.vector_load %arg14[%swap3A_147] {strides = array<i32>} : memref<200xi32, #tpu.memory_space<vmem>>, vector<16xi32>,
      tpu.vector_store %arg14[%swap3A_147], %shift_right_logical3A_146 {strides = array<i32>} : memref<200xi32, #tpu.memory_space<vmem>>, vector<16xi32>,
      %get3A_149 = arith.index_cast %scan3A_109 : i32 to index
      %get3A_150 = arith.constant 80 : index
      %get3A_151 = tpu.vector_load %arg15[%get3A_149, %get3A_150] {strides = array<i32>} : memref<32x200xi32, #tpu.memory_space<vmem>>, vector<16xi32>,
      %shift_right_logical3A_152 = arith.constant 4 : i32
      %shift_right_logical3A_153 = vector.broadcast %shift_right_logical3A_152 : i32 to vector<16xi32>
      %shift_right_logical3A_154 = arith.shrui %get3A_151, %shift_right_logical3A_153 : vector<16xi32>
      %swap3A_155 = arith.constant 80 : index
      %swap3A_156 = tpu.vector_load %arg14[%swap3A_155] {strides = array<i32>} : memref<200xi32, #tpu.memory_space<vmem>>, vector<16xi32>,
      tpu.vector_store %arg14[%swap3A_155], %shift_right_logical3A_154 {strides = array<i32>} : memref<200xi32, #tpu.memory_space<vmem>>, vector<16xi32>,
      %get3A_157 = arith.index_cast %scan3A_109 : i32 to index
      %get3A_158 = arith.constant 96 : index
      %get3A_159 = tpu.vector_load %arg15[%get3A_157, %get3A_158] {strides = array<i32>} : memref<32x200xi32, #tpu.memory_space<vmem>>, vector<16xi32>,
      %shift_right_logical3A_160 = arith.constant 4 : i32
      %shift_right_logical3A_161 = vector.broadcast %shift_right_logical3A_160 : i32 to vector<16xi32>
      %shift_right_logical3A_162 = arith.shrui %get3A_159, %shift_right_logical3A_161 : vector<16xi32>
      %swap3A_163 = arith.constant 96 : index
      %swap3A_164 = tpu.vector_load %arg14[%swap3A_163] {strides = array<i32>} : memref<200xi32, #tpu.memory_space<vmem>>, vector<16xi32>,
      tpu.vector_store %arg14[%swap3A_163], %shift_right_logical3A_162 {strides = array<i32>} : memref<200xi32, #tpu.memory_space<vmem>>, vector<16xi32>,
      %get3A_165 = arith.index_cast %scan3A_109 : i32 to index
      %get3A_166 = arith.constant 112 : index
      %get3A_167 = tpu.vector_load %arg15[%get3A_165, %get3A_166] {strides = array<i32>} : memref<32x200xi32, #tpu.memory_space<vmem>>, vector<16xi32>,
      %shift_right_logical3A_168 = arith.constant 4 : i32
      %shift_right_logical3A_169 = vector.broadcast %shift_right_logical3A_168 : i32 to vector<16xi32>
      %shift_right_logical3A_170 = arith.shrui %get3A_167, %shift_right_logical3A_169 : vector<16xi32>
      %swap3A_171 = arith.constant 112 : index
      %swap3A_172 = tpu.vector_load %arg14[%swap3A_171] {strides = array<i32>} : memref<200xi32, #tpu.memory_space<vmem>>, vector<16xi32>,
      tpu.vector_store %arg14[%swap3A_171], %shift_right_logical3A_170 {strides = array<i32>} : memref<200xi32, #tpu.memory_space<vmem>>, vector<16xi32>,
      %get3A_173 = arith.index_cast %scan3A_109 : i32 to index
      %get3A_174 = arith.constant 128 : index
      %get3A_175 = tpu.vector_load %arg15[%get3A_173, %get3A_174] {strides = array<i32>} : memref<32x200xi32, #tpu.memory_space<vmem>>, vector<16xi32>,
      %shift_right_logical3A_176 = arith.constant 4 : i32
      %shift_right_logical3A_177 = vector.broadcast %shift_right_logical3A_176 : i32 to vector<16xi32>
      %shift_right_logical3A_178 = arith.shrui %get3A_175, %shift_right_logical3A_177 : vector<16xi32>
      %swap3A_179 = arith.constant 128 : index
      %swap3A_180 = tpu.vector_load %arg14[%swap3A_179] {strides = array<i32>} : memref<200xi32, #tpu.memory_space<vmem>>, vector<16xi32>,
      tpu.vector_store %arg14[%swap3A_179], %shift_right_logical3A_178 {strides = array<i32>} : memref<200xi32, #tpu.memory_space<vmem>>, vector<16xi32>,
      %get3A_181 = arith.index_cast %scan3A_109 : i32 to index
      %get3A_182 = arith.constant 144 : index
      %get3A_183 = tpu.vector_load %arg15[%get3A_181, %get3A_182] {strides = array<i32>} : memref<32x200xi32, #tpu.memory_space<vmem>>, vector<16xi32>,
      %shift_right_logical3A_184 = arith.constant 4 : i32
      %shift_right_logical3A_185 = vector.broadcast %shift_right_logical3A_184 : i32 to vector<16xi32>
      %shift_right_logical3A_186 = arith.shrui %get3A_183, %shift_right_logical3A_185 : vector<16xi32>
      %swap3A_187 = arith.constant 144 : index
      %swap3A_188 = tpu.vector_load %arg14[%swap3A_187] {strides = array<i32>} : memref<200xi32, #tpu.memory_space<vmem>>, vector<16xi32>,
      tpu.vector_store %arg14[%swap3A_187], %shift_right_logical3A_186 {strides = array<i32>} : memref<200xi32, #tpu.memory_space<vmem>>, vector<16xi32>,
      %get3A_189 = arith.index_cast %scan3A_109 : i32 to index
      %get3A_190 = arith.constant 160 : index
      %get3A_191 = tpu.vector_load %arg15[%get3A_189, %get3A_190] {strides = array<i32>} : memref<32x200xi32, #tpu.memory_space<vmem>>, vector<16xi32>,
      %shift_right_logical3A_192 = arith.constant 4 : i32
      %shift_right_logical3A_193 = vector.broadcast %shift_right_logical3A_192 : i32 to vector<16xi32>
      %shift_right_logical3A_194 = arith.shrui %get3A_191, %shift_right_logical3A_193 : vector<16xi32>
      %swap3A_195 = arith.constant 160 : index
      %swap3A_196 = tpu.vector_load %arg14[%swap3A_195] {strides = array<i32>} : memref<200xi32, #tpu.memory_space<vmem>>, vector<16xi32>,
      tpu.vector_store %arg14[%swap3A_195], %shift_right_logical3A_194 {strides = array<i32>} : memref<200xi32, #tpu.memory_space<vmem>>, vector<16xi32>,
      %get3A_197 = arith.index_cast %scan3A_109 : i32 to index
      %get3A_198 = arith.constant 176 : index
      %get3A_199 = tpu.vector_load %arg15[%get3A_197, %get3A_198] {strides = array<i32>} : memref<32x200xi32, #tpu.memory_space<vmem>>, vector<16xi32>,
      %shift_right_logical3A_200 = arith.constant 4 : i32
      %shift_right_logical3A_201 = vector.broadcast %shift_right_logical3A_200 : i32 to vector<16xi32>
      %shift_right_logical3A_202 = arith.shrui %get3A_199, %shift_right_logical3A_201 : vector<16xi32>
      %swap3A_203 = arith.constant 176 : index
      %swap3A_204 = tpu.vector_load %arg14[%swap3A_203] {strides = array<i32>} : memref<200xi32, #tpu.memory_space<vmem>>, vector<16xi32>,
      tpu.vector_store %arg14[%swap3A_203], %shift_right_logical3A_202 {strides = array<i32>} : memref<200xi32, #tpu.memory_space<vmem>>, vector<16xi32>,
      %get3A_205 = arith.index_cast %scan3A_109 : i32 to index
      %get3A_206 = arith.constant 184 : index
      %get3A_207 = tpu.vector_load %arg15[%get3A_205, %get3A_206] {strides = array<i32>} : memref<32x200xi32, #tpu.memory_space<vmem>>, vector<16xi32>,
      %shift_right_logical3A_208 = arith.constant 4 : i32
      %shift_right_logical3A_209 = vector.broadcast %shift_right_logical3A_208 : i32 to vector<16xi32>
      %shift_right_logical3A_210 = arith.shrui %get3A_207, %shift_right_logical3A_209 : vector<16xi32>
      %swap3A_211 = arith.constant 184 : index
      %swap3A_212 = tpu.vector_load %arg14[%swap3A_211] {strides = array<i32>} : memref<200xi32, #tpu.memory_space<vmem>>, vector<16xi32>,
      tpu.vector_store %arg14[%swap3A_211], %shift_right_logical3A_210 {strides = array<i32>} : memref<200xi32, #tpu.memory_space<vmem>>, vector<16xi32>,
      %dma_start3A_213 = arith.constant 0 : i32
      %dma_start3A_214 = arith.constant 0 : i32
      %dma_start3A_215 = tpu.memref_slice %arg21[%dma_start3A_213, %dma_start3A_214] : memref<200x128xf32, #tpu.memory_space<vmem>> -> memref<104x128xf32, #tpu.memory_space<vmem>>
      %dma_start3A_216 = arith.constant 0 : i32
      %dma_start3A_217 = tpu.memref_slice %arg15[%scan3A_109, %dma_start3A_216] : memref<32x200xi32, #tpu.memory_space<vmem>> -> memref<1x104xi32, #tpu.memory_space<vmem>>
      %dma_start3A_218 = tpu.memref_squeeze %dma_start3A_217 : memref<1x104xi32, #tpu.memory_space<vmem>> -> memref<104xi32, #tpu.memory_space<vmem>>
      %dma_start3A_219 = arith.constant 0 : i32
      %dma_start3A_220 = arith.constant 0 : i32
      %dma_start3A_221 = tpu.memref_slice %arg4[%dma_start3A_219, %dma_start3A_220] : memref<100000x128xf32, #tpu.memory_space<hbm>> -> memref<100000x128xf32, #tpu.memory_space<hbm>>
      tpu.enqueue_indirect_dma source(%dma_start3A_221 : memref<100000x128xf32, #tpu.memory_space<hbm>>) target(%dma_start3A_215 : memref<104x128xf32, #tpu.memory_space<vmem>>) offsets(%dma_start3A_218 : memref<104xi32, #tpu.memory_space<vmem>>) semaphore(%arg25 : memref<!tpu.dma_semaphore, #tpu.memory_space<semaphore_mem>>)
      %dma_start3A_222 = arith.constant 0 : i32
      %dma_start3A_223 = arith.constant 0 : i32
      %dma_start3A_224 = tpu.memref_slice %arg22[%dma_start3A_222, %dma_start3A_223] : memref<200x128xf32, #tpu.memory_space<vmem>> -> memref<104x128xf32, #tpu.memory_space<vmem>>
      %dma_start3A_225 = arith.constant 0 : i32
      %dma_start3A_226 = tpu.memref_slice %arg15[%scan3A_109, %dma_start3A_225] : memref<32x200xi32, #tpu.memory_space<vmem>> -> memref<1x104xi32, #tpu.memory_space<vmem>>
      %dma_start3A_227 = tpu.memref_squeeze %dma_start3A_226 : memref<1x104xi32, #tpu.memory_space<vmem>> -> memref<104xi32, #tpu.memory_space<vmem>>
      %dma_start3A_228 = arith.constant 0 : i32
      %dma_start3A_229 = arith.constant 0 : i32
      %dma_start3A_230 = tpu.memref_slice %arg5[%dma_start3A_228, %dma_start3A_229] : memref<100000x128xf32, #tpu.memory_space<hbm>> -> memref<100000x128xf32, #tpu.memory_space<hbm>>
      tpu.enqueue_indirect_dma source(%dma_start3A_230 : memref<100000x128xf32, #tpu.memory_space<hbm>>) target(%dma_start3A_224 : memref<104x128xf32, #tpu.memory_space<vmem>>) offsets(%dma_start3A_227 : memref<104xi32, #tpu.memory_space<vmem>>) semaphore(%arg25 : memref<!tpu.dma_semaphore, #tpu.memory_space<semaphore_mem>>)
      %dma_start3A_231 = arith.constant 0 : i32
      %dma_start3A_232 = arith.constant 0 : i32
      %dma_start3A_233 = tpu.memref_slice %arg23[%dma_start3A_231, %dma_start3A_232] : memref<200x16xf32, #tpu.memory_space<vmem>> -> memref<104x16xf32, #tpu.memory_space<vmem>>
      %dma_start3A_234 = arith.constant 0 : i32
      %dma_start3A_235 = tpu.memref_slice %arg14[%dma_start3A_234] : memref<200xi32, #tpu.memory_space<vmem>> -> memref<104xi32, #tpu.memory_space<vmem>>
      %dma_start3A_236 = arith.constant 0 : i32
      %dma_start3A_237 = arith.constant 0 : i32
      %dma_start3A_238 = tpu.memref_slice %arg8[%dma_start3A_236, %dma_start3A_237] : memref<6250x16xf32, #tpu.memory_space<hbm>> -> memref<6250x16xf32, #tpu.memory_space<hbm>>
      tpu.enqueue_indirect_dma source(%dma_start3A_238 : memref<6250x16xf32, #tpu.memory_space<hbm>>) target(%dma_start3A_233 : memref<104x16xf32, #tpu.memory_space<vmem>>) offsets(%dma_start3A_235 : memref<104xi32, #tpu.memory_space<vmem>>) semaphore(%arg25 : memref<!tpu.dma_semaphore, #tpu.memory_space<semaphore_mem>>)
      %dma_start3A_239 = arith.constant 104 : i32
      %dma_start3A_240 = arith.constant 0 : i32
      %dma_start3A_241 = tpu.memref_slice %arg21[%dma_start3A_239, %dma_start3A_240] : memref<200x128xf32, #tpu.memory_space<vmem>> -> memref<96x128xf32, #tpu.memory_space<vmem>>
      %dma_start3A_242 = arith.constant 104 : i32
      %dma_start3A_243 = tpu.memref_slice %arg15[%scan3A_109, %dma_start3A_242] : memref<32x200xi32, #tpu.memory_space<vmem>> -> memref<1x96xi32, #tpu.memory_space<vmem>>
      %dma_start3A_244 = tpu.memref_squeeze %dma_start3A_243 : memref<1x96xi32, #tpu.memory_space<vmem>> -> memref<96xi32, #tpu.memory_space<vmem>>
      %dma_start3A_245 = arith.constant 0 : i32
      %dma_start3A_246 = arith.constant 0 : i32
      %dma_start3A_247 = tpu.memref_slice %arg4[%dma_start3A_245, %dma_start3A_246] : memref<100000x128xf32, #tpu.memory_space<hbm>> -> memref<100000x128xf32, #tpu.memory_space<hbm>>
      tpu.enqueue_indirect_dma source(%dma_start3A_247 : memref<100000x128xf32, #tpu.memory_space<hbm>>) target(%dma_start3A_241 : memref<96x128xf32, #tpu.memory_space<vmem>>) offsets(%dma_start3A_244 : memref<96xi32, #tpu.memory_space<vmem>>) semaphore(%arg25 : memref<!tpu.dma_semaphore, #tpu.memory_space<semaphore_mem>>)
      %dma_start3A_248 = arith.constant 104 : i32
      %dma_start3A_249 = arith.constant 0 : i32
      %dma_start3A_250 = tpu.memref_slice %arg22[%dma_start3A_248, %dma_start3A_249] : memref<200x128xf32, #tpu.memory_space<vmem>> -> memref<96x128xf32, #tpu.memory_space<vmem>>
      %dma_start3A_251 = arith.constant 104 : i32
      %dma_start3A_252 = tpu.memref_slice %arg15[%scan3A_109, %dma_start3A_251] : memref<32x200xi32, #tpu.memory_space<vmem>> -> memref<1x96xi32, #tpu.memory_space<vmem>>
      %dma_start3A_253 = tpu.memref_squeeze %dma_start3A_252 : memref<1x96xi32, #tpu.memory_space<vmem>> -> memref<96xi32, #tpu.memory_space<vmem>>
      %dma_start3A_254 = arith.constant 0 : i32
      %dma_start3A_255 = arith.constant 0 : i32
      %dma_start3A_256 = tpu.memref_slice %arg5[%dma_start3A_254, %dma_start3A_255] : memref<100000x128xf32, #tpu.memory_space<hbm>> -> memref<100000x128xf32, #tpu.memory_space<hbm>>
      tpu.enqueue_indirect_dma source(%dma_start3A_256 : memref<100000x128xf32, #tpu.memory_space<hbm>>) target(%dma_start3A_250 : memref<96x128xf32, #tpu.memory_space<vmem>>) offsets(%dma_start3A_253 : memref<96xi32, #tpu.memory_space<vmem>>) semaphore(%arg25 : memref<!tpu.dma_semaphore, #tpu.memory_space<semaphore_mem>>)
      %dma_start3A_257 = arith.constant 104 : i32
      %dma_start3A_258 = arith.constant 0 : i32
      %dma_start3A_259 = tpu.memref_slice %arg23[%dma_start3A_257, %dma_start3A_258] : memref<200x16xf32, #tpu.memory_space<vmem>> -> memref<96x16xf32, #tpu.memory_space<vmem>>
      %dma_start3A_260 = arith.constant 104 : i32
      %dma_start3A_261 = tpu.memref_slice %arg14[%dma_start3A_260] : memref<200xi32, #tpu.memory_space<vmem>> -> memref<96xi32, #tpu.memory_space<vmem>>
      %dma_start3A_262 = arith.constant 0 : i32
      %dma_start3A_263 = arith.constant 0 : i32
      %dma_start3A_264 = tpu.memref_slice %arg8[%dma_start3A_262, %dma_start3A_263] : memref<6250x16xf32, #tpu.memory_space<hbm>> -> memref<6250x16xf32, #tpu.memory_space<hbm>>
      tpu.enqueue_indirect_dma source(%dma_start3A_264 : memref<6250x16xf32, #tpu.memory_space<hbm>>) target(%dma_start3A_259 : memref<96x16xf32, #tpu.memory_space<vmem>>) offsets(%dma_start3A_261 : memref<96xi32, #tpu.memory_space<vmem>>) semaphore(%arg25 : memref<!tpu.dma_semaphore, #tpu.memory_space<semaphore_mem>>)
      %dma_wait3A_265 = arith.constant 0 : i32
      %dma_wait3A_266 = arith.constant 0 : i32
      %dma_wait3A_267 = tpu.memref_slice %arg21[%dma_wait3A_265, %dma_wait3A_266] : memref<200x128xf32, #tpu.memory_space<vmem>> -> memref<104x128xf32, #tpu.memory_space<vmem>>
      %dma_wait3A_268 = arith.constant 0 : i32
      %dma_wait3A_269 = tpu.memref_slice %arg15[%scan3A_109, %dma_wait3A_268] : memref<32x200xi32, #tpu.memory_space<vmem>> -> memref<1x104xi32, #tpu.memory_space<vmem>>
      %dma_wait3A_270 = tpu.memref_squeeze %dma_wait3A_269 : memref<1x104xi32, #tpu.memory_space<vmem>> -> memref<104xi32, #tpu.memory_space<vmem>>
      %dma_wait3A_271 = arith.constant 0 : i32
      %dma_wait3A_272 = arith.constant 0 : i32
      %dma_wait3A_273 = tpu.memref_slice %arg4[%dma_wait3A_271, %dma_wait3A_272] : memref<100000x128xf32, #tpu.memory_space<hbm>> -> memref<100000x128xf32, #tpu.memory_space<hbm>>
      tpu.wait_indirect_dma semaphore(%arg25 : memref<!tpu.dma_semaphore, #tpu.memory_space<semaphore_mem>>) src(%dma_wait3A_273 : memref<100000x128xf32, #tpu.memory_space<hbm>>) dst(%dma_wait3A_267 : memref<104x128xf32, #tpu.memory_space<vmem>>)
      %dma_wait3A_274 = arith.constant 0 : i32
      %dma_wait3A_275 = arith.constant 0 : i32
      %dma_wait3A_276 = tpu.memref_slice %arg22[%dma_wait3A_274, %dma_wait3A_275] : memref<200x128xf32, #tpu.memory_space<vmem>> -> memref<104x128xf32, #tpu.memory_space<vmem>>
      %dma_wait3A_277 = arith.constant 0 : i32
      %dma_wait3A_278 = tpu.memref_slice %arg15[%scan3A_109, %dma_wait3A_277] : memref<32x200xi32, #tpu.memory_space<vmem>> -> memref<1x104xi32, #tpu.memory_space<vmem>>
      %dma_wait3A_279 = tpu.memref_squeeze %dma_wait3A_278 : memref<1x104xi32, #tpu.memory_space<vmem>> -> memref<104xi32, #tpu.memory_space<vmem>>
      %dma_wait3A_280 = arith.constant 0 : i32
      %dma_wait3A_281 = arith.constant 0 : i32
      %dma_wait3A_282 = tpu.memref_slice %arg5[%dma_wait3A_280, %dma_wait3A_281] : memref<100000x128xf32, #tpu.memory_space<hbm>> -> memref<100000x128xf32, #tpu.memory_space<hbm>>
      tpu.wait_indirect_dma semaphore(%arg25 : memref<!tpu.dma_semaphore, #tpu.memory_space<semaphore_mem>>) src(%dma_wait3A_282 : memref<100000x128xf32, #tpu.memory_space<hbm>>) dst(%dma_wait3A_276 : memref<104x128xf32, #tpu.memory_space<vmem>>)
      %dma_wait3A_283 = arith.constant 0 : i32
      %dma_wait3A_284 = arith.constant 0 : i32
      %dma_wait3A_285 = tpu.memref_slice %arg23[%dma_wait3A_283, %dma_wait3A_284] : memref<200x16xf32, #tpu.memory_space<vmem>> -> memref<104x16xf32, #tpu.memory_space<vmem>>
      %dma_wait3A_286 = arith.constant 0 : i32
      %dma_wait3A_287 = tpu.memref_slice %arg14[%dma_wait3A_286] : memref<200xi32, #tpu.memory_space<vmem>> -> memref<104xi32, #tpu.memory_space<vmem>>
      %dma_wait3A_288 = arith.constant 0 : i32
      %dma_wait3A_289 = arith.constant 0 : i32
      %dma_wait3A_290 = tpu.memref_slice %arg8[%dma_wait3A_288, %dma_wait3A_289] : memref<6250x16xf32, #tpu.memory_space<hbm>> -> memref<6250x16xf32, #tpu.memory_space<hbm>>
      tpu.wait_indirect_dma semaphore(%arg25 : memref<!tpu.dma_semaphore, #tpu.memory_space<semaphore_mem>>) src(%dma_wait3A_290 : memref<6250x16xf32, #tpu.memory_space<hbm>>) dst(%dma_wait3A_285 : memref<104x16xf32, #tpu.memory_space<vmem>>)
      %dma_wait3A_291 = arith.constant 104 : i32
      %dma_wait3A_292 = arith.constant 0 : i32
      %dma_wait3A_293 = tpu.memref_slice %arg21[%dma_wait3A_291, %dma_wait3A_292] : memref<200x128xf32, #tpu.memory_space<vmem>> -> memref<96x128xf32, #tpu.memory_space<vmem>>
      %dma_wait3A_294 = arith.constant 104 : i32
      %dma_wait3A_295 = tpu.memref_slice %arg15[%scan3A_109, %dma_wait3A_294] : memref<32x200xi32, #tpu.memory_space<vmem>> -> memref<1x96xi32, #tpu.memory_space<vmem>>
      %dma_wait3A_296 = tpu.memref_squeeze %dma_wait3A_295 : memref<1x96xi32, #tpu.memory_space<vmem>> -> memref<96xi32, #tpu.memory_space<vmem>>
      %dma_wait3A_297 = arith.constant 0 : i32
      %dma_wait3A_298 = arith.constant 0 : i32
      %dma_wait3A_299 = tpu.memref_slice %arg4[%dma_wait3A_297, %dma_wait3A_298] : memref<100000x128xf32, #tpu.memory_space<hbm>> -> memref<100000x128xf32, #tpu.memory_space<hbm>>
      tpu.wait_indirect_dma semaphore(%arg25 : memref<!tpu.dma_semaphore, #tpu.memory_space<semaphore_mem>>) src(%dma_wait3A_299 : memref<100000x128xf32, #tpu.memory_space<hbm>>) dst(%dma_wait3A_293 : memref<96x128xf32, #tpu.memory_space<vmem>>)
      %dma_wait3A_300 = arith.constant 104 : i32
      %dma_wait3A_301 = arith.constant 0 : i32
      %dma_wait3A_302 = tpu.memref_slice %arg22[%dma_wait3A_300, %dma_wait3A_301] : memref<200x128xf32, #tpu.memory_space<vmem>> -> memref<96x128xf32, #tpu.memory_space<vmem>>
      %dma_wait3A_303 = arith.constant 104 : i32
      %dma_wait3A_304 = tpu.memref_slice %arg15[%scan3A_109, %dma_wait3A_303] : memref<32x200xi32, #tpu.memory_space<vmem>> -> memref<1x96xi32, #tpu.memory_space<vmem>>
      %dma_wait3A_305 = tpu.memref_squeeze %dma_wait3A_304 : memref<1x96xi32, #tpu.memory_space<vmem>> -> memref<96xi32, #tpu.memory_space<vmem>>
      %dma_wait3A_306 = arith.constant 0 : i32
      %dma_wait3A_307 = arith.constant 0 : i32
      %dma_wait3A_308 = tpu.memref_slice %arg5[%dma_wait3A_306, %dma_wait3A_307] : memref<100000x128xf32, #tpu.memory_space<hbm>> -> memref<100000x128xf32, #tpu.memory_space<hbm>>
      tpu.wait_indirect_dma semaphore(%arg25 : memref<!tpu.dma_semaphore, #tpu.memory_space<semaphore_mem>>) src(%dma_wait3A_308 : memref<100000x128xf32, #tpu.memory_space<hbm>>) dst(%dma_wait3A_302 : memref<96x128xf32, #tpu.memory_space<vmem>>)
      %dma_wait3A_309 = arith.constant 104 : i32
      %dma_wait3A_310 = arith.constant 0 : i32
      %dma_wait3A_311 = tpu.memref_slice %arg23[%dma_wait3A_309, %dma_wait3A_310] : memref<200x16xf32, #tpu.memory_space<vmem>> -> memref<96x16xf32, #tpu.memory_space<vmem>>
      %dma_wait3A_312 = arith.constant 104 : i32
      %dma_wait3A_313 = tpu.memref_slice %arg14[%dma_wait3A_312] : memref<200xi32, #tpu.memory_space<vmem>> -> memref<96xi32, #tpu.memory_space<vmem>>
      %dma_wait3A_314 = arith.constant 0 : i32
      %dma_wait3A_315 = arith.constant 0 : i32
      %dma_wait3A_316 = tpu.memref_slice %arg8[%dma_wait3A_314, %dma_wait3A_315] : memref<6250x16xf32, #tpu.memory_space<hbm>> -> memref<6250x16xf32, #tpu.memory_space<hbm>>
      tpu.wait_indirect_dma semaphore(%arg25 : memref<!tpu.dma_semaphore, #tpu.memory_space<semaphore_mem>>) src(%dma_wait3A_316 : memref<6250x16xf32, #tpu.memory_space<hbm>>) dst(%dma_wait3A_311 : memref<96x16xf32, #tpu.memory_space<vmem>>)
      %broadcast_in_dim3A_317 = vector.broadcast %scan3A_109 : i32 to vector<16xi32>
      %get3A_318 = arith.index_cast %scan3A_109 : i32 to index
      %get3A_319 = arith.constant 0 : index
      %get3A_320 = tpu.vector_load %arg16[%get3A_318, %get3A_319] {strides = array<i32>} : memref<32x128xf32, #tpu.memory_space<vmem>>, vector<16xf32>,
      %get3A_321 = arith.index_cast %scan3A_109 : i32 to index
      %get3A_322 = arith.constant 0 : index
      %get3A_323 = tpu.vector_load %arg18[%get3A_321, %get3A_322] {strides = array<i32>} : memref<32x128xf32, #tpu.memory_space<vmem>>, vector<16xf32>,
      %add3A_324 = arith.addf %get3A_320, %get3A_323 : vector<16xf32>
      %get3A_325 = arith.index_cast %scan3A_109 : i32 to index
      %get3A_326 = arith.constant 16 : index
      %get3A_327 = tpu.vector_load %arg16[%get3A_325, %get3A_326] {strides = array<i32>} : memref<32x128xf32, #tpu.memory_space<vmem>>, vector<16xf32>,
      %get3A_328 = arith.index_cast %scan3A_109 : i32 to index
      %get3A_329 = arith.constant 16 : index
      %get3A_330 = tpu.vector_load %arg18[%get3A_328, %get3A_329] {strides = array<i32>} : memref<32x128xf32, #tpu.memory_space<vmem>>, vector<16xf32>,
      %add3A_331 = arith.addf %get3A_327, %get3A_330 : vector<16xf32>
      %get3A_332 = arith.index_cast %scan3A_109 : i32 to index
      %get3A_333 = arith.constant 32 : index
      %get3A_334 = tpu.vector_load %arg16[%get3A_332, %get3A_333] {strides = array<i32>} : memref<32x128xf32, #tpu.memory_space<vmem>>, vector<16xf32>,
      %get3A_335 = arith.index_cast %scan3A_109 : i32 to index
      %get3A_336 = arith.constant 32 : index
      %get3A_337 = tpu.vector_load %arg18[%get3A_335, %get3A_336] {strides = array<i32>} : memref<32x128xf32, #tpu.memory_space<vmem>>, vector<16xf32>,
      %add3A_338 = arith.addf %get3A_334, %get3A_337 : vector<16xf32>
      %get3A_339 = arith.index_cast %scan3A_109 : i32 to index
      %get3A_340 = arith.constant 48 : index
      %get3A_341 = tpu.vector_load %arg16[%get3A_339, %get3A_340] {strides = array<i32>} : memref<32x128xf32, #tpu.memory_space<vmem>>, vector<16xf32>,
      %get3A_342 = arith.index_cast %scan3A_109 : i32 to index
      %get3A_343 = arith.constant 48 : index
      %get3A_344 = tpu.vector_load %arg18[%get3A_342, %get3A_343] {strides = array<i32>} : memref<32x128xf32, #tpu.memory_space<vmem>>, vector<16xf32>,
      %add3A_345 = arith.addf %get3A_341, %get3A_344 : vector<16xf32>
      %get3A_346 = arith.index_cast %scan3A_109 : i32 to index
      %get3A_347 = arith.constant 64 : index
      %get3A_348 = tpu.vector_load %arg16[%get3A_346, %get3A_347] {strides = array<i32>} : memref<32x128xf32, #tpu.memory_space<vmem>>, vector<16xf32>,
      %get3A_349 = arith.index_cast %scan3A_109 : i32 to index
      %get3A_350 = arith.constant 64 : index
      %get3A_351 = tpu.vector_load %arg18[%get3A_349, %get3A_350] {strides = array<i32>} : memref<32x128xf32, #tpu.memory_space<vmem>>, vector<16xf32>,
      %add3A_352 = arith.addf %get3A_348, %get3A_351 : vector<16xf32>
      %get3A_353 = arith.index_cast %scan3A_109 : i32 to index
      %get3A_354 = arith.constant 80 : index
      %get3A_355 = tpu.vector_load %arg16[%get3A_353, %get3A_354] {strides = array<i32>} : memref<32x128xf32, #tpu.memory_space<vmem>>, vector<16xf32>,
      %get3A_356 = arith.index_cast %scan3A_109 : i32 to index
      %get3A_357 = arith.constant 80 : index
      %get3A_358 = tpu.vector_load %arg18[%get3A_356, %get3A_357] {strides = array<i32>} : memref<32x128xf32, #tpu.memory_space<vmem>>, vector<16xf32>,
      %add3A_359 = arith.addf %get3A_355, %get3A_358 : vector<16xf32>
      %get3A_360 = arith.index_cast %scan3A_109 : i32 to index
      %get3A_361 = arith.constant 96 : index
      %get3A_362 = tpu.vector_load %arg16[%get3A_360, %get3A_361] {strides = array<i32>} : memref<32x128xf32, #tpu.memory_space<vmem>>, vector<16xf32>,
      %get3A_363 = arith.index_cast %scan3A_109 : i32 to index
      %get3A_364 = arith.constant 96 : index
      %get3A_365 = tpu.vector_load %arg18[%get3A_363, %get3A_364] {strides = array<i32>} : memref<32x128xf32, #tpu.memory_space<vmem>>, vector<16xf32>,
      %add3A_366 = arith.addf %get3A_362, %get3A_365 : vector<16xf32>
      %get3A_367 = arith.index_cast %scan3A_109 : i32 to index
      %get3A_368 = arith.constant 112 : index
      %get3A_369 = tpu.vector_load %arg16[%get3A_367, %get3A_368] {strides = array<i32>} : memref<32x128xf32, #tpu.memory_space<vmem>>, vector<16xf32>,
      %get3A_370 = arith.index_cast %scan3A_109 : i32 to index
      %get3A_371 = arith.constant 112 : index
      %get3A_372 = tpu.vector_load %arg18[%get3A_370, %get3A_371] {strides = array<i32>} : memref<32x128xf32, #tpu.memory_space<vmem>>, vector<16xf32>,
      %add3A_373 = arith.addf %get3A_369, %get3A_372 : vector<16xf32>
      %get3A_374 = arith.index_cast %scan3A_109 : i32 to index
      %get3A_375 = arith.constant 0 : index
      %get3A_376 = tpu.vector_load %arg17[%get3A_374, %get3A_375] {strides = array<i32>} : memref<32x128xf32, #tpu.memory_space<vmem>>, vector<16xf32>,
      %get3A_377 = arith.index_cast %scan3A_109 : i32 to index
      %get3A_378 = arith.constant 16 : index
      %get3A_379 = tpu.vector_load %arg17[%get3A_377, %get3A_378] {strides = array<i32>} : memref<32x128xf32, #tpu.memory_space<vmem>>, vector<16xf32>,
      %get3A_380 = arith.index_cast %scan3A_109 : i32 to index
      %get3A_381 = arith.constant 32 : index
      %get3A_382 = tpu.vector_load %arg17[%get3A_380, %get3A_381] {strides = array<i32>} : memref<32x128xf32, #tpu.memory_space<vmem>>, vector<16xf32>,
      %get3A_383 = arith.index_cast %scan3A_109 : i32 to index
      %get3A_384 = arith.constant 48 : index
      %get3A_385 = tpu.vector_load %arg17[%get3A_383, %get3A_384] {strides = array<i32>} : memref<32x128xf32, #tpu.memory_space<vmem>>, vector<16xf32>,
      %get3A_386 = arith.index_cast %scan3A_109 : i32 to index
      %get3A_387 = arith.constant 64 : index
      %get3A_388 = tpu.vector_load %arg17[%get3A_386, %get3A_387] {strides = array<i32>} : memref<32x128xf32, #tpu.memory_space<vmem>>, vector<16xf32>,
      %get3A_389 = arith.index_cast %scan3A_109 : i32 to index
      %get3A_390 = arith.constant 80 : index
      %get3A_391 = tpu.vector_load %arg17[%get3A_389, %get3A_390] {strides = array<i32>} : memref<32x128xf32, #tpu.memory_space<vmem>>, vector<16xf32>,
      %get3A_392 = arith.index_cast %scan3A_109 : i32 to index
      %get3A_393 = arith.constant 96 : index
      %get3A_394 = tpu.vector_load %arg17[%get3A_392, %get3A_393] {strides = array<i32>} : memref<32x128xf32, #tpu.memory_space<vmem>>, vector<16xf32>,
      %get3A_395 = arith.index_cast %scan3A_109 : i32 to index
      %get3A_396 = arith.constant 112 : index
      %get3A_397 = tpu.vector_load %arg17[%get3A_395, %get3A_396] {strides = array<i32>} : memref<32x128xf32, #tpu.memory_space<vmem>>, vector<16xf32>,
      %gather3A_398 = tpu.vector_load_idx %arg11[%broadcast_in_dim3A_317] : memref<32xi32, #tpu.memory_space<vmem>>[vector<16xi32>], vector<16xi32>,
      %gather3A_399 = tpu.vector_load_idx %arg12[%broadcast_in_dim3A_317] : memref<32xi32, #tpu.memory_space<vmem>>[vector<16xi32>], vector<16xi32>,
      %gather3A_400 = tpu.vector_load_idx %arg19[%gather3A_399, %broadcast_in_dim3A_0] : memref<500x1xf32, #tpu.memory_space<vmem>>[vector<16xi32>, vector<16xi32>], vector<16xf32>,
      %mul3A_401 = arith.constant 1.000000e-01 : f32
      %mul3A_402 = vector.broadcast %mul3A_401 : f32 to vector<16xf32>
      %mul3A_403 = arith.mulf %mul3A_402, %gather3A_400 : vector<16xf32>
      %and3A = arith.constant 15 : i32
      %and3A_404 = vector.broadcast %and3A : i32 to vector<16xi32>
      %and3A_405 = arith.andi %gather3A_398, %and3A_404 : vector<16xi32>
      %gather3A_406 = tpu.vector_load_idx %arg20[%broadcast_in_dim3A_317, %and3A_405] : memref<32x16xf32, #tpu.memory_space<vmem>>[vector<16xi32>, vector<16xi32>], vector<16xf32>,
      %mul3A_407 = arith.mulf %mul3A_403, %gather3A_406 : vector<16xf32>
      %sub3A = arith.constant 1.200000e+01 : f32
      %sub3A_408 = vector.broadcast %sub3A : f32 to vector<16xf32>
      %sub3A_409 = arith.subf %sub3A_408, %mul3A_407 : vector<16xf32>
      %scan3A_410 = arith.constant 0 : i32
      %scan3A_411 = arith.constant 0 : i32
      %scan3A_412 = arith.constant 12 : i32
      %scan3A_413 = arith.addi %scan3A_411, %scan3A_412 : i32
      %scan3A_414 = arith.constant 1 : i32
      scf.for %scan3A_2308 = %scan3A_411 to %scan3A_413 step %scan3A_414  : i32 {
        %mul3A_2309 = arith.constant 16 : i32
        %mul3A_2310 = arith.muli %scan3A_2308, %mul3A_2309 : i32
        %add3A_2311 = arith.constant 0 : i32
        %add3A_2312 = arith.addi %mul3A_2310, %add3A_2311 : i32
        %add3A_2313 = arith.constant 1 : i32
        %add3A_2314 = arith.addi %mul3A_2310, %add3A_2313 : i32
        %add3A_2315 = arith.constant 2 : i32
        %add3A_2316 = arith.addi %mul3A_2310, %add3A_2315 : i32
        %add3A_2317 = arith.constant 3 : i32
        %add3A_2318 = arith.addi %mul3A_2310, %add3A_2317 : i32
        %add3A_2319 = arith.constant 4 : i32
        %add3A_2320 = arith.addi %mul3A_2310, %add3A_2319 : i32
        %add3A_2321 = arith.constant 5 : i32
        %add3A_2322 = arith.addi %mul3A_2310, %add3A_2321 : i32
        %add3A_2323 = arith.constant 6 : i32
        %add3A_2324 = arith.addi %mul3A_2310, %add3A_2323 : i32
        %add3A_2325 = arith.constant 7 : i32
        %add3A_2326 = arith.addi %mul3A_2310, %add3A_2325 : i32
        %add3A_2327 = arith.constant 8 : i32
        %add3A_2328 = arith.addi %mul3A_2310, %add3A_2327 : i32
        %add3A_2329 = arith.constant 9 : i32
        %add3A_2330 = arith.addi %mul3A_2310, %add3A_2329 : i32
        %add3A_2331 = arith.constant 10 : i32
        %add3A_2332 = arith.addi %mul3A_2310, %add3A_2331 : i32
        %add3A_2333 = arith.constant 11 : i32
        %add3A_2334 = arith.addi %mul3A_2310, %add3A_2333 : i32
        %add3A_2335 = arith.constant 12 : i32
        %add3A_2336 = arith.addi %mul3A_2310, %add3A_2335 : i32
        %add3A_2337 = arith.constant 13 : i32
        %add3A_2338 = arith.addi %mul3A_2310, %add3A_2337 : i32
        %add3A_2339 = arith.constant 14 : i32
        %add3A_2340 = arith.addi %mul3A_2310, %add3A_2339 : i32
        %add3A_2341 = arith.constant 15 : i32
        %add3A_2342 = arith.addi %mul3A_2310, %add3A_2341 : i32
        %add3A_2343 = vector.broadcast %mul3A_2310 : i32 to vector<16xi32>
        %add3A_2344 = arith.addi %iota3A, %add3A_2343 : vector<16xi32>
        %gather3A_2345 = tpu.vector_load_idx %arg15[%broadcast_in_dim3A_317, %add3A_2344] : memref<32x200xi32, #tpu.memory_space<vmem>>[vector<16xi32>, vector<16xi32>], vector<16xi32>,
        %and3A_2346 = arith.constant 15 : i32
        %and3A_2347 = vector.broadcast %and3A_2346 : i32 to vector<16xi32>
        %and3A_2348 = arith.andi %gather3A_2345, %and3A_2347 : vector<16xi32>
        %gather3A_2349 = tpu.vector_load_idx %arg23[%add3A_2344, %and3A_2348] : memref<200x16xf32, #tpu.memory_space<vmem>>[vector<16xi32>, vector<16xi32>], vector<16xf32>,
        %broadcast_in_dim3A_2350 = arith.constant 0.000000e+00 : f32
        %broadcast_in_dim3A_2351 = vector.broadcast %broadcast_in_dim3A_2350 : f32 to vector<16xf32>
        %get3A_2352 = arith.index_cast %add3A_2312 : i32 to index
        %get3A_2353 = arith.constant 0 : index
        %get3A_2354 = tpu.vector_load %arg21[%get3A_2352, %get3A_2353] {strides = array<i32>} : memref<200x128xf32, #tpu.memory_space<vmem>>, vector<16xf32>,
        %sub3A_2355 = arith.subf %add3A_324, %get3A_2354 : vector<16xf32>
        %abs3A_2356 = math.absf %sub3A_2355 : vector<16xf32>
        %get3A_2357 = arith.index_cast %add3A_2312 : i32 to index
        %get3A_2358 = arith.constant 0 : index
        %get3A_2359 = tpu.vector_load %arg22[%get3A_2357, %get3A_2358] {strides = array<i32>} : memref<200x128xf32, #tpu.memory_space<vmem>>, vector<16xf32>,
        %sub3A_2360 = arith.subf %get3A_376, %get3A_2359 : vector<16xf32>
        %abs3A_2361 = math.absf %sub3A_2360 : vector<16xf32>
        %add3A_2362 = arith.addf %abs3A_2356, %abs3A_2361 : vector<16xf32>
        %get3A_2363 = arith.index_cast %add3A_2312 : i32 to index
        %get3A_2364 = arith.constant 16 : index
        %get3A_2365 = tpu.vector_load %arg21[%get3A_2363, %get3A_2364] {strides = array<i32>} : memref<200x128xf32, #tpu.memory_space<vmem>>, vector<16xf32>,
        %sub3A_2366 = arith.subf %add3A_331, %get3A_2365 : vector<16xf32>
        %abs3A_2367 = math.absf %sub3A_2366 : vector<16xf32>
        %add3A_2368 = arith.addf %add3A_2362, %abs3A_2367 : vector<16xf32>
        %get3A_2369 = arith.index_cast %add3A_2312 : i32 to index
        %get3A_2370 = arith.constant 16 : index
        %get3A_2371 = tpu.vector_load %arg22[%get3A_2369, %get3A_2370] {strides = array<i32>} : memref<200x128xf32, #tpu.memory_space<vmem>>, vector<16xf32>,
        %sub3A_2372 = arith.subf %get3A_379, %get3A_2371 : vector<16xf32>
        %abs3A_2373 = math.absf %sub3A_2372 : vector<16xf32>
        %add3A_2374 = arith.addf %add3A_2368, %abs3A_2373 : vector<16xf32>
        %get3A_2375 = arith.index_cast %add3A_2312 : i32 to index
        %get3A_2376 = arith.constant 32 : index
        %get3A_2377 = tpu.vector_load %arg21[%get3A_2375, %get3A_2376] {strides = array<i32>} : memref<200x128xf32, #tpu.memory_space<vmem>>, vector<16xf32>,
        %sub3A_2378 = arith.subf %add3A_338, %get3A_2377 : vector<16xf32>
        %abs3A_2379 = math.absf %sub3A_2378 : vector<16xf32>
        %add3A_2380 = arith.addf %add3A_2374, %abs3A_2379 : vector<16xf32>
        %get3A_2381 = arith.index_cast %add3A_2312 : i32 to index
        %get3A_2382 = arith.constant 32 : index
        %get3A_2383 = tpu.vector_load %arg22[%get3A_2381, %get3A_2382] {strides = array<i32>} : memref<200x128xf32, #tpu.memory_space<vmem>>, vector<16xf32>,
        %sub3A_2384 = arith.subf %get3A_382, %get3A_2383 : vector<16xf32>
        %abs3A_2385 = math.absf %sub3A_2384 : vector<16xf32>
        %add3A_2386 = arith.addf %add3A_2380, %abs3A_2385 : vector<16xf32>
        %get3A_2387 = arith.index_cast %add3A_2312 : i32 to index
        %get3A_2388 = arith.constant 48 : index
        %get3A_2389 = tpu.vector_load %arg21[%get3A_2387, %get3A_2388] {strides = array<i32>} : memref<200x128xf32, #tpu.memory_space<vmem>>, vector<16xf32>,
        %sub3A_2390 = arith.subf %add3A_345, %get3A_2389 : vector<16xf32>
        %abs3A_2391 = math.absf %sub3A_2390 : vector<16xf32>
        %add3A_2392 = arith.addf %add3A_2386, %abs3A_2391 : vector<16xf32>
        %get3A_2393 = arith.index_cast %add3A_2312 : i32 to index
        %get3A_2394 = arith.constant 48 : index
        %get3A_2395 = tpu.vector_load %arg22[%get3A_2393, %get3A_2394] {strides = array<i32>} : memref<200x128xf32, #tpu.memory_space<vmem>>, vector<16xf32>,
        %sub3A_2396 = arith.subf %get3A_385, %get3A_2395 : vector<16xf32>
        %abs3A_2397 = math.absf %sub3A_2396 : vector<16xf32>
        %add3A_2398 = arith.addf %add3A_2392, %abs3A_2397 : vector<16xf32>
        %get3A_2399 = arith.index_cast %add3A_2312 : i32 to index
        %get3A_2400 = arith.constant 64 : index
        %get3A_2401 = tpu.vector_load %arg21[%get3A_2399, %get3A_2400] {strides = array<i32>} : memref<200x128xf32, #tpu.memory_space<vmem>>, vector<16xf32>,
        %sub3A_2402 = arith.subf %add3A_352, %get3A_2401 : vector<16xf32>
        %abs3A_2403 = math.absf %sub3A_2402 : vector<16xf32>
        %add3A_2404 = arith.addf %add3A_2398, %abs3A_2403 : vector<16xf32>
        %get3A_2405 = arith.index_cast %add3A_2312 : i32 to index
        %get3A_2406 = arith.constant 64 : index
        %get3A_2407 = tpu.vector_load %arg22[%get3A_2405, %get3A_2406] {strides = array<i32>} : memref<200x128xf32, #tpu.memory_space<vmem>>, vector<16xf32>,
        %sub3A_2408 = arith.subf %get3A_388, %get3A_2407 : vector<16xf32>
        %abs3A_2409 = math.absf %sub3A_2408 : vector<16xf32>
        %add3A_2410 = arith.addf %add3A_2404, %abs3A_2409 : vector<16xf32>
        %get3A_2411 = arith.index_cast %add3A_2312 : i32 to index
        %get3A_2412 = arith.constant 80 : index
        %get3A_2413 = tpu.vector_load %arg21[%get3A_2411, %get3A_2412] {strides = array<i32>} : memref<200x128xf32, #tpu.memory_space<vmem>>, vector<16xf32>,
        %sub3A_2414 = arith.subf %add3A_359, %get3A_2413 : vector<16xf32>
        %abs3A_2415 = math.absf %sub3A_2414 : vector<16xf32>
        %add3A_2416 = arith.addf %add3A_2410, %abs3A_2415 : vector<16xf32>
        %get3A_2417 = arith.index_cast %add3A_2312 : i32 to index
        %get3A_2418 = arith.constant 80 : index
        %get3A_2419 = tpu.vector_load %arg22[%get3A_2417, %get3A_2418] {strides = array<i32>} : memref<200x128xf32, #tpu.memory_space<vmem>>, vector<16xf32>,
        %sub3A_2420 = arith.subf %get3A_391, %get3A_2419 : vector<16xf32>
        %abs3A_2421 = math.absf %sub3A_2420 : vector<16xf32>
        %add3A_2422 = arith.addf %add3A_2416, %abs3A_2421 : vector<16xf32>
        %get3A_2423 = arith.index_cast %add3A_2312 : i32 to index
        %get3A_2424 = arith.constant 96 : index
        %get3A_2425 = tpu.vector_load %arg21[%get3A_2423, %get3A_2424] {strides = array<i32>} : memref<200x128xf32, #tpu.memory_space<vmem>>, vector<16xf32>,
        %sub3A_2426 = arith.subf %add3A_366, %get3A_2425 : vector<16xf32>
        %abs3A_2427 = math.absf %sub3A_2426 : vector<16xf32>
        %add3A_2428 = arith.addf %add3A_2422, %abs3A_2427 : vector<16xf32>
        %get3A_2429 = arith.index_cast %add3A_2312 : i32 to index
        %get3A_2430 = arith.constant 96 : index
        %get3A_2431 = tpu.vector_load %arg22[%get3A_2429, %get3A_2430] {strides = array<i32>} : memref<200x128xf32, #tpu.memory_space<vmem>>, vector<16xf32>,
        %sub3A_2432 = arith.subf %get3A_394, %get3A_2431 : vector<16xf32>
        %abs3A_2433 = math.absf %sub3A_2432 : vector<16xf32>
        %add3A_2434 = arith.addf %add3A_2428, %abs3A_2433 : vector<16xf32>
        %get3A_2435 = arith.index_cast %add3A_2312 : i32 to index
        %get3A_2436 = arith.constant 112 : index
        %get3A_2437 = tpu.vector_load %arg21[%get3A_2435, %get3A_2436] {strides = array<i32>} : memref<200x128xf32, #tpu.memory_space<vmem>>, vector<16xf32>,
        %sub3A_2438 = arith.subf %add3A_373, %get3A_2437 : vector<16xf32>
        %abs3A_2439 = math.absf %sub3A_2438 : vector<16xf32>
        %add3A_2440 = arith.addf %add3A_2434, %abs3A_2439 : vector<16xf32>
        %get3A_2441 = arith.index_cast %add3A_2312 : i32 to index
        %get3A_2442 = arith.constant 112 : index
        %get3A_2443 = tpu.vector_load %arg22[%get3A_2441, %get3A_2442] {strides = array<i32>} : memref<200x128xf32, #tpu.memory_space<vmem>>, vector<16xf32>,
        %sub3A_2444 = arith.subf %get3A_397, %get3A_2443 : vector<16xf32>
        %abs3A_2445 = math.absf %sub3A_2444 : vector<16xf32>
        %add3A_2446 = arith.addf %add3A_2440, %abs3A_2445 : vector<16xf32>
        %reduce_sum3A_2447 = arith.constant true
        %reduce_sum3A_2448 = vector.broadcast %reduce_sum3A_2447 : i1 to vector<16xi1>
        %reduce_sum3A_2449 = tpu.scan <sum>, %add3A_2446 masked %reduce_sum3A_2448 : vector<16xf32>, vector<16xi1> -> vector<16xf32>
        %reduce_sum3A_2450 = vector.extract %reduce_sum3A_2449[15] : f32 from vector<16xf32>
        %broadcast_in_dim3A_2451 = vector.broadcast %reduce_sum3A_2450 : f32 to vector<16xf32>
        %select_n3A_2452 = arith.select %eq3A_2, %broadcast_in_dim3A_2451, %broadcast_in_dim3A_2351 : vector<16xi1>, vector<16xf32>
        %get3A_2453 = arith.index_cast %add3A_2314 : i32 to index
        %get3A_2454 = arith.constant 0 : index
        %get3A_2455 = tpu.vector_load %arg21[%get3A_2453, %get3A_2454] {strides = array<i32>} : memref<200x128xf32, #tpu.memory_space<vmem>>, vector<16xf32>,
        %sub3A_2456 = arith.subf %add3A_324, %get3A_2455 : vector<16xf32>
        %abs3A_2457 = math.absf %sub3A_2456 : vector<16xf32>
        %get3A_2458 = arith.index_cast %add3A_2314 : i32 to index
        %get3A_2459 = arith.constant 0 : index
        %get3A_2460 = tpu.vector_load %arg22[%get3A_2458, %get3A_2459] {strides = array<i32>} : memref<200x128xf32, #tpu.memory_space<vmem>>, vector<16xf32>,
        %sub3A_2461 = arith.subf %get3A_376, %get3A_2460 : vector<16xf32>
        %abs3A_2462 = math.absf %sub3A_2461 : vector<16xf32>
        %add3A_2463 = arith.addf %abs3A_2457, %abs3A_2462 : vector<16xf32>
        %get3A_2464 = arith.index_cast %add3A_2314 : i32 to index
        %get3A_2465 = arith.constant 16 : index
        %get3A_2466 = tpu.vector_load %arg21[%get3A_2464, %get3A_2465] {strides = array<i32>} : memref<200x128xf32, #tpu.memory_space<vmem>>, vector<16xf32>,
        %sub3A_2467 = arith.subf %add3A_331, %get3A_2466 : vector<16xf32>
        %abs3A_2468 = math.absf %sub3A_2467 : vector<16xf32>
        %add3A_2469 = arith.addf %add3A_2463, %abs3A_2468 : vector<16xf32>
        %get3A_2470 = arith.index_cast %add3A_2314 : i32 to index
        %get3A_2471 = arith.constant 16 : index
        %get3A_2472 = tpu.vector_load %arg22[%get3A_2470, %get3A_2471] {strides = array<i32>} : memref<200x128xf32, #tpu.memory_space<vmem>>, vector<16xf32>,
        %sub3A_2473 = arith.subf %get3A_379, %get3A_2472 : vector<16xf32>
        %abs3A_2474 = math.absf %sub3A_2473 : vector<16xf32>
        %add3A_2475 = arith.addf %add3A_2469, %abs3A_2474 : vector<16xf32>
        %get3A_2476 = arith.index_cast %add3A_2314 : i32 to index
        %get3A_2477 = arith.constant 32 : index
        %get3A_2478 = tpu.vector_load %arg21[%get3A_2476, %get3A_2477] {strides = array<i32>} : memref<200x128xf32, #tpu.memory_space<vmem>>, vector<16xf32>,
        %sub3A_2479 = arith.subf %add3A_338, %get3A_2478 : vector<16xf32>
        %abs3A_2480 = math.absf %sub3A_2479 : vector<16xf32>
        %add3A_2481 = arith.addf %add3A_2475, %abs3A_2480 : vector<16xf32>
        %get3A_2482 = arith.index_cast %add3A_2314 : i32 to index
        %get3A_2483 = arith.constant 32 : index
        %get3A_2484 = tpu.vector_load %arg22[%get3A_2482, %get3A_2483] {strides = array<i32>} : memref<200x128xf32, #tpu.memory_space<vmem>>, vector<16xf32>,
        %sub3A_2485 = arith.subf %get3A_382, %get3A_2484 : vector<16xf32>
        %abs3A_2486 = math.absf %sub3A_2485 : vector<16xf32>
        %add3A_2487 = arith.addf %add3A_2481, %abs3A_2486 : vector<16xf32>
        %get3A_2488 = arith.index_cast %add3A_2314 : i32 to index
        %get3A_2489 = arith.constant 48 : index
        %get3A_2490 = tpu.vector_load %arg21[%get3A_2488, %get3A_2489] {strides = array<i32>} : memref<200x128xf32, #tpu.memory_space<vmem>>, vector<16xf32>,
        %sub3A_2491 = arith.subf %add3A_345, %get3A_2490 : vector<16xf32>
        %abs3A_2492 = math.absf %sub3A_2491 : vector<16xf32>
        %add3A_2493 = arith.addf %add3A_2487, %abs3A_2492 : vector<16xf32>
        %get3A_2494 = arith.index_cast %add3A_2314 : i32 to index
        %get3A_2495 = arith.constant 48 : index
        %get3A_2496 = tpu.vector_load %arg22[%get3A_2494, %get3A_2495] {strides = array<i32>} : memref<200x128xf32, #tpu.memory_space<vmem>>, vector<16xf32>,
        %sub3A_2497 = arith.subf %get3A_385, %get3A_2496 : vector<16xf32>
        %abs3A_2498 = math.absf %sub3A_2497 : vector<16xf32>
        %add3A_2499 = arith.addf %add3A_2493, %abs3A_2498 : vector<16xf32>
        %get3A_2500 = arith.index_cast %add3A_2314 : i32 to index
        %get3A_2501 = arith.constant 64 : index
        %get3A_2502 = tpu.vector_load %arg21[%get3A_2500, %get3A_2501] {strides = array<i32>} : memref<200x128xf32, #tpu.memory_space<vmem>>, vector<16xf32>,
        %sub3A_2503 = arith.subf %add3A_352, %get3A_2502 : vector<16xf32>
        %abs3A_2504 = math.absf %sub3A_2503 : vector<16xf32>
        %add3A_2505 = arith.addf %add3A_2499, %abs3A_2504 : vector<16xf32>
        %get3A_2506 = arith.index_cast %add3A_2314 : i32 to index
        %get3A_2507 = arith.constant 64 : index
        %get3A_2508 = tpu.vector_load %arg22[%get3A_2506, %get3A_2507] {strides = array<i32>} : memref<200x128xf32, #tpu.memory_space<vmem>>, vector<16xf32>,
        %sub3A_2509 = arith.subf %get3A_388, %get3A_2508 : vector<16xf32>
        %abs3A_2510 = math.absf %sub3A_2509 : vector<16xf32>
        %add3A_2511 = arith.addf %add3A_2505, %abs3A_2510 : vector<16xf32>
        %get3A_2512 = arith.index_cast %add3A_2314 : i32 to index
        %get3A_2513 = arith.constant 80 : index
        %get3A_2514 = tpu.vector_load %arg21[%get3A_2512, %get3A_2513] {strides = array<i32>} : memref<200x128xf32, #tpu.memory_space<vmem>>, vector<16xf32>,
        %sub3A_2515 = arith.subf %add3A_359, %get3A_2514 : vector<16xf32>
        %abs3A_2516 = math.absf %sub3A_2515 : vector<16xf32>
        %add3A_2517 = arith.addf %add3A_2511, %abs3A_2516 : vector<16xf32>
        %get3A_2518 = arith.index_cast %add3A_2314 : i32 to index
        %get3A_2519 = arith.constant 80 : index
        %get3A_2520 = tpu.vector_load %arg22[%get3A_2518, %get3A_2519] {strides = array<i32>} : memref<200x128xf32, #tpu.memory_space<vmem>>, vector<16xf32>,
        %sub3A_2521 = arith.subf %get3A_391, %get3A_2520 : vector<16xf32>
        %abs3A_2522 = math.absf %sub3A_2521 : vector<16xf32>
        %add3A_2523 = arith.addf %add3A_2517, %abs3A_2522 : vector<16xf32>
        %get3A_2524 = arith.index_cast %add3A_2314 : i32 to index
        %get3A_2525 = arith.constant 96 : index
        %get3A_2526 = tpu.vector_load %arg21[%get3A_2524, %get3A_2525] {strides = array<i32>} : memref<200x128xf32, #tpu.memory_space<vmem>>, vector<16xf32>,
        %sub3A_2527 = arith.subf %add3A_366, %get3A_2526 : vector<16xf32>
        %abs3A_2528 = math.absf %sub3A_2527 : vector<16xf32>
        %add3A_2529 = arith.addf %add3A_2523, %abs3A_2528 : vector<16xf32>
        %get3A_2530 = arith.index_cast %add3A_2314 : i32 to index
        %get3A_2531 = arith.constant 96 : index
        %get3A_2532 = tpu.vector_load %arg22[%get3A_2530, %get3A_2531] {strides = array<i32>} : memref<200x128xf32, #tpu.memory_space<vmem>>, vector<16xf32>,
        %sub3A_2533 = arith.subf %get3A_394, %get3A_2532 : vector<16xf32>
        %abs3A_2534 = math.absf %sub3A_2533 : vector<16xf32>
        %add3A_2535 = arith.addf %add3A_2529, %abs3A_2534 : vector<16xf32>
        %get3A_2536 = arith.index_cast %add3A_2314 : i32 to index
        %get3A_2537 = arith.constant 112 : index
        %get3A_2538 = tpu.vector_load %arg21[%get3A_2536, %get3A_2537] {strides = array<i32>} : memref<200x128xf32, #tpu.memory_space<vmem>>, vector<16xf32>,
        %sub3A_2539 = arith.subf %add3A_373, %get3A_2538 : vector<16xf32>
        %abs3A_2540 = math.absf %sub3A_2539 : vector<16xf32>
        %add3A_2541 = arith.addf %add3A_2535, %abs3A_2540 : vector<16xf32>
        %get3A_2542 = arith.index_cast %add3A_2314 : i32 to index
        %get3A_2543 = arith.constant 112 : index
        %get3A_2544 = tpu.vector_load %arg22[%get3A_2542, %get3A_2543] {strides = array<i32>} : memref<200x128xf32, #tpu.memory_space<vmem>>, vector<16xf32>,
        %sub3A_2545 = arith.subf %get3A_397, %get3A_2544 : vector<16xf32>
        %abs3A_2546 = math.absf %sub3A_2545 : vector<16xf32>
        %add3A_2547 = arith.addf %add3A_2541, %abs3A_2546 : vector<16xf32>
        %reduce_sum3A_2548 = arith.constant true
        %reduce_sum3A_2549 = vector.broadcast %reduce_sum3A_2548 : i1 to vector<16xi1>
        %reduce_sum3A_2550 = tpu.scan <sum>, %add3A_2547 masked %reduce_sum3A_2549 : vector<16xf32>, vector<16xi1> -> vector<16xf32>
        %reduce_sum3A_2551 = vector.extract %reduce_sum3A_2550[15] : f32 from vector<16xf32>
        %broadcast_in_dim3A_2552 = vector.broadcast %reduce_sum3A_2551 : f32 to vector<16xf32>
        %select_n3A_2553 = arith.select %eq3A_5, %broadcast_in_dim3A_2552, %select_n3A_2452 : vector<16xi1>, vector<16xf32>
        %get3A_2554 = arith.index_cast %add3A_2316 : i32 to index
        %get3A_2555 = arith.constant 0 : index
        %get3A_2556 = tpu.vector_load %arg21[%get3A_2554, %get3A_2555] {strides = array<i32>} : memref<200x128xf32, #tpu.memory_space<vmem>>, vector<16xf32>,
        %sub3A_2557 = arith.subf %add3A_324, %get3A_2556 : vector<16xf32>
        %abs3A_2558 = math.absf %sub3A_2557 : vector<16xf32>
        %get3A_2559 = arith.index_cast %add3A_2316 : i32 to index
        %get3A_2560 = arith.constant 0 : index
        %get3A_2561 = tpu.vector_load %arg22[%get3A_2559, %get3A_2560] {strides = array<i32>} : memref<200x128xf32, #tpu.memory_space<vmem>>, vector<16xf32>,
        %sub3A_2562 = arith.subf %get3A_376, %get3A_2561 : vector<16xf32>
        %abs3A_2563 = math.absf %sub3A_2562 : vector<16xf32>
        %add3A_2564 = arith.addf %abs3A_2558, %abs3A_2563 : vector<16xf32>
        %get3A_2565 = arith.index_cast %add3A_2316 : i32 to index
        %get3A_2566 = arith.constant 16 : index
        %get3A_2567 = tpu.vector_load %arg21[%get3A_2565, %get3A_2566] {strides = array<i32>} : memref<200x128xf32, #tpu.memory_space<vmem>>, vector<16xf32>,
        %sub3A_2568 = arith.subf %add3A_331, %get3A_2567 : vector<16xf32>
        %abs3A_2569 = math.absf %sub3A_2568 : vector<16xf32>
        %add3A_2570 = arith.addf %add3A_2564, %abs3A_2569 : vector<16xf32>
        %get3A_2571 = arith.index_cast %add3A_2316 : i32 to index
        %get3A_2572 = arith.constant 16 : index
        %get3A_2573 = tpu.vector_load %arg22[%get3A_2571, %get3A_2572] {strides = array<i32>} : memref<200x128xf32, #tpu.memory_space<vmem>>, vector<16xf32>,
        %sub3A_2574 = arith.subf %get3A_379, %get3A_2573 : vector<16xf32>
        %abs3A_2575 = math.absf %sub3A_2574 : vector<16xf32>
        %add3A_2576 = arith.addf %add3A_2570, %abs3A_2575 : vector<16xf32>
        %get3A_2577 = arith.index_cast %add3A_2316 : i32 to index
        %get3A_2578 = arith.constant 32 : index
        %get3A_2579 = tpu.vector_load %arg21[%get3A_2577, %get3A_2578] {strides = array<i32>} : memref<200x128xf32, #tpu.memory_space<vmem>>, vector<16xf32>,
        %sub3A_2580 = arith.subf %add3A_338, %get3A_2579 : vector<16xf32>
        %abs3A_2581 = math.absf %sub3A_2580 : vector<16xf32>
        %add3A_2582 = arith.addf %add3A_2576, %abs3A_2581 : vector<16xf32>
        %get3A_2583 = arith.index_cast %add3A_2316 : i32 to index
        %get3A_2584 = arith.constant 32 : index
        %get3A_2585 = tpu.vector_load %arg22[%get3A_2583, %get3A_2584] {strides = array<i32>} : memref<200x128xf32, #tpu.memory_space<vmem>>, vector<16xf32>,
        %sub3A_2586 = arith.subf %get3A_382, %get3A_2585 : vector<16xf32>
        %abs3A_2587 = math.absf %sub3A_2586 : vector<16xf32>
        %add3A_2588 = arith.addf %add3A_2582, %abs3A_2587 : vector<16xf32>
        %get3A_2589 = arith.index_cast %add3A_2316 : i32 to index
        %get3A_2590 = arith.constant 48 : index
        %get3A_2591 = tpu.vector_load %arg21[%get3A_2589, %get3A_2590] {strides = array<i32>} : memref<200x128xf32, #tpu.memory_space<vmem>>, vector<16xf32>,
        %sub3A_2592 = arith.subf %add3A_345, %get3A_2591 : vector<16xf32>
        %abs3A_2593 = math.absf %sub3A_2592 : vector<16xf32>
        %add3A_2594 = arith.addf %add3A_2588, %abs3A_2593 : vector<16xf32>
        %get3A_2595 = arith.index_cast %add3A_2316 : i32 to index
        %get3A_2596 = arith.constant 48 : index
        %get3A_2597 = tpu.vector_load %arg22[%get3A_2595, %get3A_2596] {strides = array<i32>} : memref<200x128xf32, #tpu.memory_space<vmem>>, vector<16xf32>,
        %sub3A_2598 = arith.subf %get3A_385, %get3A_2597 : vector<16xf32>
        %abs3A_2599 = math.absf %sub3A_2598 : vector<16xf32>
        %add3A_2600 = arith.addf %add3A_2594, %abs3A_2599 : vector<16xf32>
        %get3A_2601 = arith.index_cast %add3A_2316 : i32 to index
        %get3A_2602 = arith.constant 64 : index
        %get3A_2603 = tpu.vector_load %arg21[%get3A_2601, %get3A_2602] {strides = array<i32>} : memref<200x128xf32, #tpu.memory_space<vmem>>, vector<16xf32>,
        %sub3A_2604 = arith.subf %add3A_352, %get3A_2603 : vector<16xf32>
        %abs3A_2605 = math.absf %sub3A_2604 : vector<16xf32>
        %add3A_2606 = arith.addf %add3A_2600, %abs3A_2605 : vector<16xf32>
        %get3A_2607 = arith.index_cast %add3A_2316 : i32 to index
        %get3A_2608 = arith.constant 64 : index
        %get3A_2609 = tpu.vector_load %arg22[%get3A_2607, %get3A_2608] {strides = array<i32>} : memref<200x128xf32, #tpu.memory_space<vmem>>, vector<16xf32>,
        %sub3A_2610 = arith.subf %get3A_388, %get3A_2609 : vector<16xf32>
        %abs3A_2611 = math.absf %sub3A_2610 : vector<16xf32>
        %add3A_2612 = arith.addf %add3A_2606, %abs3A_2611 : vector<16xf32>
        %get3A_2613 = arith.index_cast %add3A_2316 : i32 to index
        %get3A_2614 = arith.constant 80 : index
        %get3A_2615 = tpu.vector_load %arg21[%get3A_2613, %get3A_2614] {strides = array<i32>} : memref<200x128xf32, #tpu.memory_space<vmem>>, vector<16xf32>,
        %sub3A_2616 = arith.subf %add3A_359, %get3A_2615 : vector<16xf32>
        %abs3A_2617 = math.absf %sub3A_2616 : vector<16xf32>
        %add3A_2618 = arith.addf %add3A_2612, %abs3A_2617 : vector<16xf32>
        %get3A_2619 = arith.index_cast %add3A_2316 : i32 to index
        %get3A_2620 = arith.constant 80 : index
        %get3A_2621 = tpu.vector_load %arg22[%get3A_2619, %get3A_2620] {strides = array<i32>} : memref<200x128xf32, #tpu.memory_space<vmem>>, vector<16xf32>,
        %sub3A_2622 = arith.subf %get3A_391, %get3A_2621 : vector<16xf32>
        %abs3A_2623 = math.absf %sub3A_2622 : vector<16xf32>
        %add3A_2624 = arith.addf %add3A_2618, %abs3A_2623 : vector<16xf32>
        %get3A_2625 = arith.index_cast %add3A_2316 : i32 to index
        %get3A_2626 = arith.constant 96 : index
        %get3A_2627 = tpu.vector_load %arg21[%get3A_2625, %get3A_2626] {strides = array<i32>} : memref<200x128xf32, #tpu.memory_space<vmem>>, vector<16xf32>,
        %sub3A_2628 = arith.subf %add3A_366, %get3A_2627 : vector<16xf32>
        %abs3A_2629 = math.absf %sub3A_2628 : vector<16xf32>
        %add3A_2630 = arith.addf %add3A_2624, %abs3A_2629 : vector<16xf32>
        %get3A_2631 = arith.index_cast %add3A_2316 : i32 to index
        %get3A_2632 = arith.constant 96 : index
        %get3A_2633 = tpu.vector_load %arg22[%get3A_2631, %get3A_2632] {strides = array<i32>} : memref<200x128xf32, #tpu.memory_space<vmem>>, vector<16xf32>,
        %sub3A_2634 = arith.subf %get3A_394, %get3A_2633 : vector<16xf32>
        %abs3A_2635 = math.absf %sub3A_2634 : vector<16xf32>
        %add3A_2636 = arith.addf %add3A_2630, %abs3A_2635 : vector<16xf32>
        %get3A_2637 = arith.index_cast %add3A_2316 : i32 to index
        %get3A_2638 = arith.constant 112 : index
        %get3A_2639 = tpu.vector_load %arg21[%get3A_2637, %get3A_2638] {strides = array<i32>} : memref<200x128xf32, #tpu.memory_space<vmem>>, vector<16xf32>,
        %sub3A_2640 = arith.subf %add3A_373, %get3A_2639 : vector<16xf32>
        %abs3A_2641 = math.absf %sub3A_2640 : vector<16xf32>
        %add3A_2642 = arith.addf %add3A_2636, %abs3A_2641 : vector<16xf32>
        %get3A_2643 = arith.index_cast %add3A_2316 : i32 to index
        %get3A_2644 = arith.constant 112 : index
        %get3A_2645 = tpu.vector_load %arg22[%get3A_2643, %get3A_2644] {strides = array<i32>} : memref<200x128xf32, #tpu.memory_space<vmem>>, vector<16xf32>,
        %sub3A_2646 = arith.subf %get3A_397, %get3A_2645 : vector<16xf32>
        %abs3A_2647 = math.absf %sub3A_2646 : vector<16xf32>
        %add3A_2648 = arith.addf %add3A_2642, %abs3A_2647 : vector<16xf32>
        %reduce_sum3A_2649 = arith.constant true
        %reduce_sum3A_2650 = vector.broadcast %reduce_sum3A_2649 : i1 to vector<16xi1>
        %reduce_sum3A_2651 = tpu.scan <sum>, %add3A_2648 masked %reduce_sum3A_2650 : vector<16xf32>, vector<16xi1> -> vector<16xf32>
        %reduce_sum3A_2652 = vector.extract %reduce_sum3A_2651[15] : f32 from vector<16xf32>
        %broadcast_in_dim3A_2653 = vector.broadcast %reduce_sum3A_2652 : f32 to vector<16xf32>
        %select_n3A_2654 = arith.select %eq3A_8, %broadcast_in_dim3A_2653, %select_n3A_2553 : vector<16xi1>, vector<16xf32>
        %get3A_2655 = arith.index_cast %add3A_2318 : i32 to index
        %get3A_2656 = arith.constant 0 : index
        %get3A_2657 = tpu.vector_load %arg21[%get3A_2655, %get3A_2656] {strides = array<i32>} : memref<200x128xf32, #tpu.memory_space<vmem>>, vector<16xf32>,
        %sub3A_2658 = arith.subf %add3A_324, %get3A_2657 : vector<16xf32>
        %abs3A_2659 = math.absf %sub3A_2658 : vector<16xf32>
        %get3A_2660 = arith.index_cast %add3A_2318 : i32 to index
        %get3A_2661 = arith.constant 0 : index
        %get3A_2662 = tpu.vector_load %arg22[%get3A_2660, %get3A_2661] {strides = array<i32>} : memref<200x128xf32, #tpu.memory_space<vmem>>, vector<16xf32>,
        %sub3A_2663 = arith.subf %get3A_376, %get3A_2662 : vector<16xf32>
        %abs3A_2664 = math.absf %sub3A_2663 : vector<16xf32>
        %add3A_2665 = arith.addf %abs3A_2659, %abs3A_2664 : vector<16xf32>
        %get3A_2666 = arith.index_cast %add3A_2318 : i32 to index
        %get3A_2667 = arith.constant 16 : index
        %get3A_2668 = tpu.vector_load %arg21[%get3A_2666, %get3A_2667] {strides = array<i32>} : memref<200x128xf32, #tpu.memory_space<vmem>>, vector<16xf32>,
        %sub3A_2669 = arith.subf %add3A_331, %get3A_2668 : vector<16xf32>
        %abs3A_2670 = math.absf %sub3A_2669 : vector<16xf32>
        %add3A_2671 = arith.addf %add3A_2665, %abs3A_2670 : vector<16xf32>
        %get3A_2672 = arith.index_cast %add3A_2318 : i32 to index
        %get3A_2673 = arith.constant 16 : index
        %get3A_2674 = tpu.vector_load %arg22[%get3A_2672, %get3A_2673] {strides = array<i32>} : memref<200x128xf32, #tpu.memory_space<vmem>>, vector<16xf32>,
        %sub3A_2675 = arith.subf %get3A_379, %get3A_2674 : vector<16xf32>
        %abs3A_2676 = math.absf %sub3A_2675 : vector<16xf32>
        %add3A_2677 = arith.addf %add3A_2671, %abs3A_2676 : vector<16xf32>
        %get3A_2678 = arith.index_cast %add3A_2318 : i32 to index
        %get3A_2679 = arith.constant 32 : index
        %get3A_2680 = tpu.vector_load %arg21[%get3A_2678, %get3A_2679] {strides = array<i32>} : memref<200x128xf32, #tpu.memory_space<vmem>>, vector<16xf32>,
        %sub3A_2681 = arith.subf %add3A_338, %get3A_2680 : vector<16xf32>
        %abs3A_2682 = math.absf %sub3A_2681 : vector<16xf32>
        %add3A_2683 = arith.addf %add3A_2677, %abs3A_2682 : vector<16xf32>
        %get3A_2684 = arith.index_cast %add3A_2318 : i32 to index
        %get3A_2685 = arith.constant 32 : index
        %get3A_2686 = tpu.vector_load %arg22[%get3A_2684, %get3A_2685] {strides = array<i32>} : memref<200x128xf32, #tpu.memory_space<vmem>>, vector<16xf32>,
        %sub3A_2687 = arith.subf %get3A_382, %get3A_2686 : vector<16xf32>
        %abs3A_2688 = math.absf %sub3A_2687 : vector<16xf32>
        %add3A_2689 = arith.addf %add3A_2683, %abs3A_2688 : vector<16xf32>
        %get3A_2690 = arith.index_cast %add3A_2318 : i32 to index
        %get3A_2691 = arith.constant 48 : index
        %get3A_2692 = tpu.vector_load %arg21[%get3A_2690, %get3A_2691] {strides = array<i32>} : memref<200x128xf32, #tpu.memory_space<vmem>>, vector<16xf32>,
        %sub3A_2693 = arith.subf %add3A_345, %get3A_2692 : vector<16xf32>
        %abs3A_2694 = math.absf %sub3A_2693 : vector<16xf32>
        %add3A_2695 = arith.addf %add3A_2689, %abs3A_2694 : vector<16xf32>
        %get3A_2696 = arith.index_cast %add3A_2318 : i32 to index
        %get3A_2697 = arith.constant 48 : index
        %get3A_2698 = tpu.vector_load %arg22[%get3A_2696, %get3A_2697] {strides = array<i32>} : memref<200x128xf32, #tpu.memory_space<vmem>>, vector<16xf32>,
        %sub3A_2699 = arith.subf %get3A_385, %get3A_2698 : vector<16xf32>
        %abs3A_2700 = math.absf %sub3A_2699 : vector<16xf32>
        %add3A_2701 = arith.addf %add3A_2695, %abs3A_2700 : vector<16xf32>
        %get3A_2702 = arith.index_cast %add3A_2318 : i32 to index
        %get3A_2703 = arith.constant 64 : index
        %get3A_2704 = tpu.vector_load %arg21[%get3A_2702, %get3A_2703] {strides = array<i32>} : memref<200x128xf32, #tpu.memory_space<vmem>>, vector<16xf32>,
        %sub3A_2705 = arith.subf %add3A_352, %get3A_2704 : vector<16xf32>
        %abs3A_2706 = math.absf %sub3A_2705 : vector<16xf32>
        %add3A_2707 = arith.addf %add3A_2701, %abs3A_2706 : vector<16xf32>
        %get3A_2708 = arith.index_cast %add3A_2318 : i32 to index
        %get3A_2709 = arith.constant 64 : index
        %get3A_2710 = tpu.vector_load %arg22[%get3A_2708, %get3A_2709] {strides = array<i32>} : memref<200x128xf32, #tpu.memory_space<vmem>>, vector<16xf32>,
        %sub3A_2711 = arith.subf %get3A_388, %get3A_2710 : vector<16xf32>
        %abs3A_2712 = math.absf %sub3A_2711 : vector<16xf32>
        %add3A_2713 = arith.addf %add3A_2707, %abs3A_2712 : vector<16xf32>
        %get3A_2714 = arith.index_cast %add3A_2318 : i32 to index
        %get3A_2715 = arith.constant 80 : index
        %get3A_2716 = tpu.vector_load %arg21[%get3A_2714, %get3A_2715] {strides = array<i32>} : memref<200x128xf32, #tpu.memory_space<vmem>>, vector<16xf32>,
        %sub3A_2717 = arith.subf %add3A_359, %get3A_2716 : vector<16xf32>
        %abs3A_2718 = math.absf %sub3A_2717 : vector<16xf32>
        %add3A_2719 = arith.addf %add3A_2713, %abs3A_2718 : vector<16xf32>
        %get3A_2720 = arith.index_cast %add3A_2318 : i32 to index
        %get3A_2721 = arith.constant 80 : index
        %get3A_2722 = tpu.vector_load %arg22[%get3A_2720, %get3A_2721] {strides = array<i32>} : memref<200x128xf32, #tpu.memory_space<vmem>>, vector<16xf32>,
        %sub3A_2723 = arith.subf %get3A_391, %get3A_2722 : vector<16xf32>
        %abs3A_2724 = math.absf %sub3A_2723 : vector<16xf32>
        %add3A_2725 = arith.addf %add3A_2719, %abs3A_2724 : vector<16xf32>
        %get3A_2726 = arith.index_cast %add3A_2318 : i32 to index
        %get3A_2727 = arith.constant 96 : index
        %get3A_2728 = tpu.vector_load %arg21[%get3A_2726, %get3A_2727] {strides = array<i32>} : memref<200x128xf32, #tpu.memory_space<vmem>>, vector<16xf32>,
        %sub3A_2729 = arith.subf %add3A_366, %get3A_2728 : vector<16xf32>
        %abs3A_2730 = math.absf %sub3A_2729 : vector<16xf32>
        %add3A_2731 = arith.addf %add3A_2725, %abs3A_2730 : vector<16xf32>
        %get3A_2732 = arith.index_cast %add3A_2318 : i32 to index
        %get3A_2733 = arith.constant 96 : index
        %get3A_2734 = tpu.vector_load %arg22[%get3A_2732, %get3A_2733] {strides = array<i32>} : memref<200x128xf32, #tpu.memory_space<vmem>>, vector<16xf32>,
        %sub3A_2735 = arith.subf %get3A_394, %get3A_2734 : vector<16xf32>
        %abs3A_2736 = math.absf %sub3A_2735 : vector<16xf32>
        %add3A_2737 = arith.addf %add3A_2731, %abs3A_2736 : vector<16xf32>
        %get3A_2738 = arith.index_cast %add3A_2318 : i32 to index
        %get3A_2739 = arith.constant 112 : index
        %get3A_2740 = tpu.vector_load %arg21[%get3A_2738, %get3A_2739] {strides = array<i32>} : memref<200x128xf32, #tpu.memory_space<vmem>>, vector<16xf32>,
        %sub3A_2741 = arith.subf %add3A_373, %get3A_2740 : vector<16xf32>
        %abs3A_2742 = math.absf %sub3A_2741 : vector<16xf32>
        %add3A_2743 = arith.addf %add3A_2737, %abs3A_2742 : vector<16xf32>
        %get3A_2744 = arith.index_cast %add3A_2318 : i32 to index
        %get3A_2745 = arith.constant 112 : index
        %get3A_2746 = tpu.vector_load %arg22[%get3A_2744, %get3A_2745] {strides = array<i32>} : memref<200x128xf32, #tpu.memory_space<vmem>>, vector<16xf32>,
        %sub3A_2747 = arith.subf %get3A_397, %get3A_2746 : vector<16xf32>
        %abs3A_2748 = math.absf %sub3A_2747 : vector<16xf32>
        %add3A_2749 = arith.addf %add3A_2743, %abs3A_2748 : vector<16xf32>
        %reduce_sum3A_2750 = arith.constant true
        %reduce_sum3A_2751 = vector.broadcast %reduce_sum3A_2750 : i1 to vector<16xi1>
        %reduce_sum3A_2752 = tpu.scan <sum>, %add3A_2749 masked %reduce_sum3A_2751 : vector<16xf32>, vector<16xi1> -> vector<16xf32>
        %reduce_sum3A_2753 = vector.extract %reduce_sum3A_2752[15] : f32 from vector<16xf32>
        %broadcast_in_dim3A_2754 = vector.broadcast %reduce_sum3A_2753 : f32 to vector<16xf32>
        %select_n3A_2755 = arith.select %eq3A_11, %broadcast_in_dim3A_2754, %select_n3A_2654 : vector<16xi1>, vector<16xf32>
        %get3A_2756 = arith.index_cast %add3A_2320 : i32 to index
        %get3A_2757 = arith.constant 0 : index
        %get3A_2758 = tpu.vector_load %arg21[%get3A_2756, %get3A_2757] {strides = array<i32>} : memref<200x128xf32, #tpu.memory_space<vmem>>, vector<16xf32>,
        %sub3A_2759 = arith.subf %add3A_324, %get3A_2758 : vector<16xf32>
        %abs3A_2760 = math.absf %sub3A_2759 : vector<16xf32>
        %get3A_2761 = arith.index_cast %add3A_2320 : i32 to index
        %get3A_2762 = arith.constant 0 : index
        %get3A_2763 = tpu.vector_load %arg22[%get3A_2761, %get3A_2762] {strides = array<i32>} : memref<200x128xf32, #tpu.memory_space<vmem>>, vector<16xf32>,
        %sub3A_2764 = arith.subf %get3A_376, %get3A_2763 : vector<16xf32>
        %abs3A_2765 = math.absf %sub3A_2764 : vector<16xf32>
        %add3A_2766 = arith.addf %abs3A_2760, %abs3A_2765 : vector<16xf32>
        %get3A_2767 = arith.index_cast %add3A_2320 : i32 to index
        %get3A_2768 = arith.constant 16 : index
        %get3A_2769 = tpu.vector_load %arg21[%get3A_2767, %get3A_2768] {strides = array<i32>} : memref<200x128xf32, #tpu.memory_space<vmem>>, vector<16xf32>,
        %sub3A_2770 = arith.subf %add3A_331, %get3A_2769 : vector<16xf32>
        %abs3A_2771 = math.absf %sub3A_2770 : vector<16xf32>
        %add3A_2772 = arith.addf %add3A_2766, %abs3A_2771 : vector<16xf32>
        %get3A_2773 = arith.index_cast %add3A_2320 : i32 to index
        %get3A_2774 = arith.constant 16 : index
        %get3A_2775 = tpu.vector_load %arg22[%get3A_2773, %get3A_2774] {strides = array<i32>} : memref<200x128xf32, #tpu.memory_space<vmem>>, vector<16xf32>,
        %sub3A_2776 = arith.subf %get3A_379, %get3A_2775 : vector<16xf32>
        %abs3A_2777 = math.absf %sub3A_2776 : vector<16xf32>
        %add3A_2778 = arith.addf %add3A_2772, %abs3A_2777 : vector<16xf32>
        %get3A_2779 = arith.index_cast %add3A_2320 : i32 to index
        %get3A_2780 = arith.constant 32 : index
        %get3A_2781 = tpu.vector_load %arg21[%get3A_2779, %get3A_2780] {strides = array<i32>} : memref<200x128xf32, #tpu.memory_space<vmem>>, vector<16xf32>,
        %sub3A_2782 = arith.subf %add3A_338, %get3A_2781 : vector<16xf32>
        %abs3A_2783 = math.absf %sub3A_2782 : vector<16xf32>
        %add3A_2784 = arith.addf %add3A_2778, %abs3A_2783 : vector<16xf32>
        %get3A_2785 = arith.index_cast %add3A_2320 : i32 to index
        %get3A_2786 = arith.constant 32 : index
        %get3A_2787 = tpu.vector_load %arg22[%get3A_2785, %get3A_2786] {strides = array<i32>} : memref<200x128xf32, #tpu.memory_space<vmem>>, vector<16xf32>,
        %sub3A_2788 = arith.subf %get3A_382, %get3A_2787 : vector<16xf32>
        %abs3A_2789 = math.absf %sub3A_2788 : vector<16xf32>
        %add3A_2790 = arith.addf %add3A_2784, %abs3A_2789 : vector<16xf32>
        %get3A_2791 = arith.index_cast %add3A_2320 : i32 to index
        %get3A_2792 = arith.constant 48 : index
        %get3A_2793 = tpu.vector_load %arg21[%get3A_2791, %get3A_2792] {strides = array<i32>} : memref<200x128xf32, #tpu.memory_space<vmem>>, vector<16xf32>,
        %sub3A_2794 = arith.subf %add3A_345, %get3A_2793 : vector<16xf32>
        %abs3A_2795 = math.absf %sub3A_2794 : vector<16xf32>
        %add3A_2796 = arith.addf %add3A_2790, %abs3A_2795 : vector<16xf32>
        %get3A_2797 = arith.index_cast %add3A_2320 : i32 to index
        %get3A_2798 = arith.constant 48 : index
        %get3A_2799 = tpu.vector_load %arg22[%get3A_2797, %get3A_2798] {strides = array<i32>} : memref<200x128xf32, #tpu.memory_space<vmem>>, vector<16xf32>,
        %sub3A_2800 = arith.subf %get3A_385, %get3A_2799 : vector<16xf32>
        %abs3A_2801 = math.absf %sub3A_2800 : vector<16xf32>
        %add3A_2802 = arith.addf %add3A_2796, %abs3A_2801 : vector<16xf32>
        %get3A_2803 = arith.index_cast %add3A_2320 : i32 to index
        %get3A_2804 = arith.constant 64 : index
        %get3A_2805 = tpu.vector_load %arg21[%get3A_2803, %get3A_2804] {strides = array<i32>} : memref<200x128xf32, #tpu.memory_space<vmem>>, vector<16xf32>,
        %sub3A_2806 = arith.subf %add3A_352, %get3A_2805 : vector<16xf32>
        %abs3A_2807 = math.absf %sub3A_2806 : vector<16xf32>
        %add3A_2808 = arith.addf %add3A_2802, %abs3A_2807 : vector<16xf32>
        %get3A_2809 = arith.index_cast %add3A_2320 : i32 to index
        %get3A_2810 = arith.constant 64 : index
        %get3A_2811 = tpu.vector_load %arg22[%get3A_2809, %get3A_2810] {strides = array<i32>} : memref<200x128xf32, #tpu.memory_space<vmem>>, vector<16xf32>,
        %sub3A_2812 = arith.subf %get3A_388, %get3A_2811 : vector<16xf32>
        %abs3A_2813 = math.absf %sub3A_2812 : vector<16xf32>
        %add3A_2814 = arith.addf %add3A_2808, %abs3A_2813 : vector<16xf32>
        %get3A_2815 = arith.index_cast %add3A_2320 : i32 to index
        %get3A_2816 = arith.constant 80 : index
        %get3A_2817 = tpu.vector_load %arg21[%get3A_2815, %get3A_2816] {strides = array<i32>} : memref<200x128xf32, #tpu.memory_space<vmem>>, vector<16xf32>,
        %sub3A_2818 = arith.subf %add3A_359, %get3A_2817 : vector<16xf32>
        %abs3A_2819 = math.absf %sub3A_2818 : vector<16xf32>
        %add3A_2820 = arith.addf %add3A_2814, %abs3A_2819 : vector<16xf32>
        %get3A_2821 = arith.index_cast %add3A_2320 : i32 to index
        %get3A_2822 = arith.constant 80 : index
        %get3A_2823 = tpu.vector_load %arg22[%get3A_2821, %get3A_2822] {strides = array<i32>} : memref<200x128xf32, #tpu.memory_space<vmem>>, vector<16xf32>,
        %sub3A_2824 = arith.subf %get3A_391, %get3A_2823 : vector<16xf32>
        %abs3A_2825 = math.absf %sub3A_2824 : vector<16xf32>
        %add3A_2826 = arith.addf %add3A_2820, %abs3A_2825 : vector<16xf32>
        %get3A_2827 = arith.index_cast %add3A_2320 : i32 to index
        %get3A_2828 = arith.constant 96 : index
        %get3A_2829 = tpu.vector_load %arg21[%get3A_2827, %get3A_2828] {strides = array<i32>} : memref<200x128xf32, #tpu.memory_space<vmem>>, vector<16xf32>,
        %sub3A_2830 = arith.subf %add3A_366, %get3A_2829 : vector<16xf32>
        %abs3A_2831 = math.absf %sub3A_2830 : vector<16xf32>
        %add3A_2832 = arith.addf %add3A_2826, %abs3A_2831 : vector<16xf32>
        %get3A_2833 = arith.index_cast %add3A_2320 : i32 to index
        %get3A_2834 = arith.constant 96 : index
        %get3A_2835 = tpu.vector_load %arg22[%get3A_2833, %get3A_2834] {strides = array<i32>} : memref<200x128xf32, #tpu.memory_space<vmem>>, vector<16xf32>,
        %sub3A_2836 = arith.subf %get3A_394, %get3A_2835 : vector<16xf32>
        %abs3A_2837 = math.absf %sub3A_2836 : vector<16xf32>
        %add3A_2838 = arith.addf %add3A_2832, %abs3A_2837 : vector<16xf32>
        %get3A_2839 = arith.index_cast %add3A_2320 : i32 to index
        %get3A_2840 = arith.constant 112 : index
        %get3A_2841 = tpu.vector_load %arg21[%get3A_2839, %get3A_2840] {strides = array<i32>} : memref<200x128xf32, #tpu.memory_space<vmem>>, vector<16xf32>,
        %sub3A_2842 = arith.subf %add3A_373, %get3A_2841 : vector<16xf32>
        %abs3A_2843 = math.absf %sub3A_2842 : vector<16xf32>
        %add3A_2844 = arith.addf %add3A_2838, %abs3A_2843 : vector<16xf32>
        %get3A_2845 = arith.index_cast %add3A_2320 : i32 to index
        %get3A_2846 = arith.constant 112 : index
        %get3A_2847 = tpu.vector_load %arg22[%get3A_2845, %get3A_2846] {strides = array<i32>} : memref<200x128xf32, #tpu.memory_space<vmem>>, vector<16xf32>,
        %sub3A_2848 = arith.subf %get3A_397, %get3A_2847 : vector<16xf32>
        %abs3A_2849 = math.absf %sub3A_2848 : vector<16xf32>
        %add3A_2850 = arith.addf %add3A_2844, %abs3A_2849 : vector<16xf32>
        %reduce_sum3A_2851 = arith.constant true
        %reduce_sum3A_2852 = vector.broadcast %reduce_sum3A_2851 : i1 to vector<16xi1>
        %reduce_sum3A_2853 = tpu.scan <sum>, %add3A_2850 masked %reduce_sum3A_2852 : vector<16xf32>, vector<16xi1> -> vector<16xf32>
        %reduce_sum3A_2854 = vector.extract %reduce_sum3A_2853[15] : f32 from vector<16xf32>
        %broadcast_in_dim3A_2855 = vector.broadcast %reduce_sum3A_2854 : f32 to vector<16xf32>
        %select_n3A_2856 = arith.select %eq3A_14, %broadcast_in_dim3A_2855, %select_n3A_2755 : vector<16xi1>, vector<16xf32>
        %get3A_2857 = arith.index_cast %add3A_2322 : i32 to index
        %get3A_2858 = arith.constant 0 : index
        %get3A_2859 = tpu.vector_load %arg21[%get3A_2857, %get3A_2858] {strides = array<i32>} : memref<200x128xf32, #tpu.memory_space<vmem>>, vector<16xf32>,
        %sub3A_2860 = arith.subf %add3A_324, %get3A_2859 : vector<16xf32>
        %abs3A_2861 = math.absf %sub3A_2860 : vector<16xf32>
        %get3A_2862 = arith.index_cast %add3A_2322 : i32 to index
        %get3A_2863 = arith.constant 0 : index
        %get3A_2864 = tpu.vector_load %arg22[%get3A_2862, %get3A_2863] {strides = array<i32>} : memref<200x128xf32, #tpu.memory_space<vmem>>, vector<16xf32>,
        %sub3A_2865 = arith.subf %get3A_376, %get3A_2864 : vector<16xf32>
        %abs3A_2866 = math.absf %sub3A_2865 : vector<16xf32>
        %add3A_2867 = arith.addf %abs3A_2861, %abs3A_2866 : vector<16xf32>
        %get3A_2868 = arith.index_cast %add3A_2322 : i32 to index
        %get3A_2869 = arith.constant 16 : index
        %get3A_2870 = tpu.vector_load %arg21[%get3A_2868, %get3A_2869] {strides = array<i32>} : memref<200x128xf32, #tpu.memory_space<vmem>>, vector<16xf32>,
        %sub3A_2871 = arith.subf %add3A_331, %get3A_2870 : vector<16xf32>
        %abs3A_2872 = math.absf %sub3A_2871 : vector<16xf32>
        %add3A_2873 = arith.addf %add3A_2867, %abs3A_2872 : vector<16xf32>
        %get3A_2874 = arith.index_cast %add3A_2322 : i32 to index
        %get3A_2875 = arith.constant 16 : index
        %get3A_2876 = tpu.vector_load %arg22[%get3A_2874, %get3A_2875] {strides = array<i32>} : memref<200x128xf32, #tpu.memory_space<vmem>>, vector<16xf32>,
        %sub3A_2877 = arith.subf %get3A_379, %get3A_2876 : vector<16xf32>
        %abs3A_2878 = math.absf %sub3A_2877 : vector<16xf32>
        %add3A_2879 = arith.addf %add3A_2873, %abs3A_2878 : vector<16xf32>
        %get3A_2880 = arith.index_cast %add3A_2322 : i32 to index
        %get3A_2881 = arith.constant 32 : index
        %get3A_2882 = tpu.vector_load %arg21[%get3A_2880, %get3A_2881] {strides = array<i32>} : memref<200x128xf32, #tpu.memory_space<vmem>>, vector<16xf32>,
        %sub3A_2883 = arith.subf %add3A_338, %get3A_2882 : vector<16xf32>
        %abs3A_2884 = math.absf %sub3A_2883 : vector<16xf32>
        %add3A_2885 = arith.addf %add3A_2879, %abs3A_2884 : vector<16xf32>
        %get3A_2886 = arith.index_cast %add3A_2322 : i32 to index
        %get3A_2887 = arith.constant 32 : index
        %get3A_2888 = tpu.vector_load %arg22[%get3A_2886, %get3A_2887] {strides = array<i32>} : memref<200x128xf32, #tpu.memory_space<vmem>>, vector<16xf32>,
        %sub3A_2889 = arith.subf %get3A_382, %get3A_2888 : vector<16xf32>
        %abs3A_2890 = math.absf %sub3A_2889 : vector<16xf32>
        %add3A_2891 = arith.addf %add3A_2885, %abs3A_2890 : vector<16xf32>
        %get3A_2892 = arith.index_cast %add3A_2322 : i32 to index
        %get3A_2893 = arith.constant 48 : index
        %get3A_2894 = tpu.vector_load %arg21[%get3A_2892, %get3A_2893] {strides = array<i32>} : memref<200x128xf32, #tpu.memory_space<vmem>>, vector<16xf32>,
        %sub3A_2895 = arith.subf %add3A_345, %get3A_2894 : vector<16xf32>
        %abs3A_2896 = math.absf %sub3A_2895 : vector<16xf32>
        %add3A_2897 = arith.addf %add3A_2891, %abs3A_2896 : vector<16xf32>
        %get3A_2898 = arith.index_cast %add3A_2322 : i32 to index
        %get3A_2899 = arith.constant 48 : index
        %get3A_2900 = tpu.vector_load %arg22[%get3A_2898, %get3A_2899] {strides = array<i32>} : memref<200x128xf32, #tpu.memory_space<vmem>>, vector<16xf32>,
        %sub3A_2901 = arith.subf %get3A_385, %get3A_2900 : vector<16xf32>
        %abs3A_2902 = math.absf %sub3A_2901 : vector<16xf32>
        %add3A_2903 = arith.addf %add3A_2897, %abs3A_2902 : vector<16xf32>
        %get3A_2904 = arith.index_cast %add3A_2322 : i32 to index
        %get3A_2905 = arith.constant 64 : index
        %get3A_2906 = tpu.vector_load %arg21[%get3A_2904, %get3A_2905] {strides = array<i32>} : memref<200x128xf32, #tpu.memory_space<vmem>>, vector<16xf32>,
        %sub3A_2907 = arith.subf %add3A_352, %get3A_2906 : vector<16xf32>
        %abs3A_2908 = math.absf %sub3A_2907 : vector<16xf32>
        %add3A_2909 = arith.addf %add3A_2903, %abs3A_2908 : vector<16xf32>
        %get3A_2910 = arith.index_cast %add3A_2322 : i32 to index
        %get3A_2911 = arith.constant 64 : index
        %get3A_2912 = tpu.vector_load %arg22[%get3A_2910, %get3A_2911] {strides = array<i32>} : memref<200x128xf32, #tpu.memory_space<vmem>>, vector<16xf32>,
        %sub3A_2913 = arith.subf %get3A_388, %get3A_2912 : vector<16xf32>
        %abs3A_2914 = math.absf %sub3A_2913 : vector<16xf32>
        %add3A_2915 = arith.addf %add3A_2909, %abs3A_2914 : vector<16xf32>
        %get3A_2916 = arith.index_cast %add3A_2322 : i32 to index
        %get3A_2917 = arith.constant 80 : index
        %get3A_2918 = tpu.vector_load %arg21[%get3A_2916, %get3A_2917] {strides = array<i32>} : memref<200x128xf32, #tpu.memory_space<vmem>>, vector<16xf32>,
        %sub3A_2919 = arith.subf %add3A_359, %get3A_2918 : vector<16xf32>
        %abs3A_2920 = math.absf %sub3A_2919 : vector<16xf32>
        %add3A_2921 = arith.addf %add3A_2915, %abs3A_2920 : vector<16xf32>
        %get3A_2922 = arith.index_cast %add3A_2322 : i32 to index
        %get3A_2923 = arith.constant 80 : index
        %get3A_2924 = tpu.vector_load %arg22[%get3A_2922, %get3A_2923] {strides = array<i32>} : memref<200x128xf32, #tpu.memory_space<vmem>>, vector<16xf32>,
        %sub3A_2925 = arith.subf %get3A_391, %get3A_2924 : vector<16xf32>
        %abs3A_2926 = math.absf %sub3A_2925 : vector<16xf32>
        %add3A_2927 = arith.addf %add3A_2921, %abs3A_2926 : vector<16xf32>
        %get3A_2928 = arith.index_cast %add3A_2322 : i32 to index
        %get3A_2929 = arith.constant 96 : index
        %get3A_2930 = tpu.vector_load %arg21[%get3A_2928, %get3A_2929] {strides = array<i32>} : memref<200x128xf32, #tpu.memory_space<vmem>>, vector<16xf32>,
        %sub3A_2931 = arith.subf %add3A_366, %get3A_2930 : vector<16xf32>
        %abs3A_2932 = math.absf %sub3A_2931 : vector<16xf32>
        %add3A_2933 = arith.addf %add3A_2927, %abs3A_2932 : vector<16xf32>
        %get3A_2934 = arith.index_cast %add3A_2322 : i32 to index
        %get3A_2935 = arith.constant 96 : index
        %get3A_2936 = tpu.vector_load %arg22[%get3A_2934, %get3A_2935] {strides = array<i32>} : memref<200x128xf32, #tpu.memory_space<vmem>>, vector<16xf32>,
        %sub3A_2937 = arith.subf %get3A_394, %get3A_2936 : vector<16xf32>
        %abs3A_2938 = math.absf %sub3A_2937 : vector<16xf32>
        %add3A_2939 = arith.addf %add3A_2933, %abs3A_2938 : vector<16xf32>
        %get3A_2940 = arith.index_cast %add3A_2322 : i32 to index
        %get3A_2941 = arith.constant 112 : index
        %get3A_2942 = tpu.vector_load %arg21[%get3A_2940, %get3A_2941] {strides = array<i32>} : memref<200x128xf32, #tpu.memory_space<vmem>>, vector<16xf32>,
        %sub3A_2943 = arith.subf %add3A_373, %get3A_2942 : vector<16xf32>
        %abs3A_2944 = math.absf %sub3A_2943 : vector<16xf32>
        %add3A_2945 = arith.addf %add3A_2939, %abs3A_2944 : vector<16xf32>
        %get3A_2946 = arith.index_cast %add3A_2322 : i32 to index
        %get3A_2947 = arith.constant 112 : index
        %get3A_2948 = tpu.vector_load %arg22[%get3A_2946, %get3A_2947] {strides = array<i32>} : memref<200x128xf32, #tpu.memory_space<vmem>>, vector<16xf32>,
        %sub3A_2949 = arith.subf %get3A_397, %get3A_2948 : vector<16xf32>
        %abs3A_2950 = math.absf %sub3A_2949 : vector<16xf32>
        %add3A_2951 = arith.addf %add3A_2945, %abs3A_2950 : vector<16xf32>
        %reduce_sum3A_2952 = arith.constant true
        %reduce_sum3A_2953 = vector.broadcast %reduce_sum3A_2952 : i1 to vector<16xi1>
        %reduce_sum3A_2954 = tpu.scan <sum>, %add3A_2951 masked %reduce_sum3A_2953 : vector<16xf32>, vector<16xi1> -> vector<16xf32>
        %reduce_sum3A_2955 = vector.extract %reduce_sum3A_2954[15] : f32 from vector<16xf32>
        %broadcast_in_dim3A_2956 = vector.broadcast %reduce_sum3A_2955 : f32 to vector<16xf32>
        %select_n3A_2957 = arith.select %eq3A_17, %broadcast_in_dim3A_2956, %select_n3A_2856 : vector<16xi1>, vector<16xf32>
        %get3A_2958 = arith.index_cast %add3A_2324 : i32 to index
        %get3A_2959 = arith.constant 0 : index
        %get3A_2960 = tpu.vector_load %arg21[%get3A_2958, %get3A_2959] {strides = array<i32>} : memref<200x128xf32, #tpu.memory_space<vmem>>, vector<16xf32>,
        %sub3A_2961 = arith.subf %add3A_324, %get3A_2960 : vector<16xf32>
        %abs3A_2962 = math.absf %sub3A_2961 : vector<16xf32>
        %get3A_2963 = arith.index_cast %add3A_2324 : i32 to index
        %get3A_2964 = arith.constant 0 : index
        %get3A_2965 = tpu.vector_load %arg22[%get3A_2963, %get3A_2964] {strides = array<i32>} : memref<200x128xf32, #tpu.memory_space<vmem>>, vector<16xf32>,
        %sub3A_2966 = arith.subf %get3A_376, %get3A_2965 : vector<16xf32>
        %abs3A_2967 = math.absf %sub3A_2966 : vector<16xf32>
        %add3A_2968 = arith.addf %abs3A_2962, %abs3A_2967 : vector<16xf32>
        %get3A_2969 = arith.index_cast %add3A_2324 : i32 to index
        %get3A_2970 = arith.constant 16 : index
        %get3A_2971 = tpu.vector_load %arg21[%get3A_2969, %get3A_2970] {strides = array<i32>} : memref<200x128xf32, #tpu.memory_space<vmem>>, vector<16xf32>,
        %sub3A_2972 = arith.subf %add3A_331, %get3A_2971 : vector<16xf32>
        %abs3A_2973 = math.absf %sub3A_2972 : vector<16xf32>
        %add3A_2974 = arith.addf %add3A_2968, %abs3A_2973 : vector<16xf32>
        %get3A_2975 = arith.index_cast %add3A_2324 : i32 to index
        %get3A_2976 = arith.constant 16 : index
        %get3A_2977 = tpu.vector_load %arg22[%get3A_2975, %get3A_2976] {strides = array<i32>} : memref<200x128xf32, #tpu.memory_space<vmem>>, vector<16xf32>,
        %sub3A_2978 = arith.subf %get3A_379, %get3A_2977 : vector<16xf32>
        %abs3A_2979 = math.absf %sub3A_2978 : vector<16xf32>
        %add3A_2980 = arith.addf %add3A_2974, %abs3A_2979 : vector<16xf32>
        %get3A_2981 = arith.index_cast %add3A_2324 : i32 to index
        %get3A_2982 = arith.constant 32 : index
        %get3A_2983 = tpu.vector_load %arg21[%get3A_2981, %get3A_2982] {strides = array<i32>} : memref<200x128xf32, #tpu.memory_space<vmem>>, vector<16xf32>,
        %sub3A_2984 = arith.subf %add3A_338, %get3A_2983 : vector<16xf32>
        %abs3A_2985 = math.absf %sub3A_2984 : vector<16xf32>
        %add3A_2986 = arith.addf %add3A_2980, %abs3A_2985 : vector<16xf32>
        %get3A_2987 = arith.index_cast %add3A_2324 : i32 to index
        %get3A_2988 = arith.constant 32 : index
        %get3A_2989 = tpu.vector_load %arg22[%get3A_2987, %get3A_2988] {strides = array<i32>} : memref<200x128xf32, #tpu.memory_space<vmem>>, vector<16xf32>,
        %sub3A_2990 = arith.subf %get3A_382, %get3A_2989 : vector<16xf32>
        %abs3A_2991 = math.absf %sub3A_2990 : vector<16xf32>
        %add3A_2992 = arith.addf %add3A_2986, %abs3A_2991 : vector<16xf32>
        %get3A_2993 = arith.index_cast %add3A_2324 : i32 to index
        %get3A_2994 = arith.constant 48 : index
        %get3A_2995 = tpu.vector_load %arg21[%get3A_2993, %get3A_2994] {strides = array<i32>} : memref<200x128xf32, #tpu.memory_space<vmem>>, vector<16xf32>,
        %sub3A_2996 = arith.subf %add3A_345, %get3A_2995 : vector<16xf32>
        %abs3A_2997 = math.absf %sub3A_2996 : vector<16xf32>
        %add3A_2998 = arith.addf %add3A_2992, %abs3A_2997 : vector<16xf32>
        %get3A_2999 = arith.index_cast %add3A_2324 : i32 to index
        %get3A_3000 = arith.constant 48 : index
        %get3A_3001 = tpu.vector_load %arg22[%get3A_2999, %get3A_3000] {strides = array<i32>} : memref<200x128xf32, #tpu.memory_space<vmem>>, vector<16xf32>,
        %sub3A_3002 = arith.subf %get3A_385, %get3A_3001 : vector<16xf32>
        %abs3A_3003 = math.absf %sub3A_3002 : vector<16xf32>
        %add3A_3004 = arith.addf %add3A_2998, %abs3A_3003 : vector<16xf32>
        %get3A_3005 = arith.index_cast %add3A_2324 : i32 to index
        %get3A_3006 = arith.constant 64 : index
        %get3A_3007 = tpu.vector_load %arg21[%get3A_3005, %get3A_3006] {strides = array<i32>} : memref<200x128xf32, #tpu.memory_space<vmem>>, vector<16xf32>,
        %sub3A_3008 = arith.subf %add3A_352, %get3A_3007 : vector<16xf32>
        %abs3A_3009 = math.absf %sub3A_3008 : vector<16xf32>
        %add3A_3010 = arith.addf %add3A_3004, %abs3A_3009 : vector<16xf32>
        %get3A_3011 = arith.index_cast %add3A_2324 : i32 to index
        %get3A_3012 = arith.constant 64 : index
        %get3A_3013 = tpu.vector_load %arg22[%get3A_3011, %get3A_3012] {strides = array<i32>} : memref<200x128xf32, #tpu.memory_space<vmem>>, vector<16xf32>,
        %sub3A_3014 = arith.subf %get3A_388, %get3A_3013 : vector<16xf32>
        %abs3A_3015 = math.absf %sub3A_3014 : vector<16xf32>
        %add3A_3016 = arith.addf %add3A_3010, %abs3A_3015 : vector<16xf32>
        %get3A_3017 = arith.index_cast %add3A_2324 : i32 to index
        %get3A_3018 = arith.constant 80 : index
        %get3A_3019 = tpu.vector_load %arg21[%get3A_3017, %get3A_3018] {strides = array<i32>} : memref<200x128xf32, #tpu.memory_space<vmem>>, vector<16xf32>,
        %sub3A_3020 = arith.subf %add3A_359, %get3A_3019 : vector<16xf32>
        %abs3A_3021 = math.absf %sub3A_3020 : vector<16xf32>
        %add3A_3022 = arith.addf %add3A_3016, %abs3A_3021 : vector<16xf32>
        %get3A_3023 = arith.index_cast %add3A_2324 : i32 to index
        %get3A_3024 = arith.constant 80 : index
        %get3A_3025 = tpu.vector_load %arg22[%get3A_3023, %get3A_3024] {strides = array<i32>} : memref<200x128xf32, #tpu.memory_space<vmem>>, vector<16xf32>,
        %sub3A_3026 = arith.subf %get3A_391, %get3A_3025 : vector<16xf32>
        %abs3A_3027 = math.absf %sub3A_3026 : vector<16xf32>
        %add3A_3028 = arith.addf %add3A_3022, %abs3A_3027 : vector<16xf32>
        %get3A_3029 = arith.index_cast %add3A_2324 : i32 to index
        %get3A_3030 = arith.constant 96 : index
        %get3A_3031 = tpu.vector_load %arg21[%get3A_3029, %get3A_3030] {strides = array<i32>} : memref<200x128xf32, #tpu.memory_space<vmem>>, vector<16xf32>,
        %sub3A_3032 = arith.subf %add3A_366, %get3A_3031 : vector<16xf32>
        %abs3A_3033 = math.absf %sub3A_3032 : vector<16xf32>
        %add3A_3034 = arith.addf %add3A_3028, %abs3A_3033 : vector<16xf32>
        %get3A_3035 = arith.index_cast %add3A_2324 : i32 to index
        %get3A_3036 = arith.constant 96 : index
        %get3A_3037 = tpu.vector_load %arg22[%get3A_3035, %get3A_3036] {strides = array<i32>} : memref<200x128xf32, #tpu.memory_space<vmem>>, vector<16xf32>,
        %sub3A_3038 = arith.subf %get3A_394, %get3A_3037 : vector<16xf32>
        %abs3A_3039 = math.absf %sub3A_3038 : vector<16xf32>
        %add3A_3040 = arith.addf %add3A_3034, %abs3A_3039 : vector<16xf32>
        %get3A_3041 = arith.index_cast %add3A_2324 : i32 to index
        %get3A_3042 = arith.constant 112 : index
        %get3A_3043 = tpu.vector_load %arg21[%get3A_3041, %get3A_3042] {strides = array<i32>} : memref<200x128xf32, #tpu.memory_space<vmem>>, vector<16xf32>,
        %sub3A_3044 = arith.subf %add3A_373, %get3A_3043 : vector<16xf32>
        %abs3A_3045 = math.absf %sub3A_3044 : vector<16xf32>
        %add3A_3046 = arith.addf %add3A_3040, %abs3A_3045 : vector<16xf32>
        %get3A_3047 = arith.index_cast %add3A_2324 : i32 to index
        %get3A_3048 = arith.constant 112 : index
        %get3A_3049 = tpu.vector_load %arg22[%get3A_3047, %get3A_3048] {strides = array<i32>} : memref<200x128xf32, #tpu.memory_space<vmem>>, vector<16xf32>,
        %sub3A_3050 = arith.subf %get3A_397, %get3A_3049 : vector<16xf32>
        %abs3A_3051 = math.absf %sub3A_3050 : vector<16xf32>
        %add3A_3052 = arith.addf %add3A_3046, %abs3A_3051 : vector<16xf32>
        %reduce_sum3A_3053 = arith.constant true
        %reduce_sum3A_3054 = vector.broadcast %reduce_sum3A_3053 : i1 to vector<16xi1>
        %reduce_sum3A_3055 = tpu.scan <sum>, %add3A_3052 masked %reduce_sum3A_3054 : vector<16xf32>, vector<16xi1> -> vector<16xf32>
        %reduce_sum3A_3056 = vector.extract %reduce_sum3A_3055[15] : f32 from vector<16xf32>
        %broadcast_in_dim3A_3057 = vector.broadcast %reduce_sum3A_3056 : f32 to vector<16xf32>
        %select_n3A_3058 = arith.select %eq3A_20, %broadcast_in_dim3A_3057, %select_n3A_2957 : vector<16xi1>, vector<16xf32>
        %get3A_3059 = arith.index_cast %add3A_2326 : i32 to index
        %get3A_3060 = arith.constant 0 : index
        %get3A_3061 = tpu.vector_load %arg21[%get3A_3059, %get3A_3060] {strides = array<i32>} : memref<200x128xf32, #tpu.memory_space<vmem>>, vector<16xf32>,
        %sub3A_3062 = arith.subf %add3A_324, %get3A_3061 : vector<16xf32>
        %abs3A_3063 = math.absf %sub3A_3062 : vector<16xf32>
        %get3A_3064 = arith.index_cast %add3A_2326 : i32 to index
        %get3A_3065 = arith.constant 0 : index
        %get3A_3066 = tpu.vector_load %arg22[%get3A_3064, %get3A_3065] {strides = array<i32>} : memref<200x128xf32, #tpu.memory_space<vmem>>, vector<16xf32>,
        %sub3A_3067 = arith.subf %get3A_376, %get3A_3066 : vector<16xf32>
        %abs3A_3068 = math.absf %sub3A_3067 : vector<16xf32>
        %add3A_3069 = arith.addf %abs3A_3063, %abs3A_3068 : vector<16xf32>
        %get3A_3070 = arith.index_cast %add3A_2326 : i32 to index
        %get3A_3071 = arith.constant 16 : index
        %get3A_3072 = tpu.vector_load %arg21[%get3A_3070, %get3A_3071] {strides = array<i32>} : memref<200x128xf32, #tpu.memory_space<vmem>>, vector<16xf32>,
        %sub3A_3073 = arith.subf %add3A_331, %get3A_3072 : vector<16xf32>
        %abs3A_3074 = math.absf %sub3A_3073 : vector<16xf32>
        %add3A_3075 = arith.addf %add3A_3069, %abs3A_3074 : vector<16xf32>
        %get3A_3076 = arith.index_cast %add3A_2326 : i32 to index
        %get3A_3077 = arith.constant 16 : index
        %get3A_3078 = tpu.vector_load %arg22[%get3A_3076, %get3A_3077] {strides = array<i32>} : memref<200x128xf32, #tpu.memory_space<vmem>>, vector<16xf32>,
        %sub3A_3079 = arith.subf %get3A_379, %get3A_3078 : vector<16xf32>
        %abs3A_3080 = math.absf %sub3A_3079 : vector<16xf32>
        %add3A_3081 = arith.addf %add3A_3075, %abs3A_3080 : vector<16xf32>
        %get3A_3082 = arith.index_cast %add3A_2326 : i32 to index
        %get3A_3083 = arith.constant 32 : index
        %get3A_3084 = tpu.vector_load %arg21[%get3A_3082, %get3A_3083] {strides = array<i32>} : memref<200x128xf32, #tpu.memory_space<vmem>>, vector<16xf32>,
        %sub3A_3085 = arith.subf %add3A_338, %get3A_3084 : vector<16xf32>
        %abs3A_3086 = math.absf %sub3A_3085 : vector<16xf32>
        %add3A_3087 = arith.addf %add3A_3081, %abs3A_3086 : vector<16xf32>
        %get3A_3088 = arith.index_cast %add3A_2326 : i32 to index
        %get3A_3089 = arith.constant 32 : index
        %get3A_3090 = tpu.vector_load %arg22[%get3A_3088, %get3A_3089] {strides = array<i32>} : memref<200x128xf32, #tpu.memory_space<vmem>>, vector<16xf32>,
        %sub3A_3091 = arith.subf %get3A_382, %get3A_3090 : vector<16xf32>
        %abs3A_3092 = math.absf %sub3A_3091 : vector<16xf32>
        %add3A_3093 = arith.addf %add3A_3087, %abs3A_3092 : vector<16xf32>
        %get3A_3094 = arith.index_cast %add3A_2326 : i32 to index
        %get3A_3095 = arith.constant 48 : index
        %get3A_3096 = tpu.vector_load %arg21[%get3A_3094, %get3A_3095] {strides = array<i32>} : memref<200x128xf32, #tpu.memory_space<vmem>>, vector<16xf32>,
        %sub3A_3097 = arith.subf %add3A_345, %get3A_3096 : vector<16xf32>
        %abs3A_3098 = math.absf %sub3A_3097 : vector<16xf32>
        %add3A_3099 = arith.addf %add3A_3093, %abs3A_3098 : vector<16xf32>
        %get3A_3100 = arith.index_cast %add3A_2326 : i32 to index
        %get3A_3101 = arith.constant 48 : index
        %get3A_3102 = tpu.vector_load %arg22[%get3A_3100, %get3A_3101] {strides = array<i32>} : memref<200x128xf32, #tpu.memory_space<vmem>>, vector<16xf32>,
        %sub3A_3103 = arith.subf %get3A_385, %get3A_3102 : vector<16xf32>
        %abs3A_3104 = math.absf %sub3A_3103 : vector<16xf32>
        %add3A_3105 = arith.addf %add3A_3099, %abs3A_3104 : vector<16xf32>
        %get3A_3106 = arith.index_cast %add3A_2326 : i32 to index
        %get3A_3107 = arith.constant 64 : index
        %get3A_3108 = tpu.vector_load %arg21[%get3A_3106, %get3A_3107] {strides = array<i32>} : memref<200x128xf32, #tpu.memory_space<vmem>>, vector<16xf32>,
        %sub3A_3109 = arith.subf %add3A_352, %get3A_3108 : vector<16xf32>
        %abs3A_3110 = math.absf %sub3A_3109 : vector<16xf32>
        %add3A_3111 = arith.addf %add3A_3105, %abs3A_3110 : vector<16xf32>
        %get3A_3112 = arith.index_cast %add3A_2326 : i32 to index
        %get3A_3113 = arith.constant 64 : index
        %get3A_3114 = tpu.vector_load %arg22[%get3A_3112, %get3A_3113] {strides = array<i32>} : memref<200x128xf32, #tpu.memory_space<vmem>>, vector<16xf32>,
        %sub3A_3115 = arith.subf %get3A_388, %get3A_3114 : vector<16xf32>
        %abs3A_3116 = math.absf %sub3A_3115 : vector<16xf32>
        %add3A_3117 = arith.addf %add3A_3111, %abs3A_3116 : vector<16xf32>
        %get3A_3118 = arith.index_cast %add3A_2326 : i32 to index
        %get3A_3119 = arith.constant 80 : index
        %get3A_3120 = tpu.vector_load %arg21[%get3A_3118, %get3A_3119] {strides = array<i32>} : memref<200x128xf32, #tpu.memory_space<vmem>>, vector<16xf32>,
        %sub3A_3121 = arith.subf %add3A_359, %get3A_3120 : vector<16xf32>
        %abs3A_3122 = math.absf %sub3A_3121 : vector<16xf32>
        %add3A_3123 = arith.addf %add3A_3117, %abs3A_3122 : vector<16xf32>
        %get3A_3124 = arith.index_cast %add3A_2326 : i32 to index
        %get3A_3125 = arith.constant 80 : index
        %get3A_3126 = tpu.vector_load %arg22[%get3A_3124, %get3A_3125] {strides = array<i32>} : memref<200x128xf32, #tpu.memory_space<vmem>>, vector<16xf32>,
        %sub3A_3127 = arith.subf %get3A_391, %get3A_3126 : vector<16xf32>
        %abs3A_3128 = math.absf %sub3A_3127 : vector<16xf32>
        %add3A_3129 = arith.addf %add3A_3123, %abs3A_3128 : vector<16xf32>
        %get3A_3130 = arith.index_cast %add3A_2326 : i32 to index
        %get3A_3131 = arith.constant 96 : index
        %get3A_3132 = tpu.vector_load %arg21[%get3A_3130, %get3A_3131] {strides = array<i32>} : memref<200x128xf32, #tpu.memory_space<vmem>>, vector<16xf32>,
        %sub3A_3133 = arith.subf %add3A_366, %get3A_3132 : vector<16xf32>
        %abs3A_3134 = math.absf %sub3A_3133 : vector<16xf32>
        %add3A_3135 = arith.addf %add3A_3129, %abs3A_3134 : vector<16xf32>
        %get3A_3136 = arith.index_cast %add3A_2326 : i32 to index
        %get3A_3137 = arith.constant 96 : index
        %get3A_3138 = tpu.vector_load %arg22[%get3A_3136, %get3A_3137] {strides = array<i32>} : memref<200x128xf32, #tpu.memory_space<vmem>>, vector<16xf32>,
        %sub3A_3139 = arith.subf %get3A_394, %get3A_3138 : vector<16xf32>
        %abs3A_3140 = math.absf %sub3A_3139 : vector<16xf32>
        %add3A_3141 = arith.addf %add3A_3135, %abs3A_3140 : vector<16xf32>
        %get3A_3142 = arith.index_cast %add3A_2326 : i32 to index
        %get3A_3143 = arith.constant 112 : index
        %get3A_3144 = tpu.vector_load %arg21[%get3A_3142, %get3A_3143] {strides = array<i32>} : memref<200x128xf32, #tpu.memory_space<vmem>>, vector<16xf32>,
        %sub3A_3145 = arith.subf %add3A_373, %get3A_3144 : vector<16xf32>
        %abs3A_3146 = math.absf %sub3A_3145 : vector<16xf32>
        %add3A_3147 = arith.addf %add3A_3141, %abs3A_3146 : vector<16xf32>
        %get3A_3148 = arith.index_cast %add3A_2326 : i32 to index
        %get3A_3149 = arith.constant 112 : index
        %get3A_3150 = tpu.vector_load %arg22[%get3A_3148, %get3A_3149] {strides = array<i32>} : memref<200x128xf32, #tpu.memory_space<vmem>>, vector<16xf32>,
        %sub3A_3151 = arith.subf %get3A_397, %get3A_3150 : vector<16xf32>
        %abs3A_3152 = math.absf %sub3A_3151 : vector<16xf32>
        %add3A_3153 = arith.addf %add3A_3147, %abs3A_3152 : vector<16xf32>
        %reduce_sum3A_3154 = arith.constant true
        %reduce_sum3A_3155 = vector.broadcast %reduce_sum3A_3154 : i1 to vector<16xi1>
        %reduce_sum3A_3156 = tpu.scan <sum>, %add3A_3153 masked %reduce_sum3A_3155 : vector<16xf32>, vector<16xi1> -> vector<16xf32>
        %reduce_sum3A_3157 = vector.extract %reduce_sum3A_3156[15] : f32 from vector<16xf32>
        %broadcast_in_dim3A_3158 = vector.broadcast %reduce_sum3A_3157 : f32 to vector<16xf32>
        %select_n3A_3159 = arith.select %eq3A_23, %broadcast_in_dim3A_3158, %select_n3A_3058 : vector<16xi1>, vector<16xf32>
        %get3A_3160 = arith.index_cast %add3A_2328 : i32 to index
        %get3A_3161 = arith.constant 0 : index
        %get3A_3162 = tpu.vector_load %arg21[%get3A_3160, %get3A_3161] {strides = array<i32>} : memref<200x128xf32, #tpu.memory_space<vmem>>, vector<16xf32>,
        %sub3A_3163 = arith.subf %add3A_324, %get3A_3162 : vector<16xf32>
        %abs3A_3164 = math.absf %sub3A_3163 : vector<16xf32>
        %get3A_3165 = arith.index_cast %add3A_2328 : i32 to index
        %get3A_3166 = arith.constant 0 : index
        %get3A_3167 = tpu.vector_load %arg22[%get3A_3165, %get3A_3166] {strides = array<i32>} : memref<200x128xf32, #tpu.memory_space<vmem>>, vector<16xf32>,
        %sub3A_3168 = arith.subf %get3A_376, %get3A_3167 : vector<16xf32>
        %abs3A_3169 = math.absf %sub3A_3168 : vector<16xf32>
        %add3A_3170 = arith.addf %abs3A_3164, %abs3A_3169 : vector<16xf32>
        %get3A_3171 = arith.index_cast %add3A_2328 : i32 to index
        %get3A_3172 = arith.constant 16 : index
        %get3A_3173 = tpu.vector_load %arg21[%get3A_3171, %get3A_3172] {strides = array<i32>} : memref<200x128xf32, #tpu.memory_space<vmem>>, vector<16xf32>,
        %sub3A_3174 = arith.subf %add3A_331, %get3A_3173 : vector<16xf32>
        %abs3A_3175 = math.absf %sub3A_3174 : vector<16xf32>
        %add3A_3176 = arith.addf %add3A_3170, %abs3A_3175 : vector<16xf32>
        %get3A_3177 = arith.index_cast %add3A_2328 : i32 to index
        %get3A_3178 = arith.constant 16 : index
        %get3A_3179 = tpu.vector_load %arg22[%get3A_3177, %get3A_3178] {strides = array<i32>} : memref<200x128xf32, #tpu.memory_space<vmem>>, vector<16xf32>,
        %sub3A_3180 = arith.subf %get3A_379, %get3A_3179 : vector<16xf32>
        %abs3A_3181 = math.absf %sub3A_3180 : vector<16xf32>
        %add3A_3182 = arith.addf %add3A_3176, %abs3A_3181 : vector<16xf32>
        %get3A_3183 = arith.index_cast %add3A_2328 : i32 to index
        %get3A_3184 = arith.constant 32 : index
        %get3A_3185 = tpu.vector_load %arg21[%get3A_3183, %get3A_3184] {strides = array<i32>} : memref<200x128xf32, #tpu.memory_space<vmem>>, vector<16xf32>,
        %sub3A_3186 = arith.subf %add3A_338, %get3A_3185 : vector<16xf32>
        %abs3A_3187 = math.absf %sub3A_3186 : vector<16xf32>
        %add3A_3188 = arith.addf %add3A_3182, %abs3A_3187 : vector<16xf32>
        %get3A_3189 = arith.index_cast %add3A_2328 : i32 to index
        %get3A_3190 = arith.constant 32 : index
        %get3A_3191 = tpu.vector_load %arg22[%get3A_3189, %get3A_3190] {strides = array<i32>} : memref<200x128xf32, #tpu.memory_space<vmem>>, vector<16xf32>,
        %sub3A_3192 = arith.subf %get3A_382, %get3A_3191 : vector<16xf32>
        %abs3A_3193 = math.absf %sub3A_3192 : vector<16xf32>
        %add3A_3194 = arith.addf %add3A_3188, %abs3A_3193 : vector<16xf32>
        %get3A_3195 = arith.index_cast %add3A_2328 : i32 to index
        %get3A_3196 = arith.constant 48 : index
        %get3A_3197 = tpu.vector_load %arg21[%get3A_3195, %get3A_3196] {strides = array<i32>} : memref<200x128xf32, #tpu.memory_space<vmem>>, vector<16xf32>,
        %sub3A_3198 = arith.subf %add3A_345, %get3A_3197 : vector<16xf32>
        %abs3A_3199 = math.absf %sub3A_3198 : vector<16xf32>
        %add3A_3200 = arith.addf %add3A_3194, %abs3A_3199 : vector<16xf32>
        %get3A_3201 = arith.index_cast %add3A_2328 : i32 to index
        %get3A_3202 = arith.constant 48 : index
        %get3A_3203 = tpu.vector_load %arg22[%get3A_3201, %get3A_3202] {strides = array<i32>} : memref<200x128xf32, #tpu.memory_space<vmem>>, vector<16xf32>,
        %sub3A_3204 = arith.subf %get3A_385, %get3A_3203 : vector<16xf32>
        %abs3A_3205 = math.absf %sub3A_3204 : vector<16xf32>
        %add3A_3206 = arith.addf %add3A_3200, %abs3A_3205 : vector<16xf32>
        %get3A_3207 = arith.index_cast %add3A_2328 : i32 to index
        %get3A_3208 = arith.constant 64 : index
        %get3A_3209 = tpu.vector_load %arg21[%get3A_3207, %get3A_3208] {strides = array<i32>} : memref<200x128xf32, #tpu.memory_space<vmem>>, vector<16xf32>,
        %sub3A_3210 = arith.subf %add3A_352, %get3A_3209 : vector<16xf32>
        %abs3A_3211 = math.absf %sub3A_3210 : vector<16xf32>
        %add3A_3212 = arith.addf %add3A_3206, %abs3A_3211 : vector<16xf32>
        %get3A_3213 = arith.index_cast %add3A_2328 : i32 to index
        %get3A_3214 = arith.constant 64 : index
        %get3A_3215 = tpu.vector_load %arg22[%get3A_3213, %get3A_3214] {strides = array<i32>} : memref<200x128xf32, #tpu.memory_space<vmem>>, vector<16xf32>,
        %sub3A_3216 = arith.subf %get3A_388, %get3A_3215 : vector<16xf32>
        %abs3A_3217 = math.absf %sub3A_3216 : vector<16xf32>
        %add3A_3218 = arith.addf %add3A_3212, %abs3A_3217 : vector<16xf32>
        %get3A_3219 = arith.index_cast %add3A_2328 : i32 to index
        %get3A_3220 = arith.constant 80 : index
        %get3A_3221 = tpu.vector_load %arg21[%get3A_3219, %get3A_3220] {strides = array<i32>} : memref<200x128xf32, #tpu.memory_space<vmem>>, vector<16xf32>,
        %sub3A_3222 = arith.subf %add3A_359, %get3A_3221 : vector<16xf32>
        %abs3A_3223 = math.absf %sub3A_3222 : vector<16xf32>
        %add3A_3224 = arith.addf %add3A_3218, %abs3A_3223 : vector<16xf32>
        %get3A_3225 = arith.index_cast %add3A_2328 : i32 to index
        %get3A_3226 = arith.constant 80 : index
        %get3A_3227 = tpu.vector_load %arg22[%get3A_3225, %get3A_3226] {strides = array<i32>} : memref<200x128xf32, #tpu.memory_space<vmem>>, vector<16xf32>,
        %sub3A_3228 = arith.subf %get3A_391, %get3A_3227 : vector<16xf32>
        %abs3A_3229 = math.absf %sub3A_3228 : vector<16xf32>
        %add3A_3230 = arith.addf %add3A_3224, %abs3A_3229 : vector<16xf32>
        %get3A_3231 = arith.index_cast %add3A_2328 : i32 to index
        %get3A_3232 = arith.constant 96 : index
        %get3A_3233 = tpu.vector_load %arg21[%get3A_3231, %get3A_3232] {strides = array<i32>} : memref<200x128xf32, #tpu.memory_space<vmem>>, vector<16xf32>,
        %sub3A_3234 = arith.subf %add3A_366, %get3A_3233 : vector<16xf32>
        %abs3A_3235 = math.absf %sub3A_3234 : vector<16xf32>
        %add3A_3236 = arith.addf %add3A_3230, %abs3A_3235 : vector<16xf32>
        %get3A_3237 = arith.index_cast %add3A_2328 : i32 to index
        %get3A_3238 = arith.constant 96 : index
        %get3A_3239 = tpu.vector_load %arg22[%get3A_3237, %get3A_3238] {strides = array<i32>} : memref<200x128xf32, #tpu.memory_space<vmem>>, vector<16xf32>,
        %sub3A_3240 = arith.subf %get3A_394, %get3A_3239 : vector<16xf32>
        %abs3A_3241 = math.absf %sub3A_3240 : vector<16xf32>
        %add3A_3242 = arith.addf %add3A_3236, %abs3A_3241 : vector<16xf32>
        %get3A_3243 = arith.index_cast %add3A_2328 : i32 to index
        %get3A_3244 = arith.constant 112 : index
        %get3A_3245 = tpu.vector_load %arg21[%get3A_3243, %get3A_3244] {strides = array<i32>} : memref<200x128xf32, #tpu.memory_space<vmem>>, vector<16xf32>,
        %sub3A_3246 = arith.subf %add3A_373, %get3A_3245 : vector<16xf32>
        %abs3A_3247 = math.absf %sub3A_3246 : vector<16xf32>
        %add3A_3248 = arith.addf %add3A_3242, %abs3A_3247 : vector<16xf32>
        %get3A_3249 = arith.index_cast %add3A_2328 : i32 to index
        %get3A_3250 = arith.constant 112 : index
        %get3A_3251 = tpu.vector_load %arg22[%get3A_3249, %get3A_3250] {strides = array<i32>} : memref<200x128xf32, #tpu.memory_space<vmem>>, vector<16xf32>,
        %sub3A_3252 = arith.subf %get3A_397, %get3A_3251 : vector<16xf32>
        %abs3A_3253 = math.absf %sub3A_3252 : vector<16xf32>
        %add3A_3254 = arith.addf %add3A_3248, %abs3A_3253 : vector<16xf32>
        %reduce_sum3A_3255 = arith.constant true
        %reduce_sum3A_3256 = vector.broadcast %reduce_sum3A_3255 : i1 to vector<16xi1>
        %reduce_sum3A_3257 = tpu.scan <sum>, %add3A_3254 masked %reduce_sum3A_3256 : vector<16xf32>, vector<16xi1> -> vector<16xf32>
        %reduce_sum3A_3258 = vector.extract %reduce_sum3A_3257[15] : f32 from vector<16xf32>
        %broadcast_in_dim3A_3259 = vector.broadcast %reduce_sum3A_3258 : f32 to vector<16xf32>
        %select_n3A_3260 = arith.select %eq3A_26, %broadcast_in_dim3A_3259, %select_n3A_3159 : vector<16xi1>, vector<16xf32>
        %get3A_3261 = arith.index_cast %add3A_2330 : i32 to index
        %get3A_3262 = arith.constant 0 : index
        %get3A_3263 = tpu.vector_load %arg21[%get3A_3261, %get3A_3262] {strides = array<i32>} : memref<200x128xf32, #tpu.memory_space<vmem>>, vector<16xf32>,
        %sub3A_3264 = arith.subf %add3A_324, %get3A_3263 : vector<16xf32>
        %abs3A_3265 = math.absf %sub3A_3264 : vector<16xf32>
        %get3A_3266 = arith.index_cast %add3A_2330 : i32 to index
        %get3A_3267 = arith.constant 0 : index
        %get3A_3268 = tpu.vector_load %arg22[%get3A_3266, %get3A_3267] {strides = array<i32>} : memref<200x128xf32, #tpu.memory_space<vmem>>, vector<16xf32>,
        %sub3A_3269 = arith.subf %get3A_376, %get3A_3268 : vector<16xf32>
        %abs3A_3270 = math.absf %sub3A_3269 : vector<16xf32>
        %add3A_3271 = arith.addf %abs3A_3265, %abs3A_3270 : vector<16xf32>
        %get3A_3272 = arith.index_cast %add3A_2330 : i32 to index
        %get3A_3273 = arith.constant 16 : index
        %get3A_3274 = tpu.vector_load %arg21[%get3A_3272, %get3A_3273] {strides = array<i32>} : memref<200x128xf32, #tpu.memory_space<vmem>>, vector<16xf32>,
        %sub3A_3275 = arith.subf %add3A_331, %get3A_3274 : vector<16xf32>
        %abs3A_3276 = math.absf %sub3A_3275 : vector<16xf32>
        %add3A_3277 = arith.addf %add3A_3271, %abs3A_3276 : vector<16xf32>
        %get3A_3278 = arith.index_cast %add3A_2330 : i32 to index
        %get3A_3279 = arith.constant 16 : index
        %get3A_3280 = tpu.vector_load %arg22[%get3A_3278, %get3A_3279] {strides = array<i32>} : memref<200x128xf32, #tpu.memory_space<vmem>>, vector<16xf32>,
        %sub3A_3281 = arith.subf %get3A_379, %get3A_3280 : vector<16xf32>
        %abs3A_3282 = math.absf %sub3A_3281 : vector<16xf32>
        %add3A_3283 = arith.addf %add3A_3277, %abs3A_3282 : vector<16xf32>
        %get3A_3284 = arith.index_cast %add3A_2330 : i32 to index
        %get3A_3285 = arith.constant 32 : index
        %get3A_3286 = tpu.vector_load %arg21[%get3A_3284, %get3A_3285] {strides = array<i32>} : memref<200x128xf32, #tpu.memory_space<vmem>>, vector<16xf32>,
        %sub3A_3287 = arith.subf %add3A_338, %get3A_3286 : vector<16xf32>
        %abs3A_3288 = math.absf %sub3A_3287 : vector<16xf32>
        %add3A_3289 = arith.addf %add3A_3283, %abs3A_3288 : vector<16xf32>
        %get3A_3290 = arith.index_cast %add3A_2330 : i32 to index
        %get3A_3291 = arith.constant 32 : index
        %get3A_3292 = tpu.vector_load %arg22[%get3A_3290, %get3A_3291] {strides = array<i32>} : memref<200x128xf32, #tpu.memory_space<vmem>>, vector<16xf32>,
        %sub3A_3293 = arith.subf %get3A_382, %get3A_3292 : vector<16xf32>
        %abs3A_3294 = math.absf %sub3A_3293 : vector<16xf32>
        %add3A_3295 = arith.addf %add3A_3289, %abs3A_3294 : vector<16xf32>
        %get3A_3296 = arith.index_cast %add3A_2330 : i32 to index
        %get3A_3297 = arith.constant 48 : index
        %get3A_3298 = tpu.vector_load %arg21[%get3A_3296, %get3A_3297] {strides = array<i32>} : memref<200x128xf32, #tpu.memory_space<vmem>>, vector<16xf32>,
        %sub3A_3299 = arith.subf %add3A_345, %get3A_3298 : vector<16xf32>
        %abs3A_3300 = math.absf %sub3A_3299 : vector<16xf32>
        %add3A_3301 = arith.addf %add3A_3295, %abs3A_3300 : vector<16xf32>
        %get3A_3302 = arith.index_cast %add3A_2330 : i32 to index
        %get3A_3303 = arith.constant 48 : index
        %get3A_3304 = tpu.vector_load %arg22[%get3A_3302, %get3A_3303] {strides = array<i32>} : memref<200x128xf32, #tpu.memory_space<vmem>>, vector<16xf32>,
        %sub3A_3305 = arith.subf %get3A_385, %get3A_3304 : vector<16xf32>
        %abs3A_3306 = math.absf %sub3A_3305 : vector<16xf32>
        %add3A_3307 = arith.addf %add3A_3301, %abs3A_3306 : vector<16xf32>
        %get3A_3308 = arith.index_cast %add3A_2330 : i32 to index
        %get3A_3309 = arith.constant 64 : index
        %get3A_3310 = tpu.vector_load %arg21[%get3A_3308, %get3A_3309] {strides = array<i32>} : memref<200x128xf32, #tpu.memory_space<vmem>>, vector<16xf32>,
        %sub3A_3311 = arith.subf %add3A_352, %get3A_3310 : vector<16xf32>
        %abs3A_3312 = math.absf %sub3A_3311 : vector<16xf32>
        %add3A_3313 = arith.addf %add3A_3307, %abs3A_3312 : vector<16xf32>
        %get3A_3314 = arith.index_cast %add3A_2330 : i32 to index
        %get3A_3315 = arith.constant 64 : index
        %get3A_3316 = tpu.vector_load %arg22[%get3A_3314, %get3A_3315] {strides = array<i32>} : memref<200x128xf32, #tpu.memory_space<vmem>>, vector<16xf32>,
        %sub3A_3317 = arith.subf %get3A_388, %get3A_3316 : vector<16xf32>
        %abs3A_3318 = math.absf %sub3A_3317 : vector<16xf32>
        %add3A_3319 = arith.addf %add3A_3313, %abs3A_3318 : vector<16xf32>
        %get3A_3320 = arith.index_cast %add3A_2330 : i32 to index
        %get3A_3321 = arith.constant 80 : index
        %get3A_3322 = tpu.vector_load %arg21[%get3A_3320, %get3A_3321] {strides = array<i32>} : memref<200x128xf32, #tpu.memory_space<vmem>>, vector<16xf32>,
        %sub3A_3323 = arith.subf %add3A_359, %get3A_3322 : vector<16xf32>
        %abs3A_3324 = math.absf %sub3A_3323 : vector<16xf32>
        %add3A_3325 = arith.addf %add3A_3319, %abs3A_3324 : vector<16xf32>
        %get3A_3326 = arith.index_cast %add3A_2330 : i32 to index
        %get3A_3327 = arith.constant 80 : index
        %get3A_3328 = tpu.vector_load %arg22[%get3A_3326, %get3A_3327] {strides = array<i32>} : memref<200x128xf32, #tpu.memory_space<vmem>>, vector<16xf32>,
        %sub3A_3329 = arith.subf %get3A_391, %get3A_3328 : vector<16xf32>
        %abs3A_3330 = math.absf %sub3A_3329 : vector<16xf32>
        %add3A_3331 = arith.addf %add3A_3325, %abs3A_3330 : vector<16xf32>
        %get3A_3332 = arith.index_cast %add3A_2330 : i32 to index
        %get3A_3333 = arith.constant 96 : index
        %get3A_3334 = tpu.vector_load %arg21[%get3A_3332, %get3A_3333] {strides = array<i32>} : memref<200x128xf32, #tpu.memory_space<vmem>>, vector<16xf32>,
        %sub3A_3335 = arith.subf %add3A_366, %get3A_3334 : vector<16xf32>
        %abs3A_3336 = math.absf %sub3A_3335 : vector<16xf32>
        %add3A_3337 = arith.addf %add3A_3331, %abs3A_3336 : vector<16xf32>
        %get3A_3338 = arith.index_cast %add3A_2330 : i32 to index
        %get3A_3339 = arith.constant 96 : index
        %get3A_3340 = tpu.vector_load %arg22[%get3A_3338, %get3A_3339] {strides = array<i32>} : memref<200x128xf32, #tpu.memory_space<vmem>>, vector<16xf32>,
        %sub3A_3341 = arith.subf %get3A_394, %get3A_3340 : vector<16xf32>
        %abs3A_3342 = math.absf %sub3A_3341 : vector<16xf32>
        %add3A_3343 = arith.addf %add3A_3337, %abs3A_3342 : vector<16xf32>
        %get3A_3344 = arith.index_cast %add3A_2330 : i32 to index
        %get3A_3345 = arith.constant 112 : index
        %get3A_3346 = tpu.vector_load %arg21[%get3A_3344, %get3A_3345] {strides = array<i32>} : memref<200x128xf32, #tpu.memory_space<vmem>>, vector<16xf32>,
        %sub3A_3347 = arith.subf %add3A_373, %get3A_3346 : vector<16xf32>
        %abs3A_3348 = math.absf %sub3A_3347 : vector<16xf32>
        %add3A_3349 = arith.addf %add3A_3343, %abs3A_3348 : vector<16xf32>
        %get3A_3350 = arith.index_cast %add3A_2330 : i32 to index
        %get3A_3351 = arith.constant 112 : index
        %get3A_3352 = tpu.vector_load %arg22[%get3A_3350, %get3A_3351] {strides = array<i32>} : memref<200x128xf32, #tpu.memory_space<vmem>>, vector<16xf32>,
        %sub3A_3353 = arith.subf %get3A_397, %get3A_3352 : vector<16xf32>
        %abs3A_3354 = math.absf %sub3A_3353 : vector<16xf32>
        %add3A_3355 = arith.addf %add3A_3349, %abs3A_3354 : vector<16xf32>
        %reduce_sum3A_3356 = arith.constant true
        %reduce_sum3A_3357 = vector.broadcast %reduce_sum3A_3356 : i1 to vector<16xi1>
        %reduce_sum3A_3358 = tpu.scan <sum>, %add3A_3355 masked %reduce_sum3A_3357 : vector<16xf32>, vector<16xi1> -> vector<16xf32>
        %reduce_sum3A_3359 = vector.extract %reduce_sum3A_3358[15] : f32 from vector<16xf32>
        %broadcast_in_dim3A_3360 = vector.broadcast %reduce_sum3A_3359 : f32 to vector<16xf32>
        %select_n3A_3361 = arith.select %eq3A_29, %broadcast_in_dim3A_3360, %select_n3A_3260 : vector<16xi1>, vector<16xf32>
        %get3A_3362 = arith.index_cast %add3A_2332 : i32 to index
        %get3A_3363 = arith.constant 0 : index
        %get3A_3364 = tpu.vector_load %arg21[%get3A_3362, %get3A_3363] {strides = array<i32>} : memref<200x128xf32, #tpu.memory_space<vmem>>, vector<16xf32>,
        %sub3A_3365 = arith.subf %add3A_324, %get3A_3364 : vector<16xf32>
        %abs3A_3366 = math.absf %sub3A_3365 : vector<16xf32>
        %get3A_3367 = arith.index_cast %add3A_2332 : i32 to index
        %get3A_3368 = arith.constant 0 : index
        %get3A_3369 = tpu.vector_load %arg22[%get3A_3367, %get3A_3368] {strides = array<i32>} : memref<200x128xf32, #tpu.memory_space<vmem>>, vector<16xf32>,
        %sub3A_3370 = arith.subf %get3A_376, %get3A_3369 : vector<16xf32>
        %abs3A_3371 = math.absf %sub3A_3370 : vector<16xf32>
        %add3A_3372 = arith.addf %abs3A_3366, %abs3A_3371 : vector<16xf32>
        %get3A_3373 = arith.index_cast %add3A_2332 : i32 to index
        %get3A_3374 = arith.constant 16 : index
        %get3A_3375 = tpu.vector_load %arg21[%get3A_3373, %get3A_3374] {strides = array<i32>} : memref<200x128xf32, #tpu.memory_space<vmem>>, vector<16xf32>,
        %sub3A_3376 = arith.subf %add3A_331, %get3A_3375 : vector<16xf32>
        %abs3A_3377 = math.absf %sub3A_3376 : vector<16xf32>
        %add3A_3378 = arith.addf %add3A_3372, %abs3A_3377 : vector<16xf32>
        %get3A_3379 = arith.index_cast %add3A_2332 : i32 to index
        %get3A_3380 = arith.constant 16 : index
        %get3A_3381 = tpu.vector_load %arg22[%get3A_3379, %get3A_3380] {strides = array<i32>} : memref<200x128xf32, #tpu.memory_space<vmem>>, vector<16xf32>,
        %sub3A_3382 = arith.subf %get3A_379, %get3A_3381 : vector<16xf32>
        %abs3A_3383 = math.absf %sub3A_3382 : vector<16xf32>
        %add3A_3384 = arith.addf %add3A_3378, %abs3A_3383 : vector<16xf32>
        %get3A_3385 = arith.index_cast %add3A_2332 : i32 to index
        %get3A_3386 = arith.constant 32 : index
        %get3A_3387 = tpu.vector_load %arg21[%get3A_3385, %get3A_3386] {strides = array<i32>} : memref<200x128xf32, #tpu.memory_space<vmem>>, vector<16xf32>,
        %sub3A_3388 = arith.subf %add3A_338, %get3A_3387 : vector<16xf32>
        %abs3A_3389 = math.absf %sub3A_3388 : vector<16xf32>
        %add3A_3390 = arith.addf %add3A_3384, %abs3A_3389 : vector<16xf32>
        %get3A_3391 = arith.index_cast %add3A_2332 : i32 to index
        %get3A_3392 = arith.constant 32 : index
        %get3A_3393 = tpu.vector_load %arg22[%get3A_3391, %get3A_3392] {strides = array<i32>} : memref<200x128xf32, #tpu.memory_space<vmem>>, vector<16xf32>,
        %sub3A_3394 = arith.subf %get3A_382, %get3A_3393 : vector<16xf32>
        %abs3A_3395 = math.absf %sub3A_3394 : vector<16xf32>
        %add3A_3396 = arith.addf %add3A_3390, %abs3A_3395 : vector<16xf32>
        %get3A_3397 = arith.index_cast %add3A_2332 : i32 to index
        %get3A_3398 = arith.constant 48 : index
        %get3A_3399 = tpu.vector_load %arg21[%get3A_3397, %get3A_3398] {strides = array<i32>} : memref<200x128xf32, #tpu.memory_space<vmem>>, vector<16xf32>,
        %sub3A_3400 = arith.subf %add3A_345, %get3A_3399 : vector<16xf32>
        %abs3A_3401 = math.absf %sub3A_3400 : vector<16xf32>
        %add3A_3402 = arith.addf %add3A_3396, %abs3A_3401 : vector<16xf32>
        %get3A_3403 = arith.index_cast %add3A_2332 : i32 to index
        %get3A_3404 = arith.constant 48 : index
        %get3A_3405 = tpu.vector_load %arg22[%get3A_3403, %get3A_3404] {strides = array<i32>} : memref<200x128xf32, #tpu.memory_space<vmem>>, vector<16xf32>,
        %sub3A_3406 = arith.subf %get3A_385, %get3A_3405 : vector<16xf32>
        %abs3A_3407 = math.absf %sub3A_3406 : vector<16xf32>
        %add3A_3408 = arith.addf %add3A_3402, %abs3A_3407 : vector<16xf32>
        %get3A_3409 = arith.index_cast %add3A_2332 : i32 to index
        %get3A_3410 = arith.constant 64 : index
        %get3A_3411 = tpu.vector_load %arg21[%get3A_3409, %get3A_3410] {strides = array<i32>} : memref<200x128xf32, #tpu.memory_space<vmem>>, vector<16xf32>,
        %sub3A_3412 = arith.subf %add3A_352, %get3A_3411 : vector<16xf32>
        %abs3A_3413 = math.absf %sub3A_3412 : vector<16xf32>
        %add3A_3414 = arith.addf %add3A_3408, %abs3A_3413 : vector<16xf32>
        %get3A_3415 = arith.index_cast %add3A_2332 : i32 to index
        %get3A_3416 = arith.constant 64 : index
        %get3A_3417 = tpu.vector_load %arg22[%get3A_3415, %get3A_3416] {strides = array<i32>} : memref<200x128xf32, #tpu.memory_space<vmem>>, vector<16xf32>,
        %sub3A_3418 = arith.subf %get3A_388, %get3A_3417 : vector<16xf32>
        %abs3A_3419 = math.absf %sub3A_3418 : vector<16xf32>
        %add3A_3420 = arith.addf %add3A_3414, %abs3A_3419 : vector<16xf32>
        %get3A_3421 = arith.index_cast %add3A_2332 : i32 to index
        %get3A_3422 = arith.constant 80 : index
        %get3A_3423 = tpu.vector_load %arg21[%get3A_3421, %get3A_3422] {strides = array<i32>} : memref<200x128xf32, #tpu.memory_space<vmem>>, vector<16xf32>,
        %sub3A_3424 = arith.subf %add3A_359, %get3A_3423 : vector<16xf32>
        %abs3A_3425 = math.absf %sub3A_3424 : vector<16xf32>
        %add3A_3426 = arith.addf %add3A_3420, %abs3A_3425 : vector<16xf32>
        %get3A_3427 = arith.index_cast %add3A_2332 : i32 to index
        %get3A_3428 = arith.constant 80 : index
        %get3A_3429 = tpu.vector_load %arg22[%get3A_3427, %get3A_3428] {strides = array<i32>} : memref<200x128xf32, #tpu.memory_space<vmem>>, vector<16xf32>,
        %sub3A_3430 = arith.subf %get3A_391, %get3A_3429 : vector<16xf32>
        %abs3A_3431 = math.absf %sub3A_3430 : vector<16xf32>
        %add3A_3432 = arith.addf %add3A_3426, %abs3A_3431 : vector<16xf32>
        %get3A_3433 = arith.index_cast %add3A_2332 : i32 to index
        %get3A_3434 = arith.constant 96 : index
        %get3A_3435 = tpu.vector_load %arg21[%get3A_3433, %get3A_3434] {strides = array<i32>} : memref<200x128xf32, #tpu.memory_space<vmem>>, vector<16xf32>,
        %sub3A_3436 = arith.subf %add3A_366, %get3A_3435 : vector<16xf32>
        %abs3A_3437 = math.absf %sub3A_3436 : vector<16xf32>
        %add3A_3438 = arith.addf %add3A_3432, %abs3A_3437 : vector<16xf32>
        %get3A_3439 = arith.index_cast %add3A_2332 : i32 to index
        %get3A_3440 = arith.constant 96 : index
        %get3A_3441 = tpu.vector_load %arg22[%get3A_3439, %get3A_3440] {strides = array<i32>} : memref<200x128xf32, #tpu.memory_space<vmem>>, vector<16xf32>,
        %sub3A_3442 = arith.subf %get3A_394, %get3A_3441 : vector<16xf32>
        %abs3A_3443 = math.absf %sub3A_3442 : vector<16xf32>
        %add3A_3444 = arith.addf %add3A_3438, %abs3A_3443 : vector<16xf32>
        %get3A_3445 = arith.index_cast %add3A_2332 : i32 to index
        %get3A_3446 = arith.constant 112 : index
        %get3A_3447 = tpu.vector_load %arg21[%get3A_3445, %get3A_3446] {strides = array<i32>} : memref<200x128xf32, #tpu.memory_space<vmem>>, vector<16xf32>,
        %sub3A_3448 = arith.subf %add3A_373, %get3A_3447 : vector<16xf32>
        %abs3A_3449 = math.absf %sub3A_3448 : vector<16xf32>
        %add3A_3450 = arith.addf %add3A_3444, %abs3A_3449 : vector<16xf32>
        %get3A_3451 = arith.index_cast %add3A_2332 : i32 to index
        %get3A_3452 = arith.constant 112 : index
        %get3A_3453 = tpu.vector_load %arg22[%get3A_3451, %get3A_3452] {strides = array<i32>} : memref<200x128xf32, #tpu.memory_space<vmem>>, vector<16xf32>,
        %sub3A_3454 = arith.subf %get3A_397, %get3A_3453 : vector<16xf32>
        %abs3A_3455 = math.absf %sub3A_3454 : vector<16xf32>
        %add3A_3456 = arith.addf %add3A_3450, %abs3A_3455 : vector<16xf32>
        %reduce_sum3A_3457 = arith.constant true
        %reduce_sum3A_3458 = vector.broadcast %reduce_sum3A_3457 : i1 to vector<16xi1>
        %reduce_sum3A_3459 = tpu.scan <sum>, %add3A_3456 masked %reduce_sum3A_3458 : vector<16xf32>, vector<16xi1> -> vector<16xf32>
        %reduce_sum3A_3460 = vector.extract %reduce_sum3A_3459[15] : f32 from vector<16xf32>
        %broadcast_in_dim3A_3461 = vector.broadcast %reduce_sum3A_3460 : f32 to vector<16xf32>
        %select_n3A_3462 = arith.select %eq3A_32, %broadcast_in_dim3A_3461, %select_n3A_3361 : vector<16xi1>, vector<16xf32>
        %get3A_3463 = arith.index_cast %add3A_2334 : i32 to index
        %get3A_3464 = arith.constant 0 : index
        %get3A_3465 = tpu.vector_load %arg21[%get3A_3463, %get3A_3464] {strides = array<i32>} : memref<200x128xf32, #tpu.memory_space<vmem>>, vector<16xf32>,
        %sub3A_3466 = arith.subf %add3A_324, %get3A_3465 : vector<16xf32>
        %abs3A_3467 = math.absf %sub3A_3466 : vector<16xf32>
        %get3A_3468 = arith.index_cast %add3A_2334 : i32 to index
        %get3A_3469 = arith.constant 0 : index
        %get3A_3470 = tpu.vector_load %arg22[%get3A_3468, %get3A_3469] {strides = array<i32>} : memref<200x128xf32, #tpu.memory_space<vmem>>, vector<16xf32>,
        %sub3A_3471 = arith.subf %get3A_376, %get3A_3470 : vector<16xf32>
        %abs3A_3472 = math.absf %sub3A_3471 : vector<16xf32>
        %add3A_3473 = arith.addf %abs3A_3467, %abs3A_3472 : vector<16xf32>
        %get3A_3474 = arith.index_cast %add3A_2334 : i32 to index
        %get3A_3475 = arith.constant 16 : index
        %get3A_3476 = tpu.vector_load %arg21[%get3A_3474, %get3A_3475] {strides = array<i32>} : memref<200x128xf32, #tpu.memory_space<vmem>>, vector<16xf32>,
        %sub3A_3477 = arith.subf %add3A_331, %get3A_3476 : vector<16xf32>
        %abs3A_3478 = math.absf %sub3A_3477 : vector<16xf32>
        %add3A_3479 = arith.addf %add3A_3473, %abs3A_3478 : vector<16xf32>
        %get3A_3480 = arith.index_cast %add3A_2334 : i32 to index
        %get3A_3481 = arith.constant 16 : index
        %get3A_3482 = tpu.vector_load %arg22[%get3A_3480, %get3A_3481] {strides = array<i32>} : memref<200x128xf32, #tpu.memory_space<vmem>>, vector<16xf32>,
        %sub3A_3483 = arith.subf %get3A_379, %get3A_3482 : vector<16xf32>
        %abs3A_3484 = math.absf %sub3A_3483 : vector<16xf32>
        %add3A_3485 = arith.addf %add3A_3479, %abs3A_3484 : vector<16xf32>
        %get3A_3486 = arith.index_cast %add3A_2334 : i32 to index
        %get3A_3487 = arith.constant 32 : index
        %get3A_3488 = tpu.vector_load %arg21[%get3A_3486, %get3A_3487] {strides = array<i32>} : memref<200x128xf32, #tpu.memory_space<vmem>>, vector<16xf32>,
        %sub3A_3489 = arith.subf %add3A_338, %get3A_3488 : vector<16xf32>
        %abs3A_3490 = math.absf %sub3A_3489 : vector<16xf32>
        %add3A_3491 = arith.addf %add3A_3485, %abs3A_3490 : vector<16xf32>
        %get3A_3492 = arith.index_cast %add3A_2334 : i32 to index
        %get3A_3493 = arith.constant 32 : index
        %get3A_3494 = tpu.vector_load %arg22[%get3A_3492, %get3A_3493] {strides = array<i32>} : memref<200x128xf32, #tpu.memory_space<vmem>>, vector<16xf32>,
        %sub3A_3495 = arith.subf %get3A_382, %get3A_3494 : vector<16xf32>
        %abs3A_3496 = math.absf %sub3A_3495 : vector<16xf32>
        %add3A_3497 = arith.addf %add3A_3491, %abs3A_3496 : vector<16xf32>
        %get3A_3498 = arith.index_cast %add3A_2334 : i32 to index
        %get3A_3499 = arith.constant 48 : index
        %get3A_3500 = tpu.vector_load %arg21[%get3A_3498, %get3A_3499] {strides = array<i32>} : memref<200x128xf32, #tpu.memory_space<vmem>>, vector<16xf32>,
        %sub3A_3501 = arith.subf %add3A_345, %get3A_3500 : vector<16xf32>
        %abs3A_3502 = math.absf %sub3A_3501 : vector<16xf32>
        %add3A_3503 = arith.addf %add3A_3497, %abs3A_3502 : vector<16xf32>
        %get3A_3504 = arith.index_cast %add3A_2334 : i32 to index
        %get3A_3505 = arith.constant 48 : index
        %get3A_3506 = tpu.vector_load %arg22[%get3A_3504, %get3A_3505] {strides = array<i32>} : memref<200x128xf32, #tpu.memory_space<vmem>>, vector<16xf32>,
        %sub3A_3507 = arith.subf %get3A_385, %get3A_3506 : vector<16xf32>
        %abs3A_3508 = math.absf %sub3A_3507 : vector<16xf32>
        %add3A_3509 = arith.addf %add3A_3503, %abs3A_3508 : vector<16xf32>
        %get3A_3510 = arith.index_cast %add3A_2334 : i32 to index
        %get3A_3511 = arith.constant 64 : index
        %get3A_3512 = tpu.vector_load %arg21[%get3A_3510, %get3A_3511] {strides = array<i32>} : memref<200x128xf32, #tpu.memory_space<vmem>>, vector<16xf32>,
        %sub3A_3513 = arith.subf %add3A_352, %get3A_3512 : vector<16xf32>
        %abs3A_3514 = math.absf %sub3A_3513 : vector<16xf32>
        %add3A_3515 = arith.addf %add3A_3509, %abs3A_3514 : vector<16xf32>
        %get3A_3516 = arith.index_cast %add3A_2334 : i32 to index
        %get3A_3517 = arith.constant 64 : index
        %get3A_3518 = tpu.vector_load %arg22[%get3A_3516, %get3A_3517] {strides = array<i32>} : memref<200x128xf32, #tpu.memory_space<vmem>>, vector<16xf32>,
        %sub3A_3519 = arith.subf %get3A_388, %get3A_3518 : vector<16xf32>
        %abs3A_3520 = math.absf %sub3A_3519 : vector<16xf32>
        %add3A_3521 = arith.addf %add3A_3515, %abs3A_3520 : vector<16xf32>
        %get3A_3522 = arith.index_cast %add3A_2334 : i32 to index
        %get3A_3523 = arith.constant 80 : index
        %get3A_3524 = tpu.vector_load %arg21[%get3A_3522, %get3A_3523] {strides = array<i32>} : memref<200x128xf32, #tpu.memory_space<vmem>>, vector<16xf32>,
        %sub3A_3525 = arith.subf %add3A_359, %get3A_3524 : vector<16xf32>
        %abs3A_3526 = math.absf %sub3A_3525 : vector<16xf32>
        %add3A_3527 = arith.addf %add3A_3521, %abs3A_3526 : vector<16xf32>
        %get3A_3528 = arith.index_cast %add3A_2334 : i32 to index
        %get3A_3529 = arith.constant 80 : index
        %get3A_3530 = tpu.vector_load %arg22[%get3A_3528, %get3A_3529] {strides = array<i32>} : memref<200x128xf32, #tpu.memory_space<vmem>>, vector<16xf32>,
        %sub3A_3531 = arith.subf %get3A_391, %get3A_3530 : vector<16xf32>
        %abs3A_3532 = math.absf %sub3A_3531 : vector<16xf32>
        %add3A_3533 = arith.addf %add3A_3527, %abs3A_3532 : vector<16xf32>
        %get3A_3534 = arith.index_cast %add3A_2334 : i32 to index
        %get3A_3535 = arith.constant 96 : index
        %get3A_3536 = tpu.vector_load %arg21[%get3A_3534, %get3A_3535] {strides = array<i32>} : memref<200x128xf32, #tpu.memory_space<vmem>>, vector<16xf32>,
        %sub3A_3537 = arith.subf %add3A_366, %get3A_3536 : vector<16xf32>
        %abs3A_3538 = math.absf %sub3A_3537 : vector<16xf32>
        %add3A_3539 = arith.addf %add3A_3533, %abs3A_3538 : vector<16xf32>
        %get3A_3540 = arith.index_cast %add3A_2334 : i32 to index
        %get3A_3541 = arith.constant 96 : index
        %get3A_3542 = tpu.vector_load %arg22[%get3A_3540, %get3A_3541] {strides = array<i32>} : memref<200x128xf32, #tpu.memory_space<vmem>>, vector<16xf32>,
        %sub3A_3543 = arith.subf %get3A_394, %get3A_3542 : vector<16xf32>
        %abs3A_3544 = math.absf %sub3A_3543 : vector<16xf32>
        %add3A_3545 = arith.addf %add3A_3539, %abs3A_3544 : vector<16xf32>
        %get3A_3546 = arith.index_cast %add3A_2334 : i32 to index
        %get3A_3547 = arith.constant 112 : index
        %get3A_3548 = tpu.vector_load %arg21[%get3A_3546, %get3A_3547] {strides = array<i32>} : memref<200x128xf32, #tpu.memory_space<vmem>>, vector<16xf32>,
        %sub3A_3549 = arith.subf %add3A_373, %get3A_3548 : vector<16xf32>
        %abs3A_3550 = math.absf %sub3A_3549 : vector<16xf32>
        %add3A_3551 = arith.addf %add3A_3545, %abs3A_3550 : vector<16xf32>
        %get3A_3552 = arith.index_cast %add3A_2334 : i32 to index
        %get3A_3553 = arith.constant 112 : index
        %get3A_3554 = tpu.vector_load %arg22[%get3A_3552, %get3A_3553] {strides = array<i32>} : memref<200x128xf32, #tpu.memory_space<vmem>>, vector<16xf32>,
        %sub3A_3555 = arith.subf %get3A_397, %get3A_3554 : vector<16xf32>
        %abs3A_3556 = math.absf %sub3A_3555 : vector<16xf32>
        %add3A_3557 = arith.addf %add3A_3551, %abs3A_3556 : vector<16xf32>
        %reduce_sum3A_3558 = arith.constant true
        %reduce_sum3A_3559 = vector.broadcast %reduce_sum3A_3558 : i1 to vector<16xi1>
        %reduce_sum3A_3560 = tpu.scan <sum>, %add3A_3557 masked %reduce_sum3A_3559 : vector<16xf32>, vector<16xi1> -> vector<16xf32>
        %reduce_sum3A_3561 = vector.extract %reduce_sum3A_3560[15] : f32 from vector<16xf32>
        %broadcast_in_dim3A_3562 = vector.broadcast %reduce_sum3A_3561 : f32 to vector<16xf32>
        %select_n3A_3563 = arith.select %eq3A_35, %broadcast_in_dim3A_3562, %select_n3A_3462 : vector<16xi1>, vector<16xf32>
        %get3A_3564 = arith.index_cast %add3A_2336 : i32 to index
        %get3A_3565 = arith.constant 0 : index
        %get3A_3566 = tpu.vector_load %arg21[%get3A_3564, %get3A_3565] {strides = array<i32>} : memref<200x128xf32, #tpu.memory_space<vmem>>, vector<16xf32>,
        %sub3A_3567 = arith.subf %add3A_324, %get3A_3566 : vector<16xf32>
        %abs3A_3568 = math.absf %sub3A_3567 : vector<16xf32>
        %get3A_3569 = arith.index_cast %add3A_2336 : i32 to index
        %get3A_3570 = arith.constant 0 : index
        %get3A_3571 = tpu.vector_load %arg22[%get3A_3569, %get3A_3570] {strides = array<i32>} : memref<200x128xf32, #tpu.memory_space<vmem>>, vector<16xf32>,
        %sub3A_3572 = arith.subf %get3A_376, %get3A_3571 : vector<16xf32>
        %abs3A_3573 = math.absf %sub3A_3572 : vector<16xf32>
        %add3A_3574 = arith.addf %abs3A_3568, %abs3A_3573 : vector<16xf32>
        %get3A_3575 = arith.index_cast %add3A_2336 : i32 to index
        %get3A_3576 = arith.constant 16 : index
        %get3A_3577 = tpu.vector_load %arg21[%get3A_3575, %get3A_3576] {strides = array<i32>} : memref<200x128xf32, #tpu.memory_space<vmem>>, vector<16xf32>,
        %sub3A_3578 = arith.subf %add3A_331, %get3A_3577 : vector<16xf32>
        %abs3A_3579 = math.absf %sub3A_3578 : vector<16xf32>
        %add3A_3580 = arith.addf %add3A_3574, %abs3A_3579 : vector<16xf32>
        %get3A_3581 = arith.index_cast %add3A_2336 : i32 to index
        %get3A_3582 = arith.constant 16 : index
        %get3A_3583 = tpu.vector_load %arg22[%get3A_3581, %get3A_3582] {strides = array<i32>} : memref<200x128xf32, #tpu.memory_space<vmem>>, vector<16xf32>,
        %sub3A_3584 = arith.subf %get3A_379, %get3A_3583 : vector<16xf32>
        %abs3A_3585 = math.absf %sub3A_3584 : vector<16xf32>
        %add3A_3586 = arith.addf %add3A_3580, %abs3A_3585 : vector<16xf32>
        %get3A_3587 = arith.index_cast %add3A_2336 : i32 to index
        %get3A_3588 = arith.constant 32 : index
        %get3A_3589 = tpu.vector_load %arg21[%get3A_3587, %get3A_3588] {strides = array<i32>} : memref<200x128xf32, #tpu.memory_space<vmem>>, vector<16xf32>,
        %sub3A_3590 = arith.subf %add3A_338, %get3A_3589 : vector<16xf32>
        %abs3A_3591 = math.absf %sub3A_3590 : vector<16xf32>
        %add3A_3592 = arith.addf %add3A_3586, %abs3A_3591 : vector<16xf32>
        %get3A_3593 = arith.index_cast %add3A_2336 : i32 to index
        %get3A_3594 = arith.constant 32 : index
        %get3A_3595 = tpu.vector_load %arg22[%get3A_3593, %get3A_3594] {strides = array<i32>} : memref<200x128xf32, #tpu.memory_space<vmem>>, vector<16xf32>,
        %sub3A_3596 = arith.subf %get3A_382, %get3A_3595 : vector<16xf32>
        %abs3A_3597 = math.absf %sub3A_3596 : vector<16xf32>
        %add3A_3598 = arith.addf %add3A_3592, %abs3A_3597 : vector<16xf32>
        %get3A_3599 = arith.index_cast %add3A_2336 : i32 to index
        %get3A_3600 = arith.constant 48 : index
        %get3A_3601 = tpu.vector_load %arg21[%get3A_3599, %get3A_3600] {strides = array<i32>} : memref<200x128xf32, #tpu.memory_space<vmem>>, vector<16xf32>,
        %sub3A_3602 = arith.subf %add3A_345, %get3A_3601 : vector<16xf32>
        %abs3A_3603 = math.absf %sub3A_3602 : vector<16xf32>
        %add3A_3604 = arith.addf %add3A_3598, %abs3A_3603 : vector<16xf32>
        %get3A_3605 = arith.index_cast %add3A_2336 : i32 to index
        %get3A_3606 = arith.constant 48 : index
        %get3A_3607 = tpu.vector_load %arg22[%get3A_3605, %get3A_3606] {strides = array<i32>} : memref<200x128xf32, #tpu.memory_space<vmem>>, vector<16xf32>,
        %sub3A_3608 = arith.subf %get3A_385, %get3A_3607 : vector<16xf32>
        %abs3A_3609 = math.absf %sub3A_3608 : vector<16xf32>
        %add3A_3610 = arith.addf %add3A_3604, %abs3A_3609 : vector<16xf32>
        %get3A_3611 = arith.index_cast %add3A_2336 : i32 to index
        %get3A_3612 = arith.constant 64 : index
        %get3A_3613 = tpu.vector_load %arg21[%get3A_3611, %get3A_3612] {strides = array<i32>} : memref<200x128xf32, #tpu.memory_space<vmem>>, vector<16xf32>,
        %sub3A_3614 = arith.subf %add3A_352, %get3A_3613 : vector<16xf32>
        %abs3A_3615 = math.absf %sub3A_3614 : vector<16xf32>
        %add3A_3616 = arith.addf %add3A_3610, %abs3A_3615 : vector<16xf32>
        %get3A_3617 = arith.index_cast %add3A_2336 : i32 to index
        %get3A_3618 = arith.constant 64 : index
        %get3A_3619 = tpu.vector_load %arg22[%get3A_3617, %get3A_3618] {strides = array<i32>} : memref<200x128xf32, #tpu.memory_space<vmem>>, vector<16xf32>,
        %sub3A_3620 = arith.subf %get3A_388, %get3A_3619 : vector<16xf32>
        %abs3A_3621 = math.absf %sub3A_3620 : vector<16xf32>
        %add3A_3622 = arith.addf %add3A_3616, %abs3A_3621 : vector<16xf32>
        %get3A_3623 = arith.index_cast %add3A_2336 : i32 to index
        %get3A_3624 = arith.constant 80 : index
        %get3A_3625 = tpu.vector_load %arg21[%get3A_3623, %get3A_3624] {strides = array<i32>} : memref<200x128xf32, #tpu.memory_space<vmem>>, vector<16xf32>,
        %sub3A_3626 = arith.subf %add3A_359, %get3A_3625 : vector<16xf32>
        %abs3A_3627 = math.absf %sub3A_3626 : vector<16xf32>
        %add3A_3628 = arith.addf %add3A_3622, %abs3A_3627 : vector<16xf32>
        %get3A_3629 = arith.index_cast %add3A_2336 : i32 to index
        %get3A_3630 = arith.constant 80 : index
        %get3A_3631 = tpu.vector_load %arg22[%get3A_3629, %get3A_3630] {strides = array<i32>} : memref<200x128xf32, #tpu.memory_space<vmem>>, vector<16xf32>,
        %sub3A_3632 = arith.subf %get3A_391, %get3A_3631 : vector<16xf32>
        %abs3A_3633 = math.absf %sub3A_3632 : vector<16xf32>
        %add3A_3634 = arith.addf %add3A_3628, %abs3A_3633 : vector<16xf32>
        %get3A_3635 = arith.index_cast %add3A_2336 : i32 to index
        %get3A_3636 = arith.constant 96 : index
        %get3A_3637 = tpu.vector_load %arg21[%get3A_3635, %get3A_3636] {strides = array<i32>} : memref<200x128xf32, #tpu.memory_space<vmem>>, vector<16xf32>,
        %sub3A_3638 = arith.subf %add3A_366, %get3A_3637 : vector<16xf32>
        %abs3A_3639 = math.absf %sub3A_3638 : vector<16xf32>
        %add3A_3640 = arith.addf %add3A_3634, %abs3A_3639 : vector<16xf32>
        %get3A_3641 = arith.index_cast %add3A_2336 : i32 to index
        %get3A_3642 = arith.constant 96 : index
        %get3A_3643 = tpu.vector_load %arg22[%get3A_3641, %get3A_3642] {strides = array<i32>} : memref<200x128xf32, #tpu.memory_space<vmem>>, vector<16xf32>,
        %sub3A_3644 = arith.subf %get3A_394, %get3A_3643 : vector<16xf32>
        %abs3A_3645 = math.absf %sub3A_3644 : vector<16xf32>
        %add3A_3646 = arith.addf %add3A_3640, %abs3A_3645 : vector<16xf32>
        %get3A_3647 = arith.index_cast %add3A_2336 : i32 to index
        %get3A_3648 = arith.constant 112 : index
        %get3A_3649 = tpu.vector_load %arg21[%get3A_3647, %get3A_3648] {strides = array<i32>} : memref<200x128xf32, #tpu.memory_space<vmem>>, vector<16xf32>,
        %sub3A_3650 = arith.subf %add3A_373, %get3A_3649 : vector<16xf32>
        %abs3A_3651 = math.absf %sub3A_3650 : vector<16xf32>
        %add3A_3652 = arith.addf %add3A_3646, %abs3A_3651 : vector<16xf32>
        %get3A_3653 = arith.index_cast %add3A_2336 : i32 to index
        %get3A_3654 = arith.constant 112 : index
        %get3A_3655 = tpu.vector_load %arg22[%get3A_3653, %get3A_3654] {strides = array<i32>} : memref<200x128xf32, #tpu.memory_space<vmem>>, vector<16xf32>,
        %sub3A_3656 = arith.subf %get3A_397, %get3A_3655 : vector<16xf32>
        %abs3A_3657 = math.absf %sub3A_3656 : vector<16xf32>
        %add3A_3658 = arith.addf %add3A_3652, %abs3A_3657 : vector<16xf32>
        %reduce_sum3A_3659 = arith.constant true
        %reduce_sum3A_3660 = vector.broadcast %reduce_sum3A_3659 : i1 to vector<16xi1>
        %reduce_sum3A_3661 = tpu.scan <sum>, %add3A_3658 masked %reduce_sum3A_3660 : vector<16xf32>, vector<16xi1> -> vector<16xf32>
        %reduce_sum3A_3662 = vector.extract %reduce_sum3A_3661[15] : f32 from vector<16xf32>
        %broadcast_in_dim3A_3663 = vector.broadcast %reduce_sum3A_3662 : f32 to vector<16xf32>
        %select_n3A_3664 = arith.select %eq3A_38, %broadcast_in_dim3A_3663, %select_n3A_3563 : vector<16xi1>, vector<16xf32>
        %get3A_3665 = arith.index_cast %add3A_2338 : i32 to index
        %get3A_3666 = arith.constant 0 : index
        %get3A_3667 = tpu.vector_load %arg21[%get3A_3665, %get3A_3666] {strides = array<i32>} : memref<200x128xf32, #tpu.memory_space<vmem>>, vector<16xf32>,
        %sub3A_3668 = arith.subf %add3A_324, %get3A_3667 : vector<16xf32>
        %abs3A_3669 = math.absf %sub3A_3668 : vector<16xf32>
        %get3A_3670 = arith.index_cast %add3A_2338 : i32 to index
        %get3A_3671 = arith.constant 0 : index
        %get3A_3672 = tpu.vector_load %arg22[%get3A_3670, %get3A_3671] {strides = array<i32>} : memref<200x128xf32, #tpu.memory_space<vmem>>, vector<16xf32>,
        %sub3A_3673 = arith.subf %get3A_376, %get3A_3672 : vector<16xf32>
        %abs3A_3674 = math.absf %sub3A_3673 : vector<16xf32>
        %add3A_3675 = arith.addf %abs3A_3669, %abs3A_3674 : vector<16xf32>
        %get3A_3676 = arith.index_cast %add3A_2338 : i32 to index
        %get3A_3677 = arith.constant 16 : index
        %get3A_3678 = tpu.vector_load %arg21[%get3A_3676, %get3A_3677] {strides = array<i32>} : memref<200x128xf32, #tpu.memory_space<vmem>>, vector<16xf32>,
        %sub3A_3679 = arith.subf %add3A_331, %get3A_3678 : vector<16xf32>
        %abs3A_3680 = math.absf %sub3A_3679 : vector<16xf32>
        %add3A_3681 = arith.addf %add3A_3675, %abs3A_3680 : vector<16xf32>
        %get3A_3682 = arith.index_cast %add3A_2338 : i32 to index
        %get3A_3683 = arith.constant 16 : index
        %get3A_3684 = tpu.vector_load %arg22[%get3A_3682, %get3A_3683] {strides = array<i32>} : memref<200x128xf32, #tpu.memory_space<vmem>>, vector<16xf32>,
        %sub3A_3685 = arith.subf %get3A_379, %get3A_3684 : vector<16xf32>
        %abs3A_3686 = math.absf %sub3A_3685 : vector<16xf32>
        %add3A_3687 = arith.addf %add3A_3681, %abs3A_3686 : vector<16xf32>
        %get3A_3688 = arith.index_cast %add3A_2338 : i32 to index
        %get3A_3689 = arith.constant 32 : index
        %get3A_3690 = tpu.vector_load %arg21[%get3A_3688, %get3A_3689] {strides = array<i32>} : memref<200x128xf32, #tpu.memory_space<vmem>>, vector<16xf32>,
        %sub3A_3691 = arith.subf %add3A_338, %get3A_3690 : vector<16xf32>
        %abs3A_3692 = math.absf %sub3A_3691 : vector<16xf32>
        %add3A_3693 = arith.addf %add3A_3687, %abs3A_3692 : vector<16xf32>
        %get3A_3694 = arith.index_cast %add3A_2338 : i32 to index
        %get3A_3695 = arith.constant 32 : index
        %get3A_3696 = tpu.vector_load %arg22[%get3A_3694, %get3A_3695] {strides = array<i32>} : memref<200x128xf32, #tpu.memory_space<vmem>>, vector<16xf32>,
        %sub3A_3697 = arith.subf %get3A_382, %get3A_3696 : vector<16xf32>
        %abs3A_3698 = math.absf %sub3A_3697 : vector<16xf32>
        %add3A_3699 = arith.addf %add3A_3693, %abs3A_3698 : vector<16xf32>
        %get3A_3700 = arith.index_cast %add3A_2338 : i32 to index
        %get3A_3701 = arith.constant 48 : index
        %get3A_3702 = tpu.vector_load %arg21[%get3A_3700, %get3A_3701] {strides = array<i32>} : memref<200x128xf32, #tpu.memory_space<vmem>>, vector<16xf32>,
        %sub3A_3703 = arith.subf %add3A_345, %get3A_3702 : vector<16xf32>
        %abs3A_3704 = math.absf %sub3A_3703 : vector<16xf32>
        %add3A_3705 = arith.addf %add3A_3699, %abs3A_3704 : vector<16xf32>
        %get3A_3706 = arith.index_cast %add3A_2338 : i32 to index
        %get3A_3707 = arith.constant 48 : index
        %get3A_3708 = tpu.vector_load %arg22[%get3A_3706, %get3A_3707] {strides = array<i32>} : memref<200x128xf32, #tpu.memory_space<vmem>>, vector<16xf32>,
        %sub3A_3709 = arith.subf %get3A_385, %get3A_3708 : vector<16xf32>
        %abs3A_3710 = math.absf %sub3A_3709 : vector<16xf32>
        %add3A_3711 = arith.addf %add3A_3705, %abs3A_3710 : vector<16xf32>
        %get3A_3712 = arith.index_cast %add3A_2338 : i32 to index
        %get3A_3713 = arith.constant 64 : index
        %get3A_3714 = tpu.vector_load %arg21[%get3A_3712, %get3A_3713] {strides = array<i32>} : memref<200x128xf32, #tpu.memory_space<vmem>>, vector<16xf32>,
        %sub3A_3715 = arith.subf %add3A_352, %get3A_3714 : vector<16xf32>
        %abs3A_3716 = math.absf %sub3A_3715 : vector<16xf32>
        %add3A_3717 = arith.addf %add3A_3711, %abs3A_3716 : vector<16xf32>
        %get3A_3718 = arith.index_cast %add3A_2338 : i32 to index
        %get3A_3719 = arith.constant 64 : index
        %get3A_3720 = tpu.vector_load %arg22[%get3A_3718, %get3A_3719] {strides = array<i32>} : memref<200x128xf32, #tpu.memory_space<vmem>>, vector<16xf32>,
        %sub3A_3721 = arith.subf %get3A_388, %get3A_3720 : vector<16xf32>
        %abs3A_3722 = math.absf %sub3A_3721 : vector<16xf32>
        %add3A_3723 = arith.addf %add3A_3717, %abs3A_3722 : vector<16xf32>
        %get3A_3724 = arith.index_cast %add3A_2338 : i32 to index
        %get3A_3725 = arith.constant 80 : index
        %get3A_3726 = tpu.vector_load %arg21[%get3A_3724, %get3A_3725] {strides = array<i32>} : memref<200x128xf32, #tpu.memory_space<vmem>>, vector<16xf32>,
        %sub3A_3727 = arith.subf %add3A_359, %get3A_3726 : vector<16xf32>
        %abs3A_3728 = math.absf %sub3A_3727 : vector<16xf32>
        %add3A_3729 = arith.addf %add3A_3723, %abs3A_3728 : vector<16xf32>
        %get3A_3730 = arith.index_cast %add3A_2338 : i32 to index
        %get3A_3731 = arith.constant 80 : index
        %get3A_3732 = tpu.vector_load %arg22[%get3A_3730, %get3A_3731] {strides = array<i32>} : memref<200x128xf32, #tpu.memory_space<vmem>>, vector<16xf32>,
        %sub3A_3733 = arith.subf %get3A_391, %get3A_3732 : vector<16xf32>
        %abs3A_3734 = math.absf %sub3A_3733 : vector<16xf32>
        %add3A_3735 = arith.addf %add3A_3729, %abs3A_3734 : vector<16xf32>
        %get3A_3736 = arith.index_cast %add3A_2338 : i32 to index
        %get3A_3737 = arith.constant 96 : index
        %get3A_3738 = tpu.vector_load %arg21[%get3A_3736, %get3A_3737] {strides = array<i32>} : memref<200x128xf32, #tpu.memory_space<vmem>>, vector<16xf32>,
        %sub3A_3739 = arith.subf %add3A_366, %get3A_3738 : vector<16xf32>
        %abs3A_3740 = math.absf %sub3A_3739 : vector<16xf32>
        %add3A_3741 = arith.addf %add3A_3735, %abs3A_3740 : vector<16xf32>
        %get3A_3742 = arith.index_cast %add3A_2338 : i32 to index
        %get3A_3743 = arith.constant 96 : index
        %get3A_3744 = tpu.vector_load %arg22[%get3A_3742, %get3A_3743] {strides = array<i32>} : memref<200x128xf32, #tpu.memory_space<vmem>>, vector<16xf32>,
        %sub3A_3745 = arith.subf %get3A_394, %get3A_3744 : vector<16xf32>
        %abs3A_3746 = math.absf %sub3A_3745 : vector<16xf32>
        %add3A_3747 = arith.addf %add3A_3741, %abs3A_3746 : vector<16xf32>
        %get3A_3748 = arith.index_cast %add3A_2338 : i32 to index
        %get3A_3749 = arith.constant 112 : index
        %get3A_3750 = tpu.vector_load %arg21[%get3A_3748, %get3A_3749] {strides = array<i32>} : memref<200x128xf32, #tpu.memory_space<vmem>>, vector<16xf32>,
        %sub3A_3751 = arith.subf %add3A_373, %get3A_3750 : vector<16xf32>
        %abs3A_3752 = math.absf %sub3A_3751 : vector<16xf32>
        %add3A_3753 = arith.addf %add3A_3747, %abs3A_3752 : vector<16xf32>
        %get3A_3754 = arith.index_cast %add3A_2338 : i32 to index
        %get3A_3755 = arith.constant 112 : index
        %get3A_3756 = tpu.vector_load %arg22[%get3A_3754, %get3A_3755] {strides = array<i32>} : memref<200x128xf32, #tpu.memory_space<vmem>>, vector<16xf32>,
        %sub3A_3757 = arith.subf %get3A_397, %get3A_3756 : vector<16xf32>
        %abs3A_3758 = math.absf %sub3A_3757 : vector<16xf32>
        %add3A_3759 = arith.addf %add3A_3753, %abs3A_3758 : vector<16xf32>
        %reduce_sum3A_3760 = arith.constant true
        %reduce_sum3A_3761 = vector.broadcast %reduce_sum3A_3760 : i1 to vector<16xi1>
        %reduce_sum3A_3762 = tpu.scan <sum>, %add3A_3759 masked %reduce_sum3A_3761 : vector<16xf32>, vector<16xi1> -> vector<16xf32>
        %reduce_sum3A_3763 = vector.extract %reduce_sum3A_3762[15] : f32 from vector<16xf32>
        %broadcast_in_dim3A_3764 = vector.broadcast %reduce_sum3A_3763 : f32 to vector<16xf32>
        %select_n3A_3765 = arith.select %eq3A_41, %broadcast_in_dim3A_3764, %select_n3A_3664 : vector<16xi1>, vector<16xf32>
        %get3A_3766 = arith.index_cast %add3A_2340 : i32 to index
        %get3A_3767 = arith.constant 0 : index
        %get3A_3768 = tpu.vector_load %arg21[%get3A_3766, %get3A_3767] {strides = array<i32>} : memref<200x128xf32, #tpu.memory_space<vmem>>, vector<16xf32>,
        %sub3A_3769 = arith.subf %add3A_324, %get3A_3768 : vector<16xf32>
        %abs3A_3770 = math.absf %sub3A_3769 : vector<16xf32>
        %get3A_3771 = arith.index_cast %add3A_2340 : i32 to index
        %get3A_3772 = arith.constant 0 : index
        %get3A_3773 = tpu.vector_load %arg22[%get3A_3771, %get3A_3772] {strides = array<i32>} : memref<200x128xf32, #tpu.memory_space<vmem>>, vector<16xf32>,
        %sub3A_3774 = arith.subf %get3A_376, %get3A_3773 : vector<16xf32>
        %abs3A_3775 = math.absf %sub3A_3774 : vector<16xf32>
        %add3A_3776 = arith.addf %abs3A_3770, %abs3A_3775 : vector<16xf32>
        %get3A_3777 = arith.index_cast %add3A_2340 : i32 to index
        %get3A_3778 = arith.constant 16 : index
        %get3A_3779 = tpu.vector_load %arg21[%get3A_3777, %get3A_3778] {strides = array<i32>} : memref<200x128xf32, #tpu.memory_space<vmem>>, vector<16xf32>,
        %sub3A_3780 = arith.subf %add3A_331, %get3A_3779 : vector<16xf32>
        %abs3A_3781 = math.absf %sub3A_3780 : vector<16xf32>
        %add3A_3782 = arith.addf %add3A_3776, %abs3A_3781 : vector<16xf32>
        %get3A_3783 = arith.index_cast %add3A_2340 : i32 to index
        %get3A_3784 = arith.constant 16 : index
        %get3A_3785 = tpu.vector_load %arg22[%get3A_3783, %get3A_3784] {strides = array<i32>} : memref<200x128xf32, #tpu.memory_space<vmem>>, vector<16xf32>,
        %sub3A_3786 = arith.subf %get3A_379, %get3A_3785 : vector<16xf32>
        %abs3A_3787 = math.absf %sub3A_3786 : vector<16xf32>
        %add3A_3788 = arith.addf %add3A_3782, %abs3A_3787 : vector<16xf32>
        %get3A_3789 = arith.index_cast %add3A_2340 : i32 to index
        %get3A_3790 = arith.constant 32 : index
        %get3A_3791 = tpu.vector_load %arg21[%get3A_3789, %get3A_3790] {strides = array<i32>} : memref<200x128xf32, #tpu.memory_space<vmem>>, vector<16xf32>,
        %sub3A_3792 = arith.subf %add3A_338, %get3A_3791 : vector<16xf32>
        %abs3A_3793 = math.absf %sub3A_3792 : vector<16xf32>
        %add3A_3794 = arith.addf %add3A_3788, %abs3A_3793 : vector<16xf32>
        %get3A_3795 = arith.index_cast %add3A_2340 : i32 to index
        %get3A_3796 = arith.constant 32 : index
        %get3A_3797 = tpu.vector_load %arg22[%get3A_3795, %get3A_3796] {strides = array<i32>} : memref<200x128xf32, #tpu.memory_space<vmem>>, vector<16xf32>,
        %sub3A_3798 = arith.subf %get3A_382, %get3A_3797 : vector<16xf32>
        %abs3A_3799 = math.absf %sub3A_3798 : vector<16xf32>
        %add3A_3800 = arith.addf %add3A_3794, %abs3A_3799 : vector<16xf32>
        %get3A_3801 = arith.index_cast %add3A_2340 : i32 to index
        %get3A_3802 = arith.constant 48 : index
        %get3A_3803 = tpu.vector_load %arg21[%get3A_3801, %get3A_3802] {strides = array<i32>} : memref<200x128xf32, #tpu.memory_space<vmem>>, vector<16xf32>,
        %sub3A_3804 = arith.subf %add3A_345, %get3A_3803 : vector<16xf32>
        %abs3A_3805 = math.absf %sub3A_3804 : vector<16xf32>
        %add3A_3806 = arith.addf %add3A_3800, %abs3A_3805 : vector<16xf32>
        %get3A_3807 = arith.index_cast %add3A_2340 : i32 to index
        %get3A_3808 = arith.constant 48 : index
        %get3A_3809 = tpu.vector_load %arg22[%get3A_3807, %get3A_3808] {strides = array<i32>} : memref<200x128xf32, #tpu.memory_space<vmem>>, vector<16xf32>,
        %sub3A_3810 = arith.subf %get3A_385, %get3A_3809 : vector<16xf32>
        %abs3A_3811 = math.absf %sub3A_3810 : vector<16xf32>
        %add3A_3812 = arith.addf %add3A_3806, %abs3A_3811 : vector<16xf32>
        %get3A_3813 = arith.index_cast %add3A_2340 : i32 to index
        %get3A_3814 = arith.constant 64 : index
        %get3A_3815 = tpu.vector_load %arg21[%get3A_3813, %get3A_3814] {strides = array<i32>} : memref<200x128xf32, #tpu.memory_space<vmem>>, vector<16xf32>,
        %sub3A_3816 = arith.subf %add3A_352, %get3A_3815 : vector<16xf32>
        %abs3A_3817 = math.absf %sub3A_3816 : vector<16xf32>
        %add3A_3818 = arith.addf %add3A_3812, %abs3A_3817 : vector<16xf32>
        %get3A_3819 = arith.index_cast %add3A_2340 : i32 to index
        %get3A_3820 = arith.constant 64 : index
        %get3A_3821 = tpu.vector_load %arg22[%get3A_3819, %get3A_3820] {strides = array<i32>} : memref<200x128xf32, #tpu.memory_space<vmem>>, vector<16xf32>,
        %sub3A_3822 = arith.subf %get3A_388, %get3A_3821 : vector<16xf32>
        %abs3A_3823 = math.absf %sub3A_3822 : vector<16xf32>
        %add3A_3824 = arith.addf %add3A_3818, %abs3A_3823 : vector<16xf32>
        %get3A_3825 = arith.index_cast %add3A_2340 : i32 to index
        %get3A_3826 = arith.constant 80 : index
        %get3A_3827 = tpu.vector_load %arg21[%get3A_3825, %get3A_3826] {strides = array<i32>} : memref<200x128xf32, #tpu.memory_space<vmem>>, vector<16xf32>,
        %sub3A_3828 = arith.subf %add3A_359, %get3A_3827 : vector<16xf32>
        %abs3A_3829 = math.absf %sub3A_3828 : vector<16xf32>
        %add3A_3830 = arith.addf %add3A_3824, %abs3A_3829 : vector<16xf32>
        %get3A_3831 = arith.index_cast %add3A_2340 : i32 to index
        %get3A_3832 = arith.constant 80 : index
        %get3A_3833 = tpu.vector_load %arg22[%get3A_3831, %get3A_3832] {strides = array<i32>} : memref<200x128xf32, #tpu.memory_space<vmem>>, vector<16xf32>,
        %sub3A_3834 = arith.subf %get3A_391, %get3A_3833 : vector<16xf32>
        %abs3A_3835 = math.absf %sub3A_3834 : vector<16xf32>
        %add3A_3836 = arith.addf %add3A_3830, %abs3A_3835 : vector<16xf32>
        %get3A_3837 = arith.index_cast %add3A_2340 : i32 to index
        %get3A_3838 = arith.constant 96 : index
        %get3A_3839 = tpu.vector_load %arg21[%get3A_3837, %get3A_3838] {strides = array<i32>} : memref<200x128xf32, #tpu.memory_space<vmem>>, vector<16xf32>,
        %sub3A_3840 = arith.subf %add3A_366, %get3A_3839 : vector<16xf32>
        %abs3A_3841 = math.absf %sub3A_3840 : vector<16xf32>
        %add3A_3842 = arith.addf %add3A_3836, %abs3A_3841 : vector<16xf32>
        %get3A_3843 = arith.index_cast %add3A_2340 : i32 to index
        %get3A_3844 = arith.constant 96 : index
        %get3A_3845 = tpu.vector_load %arg22[%get3A_3843, %get3A_3844] {strides = array<i32>} : memref<200x128xf32, #tpu.memory_space<vmem>>, vector<16xf32>,
        %sub3A_3846 = arith.subf %get3A_394, %get3A_3845 : vector<16xf32>
        %abs3A_3847 = math.absf %sub3A_3846 : vector<16xf32>
        %add3A_3848 = arith.addf %add3A_3842, %abs3A_3847 : vector<16xf32>
        %get3A_3849 = arith.index_cast %add3A_2340 : i32 to index
        %get3A_3850 = arith.constant 112 : index
        %get3A_3851 = tpu.vector_load %arg21[%get3A_3849, %get3A_3850] {strides = array<i32>} : memref<200x128xf32, #tpu.memory_space<vmem>>, vector<16xf32>,
        %sub3A_3852 = arith.subf %add3A_373, %get3A_3851 : vector<16xf32>
        %abs3A_3853 = math.absf %sub3A_3852 : vector<16xf32>
        %add3A_3854 = arith.addf %add3A_3848, %abs3A_3853 : vector<16xf32>
        %get3A_3855 = arith.index_cast %add3A_2340 : i32 to index
        %get3A_3856 = arith.constant 112 : index
        %get3A_3857 = tpu.vector_load %arg22[%get3A_3855, %get3A_3856] {strides = array<i32>} : memref<200x128xf32, #tpu.memory_space<vmem>>, vector<16xf32>,
        %sub3A_3858 = arith.subf %get3A_397, %get3A_3857 : vector<16xf32>
        %abs3A_3859 = math.absf %sub3A_3858 : vector<16xf32>
        %add3A_3860 = arith.addf %add3A_3854, %abs3A_3859 : vector<16xf32>
        %reduce_sum3A_3861 = arith.constant true
        %reduce_sum3A_3862 = vector.broadcast %reduce_sum3A_3861 : i1 to vector<16xi1>
        %reduce_sum3A_3863 = tpu.scan <sum>, %add3A_3860 masked %reduce_sum3A_3862 : vector<16xf32>, vector<16xi1> -> vector<16xf32>
        %reduce_sum3A_3864 = vector.extract %reduce_sum3A_3863[15] : f32 from vector<16xf32>
        %broadcast_in_dim3A_3865 = vector.broadcast %reduce_sum3A_3864 : f32 to vector<16xf32>
        %select_n3A_3866 = arith.select %eq3A_44, %broadcast_in_dim3A_3865, %select_n3A_3765 : vector<16xi1>, vector<16xf32>
        %get3A_3867 = arith.index_cast %add3A_2342 : i32 to index
        %get3A_3868 = arith.constant 0 : index
        %get3A_3869 = tpu.vector_load %arg21[%get3A_3867, %get3A_3868] {strides = array<i32>} : memref<200x128xf32, #tpu.memory_space<vmem>>, vector<16xf32>,
        %sub3A_3870 = arith.subf %add3A_324, %get3A_3869 : vector<16xf32>
        %abs3A_3871 = math.absf %sub3A_3870 : vector<16xf32>
        %get3A_3872 = arith.index_cast %add3A_2342 : i32 to index
        %get3A_3873 = arith.constant 0 : index
        %get3A_3874 = tpu.vector_load %arg22[%get3A_3872, %get3A_3873] {strides = array<i32>} : memref<200x128xf32, #tpu.memory_space<vmem>>, vector<16xf32>,
        %sub3A_3875 = arith.subf %get3A_376, %get3A_3874 : vector<16xf32>
        %abs3A_3876 = math.absf %sub3A_3875 : vector<16xf32>
        %add3A_3877 = arith.addf %abs3A_3871, %abs3A_3876 : vector<16xf32>
        %get3A_3878 = arith.index_cast %add3A_2342 : i32 to index
        %get3A_3879 = arith.constant 16 : index
        %get3A_3880 = tpu.vector_load %arg21[%get3A_3878, %get3A_3879] {strides = array<i32>} : memref<200x128xf32, #tpu.memory_space<vmem>>, vector<16xf32>,
        %sub3A_3881 = arith.subf %add3A_331, %get3A_3880 : vector<16xf32>
        %abs3A_3882 = math.absf %sub3A_3881 : vector<16xf32>
        %add3A_3883 = arith.addf %add3A_3877, %abs3A_3882 : vector<16xf32>
        %get3A_3884 = arith.index_cast %add3A_2342 : i32 to index
        %get3A_3885 = arith.constant 16 : index
        %get3A_3886 = tpu.vector_load %arg22[%get3A_3884, %get3A_3885] {strides = array<i32>} : memref<200x128xf32, #tpu.memory_space<vmem>>, vector<16xf32>,
        %sub3A_3887 = arith.subf %get3A_379, %get3A_3886 : vector<16xf32>
        %abs3A_3888 = math.absf %sub3A_3887 : vector<16xf32>
        %add3A_3889 = arith.addf %add3A_3883, %abs3A_3888 : vector<16xf32>
        %get3A_3890 = arith.index_cast %add3A_2342 : i32 to index
        %get3A_3891 = arith.constant 32 : index
        %get3A_3892 = tpu.vector_load %arg21[%get3A_3890, %get3A_3891] {strides = array<i32>} : memref<200x128xf32, #tpu.memory_space<vmem>>, vector<16xf32>,
        %sub3A_3893 = arith.subf %add3A_338, %get3A_3892 : vector<16xf32>
        %abs3A_3894 = math.absf %sub3A_3893 : vector<16xf32>
        %add3A_3895 = arith.addf %add3A_3889, %abs3A_3894 : vector<16xf32>
        %get3A_3896 = arith.index_cast %add3A_2342 : i32 to index
        %get3A_3897 = arith.constant 32 : index
        %get3A_3898 = tpu.vector_load %arg22[%get3A_3896, %get3A_3897] {strides = array<i32>} : memref<200x128xf32, #tpu.memory_space<vmem>>, vector<16xf32>,
        %sub3A_3899 = arith.subf %get3A_382, %get3A_3898 : vector<16xf32>
        %abs3A_3900 = math.absf %sub3A_3899 : vector<16xf32>
        %add3A_3901 = arith.addf %add3A_3895, %abs3A_3900 : vector<16xf32>
        %get3A_3902 = arith.index_cast %add3A_2342 : i32 to index
        %get3A_3903 = arith.constant 48 : index
        %get3A_3904 = tpu.vector_load %arg21[%get3A_3902, %get3A_3903] {strides = array<i32>} : memref<200x128xf32, #tpu.memory_space<vmem>>, vector<16xf32>,
        %sub3A_3905 = arith.subf %add3A_345, %get3A_3904 : vector<16xf32>
        %abs3A_3906 = math.absf %sub3A_3905 : vector<16xf32>
        %add3A_3907 = arith.addf %add3A_3901, %abs3A_3906 : vector<16xf32>
        %get3A_3908 = arith.index_cast %add3A_2342 : i32 to index
        %get3A_3909 = arith.constant 48 : index
        %get3A_3910 = tpu.vector_load %arg22[%get3A_3908, %get3A_3909] {strides = array<i32>} : memref<200x128xf32, #tpu.memory_space<vmem>>, vector<16xf32>,
        %sub3A_3911 = arith.subf %get3A_385, %get3A_3910 : vector<16xf32>
        %abs3A_3912 = math.absf %sub3A_3911 : vector<16xf32>
        %add3A_3913 = arith.addf %add3A_3907, %abs3A_3912 : vector<16xf32>
        %get3A_3914 = arith.index_cast %add3A_2342 : i32 to index
        %get3A_3915 = arith.constant 64 : index
        %get3A_3916 = tpu.vector_load %arg21[%get3A_3914, %get3A_3915] {strides = array<i32>} : memref<200x128xf32, #tpu.memory_space<vmem>>, vector<16xf32>,
        %sub3A_3917 = arith.subf %add3A_352, %get3A_3916 : vector<16xf32>
        %abs3A_3918 = math.absf %sub3A_3917 : vector<16xf32>
        %add3A_3919 = arith.addf %add3A_3913, %abs3A_3918 : vector<16xf32>
        %get3A_3920 = arith.index_cast %add3A_2342 : i32 to index
        %get3A_3921 = arith.constant 64 : index
        %get3A_3922 = tpu.vector_load %arg22[%get3A_3920, %get3A_3921] {strides = array<i32>} : memref<200x128xf32, #tpu.memory_space<vmem>>, vector<16xf32>,
        %sub3A_3923 = arith.subf %get3A_388, %get3A_3922 : vector<16xf32>
        %abs3A_3924 = math.absf %sub3A_3923 : vector<16xf32>
        %add3A_3925 = arith.addf %add3A_3919, %abs3A_3924 : vector<16xf32>
        %get3A_3926 = arith.index_cast %add3A_2342 : i32 to index
        %get3A_3927 = arith.constant 80 : index
        %get3A_3928 = tpu.vector_load %arg21[%get3A_3926, %get3A_3927] {strides = array<i32>} : memref<200x128xf32, #tpu.memory_space<vmem>>, vector<16xf32>,
        %sub3A_3929 = arith.subf %add3A_359, %get3A_3928 : vector<16xf32>
        %abs3A_3930 = math.absf %sub3A_3929 : vector<16xf32>
        %add3A_3931 = arith.addf %add3A_3925, %abs3A_3930 : vector<16xf32>
        %get3A_3932 = arith.index_cast %add3A_2342 : i32 to index
        %get3A_3933 = arith.constant 80 : index
        %get3A_3934 = tpu.vector_load %arg22[%get3A_3932, %get3A_3933] {strides = array<i32>} : memref<200x128xf32, #tpu.memory_space<vmem>>, vector<16xf32>,
        %sub3A_3935 = arith.subf %get3A_391, %get3A_3934 : vector<16xf32>
        %abs3A_3936 = math.absf %sub3A_3935 : vector<16xf32>
        %add3A_3937 = arith.addf %add3A_3931, %abs3A_3936 : vector<16xf32>
        %get3A_3938 = arith.index_cast %add3A_2342 : i32 to index
        %get3A_3939 = arith.constant 96 : index
        %get3A_3940 = tpu.vector_load %arg21[%get3A_3938, %get3A_3939] {strides = array<i32>} : memref<200x128xf32, #tpu.memory_space<vmem>>, vector<16xf32>,
        %sub3A_3941 = arith.subf %add3A_366, %get3A_3940 : vector<16xf32>
        %abs3A_3942 = math.absf %sub3A_3941 : vector<16xf32>
        %add3A_3943 = arith.addf %add3A_3937, %abs3A_3942 : vector<16xf32>
        %get3A_3944 = arith.index_cast %add3A_2342 : i32 to index
        %get3A_3945 = arith.constant 96 : index
        %get3A_3946 = tpu.vector_load %arg22[%get3A_3944, %get3A_3945] {strides = array<i32>} : memref<200x128xf32, #tpu.memory_space<vmem>>, vector<16xf32>,
        %sub3A_3947 = arith.subf %get3A_394, %get3A_3946 : vector<16xf32>
        %abs3A_3948 = math.absf %sub3A_3947 : vector<16xf32>
        %add3A_3949 = arith.addf %add3A_3943, %abs3A_3948 : vector<16xf32>
        %get3A_3950 = arith.index_cast %add3A_2342 : i32 to index
        %get3A_3951 = arith.constant 112 : index
        %get3A_3952 = tpu.vector_load %arg21[%get3A_3950, %get3A_3951] {strides = array<i32>} : memref<200x128xf32, #tpu.memory_space<vmem>>, vector<16xf32>,
        %sub3A_3953 = arith.subf %add3A_373, %get3A_3952 : vector<16xf32>
        %abs3A_3954 = math.absf %sub3A_3953 : vector<16xf32>
        %add3A_3955 = arith.addf %add3A_3949, %abs3A_3954 : vector<16xf32>
        %get3A_3956 = arith.index_cast %add3A_2342 : i32 to index
        %get3A_3957 = arith.constant 112 : index
        %get3A_3958 = tpu.vector_load %arg22[%get3A_3956, %get3A_3957] {strides = array<i32>} : memref<200x128xf32, #tpu.memory_space<vmem>>, vector<16xf32>,
        %sub3A_3959 = arith.subf %get3A_397, %get3A_3958 : vector<16xf32>
        %abs3A_3960 = math.absf %sub3A_3959 : vector<16xf32>
        %add3A_3961 = arith.addf %add3A_3955, %abs3A_3960 : vector<16xf32>
        %reduce_sum3A_3962 = arith.constant true
        %reduce_sum3A_3963 = vector.broadcast %reduce_sum3A_3962 : i1 to vector<16xi1>
        %reduce_sum3A_3964 = tpu.scan <sum>, %add3A_3961 masked %reduce_sum3A_3963 : vector<16xf32>, vector<16xi1> -> vector<16xf32>
        %reduce_sum3A_3965 = vector.extract %reduce_sum3A_3964[15] : f32 from vector<16xf32>
        %broadcast_in_dim3A_3966 = vector.broadcast %reduce_sum3A_3965 : f32 to vector<16xf32>
        %select_n3A_3967 = arith.select %eq3A_47, %broadcast_in_dim3A_3966, %select_n3A_3866 : vector<16xi1>, vector<16xf32>
        %sub3A_3968 = arith.subf %sub3A_409, %select_n3A_3967 : vector<16xf32>
        %mul3A_3969 = arith.mulf %mul3A_403, %gather3A_2349 : vector<16xf32>
        %add3A_3970 = arith.addf %sub3A_3968, %mul3A_3969 : vector<16xf32>
        %add3A_3971 = vector.broadcast %mul3A_2310 : i32 to vector<16xi32>
        %add3A_3972 = arith.addi %iota3A, %add3A_3971 : vector<16xi32>
        tpu.vector_store_idx %arg24[%broadcast_in_dim3A_317, %add3A_3972], %add3A_3970 : memref<32x200xf32, #tpu.memory_space<vmem>>[vector<16xi32>, vector<16xi32>], vector<16xf32>,
      }
      %scan3A_415 = arith.constant 12 : i32
      %add3A_416 = arith.constant 192 : i32
      %add3A_417 = vector.broadcast %add3A_416 : i32 to vector<16xi32>
      %add3A_418 = arith.addi %iota3A, %add3A_417 : vector<16xi32>
      %min3A = arith.constant 199 : i32
      %min3A_419 = vector.broadcast %min3A : i32 to vector<16xi32>
      %min3A_420 = arith.minsi %add3A_418, %min3A_419 : vector<16xi32>
      %gather3A_421 = tpu.vector_load_idx %arg15[%broadcast_in_dim3A_317, %min3A_420] : memref<32x200xi32, #tpu.memory_space<vmem>>[vector<16xi32>, vector<16xi32>], vector<16xi32>,
      %and3A_422 = arith.constant 15 : i32
      %and3A_423 = vector.broadcast %and3A_422 : i32 to vector<16xi32>
      %and3A_424 = arith.andi %gather3A_421, %and3A_423 : vector<16xi32>
      %gather3A_425 = tpu.vector_load_idx %arg23[%min3A_420, %and3A_424] : memref<200x16xf32, #tpu.memory_space<vmem>>[vector<16xi32>, vector<16xi32>], vector<16xf32>,
      %broadcast_in_dim3A_426 = arith.constant 0.000000e+00 : f32
      %broadcast_in_dim3A_427 = vector.broadcast %broadcast_in_dim3A_426 : f32 to vector<16xf32>
      %get3A_428 = arith.constant 192 : i32
      %get3A_429 = arith.index_cast %get3A_428 : i32 to index
      %get3A_430 = arith.constant 0 : index
      %get3A_431 = tpu.vector_load %arg21[%get3A_429, %get3A_430] {strides = array<i32>} : memref<200x128xf32, #tpu.memory_space<vmem>>, vector<16xf32>,
      %sub3A_432 = arith.subf %add3A_324, %get3A_431 : vector<16xf32>
      %abs3A = math.absf %sub3A_432 : vector<16xf32>
      %get3A_433 = arith.constant 192 : i32
      %get3A_434 = arith.index_cast %get3A_433 : i32 to index
      %get3A_435 = arith.constant 0 : index
      %get3A_436 = tpu.vector_load %arg22[%get3A_434, %get3A_435] {strides = array<i32>} : memref<200x128xf32, #tpu.memory_space<vmem>>, vector<16xf32>,
      %sub3A_437 = arith.subf %get3A_376, %get3A_436 : vector<16xf32>
      %abs3A_438 = math.absf %sub3A_437 : vector<16xf32>
      %add3A_439 = arith.addf %abs3A, %abs3A_438 : vector<16xf32>
      %get3A_440 = arith.constant 192 : i32
      %get3A_441 = arith.index_cast %get3A_440 : i32 to index
      %get3A_442 = arith.constant 16 : index
      %get3A_443 = tpu.vector_load %arg21[%get3A_441, %get3A_442] {strides = array<i32>} : memref<200x128xf32, #tpu.memory_space<vmem>>, vector<16xf32>,
      %sub3A_444 = arith.subf %add3A_331, %get3A_443 : vector<16xf32>
      %abs3A_445 = math.absf %sub3A_444 : vector<16xf32>
      %add3A_446 = arith.addf %add3A_439, %abs3A_445 : vector<16xf32>
      %get3A_447 = arith.constant 192 : i32
      %get3A_448 = arith.index_cast %get3A_447 : i32 to index
      %get3A_449 = arith.constant 16 : index
      %get3A_450 = tpu.vector_load %arg22[%get3A_448, %get3A_449] {strides = array<i32>} : memref<200x128xf32, #tpu.memory_space<vmem>>, vector<16xf32>,
      %sub3A_451 = arith.subf %get3A_379, %get3A_450 : vector<16xf32>
      %abs3A_452 = math.absf %sub3A_451 : vector<16xf32>
      %add3A_453 = arith.addf %add3A_446, %abs3A_452 : vector<16xf32>
      %get3A_454 = arith.constant 192 : i32
      %get3A_455 = arith.index_cast %get3A_454 : i32 to index
      %get3A_456 = arith.constant 32 : index
      %get3A_457 = tpu.vector_load %arg21[%get3A_455, %get3A_456] {strides = array<i32>} : memref<200x128xf32, #tpu.memory_space<vmem>>, vector<16xf32>,
      %sub3A_458 = arith.subf %add3A_338, %get3A_457 : vector<16xf32>
      %abs3A_459 = math.absf %sub3A_458 : vector<16xf32>
      %add3A_460 = arith.addf %add3A_453, %abs3A_459 : vector<16xf32>
      %get3A_461 = arith.constant 192 : i32
      %get3A_462 = arith.index_cast %get3A_461 : i32 to index
      %get3A_463 = arith.constant 32 : index
      %get3A_464 = tpu.vector_load %arg22[%get3A_462, %get3A_463] {strides = array<i32>} : memref<200x128xf32, #tpu.memory_space<vmem>>, vector<16xf32>,
      %sub3A_465 = arith.subf %get3A_382, %get3A_464 : vector<16xf32>
      %abs3A_466 = math.absf %sub3A_465 : vector<16xf32>
      %add3A_467 = arith.addf %add3A_460, %abs3A_466 : vector<16xf32>
      %get3A_468 = arith.constant 192 : i32
      %get3A_469 = arith.index_cast %get3A_468 : i32 to index
      %get3A_470 = arith.constant 48 : index
      %get3A_471 = tpu.vector_load %arg21[%get3A_469, %get3A_470] {strides = array<i32>} : memref<200x128xf32, #tpu.memory_space<vmem>>, vector<16xf32>,
      %sub3A_472 = arith.subf %add3A_345, %get3A_471 : vector<16xf32>
      %abs3A_473 = math.absf %sub3A_472 : vector<16xf32>
      %add3A_474 = arith.addf %add3A_467, %abs3A_473 : vector<16xf32>
      %get3A_475 = arith.constant 192 : i32
      %get3A_476 = arith.index_cast %get3A_475 : i32 to index
      %get3A_477 = arith.constant 48 : index
      %get3A_478 = tpu.vector_load %arg22[%get3A_476, %get3A_477] {strides = array<i32>} : memref<200x128xf32, #tpu.memory_space<vmem>>, vector<16xf32>,
      %sub3A_479 = arith.subf %get3A_385, %get3A_478 : vector<16xf32>
      %abs3A_480 = math.absf %sub3A_479 : vector<16xf32>
      %add3A_481 = arith.addf %add3A_474, %abs3A_480 : vector<16xf32>
      %get3A_482 = arith.constant 192 : i32
      %get3A_483 = arith.index_cast %get3A_482 : i32 to index
      %get3A_484 = arith.constant 64 : index
      %get3A_485 = tpu.vector_load %arg21[%get3A_483, %get3A_484] {strides = array<i32>} : memref<200x128xf32, #tpu.memory_space<vmem>>, vector<16xf32>,
      %sub3A_486 = arith.subf %add3A_352, %get3A_485 : vector<16xf32>
      %abs3A_487 = math.absf %sub3A_486 : vector<16xf32>
      %add3A_488 = arith.addf %add3A_481, %abs3A_487 : vector<16xf32>
      %get3A_489 = arith.constant 192 : i32
      %get3A_490 = arith.index_cast %get3A_489 : i32 to index
      %get3A_491 = arith.constant 64 : index
      %get3A_492 = tpu.vector_load %arg22[%get3A_490, %get3A_491] {strides = array<i32>} : memref<200x128xf32, #tpu.memory_space<vmem>>, vector<16xf32>,
      %sub3A_493 = arith.subf %get3A_388, %get3A_492 : vector<16xf32>
      %abs3A_494 = math.absf %sub3A_493 : vector<16xf32>
      %add3A_495 = arith.addf %add3A_488, %abs3A_494 : vector<16xf32>
      %get3A_496 = arith.constant 192 : i32
      %get3A_497 = arith.index_cast %get3A_496 : i32 to index
      %get3A_498 = arith.constant 80 : index
      %get3A_499 = tpu.vector_load %arg21[%get3A_497, %get3A_498] {strides = array<i32>} : memref<200x128xf32, #tpu.memory_space<vmem>>, vector<16xf32>,
      %sub3A_500 = arith.subf %add3A_359, %get3A_499 : vector<16xf32>
      %abs3A_501 = math.absf %sub3A_500 : vector<16xf32>
      %add3A_502 = arith.addf %add3A_495, %abs3A_501 : vector<16xf32>
      %get3A_503 = arith.constant 192 : i32
      %get3A_504 = arith.index_cast %get3A_503 : i32 to index
      %get3A_505 = arith.constant 80 : index
      %get3A_506 = tpu.vector_load %arg22[%get3A_504, %get3A_505] {strides = array<i32>} : memref<200x128xf32, #tpu.memory_space<vmem>>, vector<16xf32>,
      %sub3A_507 = arith.subf %get3A_391, %get3A_506 : vector<16xf32>
      %abs3A_508 = math.absf %sub3A_507 : vector<16xf32>
      %add3A_509 = arith.addf %add3A_502, %abs3A_508 : vector<16xf32>
      %get3A_510 = arith.constant 192 : i32
      %get3A_511 = arith.index_cast %get3A_510 : i32 to index
      %get3A_512 = arith.constant 96 : index
      %get3A_513 = tpu.vector_load %arg21[%get3A_511, %get3A_512] {strides = array<i32>} : memref<200x128xf32, #tpu.memory_space<vmem>>, vector<16xf32>,
      %sub3A_514 = arith.subf %add3A_366, %get3A_513 : vector<16xf32>
      %abs3A_515 = math.absf %sub3A_514 : vector<16xf32>
      %add3A_516 = arith.addf %add3A_509, %abs3A_515 : vector<16xf32>
      %get3A_517 = arith.constant 192 : i32
      %get3A_518 = arith.index_cast %get3A_517 : i32 to index
      %get3A_519 = arith.constant 96 : index
      %get3A_520 = tpu.vector_load %arg22[%get3A_518, %get3A_519] {strides = array<i32>} : memref<200x128xf32, #tpu.memory_space<vmem>>, vector<16xf32>,
      %sub3A_521 = arith.subf %get3A_394, %get3A_520 : vector<16xf32>
      %abs3A_522 = math.absf %sub3A_521 : vector<16xf32>
      %add3A_523 = arith.addf %add3A_516, %abs3A_522 : vector<16xf32>
      %get3A_524 = arith.constant 192 : i32
      %get3A_525 = arith.index_cast %get3A_524 : i32 to index
      %get3A_526 = arith.constant 112 : index
      %get3A_527 = tpu.vector_load %arg21[%get3A_525, %get3A_526] {strides = array<i32>} : memref<200x128xf32, #tpu.memory_space<vmem>>, vector<16xf32>,
      %sub3A_528 = arith.subf %add3A_373, %get3A_527 : vector<16xf32>
      %abs3A_529 = math.absf %sub3A_528 : vector<16xf32>
      %add3A_530 = arith.addf %add3A_523, %abs3A_529 : vector<16xf32>
      %get3A_531 = arith.constant 192 : i32
      %get3A_532 = arith.index_cast %get3A_531 : i32 to index
      %get3A_533 = arith.constant 112 : index
      %get3A_534 = tpu.vector_load %arg22[%get3A_532, %get3A_533] {strides = array<i32>} : memref<200x128xf32, #tpu.memory_space<vmem>>, vector<16xf32>,
      %sub3A_535 = arith.subf %get3A_397, %get3A_534 : vector<16xf32>
      %abs3A_536 = math.absf %sub3A_535 : vector<16xf32>
      %add3A_537 = arith.addf %add3A_530, %abs3A_536 : vector<16xf32>
      %reduce_sum3A = arith.constant true
      %reduce_sum3A_538 = vector.broadcast %reduce_sum3A : i1 to vector<16xi1>
      %reduce_sum3A_539 = tpu.scan <sum>, %add3A_537 masked %reduce_sum3A_538 : vector<16xf32>, vector<16xi1> -> vector<16xf32>
      %reduce_sum3A_540 = vector.extract %reduce_sum3A_539[15] : f32 from vector<16xf32>
      %broadcast_in_dim3A_541 = vector.broadcast %reduce_sum3A_540 : f32 to vector<16xf32>
      %select_n3A = arith.select %eq3A_2, %broadcast_in_dim3A_541, %broadcast_in_dim3A_427 : vector<16xi1>, vector<16xf32>
      %get3A_542 = arith.constant 193 : i32
      %get3A_543 = arith.index_cast %get3A_542 : i32 to index
      %get3A_544 = arith.constant 0 : index
      %get3A_545 = tpu.vector_load %arg21[%get3A_543, %get3A_544] {strides = array<i32>} : memref<200x128xf32, #tpu.memory_space<vmem>>, vector<16xf32>,
      %sub3A_546 = arith.subf %add3A_324, %get3A_545 : vector<16xf32>
      %abs3A_547 = math.absf %sub3A_546 : vector<16xf32>
      %get3A_548 = arith.constant 193 : i32
      %get3A_549 = arith.index_cast %get3A_548 : i32 to index
      %get3A_550 = arith.constant 0 : index
      %get3A_551 = tpu.vector_load %arg22[%get3A_549, %get3A_550] {strides = array<i32>} : memref<200x128xf32, #tpu.memory_space<vmem>>, vector<16xf32>,
      %sub3A_552 = arith.subf %get3A_376, %get3A_551 : vector<16xf32>
      %abs3A_553 = math.absf %sub3A_552 : vector<16xf32>
      %add3A_554 = arith.addf %abs3A_547, %abs3A_553 : vector<16xf32>
      %get3A_555 = arith.constant 193 : i32
      %get3A_556 = arith.index_cast %get3A_555 : i32 to index
      %get3A_557 = arith.constant 16 : index
      %get3A_558 = tpu.vector_load %arg21[%get3A_556, %get3A_557] {strides = array<i32>} : memref<200x128xf32, #tpu.memory_space<vmem>>, vector<16xf32>,
      %sub3A_559 = arith.subf %add3A_331, %get3A_558 : vector<16xf32>
      %abs3A_560 = math.absf %sub3A_559 : vector<16xf32>
      %add3A_561 = arith.addf %add3A_554, %abs3A_560 : vector<16xf32>
      %get3A_562 = arith.constant 193 : i32
      %get3A_563 = arith.index_cast %get3A_562 : i32 to index
      %get3A_564 = arith.constant 16 : index
      %get3A_565 = tpu.vector_load %arg22[%get3A_563, %get3A_564] {strides = array<i32>} : memref<200x128xf32, #tpu.memory_space<vmem>>, vector<16xf32>,
      %sub3A_566 = arith.subf %get3A_379, %get3A_565 : vector<16xf32>
      %abs3A_567 = math.absf %sub3A_566 : vector<16xf32>
      %add3A_568 = arith.addf %add3A_561, %abs3A_567 : vector<16xf32>
      %get3A_569 = arith.constant 193 : i32
      %get3A_570 = arith.index_cast %get3A_569 : i32 to index
      %get3A_571 = arith.constant 32 : index
      %get3A_572 = tpu.vector_load %arg21[%get3A_570, %get3A_571] {strides = array<i32>} : memref<200x128xf32, #tpu.memory_space<vmem>>, vector<16xf32>,
      %sub3A_573 = arith.subf %add3A_338, %get3A_572 : vector<16xf32>
      %abs3A_574 = math.absf %sub3A_573 : vector<16xf32>
      %add3A_575 = arith.addf %add3A_568, %abs3A_574 : vector<16xf32>
      %get3A_576 = arith.constant 193 : i32
      %get3A_577 = arith.index_cast %get3A_576 : i32 to index
      %get3A_578 = arith.constant 32 : index
      %get3A_579 = tpu.vector_load %arg22[%get3A_577, %get3A_578] {strides = array<i32>} : memref<200x128xf32, #tpu.memory_space<vmem>>, vector<16xf32>,
      %sub3A_580 = arith.subf %get3A_382, %get3A_579 : vector<16xf32>
      %abs3A_581 = math.absf %sub3A_580 : vector<16xf32>
      %add3A_582 = arith.addf %add3A_575, %abs3A_581 : vector<16xf32>
      %get3A_583 = arith.constant 193 : i32
      %get3A_584 = arith.index_cast %get3A_583 : i32 to index
      %get3A_585 = arith.constant 48 : index
      %get3A_586 = tpu.vector_load %arg21[%get3A_584, %get3A_585] {strides = array<i32>} : memref<200x128xf32, #tpu.memory_space<vmem>>, vector<16xf32>,
      %sub3A_587 = arith.subf %add3A_345, %get3A_586 : vector<16xf32>
      %abs3A_588 = math.absf %sub3A_587 : vector<16xf32>
      %add3A_589 = arith.addf %add3A_582, %abs3A_588 : vector<16xf32>
      %get3A_590 = arith.constant 193 : i32
      %get3A_591 = arith.index_cast %get3A_590 : i32 to index
      %get3A_592 = arith.constant 48 : index
      %get3A_593 = tpu.vector_load %arg22[%get3A_591, %get3A_592] {strides = array<i32>} : memref<200x128xf32, #tpu.memory_space<vmem>>, vector<16xf32>,
      %sub3A_594 = arith.subf %get3A_385, %get3A_593 : vector<16xf32>
      %abs3A_595 = math.absf %sub3A_594 : vector<16xf32>
      %add3A_596 = arith.addf %add3A_589, %abs3A_595 : vector<16xf32>
      %get3A_597 = arith.constant 193 : i32
      %get3A_598 = arith.index_cast %get3A_597 : i32 to index
      %get3A_599 = arith.constant 64 : index
      %get3A_600 = tpu.vector_load %arg21[%get3A_598, %get3A_599] {strides = array<i32>} : memref<200x128xf32, #tpu.memory_space<vmem>>, vector<16xf32>,
      %sub3A_601 = arith.subf %add3A_352, %get3A_600 : vector<16xf32>
      %abs3A_602 = math.absf %sub3A_601 : vector<16xf32>
      %add3A_603 = arith.addf %add3A_596, %abs3A_602 : vector<16xf32>
      %get3A_604 = arith.constant 193 : i32
      %get3A_605 = arith.index_cast %get3A_604 : i32 to index
      %get3A_606 = arith.constant 64 : index
      %get3A_607 = tpu.vector_load %arg22[%get3A_605, %get3A_606] {strides = array<i32>} : memref<200x128xf32, #tpu.memory_space<vmem>>, vector<16xf32>,
      %sub3A_608 = arith.subf %get3A_388, %get3A_607 : vector<16xf32>
      %abs3A_609 = math.absf %sub3A_608 : vector<16xf32>
      %add3A_610 = arith.addf %add3A_603, %abs3A_609 : vector<16xf32>
      %get3A_611 = arith.constant 193 : i32
      %get3A_612 = arith.index_cast %get3A_611 : i32 to index
      %get3A_613 = arith.constant 80 : index
      %get3A_614 = tpu.vector_load %arg21[%get3A_612, %get3A_613] {strides = array<i32>} : memref<200x128xf32, #tpu.memory_space<vmem>>, vector<16xf32>,
      %sub3A_615 = arith.subf %add3A_359, %get3A_614 : vector<16xf32>
      %abs3A_616 = math.absf %sub3A_615 : vector<16xf32>
      %add3A_617 = arith.addf %add3A_610, %abs3A_616 : vector<16xf32>
      %get3A_618 = arith.constant 193 : i32
      %get3A_619 = arith.index_cast %get3A_618 : i32 to index
      %get3A_620 = arith.constant 80 : index
      %get3A_621 = tpu.vector_load %arg22[%get3A_619, %get3A_620] {strides = array<i32>} : memref<200x128xf32, #tpu.memory_space<vmem>>, vector<16xf32>,
      %sub3A_622 = arith.subf %get3A_391, %get3A_621 : vector<16xf32>
      %abs3A_623 = math.absf %sub3A_622 : vector<16xf32>
      %add3A_624 = arith.addf %add3A_617, %abs3A_623 : vector<16xf32>
      %get3A_625 = arith.constant 193 : i32
      %get3A_626 = arith.index_cast %get3A_625 : i32 to index
      %get3A_627 = arith.constant 96 : index
      %get3A_628 = tpu.vector_load %arg21[%get3A_626, %get3A_627] {strides = array<i32>} : memref<200x128xf32, #tpu.memory_space<vmem>>, vector<16xf32>,
      %sub3A_629 = arith.subf %add3A_366, %get3A_628 : vector<16xf32>
      %abs3A_630 = math.absf %sub3A_629 : vector<16xf32>
      %add3A_631 = arith.addf %add3A_624, %abs3A_630 : vector<16xf32>
      %get3A_632 = arith.constant 193 : i32
      %get3A_633 = arith.index_cast %get3A_632 : i32 to index
      %get3A_634 = arith.constant 96 : index
      %get3A_635 = tpu.vector_load %arg22[%get3A_633, %get3A_634] {strides = array<i32>} : memref<200x128xf32, #tpu.memory_space<vmem>>, vector<16xf32>,
      %sub3A_636 = arith.subf %get3A_394, %get3A_635 : vector<16xf32>
      %abs3A_637 = math.absf %sub3A_636 : vector<16xf32>
      %add3A_638 = arith.addf %add3A_631, %abs3A_637 : vector<16xf32>
      %get3A_639 = arith.constant 193 : i32
      %get3A_640 = arith.index_cast %get3A_639 : i32 to index
      %get3A_641 = arith.constant 112 : index
      %get3A_642 = tpu.vector_load %arg21[%get3A_640, %get3A_641] {strides = array<i32>} : memref<200x128xf32, #tpu.memory_space<vmem>>, vector<16xf32>,
      %sub3A_643 = arith.subf %add3A_373, %get3A_642 : vector<16xf32>
      %abs3A_644 = math.absf %sub3A_643 : vector<16xf32>
      %add3A_645 = arith.addf %add3A_638, %abs3A_644 : vector<16xf32>
      %get3A_646 = arith.constant 193 : i32
      %get3A_647 = arith.index_cast %get3A_646 : i32 to index
      %get3A_648 = arith.constant 112 : index
      %get3A_649 = tpu.vector_load %arg22[%get3A_647, %get3A_648] {strides = array<i32>} : memref<200x128xf32, #tpu.memory_space<vmem>>, vector<16xf32>,
      %sub3A_650 = arith.subf %get3A_397, %get3A_649 : vector<16xf32>
      %abs3A_651 = math.absf %sub3A_650 : vector<16xf32>
      %add3A_652 = arith.addf %add3A_645, %abs3A_651 : vector<16xf32>
      %reduce_sum3A_653 = arith.constant true
      %reduce_sum3A_654 = vector.broadcast %reduce_sum3A_653 : i1 to vector<16xi1>
      %reduce_sum3A_655 = tpu.scan <sum>, %add3A_652 masked %reduce_sum3A_654 : vector<16xf32>, vector<16xi1> -> vector<16xf32>
      %reduce_sum3A_656 = vector.extract %reduce_sum3A_655[15] : f32 from vector<16xf32>
      %broadcast_in_dim3A_657 = vector.broadcast %reduce_sum3A_656 : f32 to vector<16xf32>
      %select_n3A_658 = arith.select %eq3A_5, %broadcast_in_dim3A_657, %select_n3A : vector<16xi1>, vector<16xf32>
      %get3A_659 = arith.constant 194 : i32
      %get3A_660 = arith.index_cast %get3A_659 : i32 to index
      %get3A_661 = arith.constant 0 : index
      %get3A_662 = tpu.vector_load %arg21[%get3A_660, %get3A_661] {strides = array<i32>} : memref<200x128xf32, #tpu.memory_space<vmem>>, vector<16xf32>,
      %sub3A_663 = arith.subf %add3A_324, %get3A_662 : vector<16xf32>
      %abs3A_664 = math.absf %sub3A_663 : vector<16xf32>
      %get3A_665 = arith.constant 194 : i32
      %get3A_666 = arith.index_cast %get3A_665 : i32 to index
      %get3A_667 = arith.constant 0 : index
      %get3A_668 = tpu.vector_load %arg22[%get3A_666, %get3A_667] {strides = array<i32>} : memref<200x128xf32, #tpu.memory_space<vmem>>, vector<16xf32>,
      %sub3A_669 = arith.subf %get3A_376, %get3A_668 : vector<16xf32>
      %abs3A_670 = math.absf %sub3A_669 : vector<16xf32>
      %add3A_671 = arith.addf %abs3A_664, %abs3A_670 : vector<16xf32>
      %get3A_672 = arith.constant 194 : i32
      %get3A_673 = arith.index_cast %get3A_672 : i32 to index
      %get3A_674 = arith.constant 16 : index
      %get3A_675 = tpu.vector_load %arg21[%get3A_673, %get3A_674] {strides = array<i32>} : memref<200x128xf32, #tpu.memory_space<vmem>>, vector<16xf32>,
      %sub3A_676 = arith.subf %add3A_331, %get3A_675 : vector<16xf32>
      %abs3A_677 = math.absf %sub3A_676 : vector<16xf32>
      %add3A_678 = arith.addf %add3A_671, %abs3A_677 : vector<16xf32>
      %get3A_679 = arith.constant 194 : i32
      %get3A_680 = arith.index_cast %get3A_679 : i32 to index
      %get3A_681 = arith.constant 16 : index
      %get3A_682 = tpu.vector_load %arg22[%get3A_680, %get3A_681] {strides = array<i32>} : memref<200x128xf32, #tpu.memory_space<vmem>>, vector<16xf32>,
      %sub3A_683 = arith.subf %get3A_379, %get3A_682 : vector<16xf32>
      %abs3A_684 = math.absf %sub3A_683 : vector<16xf32>
      %add3A_685 = arith.addf %add3A_678, %abs3A_684 : vector<16xf32>
      %get3A_686 = arith.constant 194 : i32
      %get3A_687 = arith.index_cast %get3A_686 : i32 to index
      %get3A_688 = arith.constant 32 : index
      %get3A_689 = tpu.vector_load %arg21[%get3A_687, %get3A_688] {strides = array<i32>} : memref<200x128xf32, #tpu.memory_space<vmem>>, vector<16xf32>,
      %sub3A_690 = arith.subf %add3A_338, %get3A_689 : vector<16xf32>
      %abs3A_691 = math.absf %sub3A_690 : vector<16xf32>
      %add3A_692 = arith.addf %add3A_685, %abs3A_691 : vector<16xf32>
      %get3A_693 = arith.constant 194 : i32
      %get3A_694 = arith.index_cast %get3A_693 : i32 to index
      %get3A_695 = arith.constant 32 : index
      %get3A_696 = tpu.vector_load %arg22[%get3A_694, %get3A_695] {strides = array<i32>} : memref<200x128xf32, #tpu.memory_space<vmem>>, vector<16xf32>,
      %sub3A_697 = arith.subf %get3A_382, %get3A_696 : vector<16xf32>
      %abs3A_698 = math.absf %sub3A_697 : vector<16xf32>
      %add3A_699 = arith.addf %add3A_692, %abs3A_698 : vector<16xf32>
      %get3A_700 = arith.constant 194 : i32
      %get3A_701 = arith.index_cast %get3A_700 : i32 to index
      %get3A_702 = arith.constant 48 : index
      %get3A_703 = tpu.vector_load %arg21[%get3A_701, %get3A_702] {strides = array<i32>} : memref<200x128xf32, #tpu.memory_space<vmem>>, vector<16xf32>,
      %sub3A_704 = arith.subf %add3A_345, %get3A_703 : vector<16xf32>
      %abs3A_705 = math.absf %sub3A_704 : vector<16xf32>
      %add3A_706 = arith.addf %add3A_699, %abs3A_705 : vector<16xf32>
      %get3A_707 = arith.constant 194 : i32
      %get3A_708 = arith.index_cast %get3A_707 : i32 to index
      %get3A_709 = arith.constant 48 : index
      %get3A_710 = tpu.vector_load %arg22[%get3A_708, %get3A_709] {strides = array<i32>} : memref<200x128xf32, #tpu.memory_space<vmem>>, vector<16xf32>,
      %sub3A_711 = arith.subf %get3A_385, %get3A_710 : vector<16xf32>
      %abs3A_712 = math.absf %sub3A_711 : vector<16xf32>
      %add3A_713 = arith.addf %add3A_706, %abs3A_712 : vector<16xf32>
      %get3A_714 = arith.constant 194 : i32
      %get3A_715 = arith.index_cast %get3A_714 : i32 to index
      %get3A_716 = arith.constant 64 : index
      %get3A_717 = tpu.vector_load %arg21[%get3A_715, %get3A_716] {strides = array<i32>} : memref<200x128xf32, #tpu.memory_space<vmem>>, vector<16xf32>,
      %sub3A_718 = arith.subf %add3A_352, %get3A_717 : vector<16xf32>
      %abs3A_719 = math.absf %sub3A_718 : vector<16xf32>
      %add3A_720 = arith.addf %add3A_713, %abs3A_719 : vector<16xf32>
      %get3A_721 = arith.constant 194 : i32
      %get3A_722 = arith.index_cast %get3A_721 : i32 to index
      %get3A_723 = arith.constant 64 : index
      %get3A_724 = tpu.vector_load %arg22[%get3A_722, %get3A_723] {strides = array<i32>} : memref<200x128xf32, #tpu.memory_space<vmem>>, vector<16xf32>,
      %sub3A_725 = arith.subf %get3A_388, %get3A_724 : vector<16xf32>
      %abs3A_726 = math.absf %sub3A_725 : vector<16xf32>
      %add3A_727 = arith.addf %add3A_720, %abs3A_726 : vector<16xf32>
      %get3A_728 = arith.constant 194 : i32
      %get3A_729 = arith.index_cast %get3A_728 : i32 to index
      %get3A_730 = arith.constant 80 : index
      %get3A_731 = tpu.vector_load %arg21[%get3A_729, %get3A_730] {strides = array<i32>} : memref<200x128xf32, #tpu.memory_space<vmem>>, vector<16xf32>,
      %sub3A_732 = arith.subf %add3A_359, %get3A_731 : vector<16xf32>
      %abs3A_733 = math.absf %sub3A_732 : vector<16xf32>
      %add3A_734 = arith.addf %add3A_727, %abs3A_733 : vector<16xf32>
      %get3A_735 = arith.constant 194 : i32
      %get3A_736 = arith.index_cast %get3A_735 : i32 to index
      %get3A_737 = arith.constant 80 : index
      %get3A_738 = tpu.vector_load %arg22[%get3A_736, %get3A_737] {strides = array<i32>} : memref<200x128xf32, #tpu.memory_space<vmem>>, vector<16xf32>,
      %sub3A_739 = arith.subf %get3A_391, %get3A_738 : vector<16xf32>
      %abs3A_740 = math.absf %sub3A_739 : vector<16xf32>
      %add3A_741 = arith.addf %add3A_734, %abs3A_740 : vector<16xf32>
      %get3A_742 = arith.constant 194 : i32
      %get3A_743 = arith.index_cast %get3A_742 : i32 to index
      %get3A_744 = arith.constant 96 : index
      %get3A_745 = tpu.vector_load %arg21[%get3A_743, %get3A_744] {strides = array<i32>} : memref<200x128xf32, #tpu.memory_space<vmem>>, vector<16xf32>,
      %sub3A_746 = arith.subf %add3A_366, %get3A_745 : vector<16xf32>
      %abs3A_747 = math.absf %sub3A_746 : vector<16xf32>
      %add3A_748 = arith.addf %add3A_741, %abs3A_747 : vector<16xf32>
      %get3A_749 = arith.constant 194 : i32
      %get3A_750 = arith.index_cast %get3A_749 : i32 to index
      %get3A_751 = arith.constant 96 : index
      %get3A_752 = tpu.vector_load %arg22[%get3A_750, %get3A_751] {strides = array<i32>} : memref<200x128xf32, #tpu.memory_space<vmem>>, vector<16xf32>,
      %sub3A_753 = arith.subf %get3A_394, %get3A_752 : vector<16xf32>
      %abs3A_754 = math.absf %sub3A_753 : vector<16xf32>
      %add3A_755 = arith.addf %add3A_748, %abs3A_754 : vector<16xf32>
      %get3A_756 = arith.constant 194 : i32
      %get3A_757 = arith.index_cast %get3A_756 : i32 to index
      %get3A_758 = arith.constant 112 : index
      %get3A_759 = tpu.vector_load %arg21[%get3A_757, %get3A_758] {strides = array<i32>} : memref<200x128xf32, #tpu.memory_space<vmem>>, vector<16xf32>,
      %sub3A_760 = arith.subf %add3A_373, %get3A_759 : vector<16xf32>
      %abs3A_761 = math.absf %sub3A_760 : vector<16xf32>
      %add3A_762 = arith.addf %add3A_755, %abs3A_761 : vector<16xf32>
      %get3A_763 = arith.constant 194 : i32
      %get3A_764 = arith.index_cast %get3A_763 : i32 to index
      %get3A_765 = arith.constant 112 : index
      %get3A_766 = tpu.vector_load %arg22[%get3A_764, %get3A_765] {strides = array<i32>} : memref<200x128xf32, #tpu.memory_space<vmem>>, vector<16xf32>,
      %sub3A_767 = arith.subf %get3A_397, %get3A_766 : vector<16xf32>
      %abs3A_768 = math.absf %sub3A_767 : vector<16xf32>
      %add3A_769 = arith.addf %add3A_762, %abs3A_768 : vector<16xf32>
      %reduce_sum3A_770 = arith.constant true
      %reduce_sum3A_771 = vector.broadcast %reduce_sum3A_770 : i1 to vector<16xi1>
      %reduce_sum3A_772 = tpu.scan <sum>, %add3A_769 masked %reduce_sum3A_771 : vector<16xf32>, vector<16xi1> -> vector<16xf32>
      %reduce_sum3A_773 = vector.extract %reduce_sum3A_772[15] : f32 from vector<16xf32>
      %broadcast_in_dim3A_774 = vector.broadcast %reduce_sum3A_773 : f32 to vector<16xf32>
      %select_n3A_775 = arith.select %eq3A_8, %broadcast_in_dim3A_774, %select_n3A_658 : vector<16xi1>, vector<16xf32>
      %get3A_776 = arith.constant 195 : i32
      %get3A_777 = arith.index_cast %get3A_776 : i32 to index
      %get3A_778 = arith.constant 0 : index
      %get3A_779 = tpu.vector_load %arg21[%get3A_777, %get3A_778] {strides = array<i32>} : memref<200x128xf32, #tpu.memory_space<vmem>>, vector<16xf32>,
      %sub3A_780 = arith.subf %add3A_324, %get3A_779 : vector<16xf32>
      %abs3A_781 = math.absf %sub3A_780 : vector<16xf32>
      %get3A_782 = arith.constant 195 : i32
      %get3A_783 = arith.index_cast %get3A_782 : i32 to index
      %get3A_784 = arith.constant 0 : index
      %get3A_785 = tpu.vector_load %arg22[%get3A_783, %get3A_784] {strides = array<i32>} : memref<200x128xf32, #tpu.memory_space<vmem>>, vector<16xf32>,
      %sub3A_786 = arith.subf %get3A_376, %get3A_785 : vector<16xf32>
      %abs3A_787 = math.absf %sub3A_786 : vector<16xf32>
      %add3A_788 = arith.addf %abs3A_781, %abs3A_787 : vector<16xf32>
      %get3A_789 = arith.constant 195 : i32
      %get3A_790 = arith.index_cast %get3A_789 : i32 to index
      %get3A_791 = arith.constant 16 : index
      %get3A_792 = tpu.vector_load %arg21[%get3A_790, %get3A_791] {strides = array<i32>} : memref<200x128xf32, #tpu.memory_space<vmem>>, vector<16xf32>,
      %sub3A_793 = arith.subf %add3A_331, %get3A_792 : vector<16xf32>
      %abs3A_794 = math.absf %sub3A_793 : vector<16xf32>
      %add3A_795 = arith.addf %add3A_788, %abs3A_794 : vector<16xf32>
      %get3A_796 = arith.constant 195 : i32
      %get3A_797 = arith.index_cast %get3A_796 : i32 to index
      %get3A_798 = arith.constant 16 : index
      %get3A_799 = tpu.vector_load %arg22[%get3A_797, %get3A_798] {strides = array<i32>} : memref<200x128xf32, #tpu.memory_space<vmem>>, vector<16xf32>,
      %sub3A_800 = arith.subf %get3A_379, %get3A_799 : vector<16xf32>
      %abs3A_801 = math.absf %sub3A_800 : vector<16xf32>
      %add3A_802 = arith.addf %add3A_795, %abs3A_801 : vector<16xf32>
      %get3A_803 = arith.constant 195 : i32
      %get3A_804 = arith.index_cast %get3A_803 : i32 to index
      %get3A_805 = arith.constant 32 : index
      %get3A_806 = tpu.vector_load %arg21[%get3A_804, %get3A_805] {strides = array<i32>} : memref<200x128xf32, #tpu.memory_space<vmem>>, vector<16xf32>,
      %sub3A_807 = arith.subf %add3A_338, %get3A_806 : vector<16xf32>
      %abs3A_808 = math.absf %sub3A_807 : vector<16xf32>
      %add3A_809 = arith.addf %add3A_802, %abs3A_808 : vector<16xf32>
      %get3A_810 = arith.constant 195 : i32
      %get3A_811 = arith.index_cast %get3A_810 : i32 to index
      %get3A_812 = arith.constant 32 : index
      %get3A_813 = tpu.vector_load %arg22[%get3A_811, %get3A_812] {strides = array<i32>} : memref<200x128xf32, #tpu.memory_space<vmem>>, vector<16xf32>,
      %sub3A_814 = arith.subf %get3A_382, %get3A_813 : vector<16xf32>
      %abs3A_815 = math.absf %sub3A_814 : vector<16xf32>
      %add3A_816 = arith.addf %add3A_809, %abs3A_815 : vector<16xf32>
      %get3A_817 = arith.constant 195 : i32
      %get3A_818 = arith.index_cast %get3A_817 : i32 to index
      %get3A_819 = arith.constant 48 : index
      %get3A_820 = tpu.vector_load %arg21[%get3A_818, %get3A_819] {strides = array<i32>} : memref<200x128xf32, #tpu.memory_space<vmem>>, vector<16xf32>,
      %sub3A_821 = arith.subf %add3A_345, %get3A_820 : vector<16xf32>
      %abs3A_822 = math.absf %sub3A_821 : vector<16xf32>
      %add3A_823 = arith.addf %add3A_816, %abs3A_822 : vector<16xf32>
      %get3A_824 = arith.constant 195 : i32
      %get3A_825 = arith.index_cast %get3A_824 : i32 to index
      %get3A_826 = arith.constant 48 : index
      %get3A_827 = tpu.vector_load %arg22[%get3A_825, %get3A_826] {strides = array<i32>} : memref<200x128xf32, #tpu.memory_space<vmem>>, vector<16xf32>,
      %sub3A_828 = arith.subf %get3A_385, %get3A_827 : vector<16xf32>
      %abs3A_829 = math.absf %sub3A_828 : vector<16xf32>
      %add3A_830 = arith.addf %add3A_823, %abs3A_829 : vector<16xf32>
      %get3A_831 = arith.constant 195 : i32
      %get3A_832 = arith.index_cast %get3A_831 : i32 to index
      %get3A_833 = arith.constant 64 : index
      %get3A_834 = tpu.vector_load %arg21[%get3A_832, %get3A_833] {strides = array<i32>} : memref<200x128xf32, #tpu.memory_space<vmem>>, vector<16xf32>,
      %sub3A_835 = arith.subf %add3A_352, %get3A_834 : vector<16xf32>
      %abs3A_836 = math.absf %sub3A_835 : vector<16xf32>
      %add3A_837 = arith.addf %add3A_830, %abs3A_836 : vector<16xf32>
      %get3A_838 = arith.constant 195 : i32
      %get3A_839 = arith.index_cast %get3A_838 : i32 to index
      %get3A_840 = arith.constant 64 : index
      %get3A_841 = tpu.vector_load %arg22[%get3A_839, %get3A_840] {strides = array<i32>} : memref<200x128xf32, #tpu.memory_space<vmem>>, vector<16xf32>,
      %sub3A_842 = arith.subf %get3A_388, %get3A_841 : vector<16xf32>
      %abs3A_843 = math.absf %sub3A_842 : vector<16xf32>
      %add3A_844 = arith.addf %add3A_837, %abs3A_843 : vector<16xf32>
      %get3A_845 = arith.constant 195 : i32
      %get3A_846 = arith.index_cast %get3A_845 : i32 to index
      %get3A_847 = arith.constant 80 : index
      %get3A_848 = tpu.vector_load %arg21[%get3A_846, %get3A_847] {strides = array<i32>} : memref<200x128xf32, #tpu.memory_space<vmem>>, vector<16xf32>,
      %sub3A_849 = arith.subf %add3A_359, %get3A_848 : vector<16xf32>
      %abs3A_850 = math.absf %sub3A_849 : vector<16xf32>
      %add3A_851 = arith.addf %add3A_844, %abs3A_850 : vector<16xf32>
      %get3A_852 = arith.constant 195 : i32
      %get3A_853 = arith.index_cast %get3A_852 : i32 to index
      %get3A_854 = arith.constant 80 : index
      %get3A_855 = tpu.vector_load %arg22[%get3A_853, %get3A_854] {strides = array<i32>} : memref<200x128xf32, #tpu.memory_space<vmem>>, vector<16xf32>,
      %sub3A_856 = arith.subf %get3A_391, %get3A_855 : vector<16xf32>
      %abs3A_857 = math.absf %sub3A_856 : vector<16xf32>
      %add3A_858 = arith.addf %add3A_851, %abs3A_857 : vector<16xf32>
      %get3A_859 = arith.constant 195 : i32
      %get3A_860 = arith.index_cast %get3A_859 : i32 to index
      %get3A_861 = arith.constant 96 : index
      %get3A_862 = tpu.vector_load %arg21[%get3A_860, %get3A_861] {strides = array<i32>} : memref<200x128xf32, #tpu.memory_space<vmem>>, vector<16xf32>,
      %sub3A_863 = arith.subf %add3A_366, %get3A_862 : vector<16xf32>
      %abs3A_864 = math.absf %sub3A_863 : vector<16xf32>
      %add3A_865 = arith.addf %add3A_858, %abs3A_864 : vector<16xf32>
      %get3A_866 = arith.constant 195 : i32
      %get3A_867 = arith.index_cast %get3A_866 : i32 to index
      %get3A_868 = arith.constant 96 : index
      %get3A_869 = tpu.vector_load %arg22[%get3A_867, %get3A_868] {strides = array<i32>} : memref<200x128xf32, #tpu.memory_space<vmem>>, vector<16xf32>,
      %sub3A_870 = arith.subf %get3A_394, %get3A_869 : vector<16xf32>
      %abs3A_871 = math.absf %sub3A_870 : vector<16xf32>
      %add3A_872 = arith.addf %add3A_865, %abs3A_871 : vector<16xf32>
      %get3A_873 = arith.constant 195 : i32
      %get3A_874 = arith.index_cast %get3A_873 : i32 to index
      %get3A_875 = arith.constant 112 : index
      %get3A_876 = tpu.vector_load %arg21[%get3A_874, %get3A_875] {strides = array<i32>} : memref<200x128xf32, #tpu.memory_space<vmem>>, vector<16xf32>,
      %sub3A_877 = arith.subf %add3A_373, %get3A_876 : vector<16xf32>
      %abs3A_878 = math.absf %sub3A_877 : vector<16xf32>
      %add3A_879 = arith.addf %add3A_872, %abs3A_878 : vector<16xf32>
      %get3A_880 = arith.constant 195 : i32
      %get3A_881 = arith.index_cast %get3A_880 : i32 to index
      %get3A_882 = arith.constant 112 : index
      %get3A_883 = tpu.vector_load %arg22[%get3A_881, %get3A_882] {strides = array<i32>} : memref<200x128xf32, #tpu.memory_space<vmem>>, vector<16xf32>,
      %sub3A_884 = arith.subf %get3A_397, %get3A_883 : vector<16xf32>
      %abs3A_885 = math.absf %sub3A_884 : vector<16xf32>
      %add3A_886 = arith.addf %add3A_879, %abs3A_885 : vector<16xf32>
      %reduce_sum3A_887 = arith.constant true
      %reduce_sum3A_888 = vector.broadcast %reduce_sum3A_887 : i1 to vector<16xi1>
      %reduce_sum3A_889 = tpu.scan <sum>, %add3A_886 masked %reduce_sum3A_888 : vector<16xf32>, vector<16xi1> -> vector<16xf32>
      %reduce_sum3A_890 = vector.extract %reduce_sum3A_889[15] : f32 from vector<16xf32>
      %broadcast_in_dim3A_891 = vector.broadcast %reduce_sum3A_890 : f32 to vector<16xf32>
      %select_n3A_892 = arith.select %eq3A_11, %broadcast_in_dim3A_891, %select_n3A_775 : vector<16xi1>, vector<16xf32>
      %get3A_893 = arith.constant 196 : i32
      %get3A_894 = arith.index_cast %get3A_893 : i32 to index
      %get3A_895 = arith.constant 0 : index
      %get3A_896 = tpu.vector_load %arg21[%get3A_894, %get3A_895] {strides = array<i32>} : memref<200x128xf32, #tpu.memory_space<vmem>>, vector<16xf32>,
      %sub3A_897 = arith.subf %add3A_324, %get3A_896 : vector<16xf32>
      %abs3A_898 = math.absf %sub3A_897 : vector<16xf32>
      %get3A_899 = arith.constant 196 : i32
      %get3A_900 = arith.index_cast %get3A_899 : i32 to index
      %get3A_901 = arith.constant 0 : index
      %get3A_902 = tpu.vector_load %arg22[%get3A_900, %get3A_901] {strides = array<i32>} : memref<200x128xf32, #tpu.memory_space<vmem>>, vector<16xf32>,
      %sub3A_903 = arith.subf %get3A_376, %get3A_902 : vector<16xf32>
      %abs3A_904 = math.absf %sub3A_903 : vector<16xf32>
      %add3A_905 = arith.addf %abs3A_898, %abs3A_904 : vector<16xf32>
      %get3A_906 = arith.constant 196 : i32
      %get3A_907 = arith.index_cast %get3A_906 : i32 to index
      %get3A_908 = arith.constant 16 : index
      %get3A_909 = tpu.vector_load %arg21[%get3A_907, %get3A_908] {strides = array<i32>} : memref<200x128xf32, #tpu.memory_space<vmem>>, vector<16xf32>,
      %sub3A_910 = arith.subf %add3A_331, %get3A_909 : vector<16xf32>
      %abs3A_911 = math.absf %sub3A_910 : vector<16xf32>
      %add3A_912 = arith.addf %add3A_905, %abs3A_911 : vector<16xf32>
      %get3A_913 = arith.constant 196 : i32
      %get3A_914 = arith.index_cast %get3A_913 : i32 to index
      %get3A_915 = arith.constant 16 : index
      %get3A_916 = tpu.vector_load %arg22[%get3A_914, %get3A_915] {strides = array<i32>} : memref<200x128xf32, #tpu.memory_space<vmem>>, vector<16xf32>,
      %sub3A_917 = arith.subf %get3A_379, %get3A_916 : vector<16xf32>
      %abs3A_918 = math.absf %sub3A_917 : vector<16xf32>
      %add3A_919 = arith.addf %add3A_912, %abs3A_918 : vector<16xf32>
      %get3A_920 = arith.constant 196 : i32
      %get3A_921 = arith.index_cast %get3A_920 : i32 to index
      %get3A_922 = arith.constant 32 : index
      %get3A_923 = tpu.vector_load %arg21[%get3A_921, %get3A_922] {strides = array<i32>} : memref<200x128xf32, #tpu.memory_space<vmem>>, vector<16xf32>,
      %sub3A_924 = arith.subf %add3A_338, %get3A_923 : vector<16xf32>
      %abs3A_925 = math.absf %sub3A_924 : vector<16xf32>
      %add3A_926 = arith.addf %add3A_919, %abs3A_925 : vector<16xf32>
      %get3A_927 = arith.constant 196 : i32
      %get3A_928 = arith.index_cast %get3A_927 : i32 to index
      %get3A_929 = arith.constant 32 : index
      %get3A_930 = tpu.vector_load %arg22[%get3A_928, %get3A_929] {strides = array<i32>} : memref<200x128xf32, #tpu.memory_space<vmem>>, vector<16xf32>,
      %sub3A_931 = arith.subf %get3A_382, %get3A_930 : vector<16xf32>
      %abs3A_932 = math.absf %sub3A_931 : vector<16xf32>
      %add3A_933 = arith.addf %add3A_926, %abs3A_932 : vector<16xf32>
      %get3A_934 = arith.constant 196 : i32
      %get3A_935 = arith.index_cast %get3A_934 : i32 to index
      %get3A_936 = arith.constant 48 : index
      %get3A_937 = tpu.vector_load %arg21[%get3A_935, %get3A_936] {strides = array<i32>} : memref<200x128xf32, #tpu.memory_space<vmem>>, vector<16xf32>,
      %sub3A_938 = arith.subf %add3A_345, %get3A_937 : vector<16xf32>
      %abs3A_939 = math.absf %sub3A_938 : vector<16xf32>
      %add3A_940 = arith.addf %add3A_933, %abs3A_939 : vector<16xf32>
      %get3A_941 = arith.constant 196 : i32
      %get3A_942 = arith.index_cast %get3A_941 : i32 to index
      %get3A_943 = arith.constant 48 : index
      %get3A_944 = tpu.vector_load %arg22[%get3A_942, %get3A_943] {strides = array<i32>} : memref<200x128xf32, #tpu.memory_space<vmem>>, vector<16xf32>,
      %sub3A_945 = arith.subf %get3A_385, %get3A_944 : vector<16xf32>
      %abs3A_946 = math.absf %sub3A_945 : vector<16xf32>
      %add3A_947 = arith.addf %add3A_940, %abs3A_946 : vector<16xf32>
      %get3A_948 = arith.constant 196 : i32
      %get3A_949 = arith.index_cast %get3A_948 : i32 to index
      %get3A_950 = arith.constant 64 : index
      %get3A_951 = tpu.vector_load %arg21[%get3A_949, %get3A_950] {strides = array<i32>} : memref<200x128xf32, #tpu.memory_space<vmem>>, vector<16xf32>,
      %sub3A_952 = arith.subf %add3A_352, %get3A_951 : vector<16xf32>
      %abs3A_953 = math.absf %sub3A_952 : vector<16xf32>
      %add3A_954 = arith.addf %add3A_947, %abs3A_953 : vector<16xf32>
      %get3A_955 = arith.constant 196 : i32
      %get3A_956 = arith.index_cast %get3A_955 : i32 to index
      %get3A_957 = arith.constant 64 : index
      %get3A_958 = tpu.vector_load %arg22[%get3A_956, %get3A_957] {strides = array<i32>} : memref<200x128xf32, #tpu.memory_space<vmem>>, vector<16xf32>,
      %sub3A_959 = arith.subf %get3A_388, %get3A_958 : vector<16xf32>
      %abs3A_960 = math.absf %sub3A_959 : vector<16xf32>
      %add3A_961 = arith.addf %add3A_954, %abs3A_960 : vector<16xf32>
      %get3A_962 = arith.constant 196 : i32
      %get3A_963 = arith.index_cast %get3A_962 : i32 to index
      %get3A_964 = arith.constant 80 : index
      %get3A_965 = tpu.vector_load %arg21[%get3A_963, %get3A_964] {strides = array<i32>} : memref<200x128xf32, #tpu.memory_space<vmem>>, vector<16xf32>,
      %sub3A_966 = arith.subf %add3A_359, %get3A_965 : vector<16xf32>
      %abs3A_967 = math.absf %sub3A_966 : vector<16xf32>
      %add3A_968 = arith.addf %add3A_961, %abs3A_967 : vector<16xf32>
      %get3A_969 = arith.constant 196 : i32
      %get3A_970 = arith.index_cast %get3A_969 : i32 to index
      %get3A_971 = arith.constant 80 : index
      %get3A_972 = tpu.vector_load %arg22[%get3A_970, %get3A_971] {strides = array<i32>} : memref<200x128xf32, #tpu.memory_space<vmem>>, vector<16xf32>,
      %sub3A_973 = arith.subf %get3A_391, %get3A_972 : vector<16xf32>
      %abs3A_974 = math.absf %sub3A_973 : vector<16xf32>
      %add3A_975 = arith.addf %add3A_968, %abs3A_974 : vector<16xf32>
      %get3A_976 = arith.constant 196 : i32
      %get3A_977 = arith.index_cast %get3A_976 : i32 to index
      %get3A_978 = arith.constant 96 : index
      %get3A_979 = tpu.vector_load %arg21[%get3A_977, %get3A_978] {strides = array<i32>} : memref<200x128xf32, #tpu.memory_space<vmem>>, vector<16xf32>,
      %sub3A_980 = arith.subf %add3A_366, %get3A_979 : vector<16xf32>
      %abs3A_981 = math.absf %sub3A_980 : vector<16xf32>
      %add3A_982 = arith.addf %add3A_975, %abs3A_981 : vector<16xf32>
      %get3A_983 = arith.constant 196 : i32
      %get3A_984 = arith.index_cast %get3A_983 : i32 to index
      %get3A_985 = arith.constant 96 : index
      %get3A_986 = tpu.vector_load %arg22[%get3A_984, %get3A_985] {strides = array<i32>} : memref<200x128xf32, #tpu.memory_space<vmem>>, vector<16xf32>,
      %sub3A_987 = arith.subf %get3A_394, %get3A_986 : vector<16xf32>
      %abs3A_988 = math.absf %sub3A_987 : vector<16xf32>
      %add3A_989 = arith.addf %add3A_982, %abs3A_988 : vector<16xf32>
      %get3A_990 = arith.constant 196 : i32
      %get3A_991 = arith.index_cast %get3A_990 : i32 to index
      %get3A_992 = arith.constant 112 : index
      %get3A_993 = tpu.vector_load %arg21[%get3A_991, %get3A_992] {strides = array<i32>} : memref<200x128xf32, #tpu.memory_space<vmem>>, vector<16xf32>,
      %sub3A_994 = arith.subf %add3A_373, %get3A_993 : vector<16xf32>
      %abs3A_995 = math.absf %sub3A_994 : vector<16xf32>
      %add3A_996 = arith.addf %add3A_989, %abs3A_995 : vector<16xf32>
      %get3A_997 = arith.constant 196 : i32
      %get3A_998 = arith.index_cast %get3A_997 : i32 to index
      %get3A_999 = arith.constant 112 : index
      %get3A_1000 = tpu.vector_load %arg22[%get3A_998, %get3A_999] {strides = array<i32>} : memref<200x128xf32, #tpu.memory_space<vmem>>, vector<16xf32>,
      %sub3A_1001 = arith.subf %get3A_397, %get3A_1000 : vector<16xf32>
      %abs3A_1002 = math.absf %sub3A_1001 : vector<16xf32>
      %add3A_1003 = arith.addf %add3A_996, %abs3A_1002 : vector<16xf32>
      %reduce_sum3A_1004 = arith.constant true
      %reduce_sum3A_1005 = vector.broadcast %reduce_sum3A_1004 : i1 to vector<16xi1>
      %reduce_sum3A_1006 = tpu.scan <sum>, %add3A_1003 masked %reduce_sum3A_1005 : vector<16xf32>, vector<16xi1> -> vector<16xf32>
      %reduce_sum3A_1007 = vector.extract %reduce_sum3A_1006[15] : f32 from vector<16xf32>
      %broadcast_in_dim3A_1008 = vector.broadcast %reduce_sum3A_1007 : f32 to vector<16xf32>
      %select_n3A_1009 = arith.select %eq3A_14, %broadcast_in_dim3A_1008, %select_n3A_892 : vector<16xi1>, vector<16xf32>
      %get3A_1010 = arith.constant 197 : i32
      %get3A_1011 = arith.index_cast %get3A_1010 : i32 to index
      %get3A_1012 = arith.constant 0 : index
      %get3A_1013 = tpu.vector_load %arg21[%get3A_1011, %get3A_1012] {strides = array<i32>} : memref<200x128xf32, #tpu.memory_space<vmem>>, vector<16xf32>,
      %sub3A_1014 = arith.subf %add3A_324, %get3A_1013 : vector<16xf32>
      %abs3A_1015 = math.absf %sub3A_1014 : vector<16xf32>
      %get3A_1016 = arith.constant 197 : i32
      %get3A_1017 = arith.index_cast %get3A_1016 : i32 to index
      %get3A_1018 = arith.constant 0 : index
      %get3A_1019 = tpu.vector_load %arg22[%get3A_1017, %get3A_1018] {strides = array<i32>} : memref<200x128xf32, #tpu.memory_space<vmem>>, vector<16xf32>,
      %sub3A_1020 = arith.subf %get3A_376, %get3A_1019 : vector<16xf32>
      %abs3A_1021 = math.absf %sub3A_1020 : vector<16xf32>
      %add3A_1022 = arith.addf %abs3A_1015, %abs3A_1021 : vector<16xf32>
      %get3A_1023 = arith.constant 197 : i32
      %get3A_1024 = arith.index_cast %get3A_1023 : i32 to index
      %get3A_1025 = arith.constant 16 : index
      %get3A_1026 = tpu.vector_load %arg21[%get3A_1024, %get3A_1025] {strides = array<i32>} : memref<200x128xf32, #tpu.memory_space<vmem>>, vector<16xf32>,
      %sub3A_1027 = arith.subf %add3A_331, %get3A_1026 : vector<16xf32>
      %abs3A_1028 = math.absf %sub3A_1027 : vector<16xf32>
      %add3A_1029 = arith.addf %add3A_1022, %abs3A_1028 : vector<16xf32>
      %get3A_1030 = arith.constant 197 : i32
      %get3A_1031 = arith.index_cast %get3A_1030 : i32 to index
      %get3A_1032 = arith.constant 16 : index
      %get3A_1033 = tpu.vector_load %arg22[%get3A_1031, %get3A_1032] {strides = array<i32>} : memref<200x128xf32, #tpu.memory_space<vmem>>, vector<16xf32>,
      %sub3A_1034 = arith.subf %get3A_379, %get3A_1033 : vector<16xf32>
      %abs3A_1035 = math.absf %sub3A_1034 : vector<16xf32>
      %add3A_1036 = arith.addf %add3A_1029, %abs3A_1035 : vector<16xf32>
      %get3A_1037 = arith.constant 197 : i32
      %get3A_1038 = arith.index_cast %get3A_1037 : i32 to index
      %get3A_1039 = arith.constant 32 : index
      %get3A_1040 = tpu.vector_load %arg21[%get3A_1038, %get3A_1039] {strides = array<i32>} : memref<200x128xf32, #tpu.memory_space<vmem>>, vector<16xf32>,
      %sub3A_1041 = arith.subf %add3A_338, %get3A_1040 : vector<16xf32>
      %abs3A_1042 = math.absf %sub3A_1041 : vector<16xf32>
      %add3A_1043 = arith.addf %add3A_1036, %abs3A_1042 : vector<16xf32>
      %get3A_1044 = arith.constant 197 : i32
      %get3A_1045 = arith.index_cast %get3A_1044 : i32 to index
      %get3A_1046 = arith.constant 32 : index
      %get3A_1047 = tpu.vector_load %arg22[%get3A_1045, %get3A_1046] {strides = array<i32>} : memref<200x128xf32, #tpu.memory_space<vmem>>, vector<16xf32>,
      %sub3A_1048 = arith.subf %get3A_382, %get3A_1047 : vector<16xf32>
      %abs3A_1049 = math.absf %sub3A_1048 : vector<16xf32>
      %add3A_1050 = arith.addf %add3A_1043, %abs3A_1049 : vector<16xf32>
      %get3A_1051 = arith.constant 197 : i32
      %get3A_1052 = arith.index_cast %get3A_1051 : i32 to index
      %get3A_1053 = arith.constant 48 : index
      %get3A_1054 = tpu.vector_load %arg21[%get3A_1052, %get3A_1053] {strides = array<i32>} : memref<200x128xf32, #tpu.memory_space<vmem>>, vector<16xf32>,
      %sub3A_1055 = arith.subf %add3A_345, %get3A_1054 : vector<16xf32>
      %abs3A_1056 = math.absf %sub3A_1055 : vector<16xf32>
      %add3A_1057 = arith.addf %add3A_1050, %abs3A_1056 : vector<16xf32>
      %get3A_1058 = arith.constant 197 : i32
      %get3A_1059 = arith.index_cast %get3A_1058 : i32 to index
      %get3A_1060 = arith.constant 48 : index
      %get3A_1061 = tpu.vector_load %arg22[%get3A_1059, %get3A_1060] {strides = array<i32>} : memref<200x128xf32, #tpu.memory_space<vmem>>, vector<16xf32>,
      %sub3A_1062 = arith.subf %get3A_385, %get3A_1061 : vector<16xf32>
      %abs3A_1063 = math.absf %sub3A_1062 : vector<16xf32>
      %add3A_1064 = arith.addf %add3A_1057, %abs3A_1063 : vector<16xf32>
      %get3A_1065 = arith.constant 197 : i32
      %get3A_1066 = arith.index_cast %get3A_1065 : i32 to index
      %get3A_1067 = arith.constant 64 : index
      %get3A_1068 = tpu.vector_load %arg21[%get3A_1066, %get3A_1067] {strides = array<i32>} : memref<200x128xf32, #tpu.memory_space<vmem>>, vector<16xf32>,
      %sub3A_1069 = arith.subf %add3A_352, %get3A_1068 : vector<16xf32>
      %abs3A_1070 = math.absf %sub3A_1069 : vector<16xf32>
      %add3A_1071 = arith.addf %add3A_1064, %abs3A_1070 : vector<16xf32>
      %get3A_1072 = arith.constant 197 : i32
      %get3A_1073 = arith.index_cast %get3A_1072 : i32 to index
      %get3A_1074 = arith.constant 64 : index
      %get3A_1075 = tpu.vector_load %arg22[%get3A_1073, %get3A_1074] {strides = array<i32>} : memref<200x128xf32, #tpu.memory_space<vmem>>, vector<16xf32>,
      %sub3A_1076 = arith.subf %get3A_388, %get3A_1075 : vector<16xf32>
      %abs3A_1077 = math.absf %sub3A_1076 : vector<16xf32>
      %add3A_1078 = arith.addf %add3A_1071, %abs3A_1077 : vector<16xf32>
      %get3A_1079 = arith.constant 197 : i32
      %get3A_1080 = arith.index_cast %get3A_1079 : i32 to index
      %get3A_1081 = arith.constant 80 : index
      %get3A_1082 = tpu.vector_load %arg21[%get3A_1080, %get3A_1081] {strides = array<i32>} : memref<200x128xf32, #tpu.memory_space<vmem>>, vector<16xf32>,
      %sub3A_1083 = arith.subf %add3A_359, %get3A_1082 : vector<16xf32>
      %abs3A_1084 = math.absf %sub3A_1083 : vector<16xf32>
      %add3A_1085 = arith.addf %add3A_1078, %abs3A_1084 : vector<16xf32>
      %get3A_1086 = arith.constant 197 : i32
      %get3A_1087 = arith.index_cast %get3A_1086 : i32 to index
      %get3A_1088 = arith.constant 80 : index
      %get3A_1089 = tpu.vector_load %arg22[%get3A_1087, %get3A_1088] {strides = array<i32>} : memref<200x128xf32, #tpu.memory_space<vmem>>, vector<16xf32>,
      %sub3A_1090 = arith.subf %get3A_391, %get3A_1089 : vector<16xf32>
      %abs3A_1091 = math.absf %sub3A_1090 : vector<16xf32>
      %add3A_1092 = arith.addf %add3A_1085, %abs3A_1091 : vector<16xf32>
      %get3A_1093 = arith.constant 197 : i32
      %get3A_1094 = arith.index_cast %get3A_1093 : i32 to index
      %get3A_1095 = arith.constant 96 : index
      %get3A_1096 = tpu.vector_load %arg21[%get3A_1094, %get3A_1095] {strides = array<i32>} : memref<200x128xf32, #tpu.memory_space<vmem>>, vector<16xf32>,
      %sub3A_1097 = arith.subf %add3A_366, %get3A_1096 : vector<16xf32>
      %abs3A_1098 = math.absf %sub3A_1097 : vector<16xf32>
      %add3A_1099 = arith.addf %add3A_1092, %abs3A_1098 : vector<16xf32>
      %get3A_1100 = arith.constant 197 : i32
      %get3A_1101 = arith.index_cast %get3A_1100 : i32 to index
      %get3A_1102 = arith.constant 96 : index
      %get3A_1103 = tpu.vector_load %arg22[%get3A_1101, %get3A_1102] {strides = array<i32>} : memref<200x128xf32, #tpu.memory_space<vmem>>, vector<16xf32>,
      %sub3A_1104 = arith.subf %get3A_394, %get3A_1103 : vector<16xf32>
      %abs3A_1105 = math.absf %sub3A_1104 : vector<16xf32>
      %add3A_1106 = arith.addf %add3A_1099, %abs3A_1105 : vector<16xf32>
      %get3A_1107 = arith.constant 197 : i32
      %get3A_1108 = arith.index_cast %get3A_1107 : i32 to index
      %get3A_1109 = arith.constant 112 : index
      %get3A_1110 = tpu.vector_load %arg21[%get3A_1108, %get3A_1109] {strides = array<i32>} : memref<200x128xf32, #tpu.memory_space<vmem>>, vector<16xf32>,
      %sub3A_1111 = arith.subf %add3A_373, %get3A_1110 : vector<16xf32>
      %abs3A_1112 = math.absf %sub3A_1111 : vector<16xf32>
      %add3A_1113 = arith.addf %add3A_1106, %abs3A_1112 : vector<16xf32>
      %get3A_1114 = arith.constant 197 : i32
      %get3A_1115 = arith.index_cast %get3A_1114 : i32 to index
      %get3A_1116 = arith.constant 112 : index
      %get3A_1117 = tpu.vector_load %arg22[%get3A_1115, %get3A_1116] {strides = array<i32>} : memref<200x128xf32, #tpu.memory_space<vmem>>, vector<16xf32>,
      %sub3A_1118 = arith.subf %get3A_397, %get3A_1117 : vector<16xf32>
      %abs3A_1119 = math.absf %sub3A_1118 : vector<16xf32>
      %add3A_1120 = arith.addf %add3A_1113, %abs3A_1119 : vector<16xf32>
      %reduce_sum3A_1121 = arith.constant true
      %reduce_sum3A_1122 = vector.broadcast %reduce_sum3A_1121 : i1 to vector<16xi1>
      %reduce_sum3A_1123 = tpu.scan <sum>, %add3A_1120 masked %reduce_sum3A_1122 : vector<16xf32>, vector<16xi1> -> vector<16xf32>
      %reduce_sum3A_1124 = vector.extract %reduce_sum3A_1123[15] : f32 from vector<16xf32>
      %broadcast_in_dim3A_1125 = vector.broadcast %reduce_sum3A_1124 : f32 to vector<16xf32>
      %select_n3A_1126 = arith.select %eq3A_17, %broadcast_in_dim3A_1125, %select_n3A_1009 : vector<16xi1>, vector<16xf32>
      %get3A_1127 = arith.constant 198 : i32
      %get3A_1128 = arith.index_cast %get3A_1127 : i32 to index
      %get3A_1129 = arith.constant 0 : index
      %get3A_1130 = tpu.vector_load %arg21[%get3A_1128, %get3A_1129] {strides = array<i32>} : memref<200x128xf32, #tpu.memory_space<vmem>>, vector<16xf32>,
      %sub3A_1131 = arith.subf %add3A_324, %get3A_1130 : vector<16xf32>
      %abs3A_1132 = math.absf %sub3A_1131 : vector<16xf32>
      %get3A_1133 = arith.constant 198 : i32
      %get3A_1134 = arith.index_cast %get3A_1133 : i32 to index
      %get3A_1135 = arith.constant 0 : index
      %get3A_1136 = tpu.vector_load %arg22[%get3A_1134, %get3A_1135] {strides = array<i32>} : memref<200x128xf32, #tpu.memory_space<vmem>>, vector<16xf32>,
      %sub3A_1137 = arith.subf %get3A_376, %get3A_1136 : vector<16xf32>
      %abs3A_1138 = math.absf %sub3A_1137 : vector<16xf32>
      %add3A_1139 = arith.addf %abs3A_1132, %abs3A_1138 : vector<16xf32>
      %get3A_1140 = arith.constant 198 : i32
      %get3A_1141 = arith.index_cast %get3A_1140 : i32 to index
      %get3A_1142 = arith.constant 16 : index
      %get3A_1143 = tpu.vector_load %arg21[%get3A_1141, %get3A_1142] {strides = array<i32>} : memref<200x128xf32, #tpu.memory_space<vmem>>, vector<16xf32>,
      %sub3A_1144 = arith.subf %add3A_331, %get3A_1143 : vector<16xf32>
      %abs3A_1145 = math.absf %sub3A_1144 : vector<16xf32>
      %add3A_1146 = arith.addf %add3A_1139, %abs3A_1145 : vector<16xf32>
      %get3A_1147 = arith.constant 198 : i32
      %get3A_1148 = arith.index_cast %get3A_1147 : i32 to index
      %get3A_1149 = arith.constant 16 : index
      %get3A_1150 = tpu.vector_load %arg22[%get3A_1148, %get3A_1149] {strides = array<i32>} : memref<200x128xf32, #tpu.memory_space<vmem>>, vector<16xf32>,
      %sub3A_1151 = arith.subf %get3A_379, %get3A_1150 : vector<16xf32>
      %abs3A_1152 = math.absf %sub3A_1151 : vector<16xf32>
      %add3A_1153 = arith.addf %add3A_1146, %abs3A_1152 : vector<16xf32>
      %get3A_1154 = arith.constant 198 : i32
      %get3A_1155 = arith.index_cast %get3A_1154 : i32 to index
      %get3A_1156 = arith.constant 32 : index
      %get3A_1157 = tpu.vector_load %arg21[%get3A_1155, %get3A_1156] {strides = array<i32>} : memref<200x128xf32, #tpu.memory_space<vmem>>, vector<16xf32>,
      %sub3A_1158 = arith.subf %add3A_338, %get3A_1157 : vector<16xf32>
      %abs3A_1159 = math.absf %sub3A_1158 : vector<16xf32>
      %add3A_1160 = arith.addf %add3A_1153, %abs3A_1159 : vector<16xf32>
      %get3A_1161 = arith.constant 198 : i32
      %get3A_1162 = arith.index_cast %get3A_1161 : i32 to index
      %get3A_1163 = arith.constant 32 : index
      %get3A_1164 = tpu.vector_load %arg22[%get3A_1162, %get3A_1163] {strides = array<i32>} : memref<200x128xf32, #tpu.memory_space<vmem>>, vector<16xf32>,
      %sub3A_1165 = arith.subf %get3A_382, %get3A_1164 : vector<16xf32>
      %abs3A_1166 = math.absf %sub3A_1165 : vector<16xf32>
      %add3A_1167 = arith.addf %add3A_1160, %abs3A_1166 : vector<16xf32>
      %get3A_1168 = arith.constant 198 : i32
      %get3A_1169 = arith.index_cast %get3A_1168 : i32 to index
      %get3A_1170 = arith.constant 48 : index
      %get3A_1171 = tpu.vector_load %arg21[%get3A_1169, %get3A_1170] {strides = array<i32>} : memref<200x128xf32, #tpu.memory_space<vmem>>, vector<16xf32>,
      %sub3A_1172 = arith.subf %add3A_345, %get3A_1171 : vector<16xf32>
      %abs3A_1173 = math.absf %sub3A_1172 : vector<16xf32>
      %add3A_1174 = arith.addf %add3A_1167, %abs3A_1173 : vector<16xf32>
      %get3A_1175 = arith.constant 198 : i32
      %get3A_1176 = arith.index_cast %get3A_1175 : i32 to index
      %get3A_1177 = arith.constant 48 : index
      %get3A_1178 = tpu.vector_load %arg22[%get3A_1176, %get3A_1177] {strides = array<i32>} : memref<200x128xf32, #tpu.memory_space<vmem>>, vector<16xf32>,
      %sub3A_1179 = arith.subf %get3A_385, %get3A_1178 : vector<16xf32>
      %abs3A_1180 = math.absf %sub3A_1179 : vector<16xf32>
      %add3A_1181 = arith.addf %add3A_1174, %abs3A_1180 : vector<16xf32>
      %get3A_1182 = arith.constant 198 : i32
      %get3A_1183 = arith.index_cast %get3A_1182 : i32 to index
      %get3A_1184 = arith.constant 64 : index
      %get3A_1185 = tpu.vector_load %arg21[%get3A_1183, %get3A_1184] {strides = array<i32>} : memref<200x128xf32, #tpu.memory_space<vmem>>, vector<16xf32>,
      %sub3A_1186 = arith.subf %add3A_352, %get3A_1185 : vector<16xf32>
      %abs3A_1187 = math.absf %sub3A_1186 : vector<16xf32>
      %add3A_1188 = arith.addf %add3A_1181, %abs3A_1187 : vector<16xf32>
      %get3A_1189 = arith.constant 198 : i32
      %get3A_1190 = arith.index_cast %get3A_1189 : i32 to index
      %get3A_1191 = arith.constant 64 : index
      %get3A_1192 = tpu.vector_load %arg22[%get3A_1190, %get3A_1191] {strides = array<i32>} : memref<200x128xf32, #tpu.memory_space<vmem>>, vector<16xf32>,
      %sub3A_1193 = arith.subf %get3A_388, %get3A_1192 : vector<16xf32>
      %abs3A_1194 = math.absf %sub3A_1193 : vector<16xf32>
      %add3A_1195 = arith.addf %add3A_1188, %abs3A_1194 : vector<16xf32>
      %get3A_1196 = arith.constant 198 : i32
      %get3A_1197 = arith.index_cast %get3A_1196 : i32 to index
      %get3A_1198 = arith.constant 80 : index
      %get3A_1199 = tpu.vector_load %arg21[%get3A_1197, %get3A_1198] {strides = array<i32>} : memref<200x128xf32, #tpu.memory_space<vmem>>, vector<16xf32>,
      %sub3A_1200 = arith.subf %add3A_359, %get3A_1199 : vector<16xf32>
      %abs3A_1201 = math.absf %sub3A_1200 : vector<16xf32>
      %add3A_1202 = arith.addf %add3A_1195, %abs3A_1201 : vector<16xf32>
      %get3A_1203 = arith.constant 198 : i32
      %get3A_1204 = arith.index_cast %get3A_1203 : i32 to index
      %get3A_1205 = arith.constant 80 : index
      %get3A_1206 = tpu.vector_load %arg22[%get3A_1204, %get3A_1205] {strides = array<i32>} : memref<200x128xf32, #tpu.memory_space<vmem>>, vector<16xf32>,
      %sub3A_1207 = arith.subf %get3A_391, %get3A_1206 : vector<16xf32>
      %abs3A_1208 = math.absf %sub3A_1207 : vector<16xf32>
      %add3A_1209 = arith.addf %add3A_1202, %abs3A_1208 : vector<16xf32>
      %get3A_1210 = arith.constant 198 : i32
      %get3A_1211 = arith.index_cast %get3A_1210 : i32 to index
      %get3A_1212 = arith.constant 96 : index
      %get3A_1213 = tpu.vector_load %arg21[%get3A_1211, %get3A_1212] {strides = array<i32>} : memref<200x128xf32, #tpu.memory_space<vmem>>, vector<16xf32>,
      %sub3A_1214 = arith.subf %add3A_366, %get3A_1213 : vector<16xf32>
      %abs3A_1215 = math.absf %sub3A_1214 : vector<16xf32>
      %add3A_1216 = arith.addf %add3A_1209, %abs3A_1215 : vector<16xf32>
      %get3A_1217 = arith.constant 198 : i32
      %get3A_1218 = arith.index_cast %get3A_1217 : i32 to index
      %get3A_1219 = arith.constant 96 : index
      %get3A_1220 = tpu.vector_load %arg22[%get3A_1218, %get3A_1219] {strides = array<i32>} : memref<200x128xf32, #tpu.memory_space<vmem>>, vector<16xf32>,
      %sub3A_1221 = arith.subf %get3A_394, %get3A_1220 : vector<16xf32>
      %abs3A_1222 = math.absf %sub3A_1221 : vector<16xf32>
      %add3A_1223 = arith.addf %add3A_1216, %abs3A_1222 : vector<16xf32>
      %get3A_1224 = arith.constant 198 : i32
      %get3A_1225 = arith.index_cast %get3A_1224 : i32 to index
      %get3A_1226 = arith.constant 112 : index
      %get3A_1227 = tpu.vector_load %arg21[%get3A_1225, %get3A_1226] {strides = array<i32>} : memref<200x128xf32, #tpu.memory_space<vmem>>, vector<16xf32>,
      %sub3A_1228 = arith.subf %add3A_373, %get3A_1227 : vector<16xf32>
      %abs3A_1229 = math.absf %sub3A_1228 : vector<16xf32>
      %add3A_1230 = arith.addf %add3A_1223, %abs3A_1229 : vector<16xf32>
      %get3A_1231 = arith.constant 198 : i32
      %get3A_1232 = arith.index_cast %get3A_1231 : i32 to index
      %get3A_1233 = arith.constant 112 : index
      %get3A_1234 = tpu.vector_load %arg22[%get3A_1232, %get3A_1233] {strides = array<i32>} : memref<200x128xf32, #tpu.memory_space<vmem>>, vector<16xf32>,
      %sub3A_1235 = arith.subf %get3A_397, %get3A_1234 : vector<16xf32>
      %abs3A_1236 = math.absf %sub3A_1235 : vector<16xf32>
      %add3A_1237 = arith.addf %add3A_1230, %abs3A_1236 : vector<16xf32>
      %reduce_sum3A_1238 = arith.constant true
      %reduce_sum3A_1239 = vector.broadcast %reduce_sum3A_1238 : i1 to vector<16xi1>
      %reduce_sum3A_1240 = tpu.scan <sum>, %add3A_1237 masked %reduce_sum3A_1239 : vector<16xf32>, vector<16xi1> -> vector<16xf32>
      %reduce_sum3A_1241 = vector.extract %reduce_sum3A_1240[15] : f32 from vector<16xf32>
      %broadcast_in_dim3A_1242 = vector.broadcast %reduce_sum3A_1241 : f32 to vector<16xf32>
      %select_n3A_1243 = arith.select %eq3A_20, %broadcast_in_dim3A_1242, %select_n3A_1126 : vector<16xi1>, vector<16xf32>
      %get3A_1244 = arith.constant 199 : i32
      %get3A_1245 = arith.index_cast %get3A_1244 : i32 to index
      %get3A_1246 = arith.constant 0 : index
      %get3A_1247 = tpu.vector_load %arg21[%get3A_1245, %get3A_1246] {strides = array<i32>} : memref<200x128xf32, #tpu.memory_space<vmem>>, vector<16xf32>,
      %sub3A_1248 = arith.subf %add3A_324, %get3A_1247 : vector<16xf32>
      %abs3A_1249 = math.absf %sub3A_1248 : vector<16xf32>
      %get3A_1250 = arith.constant 199 : i32
      %get3A_1251 = arith.index_cast %get3A_1250 : i32 to index
      %get3A_1252 = arith.constant 0 : index
      %get3A_1253 = tpu.vector_load %arg22[%get3A_1251, %get3A_1252] {strides = array<i32>} : memref<200x128xf32, #tpu.memory_space<vmem>>, vector<16xf32>,
      %sub3A_1254 = arith.subf %get3A_376, %get3A_1253 : vector<16xf32>
      %abs3A_1255 = math.absf %sub3A_1254 : vector<16xf32>
      %add3A_1256 = arith.addf %abs3A_1249, %abs3A_1255 : vector<16xf32>
      %get3A_1257 = arith.constant 199 : i32
      %get3A_1258 = arith.index_cast %get3A_1257 : i32 to index
      %get3A_1259 = arith.constant 16 : index
      %get3A_1260 = tpu.vector_load %arg21[%get3A_1258, %get3A_1259] {strides = array<i32>} : memref<200x128xf32, #tpu.memory_space<vmem>>, vector<16xf32>,
      %sub3A_1261 = arith.subf %add3A_331, %get3A_1260 : vector<16xf32>
      %abs3A_1262 = math.absf %sub3A_1261 : vector<16xf32>
      %add3A_1263 = arith.addf %add3A_1256, %abs3A_1262 : vector<16xf32>
      %get3A_1264 = arith.constant 199 : i32
      %get3A_1265 = arith.index_cast %get3A_1264 : i32 to index
      %get3A_1266 = arith.constant 16 : index
      %get3A_1267 = tpu.vector_load %arg22[%get3A_1265, %get3A_1266] {strides = array<i32>} : memref<200x128xf32, #tpu.memory_space<vmem>>, vector<16xf32>,
      %sub3A_1268 = arith.subf %get3A_379, %get3A_1267 : vector<16xf32>
      %abs3A_1269 = math.absf %sub3A_1268 : vector<16xf32>
      %add3A_1270 = arith.addf %add3A_1263, %abs3A_1269 : vector<16xf32>
      %get3A_1271 = arith.constant 199 : i32
      %get3A_1272 = arith.index_cast %get3A_1271 : i32 to index
      %get3A_1273 = arith.constant 32 : index
      %get3A_1274 = tpu.vector_load %arg21[%get3A_1272, %get3A_1273] {strides = array<i32>} : memref<200x128xf32, #tpu.memory_space<vmem>>, vector<16xf32>,
      %sub3A_1275 = arith.subf %add3A_338, %get3A_1274 : vector<16xf32>
      %abs3A_1276 = math.absf %sub3A_1275 : vector<16xf32>
      %add3A_1277 = arith.addf %add3A_1270, %abs3A_1276 : vector<16xf32>
      %get3A_1278 = arith.constant 199 : i32
      %get3A_1279 = arith.index_cast %get3A_1278 : i32 to index
      %get3A_1280 = arith.constant 32 : index
      %get3A_1281 = tpu.vector_load %arg22[%get3A_1279, %get3A_1280] {strides = array<i32>} : memref<200x128xf32, #tpu.memory_space<vmem>>, vector<16xf32>,
      %sub3A_1282 = arith.subf %get3A_382, %get3A_1281 : vector<16xf32>
      %abs3A_1283 = math.absf %sub3A_1282 : vector<16xf32>
      %add3A_1284 = arith.addf %add3A_1277, %abs3A_1283 : vector<16xf32>
      %get3A_1285 = arith.constant 199 : i32
      %get3A_1286 = arith.index_cast %get3A_1285 : i32 to index
      %get3A_1287 = arith.constant 48 : index
      %get3A_1288 = tpu.vector_load %arg21[%get3A_1286, %get3A_1287] {strides = array<i32>} : memref<200x128xf32, #tpu.memory_space<vmem>>, vector<16xf32>,
      %sub3A_1289 = arith.subf %add3A_345, %get3A_1288 : vector<16xf32>
      %abs3A_1290 = math.absf %sub3A_1289 : vector<16xf32>
      %add3A_1291 = arith.addf %add3A_1284, %abs3A_1290 : vector<16xf32>
      %get3A_1292 = arith.constant 199 : i32
      %get3A_1293 = arith.index_cast %get3A_1292 : i32 to index
      %get3A_1294 = arith.constant 48 : index
      %get3A_1295 = tpu.vector_load %arg22[%get3A_1293, %get3A_1294] {strides = array<i32>} : memref<200x128xf32, #tpu.memory_space<vmem>>, vector<16xf32>,
      %sub3A_1296 = arith.subf %get3A_385, %get3A_1295 : vector<16xf32>
      %abs3A_1297 = math.absf %sub3A_1296 : vector<16xf32>
      %add3A_1298 = arith.addf %add3A_1291, %abs3A_1297 : vector<16xf32>
      %get3A_1299 = arith.constant 199 : i32
      %get3A_1300 = arith.index_cast %get3A_1299 : i32 to index
      %get3A_1301 = arith.constant 64 : index
      %get3A_1302 = tpu.vector_load %arg21[%get3A_1300, %get3A_1301] {strides = array<i32>} : memref<200x128xf32, #tpu.memory_space<vmem>>, vector<16xf32>,
      %sub3A_1303 = arith.subf %add3A_352, %get3A_1302 : vector<16xf32>
      %abs3A_1304 = math.absf %sub3A_1303 : vector<16xf32>
      %add3A_1305 = arith.addf %add3A_1298, %abs3A_1304 : vector<16xf32>
      %get3A_1306 = arith.constant 199 : i32
      %get3A_1307 = arith.index_cast %get3A_1306 : i32 to index
      %get3A_1308 = arith.constant 64 : index
      %get3A_1309 = tpu.vector_load %arg22[%get3A_1307, %get3A_1308] {strides = array<i32>} : memref<200x128xf32, #tpu.memory_space<vmem>>, vector<16xf32>,
      %sub3A_1310 = arith.subf %get3A_388, %get3A_1309 : vector<16xf32>
      %abs3A_1311 = math.absf %sub3A_1310 : vector<16xf32>
      %add3A_1312 = arith.addf %add3A_1305, %abs3A_1311 : vector<16xf32>
      %get3A_1313 = arith.constant 199 : i32
      %get3A_1314 = arith.index_cast %get3A_1313 : i32 to index
      %get3A_1315 = arith.constant 80 : index
      %get3A_1316 = tpu.vector_load %arg21[%get3A_1314, %get3A_1315] {strides = array<i32>} : memref<200x128xf32, #tpu.memory_space<vmem>>, vector<16xf32>,
      %sub3A_1317 = arith.subf %add3A_359, %get3A_1316 : vector<16xf32>
      %abs3A_1318 = math.absf %sub3A_1317 : vector<16xf32>
      %add3A_1319 = arith.addf %add3A_1312, %abs3A_1318 : vector<16xf32>
      %get3A_1320 = arith.constant 199 : i32
      %get3A_1321 = arith.index_cast %get3A_1320 : i32 to index
      %get3A_1322 = arith.constant 80 : index
      %get3A_1323 = tpu.vector_load %arg22[%get3A_1321, %get3A_1322] {strides = array<i32>} : memref<200x128xf32, #tpu.memory_space<vmem>>, vector<16xf32>,
      %sub3A_1324 = arith.subf %get3A_391, %get3A_1323 : vector<16xf32>
      %abs3A_1325 = math.absf %sub3A_1324 : vector<16xf32>
      %add3A_1326 = arith.addf %add3A_1319, %abs3A_1325 : vector<16xf32>
      %get3A_1327 = arith.constant 199 : i32
      %get3A_1328 = arith.index_cast %get3A_1327 : i32 to index
      %get3A_1329 = arith.constant 96 : index
      %get3A_1330 = tpu.vector_load %arg21[%get3A_1328, %get3A_1329] {strides = array<i32>} : memref<200x128xf32, #tpu.memory_space<vmem>>, vector<16xf32>,
      %sub3A_1331 = arith.subf %add3A_366, %get3A_1330 : vector<16xf32>
      %abs3A_1332 = math.absf %sub3A_1331 : vector<16xf32>
      %add3A_1333 = arith.addf %add3A_1326, %abs3A_1332 : vector<16xf32>
      %get3A_1334 = arith.constant 199 : i32
      %get3A_1335 = arith.index_cast %get3A_1334 : i32 to index
      %get3A_1336 = arith.constant 96 : index
      %get3A_1337 = tpu.vector_load %arg22[%get3A_1335, %get3A_1336] {strides = array<i32>} : memref<200x128xf32, #tpu.memory_space<vmem>>, vector<16xf32>,
      %sub3A_1338 = arith.subf %get3A_394, %get3A_1337 : vector<16xf32>
      %abs3A_1339 = math.absf %sub3A_1338 : vector<16xf32>
      %add3A_1340 = arith.addf %add3A_1333, %abs3A_1339 : vector<16xf32>
      %get3A_1341 = arith.constant 199 : i32
      %get3A_1342 = arith.index_cast %get3A_1341 : i32 to index
      %get3A_1343 = arith.constant 112 : index
      %get3A_1344 = tpu.vector_load %arg21[%get3A_1342, %get3A_1343] {strides = array<i32>} : memref<200x128xf32, #tpu.memory_space<vmem>>, vector<16xf32>,
      %sub3A_1345 = arith.subf %add3A_373, %get3A_1344 : vector<16xf32>
      %abs3A_1346 = math.absf %sub3A_1345 : vector<16xf32>
      %add3A_1347 = arith.addf %add3A_1340, %abs3A_1346 : vector<16xf32>
      %get3A_1348 = arith.constant 199 : i32
      %get3A_1349 = arith.index_cast %get3A_1348 : i32 to index
      %get3A_1350 = arith.constant 112 : index
      %get3A_1351 = tpu.vector_load %arg22[%get3A_1349, %get3A_1350] {strides = array<i32>} : memref<200x128xf32, #tpu.memory_space<vmem>>, vector<16xf32>,
      %sub3A_1352 = arith.subf %get3A_397, %get3A_1351 : vector<16xf32>
      %abs3A_1353 = math.absf %sub3A_1352 : vector<16xf32>
      %add3A_1354 = arith.addf %add3A_1347, %abs3A_1353 : vector<16xf32>
      %reduce_sum3A_1355 = arith.constant true
      %reduce_sum3A_1356 = vector.broadcast %reduce_sum3A_1355 : i1 to vector<16xi1>
      %reduce_sum3A_1357 = tpu.scan <sum>, %add3A_1354 masked %reduce_sum3A_1356 : vector<16xf32>, vector<16xi1> -> vector<16xf32>
      %reduce_sum3A_1358 = vector.extract %reduce_sum3A_1357[15] : f32 from vector<16xf32>
      %broadcast_in_dim3A_1359 = vector.broadcast %reduce_sum3A_1358 : f32 to vector<16xf32>
      %select_n3A_1360 = arith.select %eq3A_23, %broadcast_in_dim3A_1359, %select_n3A_1243 : vector<16xi1>, vector<16xf32>
      %get3A_1361 = arith.constant 199 : i32
      %get3A_1362 = arith.index_cast %get3A_1361 : i32 to index
      %get3A_1363 = arith.constant 0 : index
      %get3A_1364 = tpu.vector_load %arg21[%get3A_1362, %get3A_1363] {strides = array<i32>} : memref<200x128xf32, #tpu.memory_space<vmem>>, vector<16xf32>,
      %sub3A_1365 = arith.subf %add3A_324, %get3A_1364 : vector<16xf32>
      %abs3A_1366 = math.absf %sub3A_1365 : vector<16xf32>
      %get3A_1367 = arith.constant 199 : i32
      %get3A_1368 = arith.index_cast %get3A_1367 : i32 to index
      %get3A_1369 = arith.constant 0 : index
      %get3A_1370 = tpu.vector_load %arg22[%get3A_1368, %get3A_1369] {strides = array<i32>} : memref<200x128xf32, #tpu.memory_space<vmem>>, vector<16xf32>,
      %sub3A_1371 = arith.subf %get3A_376, %get3A_1370 : vector<16xf32>
      %abs3A_1372 = math.absf %sub3A_1371 : vector<16xf32>
      %add3A_1373 = arith.addf %abs3A_1366, %abs3A_1372 : vector<16xf32>
      %get3A_1374 = arith.constant 199 : i32
      %get3A_1375 = arith.index_cast %get3A_1374 : i32 to index
      %get3A_1376 = arith.constant 16 : index
      %get3A_1377 = tpu.vector_load %arg21[%get3A_1375, %get3A_1376] {strides = array<i32>} : memref<200x128xf32, #tpu.memory_space<vmem>>, vector<16xf32>,
      %sub3A_1378 = arith.subf %add3A_331, %get3A_1377 : vector<16xf32>
      %abs3A_1379 = math.absf %sub3A_1378 : vector<16xf32>
      %add3A_1380 = arith.addf %add3A_1373, %abs3A_1379 : vector<16xf32>
      %get3A_1381 = arith.constant 199 : i32
      %get3A_1382 = arith.index_cast %get3A_1381 : i32 to index
      %get3A_1383 = arith.constant 16 : index
      %get3A_1384 = tpu.vector_load %arg22[%get3A_1382, %get3A_1383] {strides = array<i32>} : memref<200x128xf32, #tpu.memory_space<vmem>>, vector<16xf32>,
      %sub3A_1385 = arith.subf %get3A_379, %get3A_1384 : vector<16xf32>
      %abs3A_1386 = math.absf %sub3A_1385 : vector<16xf32>
      %add3A_1387 = arith.addf %add3A_1380, %abs3A_1386 : vector<16xf32>
      %get3A_1388 = arith.constant 199 : i32
      %get3A_1389 = arith.index_cast %get3A_1388 : i32 to index
      %get3A_1390 = arith.constant 32 : index
      %get3A_1391 = tpu.vector_load %arg21[%get3A_1389, %get3A_1390] {strides = array<i32>} : memref<200x128xf32, #tpu.memory_space<vmem>>, vector<16xf32>,
      %sub3A_1392 = arith.subf %add3A_338, %get3A_1391 : vector<16xf32>
      %abs3A_1393 = math.absf %sub3A_1392 : vector<16xf32>
      %add3A_1394 = arith.addf %add3A_1387, %abs3A_1393 : vector<16xf32>
      %get3A_1395 = arith.constant 199 : i32
      %get3A_1396 = arith.index_cast %get3A_1395 : i32 to index
      %get3A_1397 = arith.constant 32 : index
      %get3A_1398 = tpu.vector_load %arg22[%get3A_1396, %get3A_1397] {strides = array<i32>} : memref<200x128xf32, #tpu.memory_space<vmem>>, vector<16xf32>,
      %sub3A_1399 = arith.subf %get3A_382, %get3A_1398 : vector<16xf32>
      %abs3A_1400 = math.absf %sub3A_1399 : vector<16xf32>
      %add3A_1401 = arith.addf %add3A_1394, %abs3A_1400 : vector<16xf32>
      %get3A_1402 = arith.constant 199 : i32
      %get3A_1403 = arith.index_cast %get3A_1402 : i32 to index
      %get3A_1404 = arith.constant 48 : index
      %get3A_1405 = tpu.vector_load %arg21[%get3A_1403, %get3A_1404] {strides = array<i32>} : memref<200x128xf32, #tpu.memory_space<vmem>>, vector<16xf32>,
      %sub3A_1406 = arith.subf %add3A_345, %get3A_1405 : vector<16xf32>
      %abs3A_1407 = math.absf %sub3A_1406 : vector<16xf32>
      %add3A_1408 = arith.addf %add3A_1401, %abs3A_1407 : vector<16xf32>
      %get3A_1409 = arith.constant 199 : i32
      %get3A_1410 = arith.index_cast %get3A_1409 : i32 to index
      %get3A_1411 = arith.constant 48 : index
      %get3A_1412 = tpu.vector_load %arg22[%get3A_1410, %get3A_1411] {strides = array<i32>} : memref<200x128xf32, #tpu.memory_space<vmem>>, vector<16xf32>,
      %sub3A_1413 = arith.subf %get3A_385, %get3A_1412 : vector<16xf32>
      %abs3A_1414 = math.absf %sub3A_1413 : vector<16xf32>
      %add3A_1415 = arith.addf %add3A_1408, %abs3A_1414 : vector<16xf32>
      %get3A_1416 = arith.constant 199 : i32
      %get3A_1417 = arith.index_cast %get3A_1416 : i32 to index
      %get3A_1418 = arith.constant 64 : index
      %get3A_1419 = tpu.vector_load %arg21[%get3A_1417, %get3A_1418] {strides = array<i32>} : memref<200x128xf32, #tpu.memory_space<vmem>>, vector<16xf32>,
      %sub3A_1420 = arith.subf %add3A_352, %get3A_1419 : vector<16xf32>
      %abs3A_1421 = math.absf %sub3A_1420 : vector<16xf32>
      %add3A_1422 = arith.addf %add3A_1415, %abs3A_1421 : vector<16xf32>
      %get3A_1423 = arith.constant 199 : i32
      %get3A_1424 = arith.index_cast %get3A_1423 : i32 to index
      %get3A_1425 = arith.constant 64 : index
      %get3A_1426 = tpu.vector_load %arg22[%get3A_1424, %get3A_1425] {strides = array<i32>} : memref<200x128xf32, #tpu.memory_space<vmem>>, vector<16xf32>,
      %sub3A_1427 = arith.subf %get3A_388, %get3A_1426 : vector<16xf32>
      %abs3A_1428 = math.absf %sub3A_1427 : vector<16xf32>
      %add3A_1429 = arith.addf %add3A_1422, %abs3A_1428 : vector<16xf32>
      %get3A_1430 = arith.constant 199 : i32
      %get3A_1431 = arith.index_cast %get3A_1430 : i32 to index
      %get3A_1432 = arith.constant 80 : index
      %get3A_1433 = tpu.vector_load %arg21[%get3A_1431, %get3A_1432] {strides = array<i32>} : memref<200x128xf32, #tpu.memory_space<vmem>>, vector<16xf32>,
      %sub3A_1434 = arith.subf %add3A_359, %get3A_1433 : vector<16xf32>
      %abs3A_1435 = math.absf %sub3A_1434 : vector<16xf32>
      %add3A_1436 = arith.addf %add3A_1429, %abs3A_1435 : vector<16xf32>
      %get3A_1437 = arith.constant 199 : i32
      %get3A_1438 = arith.index_cast %get3A_1437 : i32 to index
      %get3A_1439 = arith.constant 80 : index
      %get3A_1440 = tpu.vector_load %arg22[%get3A_1438, %get3A_1439] {strides = array<i32>} : memref<200x128xf32, #tpu.memory_space<vmem>>, vector<16xf32>,
      %sub3A_1441 = arith.subf %get3A_391, %get3A_1440 : vector<16xf32>
      %abs3A_1442 = math.absf %sub3A_1441 : vector<16xf32>
      %add3A_1443 = arith.addf %add3A_1436, %abs3A_1442 : vector<16xf32>
      %get3A_1444 = arith.constant 199 : i32
      %get3A_1445 = arith.index_cast %get3A_1444 : i32 to index
      %get3A_1446 = arith.constant 96 : index
      %get3A_1447 = tpu.vector_load %arg21[%get3A_1445, %get3A_1446] {strides = array<i32>} : memref<200x128xf32, #tpu.memory_space<vmem>>, vector<16xf32>,
      %sub3A_1448 = arith.subf %add3A_366, %get3A_1447 : vector<16xf32>
      %abs3A_1449 = math.absf %sub3A_1448 : vector<16xf32>
      %add3A_1450 = arith.addf %add3A_1443, %abs3A_1449 : vector<16xf32>
      %get3A_1451 = arith.constant 199 : i32
      %get3A_1452 = arith.index_cast %get3A_1451 : i32 to index
      %get3A_1453 = arith.constant 96 : index
      %get3A_1454 = tpu.vector_load %arg22[%get3A_1452, %get3A_1453] {strides = array<i32>} : memref<200x128xf32, #tpu.memory_space<vmem>>, vector<16xf32>,
      %sub3A_1455 = arith.subf %get3A_394, %get3A_1454 : vector<16xf32>
      %abs3A_1456 = math.absf %sub3A_1455 : vector<16xf32>
      %add3A_1457 = arith.addf %add3A_1450, %abs3A_1456 : vector<16xf32>
      %get3A_1458 = arith.constant 199 : i32
      %get3A_1459 = arith.index_cast %get3A_1458 : i32 to index
      %get3A_1460 = arith.constant 112 : index
      %get3A_1461 = tpu.vector_load %arg21[%get3A_1459, %get3A_1460] {strides = array<i32>} : memref<200x128xf32, #tpu.memory_space<vmem>>, vector<16xf32>,
      %sub3A_1462 = arith.subf %add3A_373, %get3A_1461 : vector<16xf32>
      %abs3A_1463 = math.absf %sub3A_1462 : vector<16xf32>
      %add3A_1464 = arith.addf %add3A_1457, %abs3A_1463 : vector<16xf32>
      %get3A_1465 = arith.constant 199 : i32
      %get3A_1466 = arith.index_cast %get3A_1465 : i32 to index
      %get3A_1467 = arith.constant 112 : index
      %get3A_1468 = tpu.vector_load %arg22[%get3A_1466, %get3A_1467] {strides = array<i32>} : memref<200x128xf32, #tpu.memory_space<vmem>>, vector<16xf32>,
      %sub3A_1469 = arith.subf %get3A_397, %get3A_1468 : vector<16xf32>
      %abs3A_1470 = math.absf %sub3A_1469 : vector<16xf32>
      %add3A_1471 = arith.addf %add3A_1464, %abs3A_1470 : vector<16xf32>
      %reduce_sum3A_1472 = arith.constant true
      %reduce_sum3A_1473 = vector.broadcast %reduce_sum3A_1472 : i1 to vector<16xi1>
      %reduce_sum3A_1474 = tpu.scan <sum>, %add3A_1471 masked %reduce_sum3A_1473 : vector<16xf32>, vector<16xi1> -> vector<16xf32>
      %reduce_sum3A_1475 = vector.extract %reduce_sum3A_1474[15] : f32 from vector<16xf32>
      %broadcast_in_dim3A_1476 = vector.broadcast %reduce_sum3A_1475 : f32 to vector<16xf32>
      %select_n3A_1477 = arith.select %eq3A_26, %broadcast_in_dim3A_1476, %select_n3A_1360 : vector<16xi1>, vector<16xf32>
      %get3A_1478 = arith.constant 199 : i32
      %get3A_1479 = arith.index_cast %get3A_1478 : i32 to index
      %get3A_1480 = arith.constant 0 : index
      %get3A_1481 = tpu.vector_load %arg21[%get3A_1479, %get3A_1480] {strides = array<i32>} : memref<200x128xf32, #tpu.memory_space<vmem>>, vector<16xf32>,
      %sub3A_1482 = arith.subf %add3A_324, %get3A_1481 : vector<16xf32>
      %abs3A_1483 = math.absf %sub3A_1482 : vector<16xf32>
      %get3A_1484 = arith.constant 199 : i32
      %get3A_1485 = arith.index_cast %get3A_1484 : i32 to index
      %get3A_1486 = arith.constant 0 : index
      %get3A_1487 = tpu.vector_load %arg22[%get3A_1485, %get3A_1486] {strides = array<i32>} : memref<200x128xf32, #tpu.memory_space<vmem>>, vector<16xf32>,
      %sub3A_1488 = arith.subf %get3A_376, %get3A_1487 : vector<16xf32>
      %abs3A_1489 = math.absf %sub3A_1488 : vector<16xf32>
      %add3A_1490 = arith.addf %abs3A_1483, %abs3A_1489 : vector<16xf32>
      %get3A_1491 = arith.constant 199 : i32
      %get3A_1492 = arith.index_cast %get3A_1491 : i32 to index
      %get3A_1493 = arith.constant 16 : index
      %get3A_1494 = tpu.vector_load %arg21[%get3A_1492, %get3A_1493] {strides = array<i32>} : memref<200x128xf32, #tpu.memory_space<vmem>>, vector<16xf32>,
      %sub3A_1495 = arith.subf %add3A_331, %get3A_1494 : vector<16xf32>
      %abs3A_1496 = math.absf %sub3A_1495 : vector<16xf32>
      %add3A_1497 = arith.addf %add3A_1490, %abs3A_1496 : vector<16xf32>
      %get3A_1498 = arith.constant 199 : i32
      %get3A_1499 = arith.index_cast %get3A_1498 : i32 to index
      %get3A_1500 = arith.constant 16 : index
      %get3A_1501 = tpu.vector_load %arg22[%get3A_1499, %get3A_1500] {strides = array<i32>} : memref<200x128xf32, #tpu.memory_space<vmem>>, vector<16xf32>,
      %sub3A_1502 = arith.subf %get3A_379, %get3A_1501 : vector<16xf32>
      %abs3A_1503 = math.absf %sub3A_1502 : vector<16xf32>
      %add3A_1504 = arith.addf %add3A_1497, %abs3A_1503 : vector<16xf32>
      %get3A_1505 = arith.constant 199 : i32
      %get3A_1506 = arith.index_cast %get3A_1505 : i32 to index
      %get3A_1507 = arith.constant 32 : index
      %get3A_1508 = tpu.vector_load %arg21[%get3A_1506, %get3A_1507] {strides = array<i32>} : memref<200x128xf32, #tpu.memory_space<vmem>>, vector<16xf32>,
      %sub3A_1509 = arith.subf %add3A_338, %get3A_1508 : vector<16xf32>
      %abs3A_1510 = math.absf %sub3A_1509 : vector<16xf32>
      %add3A_1511 = arith.addf %add3A_1504, %abs3A_1510 : vector<16xf32>
      %get3A_1512 = arith.constant 199 : i32
      %get3A_1513 = arith.index_cast %get3A_1512 : i32 to index
      %get3A_1514 = arith.constant 32 : index
      %get3A_1515 = tpu.vector_load %arg22[%get3A_1513, %get3A_1514] {strides = array<i32>} : memref<200x128xf32, #tpu.memory_space<vmem>>, vector<16xf32>,
      %sub3A_1516 = arith.subf %get3A_382, %get3A_1515 : vector<16xf32>
      %abs3A_1517 = math.absf %sub3A_1516 : vector<16xf32>
      %add3A_1518 = arith.addf %add3A_1511, %abs3A_1517 : vector<16xf32>
      %get3A_1519 = arith.constant 199 : i32
      %get3A_1520 = arith.index_cast %get3A_1519 : i32 to index
      %get3A_1521 = arith.constant 48 : index
      %get3A_1522 = tpu.vector_load %arg21[%get3A_1520, %get3A_1521] {strides = array<i32>} : memref<200x128xf32, #tpu.memory_space<vmem>>, vector<16xf32>,
      %sub3A_1523 = arith.subf %add3A_345, %get3A_1522 : vector<16xf32>
      %abs3A_1524 = math.absf %sub3A_1523 : vector<16xf32>
      %add3A_1525 = arith.addf %add3A_1518, %abs3A_1524 : vector<16xf32>
      %get3A_1526 = arith.constant 199 : i32
      %get3A_1527 = arith.index_cast %get3A_1526 : i32 to index
      %get3A_1528 = arith.constant 48 : index
      %get3A_1529 = tpu.vector_load %arg22[%get3A_1527, %get3A_1528] {strides = array<i32>} : memref<200x128xf32, #tpu.memory_space<vmem>>, vector<16xf32>,
      %sub3A_1530 = arith.subf %get3A_385, %get3A_1529 : vector<16xf32>
      %abs3A_1531 = math.absf %sub3A_1530 : vector<16xf32>
      %add3A_1532 = arith.addf %add3A_1525, %abs3A_1531 : vector<16xf32>
      %get3A_1533 = arith.constant 199 : i32
      %get3A_1534 = arith.index_cast %get3A_1533 : i32 to index
      %get3A_1535 = arith.constant 64 : index
      %get3A_1536 = tpu.vector_load %arg21[%get3A_1534, %get3A_1535] {strides = array<i32>} : memref<200x128xf32, #tpu.memory_space<vmem>>, vector<16xf32>,
      %sub3A_1537 = arith.subf %add3A_352, %get3A_1536 : vector<16xf32>
      %abs3A_1538 = math.absf %sub3A_1537 : vector<16xf32>
      %add3A_1539 = arith.addf %add3A_1532, %abs3A_1538 : vector<16xf32>
      %get3A_1540 = arith.constant 199 : i32
      %get3A_1541 = arith.index_cast %get3A_1540 : i32 to index
      %get3A_1542 = arith.constant 64 : index
      %get3A_1543 = tpu.vector_load %arg22[%get3A_1541, %get3A_1542] {strides = array<i32>} : memref<200x128xf32, #tpu.memory_space<vmem>>, vector<16xf32>,
      %sub3A_1544 = arith.subf %get3A_388, %get3A_1543 : vector<16xf32>
      %abs3A_1545 = math.absf %sub3A_1544 : vector<16xf32>
      %add3A_1546 = arith.addf %add3A_1539, %abs3A_1545 : vector<16xf32>
      %get3A_1547 = arith.constant 199 : i32
      %get3A_1548 = arith.index_cast %get3A_1547 : i32 to index
      %get3A_1549 = arith.constant 80 : index
      %get3A_1550 = tpu.vector_load %arg21[%get3A_1548, %get3A_1549] {strides = array<i32>} : memref<200x128xf32, #tpu.memory_space<vmem>>, vector<16xf32>,
      %sub3A_1551 = arith.subf %add3A_359, %get3A_1550 : vector<16xf32>
      %abs3A_1552 = math.absf %sub3A_1551 : vector<16xf32>
      %add3A_1553 = arith.addf %add3A_1546, %abs3A_1552 : vector<16xf32>
      %get3A_1554 = arith.constant 199 : i32
      %get3A_1555 = arith.index_cast %get3A_1554 : i32 to index
      %get3A_1556 = arith.constant 80 : index
      %get3A_1557 = tpu.vector_load %arg22[%get3A_1555, %get3A_1556] {strides = array<i32>} : memref<200x128xf32, #tpu.memory_space<vmem>>, vector<16xf32>,
      %sub3A_1558 = arith.subf %get3A_391, %get3A_1557 : vector<16xf32>
      %abs3A_1559 = math.absf %sub3A_1558 : vector<16xf32>
      %add3A_1560 = arith.addf %add3A_1553, %abs3A_1559 : vector<16xf32>
      %get3A_1561 = arith.constant 199 : i32
      %get3A_1562 = arith.index_cast %get3A_1561 : i32 to index
      %get3A_1563 = arith.constant 96 : index
      %get3A_1564 = tpu.vector_load %arg21[%get3A_1562, %get3A_1563] {strides = array<i32>} : memref<200x128xf32, #tpu.memory_space<vmem>>, vector<16xf32>,
      %sub3A_1565 = arith.subf %add3A_366, %get3A_1564 : vector<16xf32>
      %abs3A_1566 = math.absf %sub3A_1565 : vector<16xf32>
      %add3A_1567 = arith.addf %add3A_1560, %abs3A_1566 : vector<16xf32>
      %get3A_1568 = arith.constant 199 : i32
      %get3A_1569 = arith.index_cast %get3A_1568 : i32 to index
      %get3A_1570 = arith.constant 96 : index
      %get3A_1571 = tpu.vector_load %arg22[%get3A_1569, %get3A_1570] {strides = array<i32>} : memref<200x128xf32, #tpu.memory_space<vmem>>, vector<16xf32>,
      %sub3A_1572 = arith.subf %get3A_394, %get3A_1571 : vector<16xf32>
      %abs3A_1573 = math.absf %sub3A_1572 : vector<16xf32>
      %add3A_1574 = arith.addf %add3A_1567, %abs3A_1573 : vector<16xf32>
      %get3A_1575 = arith.constant 199 : i32
      %get3A_1576 = arith.index_cast %get3A_1575 : i32 to index
      %get3A_1577 = arith.constant 112 : index
      %get3A_1578 = tpu.vector_load %arg21[%get3A_1576, %get3A_1577] {strides = array<i32>} : memref<200x128xf32, #tpu.memory_space<vmem>>, vector<16xf32>,
      %sub3A_1579 = arith.subf %add3A_373, %get3A_1578 : vector<16xf32>
      %abs3A_1580 = math.absf %sub3A_1579 : vector<16xf32>
      %add3A_1581 = arith.addf %add3A_1574, %abs3A_1580 : vector<16xf32>
      %get3A_1582 = arith.constant 199 : i32
      %get3A_1583 = arith.index_cast %get3A_1582 : i32 to index
      %get3A_1584 = arith.constant 112 : index
      %get3A_1585 = tpu.vector_load %arg22[%get3A_1583, %get3A_1584] {strides = array<i32>} : memref<200x128xf32, #tpu.memory_space<vmem>>, vector<16xf32>,
      %sub3A_1586 = arith.subf %get3A_397, %get3A_1585 : vector<16xf32>
      %abs3A_1587 = math.absf %sub3A_1586 : vector<16xf32>
      %add3A_1588 = arith.addf %add3A_1581, %abs3A_1587 : vector<16xf32>
      %reduce_sum3A_1589 = arith.constant true
      %reduce_sum3A_1590 = vector.broadcast %reduce_sum3A_1589 : i1 to vector<16xi1>
      %reduce_sum3A_1591 = tpu.scan <sum>, %add3A_1588 masked %reduce_sum3A_1590 : vector<16xf32>, vector<16xi1> -> vector<16xf32>
      %reduce_sum3A_1592 = vector.extract %reduce_sum3A_1591[15] : f32 from vector<16xf32>
      %broadcast_in_dim3A_1593 = vector.broadcast %reduce_sum3A_1592 : f32 to vector<16xf32>
      %select_n3A_1594 = arith.select %eq3A_29, %broadcast_in_dim3A_1593, %select_n3A_1477 : vector<16xi1>, vector<16xf32>
      %get3A_1595 = arith.constant 199 : i32
      %get3A_1596 = arith.index_cast %get3A_1595 : i32 to index
      %get3A_1597 = arith.constant 0 : index
      %get3A_1598 = tpu.vector_load %arg21[%get3A_1596, %get3A_1597] {strides = array<i32>} : memref<200x128xf32, #tpu.memory_space<vmem>>, vector<16xf32>,
      %sub3A_1599 = arith.subf %add3A_324, %get3A_1598 : vector<16xf32>
      %abs3A_1600 = math.absf %sub3A_1599 : vector<16xf32>
      %get3A_1601 = arith.constant 199 : i32
      %get3A_1602 = arith.index_cast %get3A_1601 : i32 to index
      %get3A_1603 = arith.constant 0 : index
      %get3A_1604 = tpu.vector_load %arg22[%get3A_1602, %get3A_1603] {strides = array<i32>} : memref<200x128xf32, #tpu.memory_space<vmem>>, vector<16xf32>,
      %sub3A_1605 = arith.subf %get3A_376, %get3A_1604 : vector<16xf32>
      %abs3A_1606 = math.absf %sub3A_1605 : vector<16xf32>
      %add3A_1607 = arith.addf %abs3A_1600, %abs3A_1606 : vector<16xf32>
      %get3A_1608 = arith.constant 199 : i32
      %get3A_1609 = arith.index_cast %get3A_1608 : i32 to index
      %get3A_1610 = arith.constant 16 : index
      %get3A_1611 = tpu.vector_load %arg21[%get3A_1609, %get3A_1610] {strides = array<i32>} : memref<200x128xf32, #tpu.memory_space<vmem>>, vector<16xf32>,
      %sub3A_1612 = arith.subf %add3A_331, %get3A_1611 : vector<16xf32>
      %abs3A_1613 = math.absf %sub3A_1612 : vector<16xf32>
      %add3A_1614 = arith.addf %add3A_1607, %abs3A_1613 : vector<16xf32>
      %get3A_1615 = arith.constant 199 : i32
      %get3A_1616 = arith.index_cast %get3A_1615 : i32 to index
      %get3A_1617 = arith.constant 16 : index
      %get3A_1618 = tpu.vector_load %arg22[%get3A_1616, %get3A_1617] {strides = array<i32>} : memref<200x128xf32, #tpu.memory_space<vmem>>, vector<16xf32>,
      %sub3A_1619 = arith.subf %get3A_379, %get3A_1618 : vector<16xf32>
      %abs3A_1620 = math.absf %sub3A_1619 : vector<16xf32>
      %add3A_1621 = arith.addf %add3A_1614, %abs3A_1620 : vector<16xf32>
      %get3A_1622 = arith.constant 199 : i32
      %get3A_1623 = arith.index_cast %get3A_1622 : i32 to index
      %get3A_1624 = arith.constant 32 : index
      %get3A_1625 = tpu.vector_load %arg21[%get3A_1623, %get3A_1624] {strides = array<i32>} : memref<200x128xf32, #tpu.memory_space<vmem>>, vector<16xf32>,
      %sub3A_1626 = arith.subf %add3A_338, %get3A_1625 : vector<16xf32>
      %abs3A_1627 = math.absf %sub3A_1626 : vector<16xf32>
      %add3A_1628 = arith.addf %add3A_1621, %abs3A_1627 : vector<16xf32>
      %get3A_1629 = arith.constant 199 : i32
      %get3A_1630 = arith.index_cast %get3A_1629 : i32 to index
      %get3A_1631 = arith.constant 32 : index
      %get3A_1632 = tpu.vector_load %arg22[%get3A_1630, %get3A_1631] {strides = array<i32>} : memref<200x128xf32, #tpu.memory_space<vmem>>, vector<16xf32>,
      %sub3A_1633 = arith.subf %get3A_382, %get3A_1632 : vector<16xf32>
      %abs3A_1634 = math.absf %sub3A_1633 : vector<16xf32>
      %add3A_1635 = arith.addf %add3A_1628, %abs3A_1634 : vector<16xf32>
      %get3A_1636 = arith.constant 199 : i32
      %get3A_1637 = arith.index_cast %get3A_1636 : i32 to index
      %get3A_1638 = arith.constant 48 : index
      %get3A_1639 = tpu.vector_load %arg21[%get3A_1637, %get3A_1638] {strides = array<i32>} : memref<200x128xf32, #tpu.memory_space<vmem>>, vector<16xf32>,
      %sub3A_1640 = arith.subf %add3A_345, %get3A_1639 : vector<16xf32>
      %abs3A_1641 = math.absf %sub3A_1640 : vector<16xf32>
      %add3A_1642 = arith.addf %add3A_1635, %abs3A_1641 : vector<16xf32>
      %get3A_1643 = arith.constant 199 : i32
      %get3A_1644 = arith.index_cast %get3A_1643 : i32 to index
      %get3A_1645 = arith.constant 48 : index
      %get3A_1646 = tpu.vector_load %arg22[%get3A_1644, %get3A_1645] {strides = array<i32>} : memref<200x128xf32, #tpu.memory_space<vmem>>, vector<16xf32>,
      %sub3A_1647 = arith.subf %get3A_385, %get3A_1646 : vector<16xf32>
      %abs3A_1648 = math.absf %sub3A_1647 : vector<16xf32>
      %add3A_1649 = arith.addf %add3A_1642, %abs3A_1648 : vector<16xf32>
      %get3A_1650 = arith.constant 199 : i32
      %get3A_1651 = arith.index_cast %get3A_1650 : i32 to index
      %get3A_1652 = arith.constant 64 : index
      %get3A_1653 = tpu.vector_load %arg21[%get3A_1651, %get3A_1652] {strides = array<i32>} : memref<200x128xf32, #tpu.memory_space<vmem>>, vector<16xf32>,
      %sub3A_1654 = arith.subf %add3A_352, %get3A_1653 : vector<16xf32>
      %abs3A_1655 = math.absf %sub3A_1654 : vector<16xf32>
      %add3A_1656 = arith.addf %add3A_1649, %abs3A_1655 : vector<16xf32>
      %get3A_1657 = arith.constant 199 : i32
      %get3A_1658 = arith.index_cast %get3A_1657 : i32 to index
      %get3A_1659 = arith.constant 64 : index
      %get3A_1660 = tpu.vector_load %arg22[%get3A_1658, %get3A_1659] {strides = array<i32>} : memref<200x128xf32, #tpu.memory_space<vmem>>, vector<16xf32>,
      %sub3A_1661 = arith.subf %get3A_388, %get3A_1660 : vector<16xf32>
      %abs3A_1662 = math.absf %sub3A_1661 : vector<16xf32>
      %add3A_1663 = arith.addf %add3A_1656, %abs3A_1662 : vector<16xf32>
      %get3A_1664 = arith.constant 199 : i32
      %get3A_1665 = arith.index_cast %get3A_1664 : i32 to index
      %get3A_1666 = arith.constant 80 : index
      %get3A_1667 = tpu.vector_load %arg21[%get3A_1665, %get3A_1666] {strides = array<i32>} : memref<200x128xf32, #tpu.memory_space<vmem>>, vector<16xf32>,
      %sub3A_1668 = arith.subf %add3A_359, %get3A_1667 : vector<16xf32>
      %abs3A_1669 = math.absf %sub3A_1668 : vector<16xf32>
      %add3A_1670 = arith.addf %add3A_1663, %abs3A_1669 : vector<16xf32>
      %get3A_1671 = arith.constant 199 : i32
      %get3A_1672 = arith.index_cast %get3A_1671 : i32 to index
      %get3A_1673 = arith.constant 80 : index
      %get3A_1674 = tpu.vector_load %arg22[%get3A_1672, %get3A_1673] {strides = array<i32>} : memref<200x128xf32, #tpu.memory_space<vmem>>, vector<16xf32>,
      %sub3A_1675 = arith.subf %get3A_391, %get3A_1674 : vector<16xf32>
      %abs3A_1676 = math.absf %sub3A_1675 : vector<16xf32>
      %add3A_1677 = arith.addf %add3A_1670, %abs3A_1676 : vector<16xf32>
      %get3A_1678 = arith.constant 199 : i32
      %get3A_1679 = arith.index_cast %get3A_1678 : i32 to index
      %get3A_1680 = arith.constant 96 : index
      %get3A_1681 = tpu.vector_load %arg21[%get3A_1679, %get3A_1680] {strides = array<i32>} : memref<200x128xf32, #tpu.memory_space<vmem>>, vector<16xf32>,
      %sub3A_1682 = arith.subf %add3A_366, %get3A_1681 : vector<16xf32>
      %abs3A_1683 = math.absf %sub3A_1682 : vector<16xf32>
      %add3A_1684 = arith.addf %add3A_1677, %abs3A_1683 : vector<16xf32>
      %get3A_1685 = arith.constant 199 : i32
      %get3A_1686 = arith.index_cast %get3A_1685 : i32 to index
      %get3A_1687 = arith.constant 96 : index
      %get3A_1688 = tpu.vector_load %arg22[%get3A_1686, %get3A_1687] {strides = array<i32>} : memref<200x128xf32, #tpu.memory_space<vmem>>, vector<16xf32>,
      %sub3A_1689 = arith.subf %get3A_394, %get3A_1688 : vector<16xf32>
      %abs3A_1690 = math.absf %sub3A_1689 : vector<16xf32>
      %add3A_1691 = arith.addf %add3A_1684, %abs3A_1690 : vector<16xf32>
      %get3A_1692 = arith.constant 199 : i32
      %get3A_1693 = arith.index_cast %get3A_1692 : i32 to index
      %get3A_1694 = arith.constant 112 : index
      %get3A_1695 = tpu.vector_load %arg21[%get3A_1693, %get3A_1694] {strides = array<i32>} : memref<200x128xf32, #tpu.memory_space<vmem>>, vector<16xf32>,
      %sub3A_1696 = arith.subf %add3A_373, %get3A_1695 : vector<16xf32>
      %abs3A_1697 = math.absf %sub3A_1696 : vector<16xf32>
      %add3A_1698 = arith.addf %add3A_1691, %abs3A_1697 : vector<16xf32>
      %get3A_1699 = arith.constant 199 : i32
      %get3A_1700 = arith.index_cast %get3A_1699 : i32 to index
      %get3A_1701 = arith.constant 112 : index
      %get3A_1702 = tpu.vector_load %arg22[%get3A_1700, %get3A_1701] {strides = array<i32>} : memref<200x128xf32, #tpu.memory_space<vmem>>, vector<16xf32>,
      %sub3A_1703 = arith.subf %get3A_397, %get3A_1702 : vector<16xf32>
      %abs3A_1704 = math.absf %sub3A_1703 : vector<16xf32>
      %add3A_1705 = arith.addf %add3A_1698, %abs3A_1704 : vector<16xf32>
      %reduce_sum3A_1706 = arith.constant true
      %reduce_sum3A_1707 = vector.broadcast %reduce_sum3A_1706 : i1 to vector<16xi1>
      %reduce_sum3A_1708 = tpu.scan <sum>, %add3A_1705 masked %reduce_sum3A_1707 : vector<16xf32>, vector<16xi1> -> vector<16xf32>
      %reduce_sum3A_1709 = vector.extract %reduce_sum3A_1708[15] : f32 from vector<16xf32>
      %broadcast_in_dim3A_1710 = vector.broadcast %reduce_sum3A_1709 : f32 to vector<16xf32>
      %select_n3A_1711 = arith.select %eq3A_32, %broadcast_in_dim3A_1710, %select_n3A_1594 : vector<16xi1>, vector<16xf32>
      %get3A_1712 = arith.constant 199 : i32
      %get3A_1713 = arith.index_cast %get3A_1712 : i32 to index
      %get3A_1714 = arith.constant 0 : index
      %get3A_1715 = tpu.vector_load %arg21[%get3A_1713, %get3A_1714] {strides = array<i32>} : memref<200x128xf32, #tpu.memory_space<vmem>>, vector<16xf32>,
      %sub3A_1716 = arith.subf %add3A_324, %get3A_1715 : vector<16xf32>
      %abs3A_1717 = math.absf %sub3A_1716 : vector<16xf32>
      %get3A_1718 = arith.constant 199 : i32
      %get3A_1719 = arith.index_cast %get3A_1718 : i32 to index
      %get3A_1720 = arith.constant 0 : index
      %get3A_1721 = tpu.vector_load %arg22[%get3A_1719, %get3A_1720] {strides = array<i32>} : memref<200x128xf32, #tpu.memory_space<vmem>>, vector<16xf32>,
      %sub3A_1722 = arith.subf %get3A_376, %get3A_1721 : vector<16xf32>
      %abs3A_1723 = math.absf %sub3A_1722 : vector<16xf32>
      %add3A_1724 = arith.addf %abs3A_1717, %abs3A_1723 : vector<16xf32>
      %get3A_1725 = arith.constant 199 : i32
      %get3A_1726 = arith.index_cast %get3A_1725 : i32 to index
      %get3A_1727 = arith.constant 16 : index
      %get3A_1728 = tpu.vector_load %arg21[%get3A_1726, %get3A_1727] {strides = array<i32>} : memref<200x128xf32, #tpu.memory_space<vmem>>, vector<16xf32>,
      %sub3A_1729 = arith.subf %add3A_331, %get3A_1728 : vector<16xf32>
      %abs3A_1730 = math.absf %sub3A_1729 : vector<16xf32>
      %add3A_1731 = arith.addf %add3A_1724, %abs3A_1730 : vector<16xf32>
      %get3A_1732 = arith.constant 199 : i32
      %get3A_1733 = arith.index_cast %get3A_1732 : i32 to index
      %get3A_1734 = arith.constant 16 : index
      %get3A_1735 = tpu.vector_load %arg22[%get3A_1733, %get3A_1734] {strides = array<i32>} : memref<200x128xf32, #tpu.memory_space<vmem>>, vector<16xf32>,
      %sub3A_1736 = arith.subf %get3A_379, %get3A_1735 : vector<16xf32>
      %abs3A_1737 = math.absf %sub3A_1736 : vector<16xf32>
      %add3A_1738 = arith.addf %add3A_1731, %abs3A_1737 : vector<16xf32>
      %get3A_1739 = arith.constant 199 : i32
      %get3A_1740 = arith.index_cast %get3A_1739 : i32 to index
      %get3A_1741 = arith.constant 32 : index
      %get3A_1742 = tpu.vector_load %arg21[%get3A_1740, %get3A_1741] {strides = array<i32>} : memref<200x128xf32, #tpu.memory_space<vmem>>, vector<16xf32>,
      %sub3A_1743 = arith.subf %add3A_338, %get3A_1742 : vector<16xf32>
      %abs3A_1744 = math.absf %sub3A_1743 : vector<16xf32>
      %add3A_1745 = arith.addf %add3A_1738, %abs3A_1744 : vector<16xf32>
      %get3A_1746 = arith.constant 199 : i32
      %get3A_1747 = arith.index_cast %get3A_1746 : i32 to index
      %get3A_1748 = arith.constant 32 : index
      %get3A_1749 = tpu.vector_load %arg22[%get3A_1747, %get3A_1748] {strides = array<i32>} : memref<200x128xf32, #tpu.memory_space<vmem>>, vector<16xf32>,
      %sub3A_1750 = arith.subf %get3A_382, %get3A_1749 : vector<16xf32>
      %abs3A_1751 = math.absf %sub3A_1750 : vector<16xf32>
      %add3A_1752 = arith.addf %add3A_1745, %abs3A_1751 : vector<16xf32>
      %get3A_1753 = arith.constant 199 : i32
      %get3A_1754 = arith.index_cast %get3A_1753 : i32 to index
      %get3A_1755 = arith.constant 48 : index
      %get3A_1756 = tpu.vector_load %arg21[%get3A_1754, %get3A_1755] {strides = array<i32>} : memref<200x128xf32, #tpu.memory_space<vmem>>, vector<16xf32>,
      %sub3A_1757 = arith.subf %add3A_345, %get3A_1756 : vector<16xf32>
      %abs3A_1758 = math.absf %sub3A_1757 : vector<16xf32>
      %add3A_1759 = arith.addf %add3A_1752, %abs3A_1758 : vector<16xf32>
      %get3A_1760 = arith.constant 199 : i32
      %get3A_1761 = arith.index_cast %get3A_1760 : i32 to index
      %get3A_1762 = arith.constant 48 : index
      %get3A_1763 = tpu.vector_load %arg22[%get3A_1761, %get3A_1762] {strides = array<i32>} : memref<200x128xf32, #tpu.memory_space<vmem>>, vector<16xf32>,
      %sub3A_1764 = arith.subf %get3A_385, %get3A_1763 : vector<16xf32>
      %abs3A_1765 = math.absf %sub3A_1764 : vector<16xf32>
      %add3A_1766 = arith.addf %add3A_1759, %abs3A_1765 : vector<16xf32>
      %get3A_1767 = arith.constant 199 : i32
      %get3A_1768 = arith.index_cast %get3A_1767 : i32 to index
      %get3A_1769 = arith.constant 64 : index
      %get3A_1770 = tpu.vector_load %arg21[%get3A_1768, %get3A_1769] {strides = array<i32>} : memref<200x128xf32, #tpu.memory_space<vmem>>, vector<16xf32>,
      %sub3A_1771 = arith.subf %add3A_352, %get3A_1770 : vector<16xf32>
      %abs3A_1772 = math.absf %sub3A_1771 : vector<16xf32>
      %add3A_1773 = arith.addf %add3A_1766, %abs3A_1772 : vector<16xf32>
      %get3A_1774 = arith.constant 199 : i32
      %get3A_1775 = arith.index_cast %get3A_1774 : i32 to index
      %get3A_1776 = arith.constant 64 : index
      %get3A_1777 = tpu.vector_load %arg22[%get3A_1775, %get3A_1776] {strides = array<i32>} : memref<200x128xf32, #tpu.memory_space<vmem>>, vector<16xf32>,
      %sub3A_1778 = arith.subf %get3A_388, %get3A_1777 : vector<16xf32>
      %abs3A_1779 = math.absf %sub3A_1778 : vector<16xf32>
      %add3A_1780 = arith.addf %add3A_1773, %abs3A_1779 : vector<16xf32>
      %get3A_1781 = arith.constant 199 : i32
      %get3A_1782 = arith.index_cast %get3A_1781 : i32 to index
      %get3A_1783 = arith.constant 80 : index
      %get3A_1784 = tpu.vector_load %arg21[%get3A_1782, %get3A_1783] {strides = array<i32>} : memref<200x128xf32, #tpu.memory_space<vmem>>, vector<16xf32>,
      %sub3A_1785 = arith.subf %add3A_359, %get3A_1784 : vector<16xf32>
      %abs3A_1786 = math.absf %sub3A_1785 : vector<16xf32>
      %add3A_1787 = arith.addf %add3A_1780, %abs3A_1786 : vector<16xf32>
      %get3A_1788 = arith.constant 199 : i32
      %get3A_1789 = arith.index_cast %get3A_1788 : i32 to index
      %get3A_1790 = arith.constant 80 : index
      %get3A_1791 = tpu.vector_load %arg22[%get3A_1789, %get3A_1790] {strides = array<i32>} : memref<200x128xf32, #tpu.memory_space<vmem>>, vector<16xf32>,
      %sub3A_1792 = arith.subf %get3A_391, %get3A_1791 : vector<16xf32>
      %abs3A_1793 = math.absf %sub3A_1792 : vector<16xf32>
      %add3A_1794 = arith.addf %add3A_1787, %abs3A_1793 : vector<16xf32>
      %get3A_1795 = arith.constant 199 : i32
      %get3A_1796 = arith.index_cast %get3A_1795 : i32 to index
      %get3A_1797 = arith.constant 96 : index
      %get3A_1798 = tpu.vector_load %arg21[%get3A_1796, %get3A_1797] {strides = array<i32>} : memref<200x128xf32, #tpu.memory_space<vmem>>, vector<16xf32>,
      %sub3A_1799 = arith.subf %add3A_366, %get3A_1798 : vector<16xf32>
      %abs3A_1800 = math.absf %sub3A_1799 : vector<16xf32>
      %add3A_1801 = arith.addf %add3A_1794, %abs3A_1800 : vector<16xf32>
      %get3A_1802 = arith.constant 199 : i32
      %get3A_1803 = arith.index_cast %get3A_1802 : i32 to index
      %get3A_1804 = arith.constant 96 : index
      %get3A_1805 = tpu.vector_load %arg22[%get3A_1803, %get3A_1804] {strides = array<i32>} : memref<200x128xf32, #tpu.memory_space<vmem>>, vector<16xf32>,
      %sub3A_1806 = arith.subf %get3A_394, %get3A_1805 : vector<16xf32>
      %abs3A_1807 = math.absf %sub3A_1806 : vector<16xf32>
      %add3A_1808 = arith.addf %add3A_1801, %abs3A_1807 : vector<16xf32>
      %get3A_1809 = arith.constant 199 : i32
      %get3A_1810 = arith.index_cast %get3A_1809 : i32 to index
      %get3A_1811 = arith.constant 112 : index
      %get3A_1812 = tpu.vector_load %arg21[%get3A_1810, %get3A_1811] {strides = array<i32>} : memref<200x128xf32, #tpu.memory_space<vmem>>, vector<16xf32>,
      %sub3A_1813 = arith.subf %add3A_373, %get3A_1812 : vector<16xf32>
      %abs3A_1814 = math.absf %sub3A_1813 : vector<16xf32>
      %add3A_1815 = arith.addf %add3A_1808, %abs3A_1814 : vector<16xf32>
      %get3A_1816 = arith.constant 199 : i32
      %get3A_1817 = arith.index_cast %get3A_1816 : i32 to index
      %get3A_1818 = arith.constant 112 : index
      %get3A_1819 = tpu.vector_load %arg22[%get3A_1817, %get3A_1818] {strides = array<i32>} : memref<200x128xf32, #tpu.memory_space<vmem>>, vector<16xf32>,
      %sub3A_1820 = arith.subf %get3A_397, %get3A_1819 : vector<16xf32>
      %abs3A_1821 = math.absf %sub3A_1820 : vector<16xf32>
      %add3A_1822 = arith.addf %add3A_1815, %abs3A_1821 : vector<16xf32>
      %reduce_sum3A_1823 = arith.constant true
      %reduce_sum3A_1824 = vector.broadcast %reduce_sum3A_1823 : i1 to vector<16xi1>
      %reduce_sum3A_1825 = tpu.scan <sum>, %add3A_1822 masked %reduce_sum3A_1824 : vector<16xf32>, vector<16xi1> -> vector<16xf32>
      %reduce_sum3A_1826 = vector.extract %reduce_sum3A_1825[15] : f32 from vector<16xf32>
      %broadcast_in_dim3A_1827 = vector.broadcast %reduce_sum3A_1826 : f32 to vector<16xf32>
      %select_n3A_1828 = arith.select %eq3A_35, %broadcast_in_dim3A_1827, %select_n3A_1711 : vector<16xi1>, vector<16xf32>
      %get3A_1829 = arith.constant 199 : i32
      %get3A_1830 = arith.index_cast %get3A_1829 : i32 to index
      %get3A_1831 = arith.constant 0 : index
      %get3A_1832 = tpu.vector_load %arg21[%get3A_1830, %get3A_1831] {strides = array<i32>} : memref<200x128xf32, #tpu.memory_space<vmem>>, vector<16xf32>,
      %sub3A_1833 = arith.subf %add3A_324, %get3A_1832 : vector<16xf32>
      %abs3A_1834 = math.absf %sub3A_1833 : vector<16xf32>
      %get3A_1835 = arith.constant 199 : i32
      %get3A_1836 = arith.index_cast %get3A_1835 : i32 to index
      %get3A_1837 = arith.constant 0 : index
      %get3A_1838 = tpu.vector_load %arg22[%get3A_1836, %get3A_1837] {strides = array<i32>} : memref<200x128xf32, #tpu.memory_space<vmem>>, vector<16xf32>,
      %sub3A_1839 = arith.subf %get3A_376, %get3A_1838 : vector<16xf32>
      %abs3A_1840 = math.absf %sub3A_1839 : vector<16xf32>
      %add3A_1841 = arith.addf %abs3A_1834, %abs3A_1840 : vector<16xf32>
      %get3A_1842 = arith.constant 199 : i32
      %get3A_1843 = arith.index_cast %get3A_1842 : i32 to index
      %get3A_1844 = arith.constant 16 : index
      %get3A_1845 = tpu.vector_load %arg21[%get3A_1843, %get3A_1844] {strides = array<i32>} : memref<200x128xf32, #tpu.memory_space<vmem>>, vector<16xf32>,
      %sub3A_1846 = arith.subf %add3A_331, %get3A_1845 : vector<16xf32>
      %abs3A_1847 = math.absf %sub3A_1846 : vector<16xf32>
      %add3A_1848 = arith.addf %add3A_1841, %abs3A_1847 : vector<16xf32>
      %get3A_1849 = arith.constant 199 : i32
      %get3A_1850 = arith.index_cast %get3A_1849 : i32 to index
      %get3A_1851 = arith.constant 16 : index
      %get3A_1852 = tpu.vector_load %arg22[%get3A_1850, %get3A_1851] {strides = array<i32>} : memref<200x128xf32, #tpu.memory_space<vmem>>, vector<16xf32>,
      %sub3A_1853 = arith.subf %get3A_379, %get3A_1852 : vector<16xf32>
      %abs3A_1854 = math.absf %sub3A_1853 : vector<16xf32>
      %add3A_1855 = arith.addf %add3A_1848, %abs3A_1854 : vector<16xf32>
      %get3A_1856 = arith.constant 199 : i32
      %get3A_1857 = arith.index_cast %get3A_1856 : i32 to index
      %get3A_1858 = arith.constant 32 : index
      %get3A_1859 = tpu.vector_load %arg21[%get3A_1857, %get3A_1858] {strides = array<i32>} : memref<200x128xf32, #tpu.memory_space<vmem>>, vector<16xf32>,
      %sub3A_1860 = arith.subf %add3A_338, %get3A_1859 : vector<16xf32>
      %abs3A_1861 = math.absf %sub3A_1860 : vector<16xf32>
      %add3A_1862 = arith.addf %add3A_1855, %abs3A_1861 : vector<16xf32>
      %get3A_1863 = arith.constant 199 : i32
      %get3A_1864 = arith.index_cast %get3A_1863 : i32 to index
      %get3A_1865 = arith.constant 32 : index
      %get3A_1866 = tpu.vector_load %arg22[%get3A_1864, %get3A_1865] {strides = array<i32>} : memref<200x128xf32, #tpu.memory_space<vmem>>, vector<16xf32>,
      %sub3A_1867 = arith.subf %get3A_382, %get3A_1866 : vector<16xf32>
      %abs3A_1868 = math.absf %sub3A_1867 : vector<16xf32>
      %add3A_1869 = arith.addf %add3A_1862, %abs3A_1868 : vector<16xf32>
      %get3A_1870 = arith.constant 199 : i32
      %get3A_1871 = arith.index_cast %get3A_1870 : i32 to index
      %get3A_1872 = arith.constant 48 : index
      %get3A_1873 = tpu.vector_load %arg21[%get3A_1871, %get3A_1872] {strides = array<i32>} : memref<200x128xf32, #tpu.memory_space<vmem>>, vector<16xf32>,
      %sub3A_1874 = arith.subf %add3A_345, %get3A_1873 : vector<16xf32>
      %abs3A_1875 = math.absf %sub3A_1874 : vector<16xf32>
      %add3A_1876 = arith.addf %add3A_1869, %abs3A_1875 : vector<16xf32>
      %get3A_1877 = arith.constant 199 : i32
      %get3A_1878 = arith.index_cast %get3A_1877 : i32 to index
      %get3A_1879 = arith.constant 48 : index
      %get3A_1880 = tpu.vector_load %arg22[%get3A_1878, %get3A_1879] {strides = array<i32>} : memref<200x128xf32, #tpu.memory_space<vmem>>, vector<16xf32>,
      %sub3A_1881 = arith.subf %get3A_385, %get3A_1880 : vector<16xf32>
      %abs3A_1882 = math.absf %sub3A_1881 : vector<16xf32>
      %add3A_1883 = arith.addf %add3A_1876, %abs3A_1882 : vector<16xf32>
      %get3A_1884 = arith.constant 199 : i32
      %get3A_1885 = arith.index_cast %get3A_1884 : i32 to index
      %get3A_1886 = arith.constant 64 : index
      %get3A_1887 = tpu.vector_load %arg21[%get3A_1885, %get3A_1886] {strides = array<i32>} : memref<200x128xf32, #tpu.memory_space<vmem>>, vector<16xf32>,
      %sub3A_1888 = arith.subf %add3A_352, %get3A_1887 : vector<16xf32>
      %abs3A_1889 = math.absf %sub3A_1888 : vector<16xf32>
      %add3A_1890 = arith.addf %add3A_1883, %abs3A_1889 : vector<16xf32>
      %get3A_1891 = arith.constant 199 : i32
      %get3A_1892 = arith.index_cast %get3A_1891 : i32 to index
      %get3A_1893 = arith.constant 64 : index
      %get3A_1894 = tpu.vector_load %arg22[%get3A_1892, %get3A_1893] {strides = array<i32>} : memref<200x128xf32, #tpu.memory_space<vmem>>, vector<16xf32>,
      %sub3A_1895 = arith.subf %get3A_388, %get3A_1894 : vector<16xf32>
      %abs3A_1896 = math.absf %sub3A_1895 : vector<16xf32>
      %add3A_1897 = arith.addf %add3A_1890, %abs3A_1896 : vector<16xf32>
      %get3A_1898 = arith.constant 199 : i32
      %get3A_1899 = arith.index_cast %get3A_1898 : i32 to index
      %get3A_1900 = arith.constant 80 : index
      %get3A_1901 = tpu.vector_load %arg21[%get3A_1899, %get3A_1900] {strides = array<i32>} : memref<200x128xf32, #tpu.memory_space<vmem>>, vector<16xf32>,
      %sub3A_1902 = arith.subf %add3A_359, %get3A_1901 : vector<16xf32>
      %abs3A_1903 = math.absf %sub3A_1902 : vector<16xf32>
      %add3A_1904 = arith.addf %add3A_1897, %abs3A_1903 : vector<16xf32>
      %get3A_1905 = arith.constant 199 : i32
      %get3A_1906 = arith.index_cast %get3A_1905 : i32 to index
      %get3A_1907 = arith.constant 80 : index
      %get3A_1908 = tpu.vector_load %arg22[%get3A_1906, %get3A_1907] {strides = array<i32>} : memref<200x128xf32, #tpu.memory_space<vmem>>, vector<16xf32>,
      %sub3A_1909 = arith.subf %get3A_391, %get3A_1908 : vector<16xf32>
      %abs3A_1910 = math.absf %sub3A_1909 : vector<16xf32>
      %add3A_1911 = arith.addf %add3A_1904, %abs3A_1910 : vector<16xf32>
      %get3A_1912 = arith.constant 199 : i32
      %get3A_1913 = arith.index_cast %get3A_1912 : i32 to index
      %get3A_1914 = arith.constant 96 : index
      %get3A_1915 = tpu.vector_load %arg21[%get3A_1913, %get3A_1914] {strides = array<i32>} : memref<200x128xf32, #tpu.memory_space<vmem>>, vector<16xf32>,
      %sub3A_1916 = arith.subf %add3A_366, %get3A_1915 : vector<16xf32>
      %abs3A_1917 = math.absf %sub3A_1916 : vector<16xf32>
      %add3A_1918 = arith.addf %add3A_1911, %abs3A_1917 : vector<16xf32>
      %get3A_1919 = arith.constant 199 : i32
      %get3A_1920 = arith.index_cast %get3A_1919 : i32 to index
      %get3A_1921 = arith.constant 96 : index
      %get3A_1922 = tpu.vector_load %arg22[%get3A_1920, %get3A_1921] {strides = array<i32>} : memref<200x128xf32, #tpu.memory_space<vmem>>, vector<16xf32>,
      %sub3A_1923 = arith.subf %get3A_394, %get3A_1922 : vector<16xf32>
      %abs3A_1924 = math.absf %sub3A_1923 : vector<16xf32>
      %add3A_1925 = arith.addf %add3A_1918, %abs3A_1924 : vector<16xf32>
      %get3A_1926 = arith.constant 199 : i32
      %get3A_1927 = arith.index_cast %get3A_1926 : i32 to index
      %get3A_1928 = arith.constant 112 : index
      %get3A_1929 = tpu.vector_load %arg21[%get3A_1927, %get3A_1928] {strides = array<i32>} : memref<200x128xf32, #tpu.memory_space<vmem>>, vector<16xf32>,
      %sub3A_1930 = arith.subf %add3A_373, %get3A_1929 : vector<16xf32>
      %abs3A_1931 = math.absf %sub3A_1930 : vector<16xf32>
      %add3A_1932 = arith.addf %add3A_1925, %abs3A_1931 : vector<16xf32>
      %get3A_1933 = arith.constant 199 : i32
      %get3A_1934 = arith.index_cast %get3A_1933 : i32 to index
      %get3A_1935 = arith.constant 112 : index
      %get3A_1936 = tpu.vector_load %arg22[%get3A_1934, %get3A_1935] {strides = array<i32>} : memref<200x128xf32, #tpu.memory_space<vmem>>, vector<16xf32>,
      %sub3A_1937 = arith.subf %get3A_397, %get3A_1936 : vector<16xf32>
      %abs3A_1938 = math.absf %sub3A_1937 : vector<16xf32>
      %add3A_1939 = arith.addf %add3A_1932, %abs3A_1938 : vector<16xf32>
      %reduce_sum3A_1940 = arith.constant true
      %reduce_sum3A_1941 = vector.broadcast %reduce_sum3A_1940 : i1 to vector<16xi1>
      %reduce_sum3A_1942 = tpu.scan <sum>, %add3A_1939 masked %reduce_sum3A_1941 : vector<16xf32>, vector<16xi1> -> vector<16xf32>
      %reduce_sum3A_1943 = vector.extract %reduce_sum3A_1942[15] : f32 from vector<16xf32>
      %broadcast_in_dim3A_1944 = vector.broadcast %reduce_sum3A_1943 : f32 to vector<16xf32>
      %select_n3A_1945 = arith.select %eq3A_38, %broadcast_in_dim3A_1944, %select_n3A_1828 : vector<16xi1>, vector<16xf32>
      %get3A_1946 = arith.constant 199 : i32
      %get3A_1947 = arith.index_cast %get3A_1946 : i32 to index
      %get3A_1948 = arith.constant 0 : index
      %get3A_1949 = tpu.vector_load %arg21[%get3A_1947, %get3A_1948] {strides = array<i32>} : memref<200x128xf32, #tpu.memory_space<vmem>>, vector<16xf32>,
      %sub3A_1950 = arith.subf %add3A_324, %get3A_1949 : vector<16xf32>
      %abs3A_1951 = math.absf %sub3A_1950 : vector<16xf32>
      %get3A_1952 = arith.constant 199 : i32
      %get3A_1953 = arith.index_cast %get3A_1952 : i32 to index
      %get3A_1954 = arith.constant 0 : index
      %get3A_1955 = tpu.vector_load %arg22[%get3A_1953, %get3A_1954] {strides = array<i32>} : memref<200x128xf32, #tpu.memory_space<vmem>>, vector<16xf32>,
      %sub3A_1956 = arith.subf %get3A_376, %get3A_1955 : vector<16xf32>
      %abs3A_1957 = math.absf %sub3A_1956 : vector<16xf32>
      %add3A_1958 = arith.addf %abs3A_1951, %abs3A_1957 : vector<16xf32>
      %get3A_1959 = arith.constant 199 : i32
      %get3A_1960 = arith.index_cast %get3A_1959 : i32 to index
      %get3A_1961 = arith.constant 16 : index
      %get3A_1962 = tpu.vector_load %arg21[%get3A_1960, %get3A_1961] {strides = array<i32>} : memref<200x128xf32, #tpu.memory_space<vmem>>, vector<16xf32>,
      %sub3A_1963 = arith.subf %add3A_331, %get3A_1962 : vector<16xf32>
      %abs3A_1964 = math.absf %sub3A_1963 : vector<16xf32>
      %add3A_1965 = arith.addf %add3A_1958, %abs3A_1964 : vector<16xf32>
      %get3A_1966 = arith.constant 199 : i32
      %get3A_1967 = arith.index_cast %get3A_1966 : i32 to index
      %get3A_1968 = arith.constant 16 : index
      %get3A_1969 = tpu.vector_load %arg22[%get3A_1967, %get3A_1968] {strides = array<i32>} : memref<200x128xf32, #tpu.memory_space<vmem>>, vector<16xf32>,
      %sub3A_1970 = arith.subf %get3A_379, %get3A_1969 : vector<16xf32>
      %abs3A_1971 = math.absf %sub3A_1970 : vector<16xf32>
      %add3A_1972 = arith.addf %add3A_1965, %abs3A_1971 : vector<16xf32>
      %get3A_1973 = arith.constant 199 : i32
      %get3A_1974 = arith.index_cast %get3A_1973 : i32 to index
      %get3A_1975 = arith.constant 32 : index
      %get3A_1976 = tpu.vector_load %arg21[%get3A_1974, %get3A_1975] {strides = array<i32>} : memref<200x128xf32, #tpu.memory_space<vmem>>, vector<16xf32>,
      %sub3A_1977 = arith.subf %add3A_338, %get3A_1976 : vector<16xf32>
      %abs3A_1978 = math.absf %sub3A_1977 : vector<16xf32>
      %add3A_1979 = arith.addf %add3A_1972, %abs3A_1978 : vector<16xf32>
      %get3A_1980 = arith.constant 199 : i32
      %get3A_1981 = arith.index_cast %get3A_1980 : i32 to index
      %get3A_1982 = arith.constant 32 : index
      %get3A_1983 = tpu.vector_load %arg22[%get3A_1981, %get3A_1982] {strides = array<i32>} : memref<200x128xf32, #tpu.memory_space<vmem>>, vector<16xf32>,
      %sub3A_1984 = arith.subf %get3A_382, %get3A_1983 : vector<16xf32>
      %abs3A_1985 = math.absf %sub3A_1984 : vector<16xf32>
      %add3A_1986 = arith.addf %add3A_1979, %abs3A_1985 : vector<16xf32>
      %get3A_1987 = arith.constant 199 : i32
      %get3A_1988 = arith.index_cast %get3A_1987 : i32 to index
      %get3A_1989 = arith.constant 48 : index
      %get3A_1990 = tpu.vector_load %arg21[%get3A_1988, %get3A_1989] {strides = array<i32>} : memref<200x128xf32, #tpu.memory_space<vmem>>, vector<16xf32>,
      %sub3A_1991 = arith.subf %add3A_345, %get3A_1990 : vector<16xf32>
      %abs3A_1992 = math.absf %sub3A_1991 : vector<16xf32>
      %add3A_1993 = arith.addf %add3A_1986, %abs3A_1992 : vector<16xf32>
      %get3A_1994 = arith.constant 199 : i32
      %get3A_1995 = arith.index_cast %get3A_1994 : i32 to index
      %get3A_1996 = arith.constant 48 : index
      %get3A_1997 = tpu.vector_load %arg22[%get3A_1995, %get3A_1996] {strides = array<i32>} : memref<200x128xf32, #tpu.memory_space<vmem>>, vector<16xf32>,
      %sub3A_1998 = arith.subf %get3A_385, %get3A_1997 : vector<16xf32>
      %abs3A_1999 = math.absf %sub3A_1998 : vector<16xf32>
      %add3A_2000 = arith.addf %add3A_1993, %abs3A_1999 : vector<16xf32>
      %get3A_2001 = arith.constant 199 : i32
      %get3A_2002 = arith.index_cast %get3A_2001 : i32 to index
      %get3A_2003 = arith.constant 64 : index
      %get3A_2004 = tpu.vector_load %arg21[%get3A_2002, %get3A_2003] {strides = array<i32>} : memref<200x128xf32, #tpu.memory_space<vmem>>, vector<16xf32>,
      %sub3A_2005 = arith.subf %add3A_352, %get3A_2004 : vector<16xf32>
      %abs3A_2006 = math.absf %sub3A_2005 : vector<16xf32>
      %add3A_2007 = arith.addf %add3A_2000, %abs3A_2006 : vector<16xf32>
      %get3A_2008 = arith.constant 199 : i32
      %get3A_2009 = arith.index_cast %get3A_2008 : i32 to index
      %get3A_2010 = arith.constant 64 : index
      %get3A_2011 = tpu.vector_load %arg22[%get3A_2009, %get3A_2010] {strides = array<i32>} : memref<200x128xf32, #tpu.memory_space<vmem>>, vector<16xf32>,
      %sub3A_2012 = arith.subf %get3A_388, %get3A_2011 : vector<16xf32>
      %abs3A_2013 = math.absf %sub3A_2012 : vector<16xf32>
      %add3A_2014 = arith.addf %add3A_2007, %abs3A_2013 : vector<16xf32>
      %get3A_2015 = arith.constant 199 : i32
      %get3A_2016 = arith.index_cast %get3A_2015 : i32 to index
      %get3A_2017 = arith.constant 80 : index
      %get3A_2018 = tpu.vector_load %arg21[%get3A_2016, %get3A_2017] {strides = array<i32>} : memref<200x128xf32, #tpu.memory_space<vmem>>, vector<16xf32>,
      %sub3A_2019 = arith.subf %add3A_359, %get3A_2018 : vector<16xf32>
      %abs3A_2020 = math.absf %sub3A_2019 : vector<16xf32>
      %add3A_2021 = arith.addf %add3A_2014, %abs3A_2020 : vector<16xf32>
      %get3A_2022 = arith.constant 199 : i32
      %get3A_2023 = arith.index_cast %get3A_2022 : i32 to index
      %get3A_2024 = arith.constant 80 : index
      %get3A_2025 = tpu.vector_load %arg22[%get3A_2023, %get3A_2024] {strides = array<i32>} : memref<200x128xf32, #tpu.memory_space<vmem>>, vector<16xf32>,
      %sub3A_2026 = arith.subf %get3A_391, %get3A_2025 : vector<16xf32>
      %abs3A_2027 = math.absf %sub3A_2026 : vector<16xf32>
      %add3A_2028 = arith.addf %add3A_2021, %abs3A_2027 : vector<16xf32>
      %get3A_2029 = arith.constant 199 : i32
      %get3A_2030 = arith.index_cast %get3A_2029 : i32 to index
      %get3A_2031 = arith.constant 96 : index
      %get3A_2032 = tpu.vector_load %arg21[%get3A_2030, %get3A_2031] {strides = array<i32>} : memref<200x128xf32, #tpu.memory_space<vmem>>, vector<16xf32>,
      %sub3A_2033 = arith.subf %add3A_366, %get3A_2032 : vector<16xf32>
      %abs3A_2034 = math.absf %sub3A_2033 : vector<16xf32>
      %add3A_2035 = arith.addf %add3A_2028, %abs3A_2034 : vector<16xf32>
      %get3A_2036 = arith.constant 199 : i32
      %get3A_2037 = arith.index_cast %get3A_2036 : i32 to index
      %get3A_2038 = arith.constant 96 : index
      %get3A_2039 = tpu.vector_load %arg22[%get3A_2037, %get3A_2038] {strides = array<i32>} : memref<200x128xf32, #tpu.memory_space<vmem>>, vector<16xf32>,
      %sub3A_2040 = arith.subf %get3A_394, %get3A_2039 : vector<16xf32>
      %abs3A_2041 = math.absf %sub3A_2040 : vector<16xf32>
      %add3A_2042 = arith.addf %add3A_2035, %abs3A_2041 : vector<16xf32>
      %get3A_2043 = arith.constant 199 : i32
      %get3A_2044 = arith.index_cast %get3A_2043 : i32 to index
      %get3A_2045 = arith.constant 112 : index
      %get3A_2046 = tpu.vector_load %arg21[%get3A_2044, %get3A_2045] {strides = array<i32>} : memref<200x128xf32, #tpu.memory_space<vmem>>, vector<16xf32>,
      %sub3A_2047 = arith.subf %add3A_373, %get3A_2046 : vector<16xf32>
      %abs3A_2048 = math.absf %sub3A_2047 : vector<16xf32>
      %add3A_2049 = arith.addf %add3A_2042, %abs3A_2048 : vector<16xf32>
      %get3A_2050 = arith.constant 199 : i32
      %get3A_2051 = arith.index_cast %get3A_2050 : i32 to index
      %get3A_2052 = arith.constant 112 : index
      %get3A_2053 = tpu.vector_load %arg22[%get3A_2051, %get3A_2052] {strides = array<i32>} : memref<200x128xf32, #tpu.memory_space<vmem>>, vector<16xf32>,
      %sub3A_2054 = arith.subf %get3A_397, %get3A_2053 : vector<16xf32>
      %abs3A_2055 = math.absf %sub3A_2054 : vector<16xf32>
      %add3A_2056 = arith.addf %add3A_2049, %abs3A_2055 : vector<16xf32>
      %reduce_sum3A_2057 = arith.constant true
      %reduce_sum3A_2058 = vector.broadcast %reduce_sum3A_2057 : i1 to vector<16xi1>
      %reduce_sum3A_2059 = tpu.scan <sum>, %add3A_2056 masked %reduce_sum3A_2058 : vector<16xf32>, vector<16xi1> -> vector<16xf32>
      %reduce_sum3A_2060 = vector.extract %reduce_sum3A_2059[15] : f32 from vector<16xf32>
      %broadcast_in_dim3A_2061 = vector.broadcast %reduce_sum3A_2060 : f32 to vector<16xf32>
      %select_n3A_2062 = arith.select %eq3A_41, %broadcast_in_dim3A_2061, %select_n3A_1945 : vector<16xi1>, vector<16xf32>
      %get3A_2063 = arith.constant 199 : i32
      %get3A_2064 = arith.index_cast %get3A_2063 : i32 to index
      %get3A_2065 = arith.constant 0 : index
      %get3A_2066 = tpu.vector_load %arg21[%get3A_2064, %get3A_2065] {strides = array<i32>} : memref<200x128xf32, #tpu.memory_space<vmem>>, vector<16xf32>,
      %sub3A_2067 = arith.subf %add3A_324, %get3A_2066 : vector<16xf32>
      %abs3A_2068 = math.absf %sub3A_2067 : vector<16xf32>
      %get3A_2069 = arith.constant 199 : i32
      %get3A_2070 = arith.index_cast %get3A_2069 : i32 to index
      %get3A_2071 = arith.constant 0 : index
      %get3A_2072 = tpu.vector_load %arg22[%get3A_2070, %get3A_2071] {strides = array<i32>} : memref<200x128xf32, #tpu.memory_space<vmem>>, vector<16xf32>,
      %sub3A_2073 = arith.subf %get3A_376, %get3A_2072 : vector<16xf32>
      %abs3A_2074 = math.absf %sub3A_2073 : vector<16xf32>
      %add3A_2075 = arith.addf %abs3A_2068, %abs3A_2074 : vector<16xf32>
      %get3A_2076 = arith.constant 199 : i32
      %get3A_2077 = arith.index_cast %get3A_2076 : i32 to index
      %get3A_2078 = arith.constant 16 : index
      %get3A_2079 = tpu.vector_load %arg21[%get3A_2077, %get3A_2078] {strides = array<i32>} : memref<200x128xf32, #tpu.memory_space<vmem>>, vector<16xf32>,
      %sub3A_2080 = arith.subf %add3A_331, %get3A_2079 : vector<16xf32>
      %abs3A_2081 = math.absf %sub3A_2080 : vector<16xf32>
      %add3A_2082 = arith.addf %add3A_2075, %abs3A_2081 : vector<16xf32>
      %get3A_2083 = arith.constant 199 : i32
      %get3A_2084 = arith.index_cast %get3A_2083 : i32 to index
      %get3A_2085 = arith.constant 16 : index
      %get3A_2086 = tpu.vector_load %arg22[%get3A_2084, %get3A_2085] {strides = array<i32>} : memref<200x128xf32, #tpu.memory_space<vmem>>, vector<16xf32>,
      %sub3A_2087 = arith.subf %get3A_379, %get3A_2086 : vector<16xf32>
      %abs3A_2088 = math.absf %sub3A_2087 : vector<16xf32>
      %add3A_2089 = arith.addf %add3A_2082, %abs3A_2088 : vector<16xf32>
      %get3A_2090 = arith.constant 199 : i32
      %get3A_2091 = arith.index_cast %get3A_2090 : i32 to index
      %get3A_2092 = arith.constant 32 : index
      %get3A_2093 = tpu.vector_load %arg21[%get3A_2091, %get3A_2092] {strides = array<i32>} : memref<200x128xf32, #tpu.memory_space<vmem>>, vector<16xf32>,
      %sub3A_2094 = arith.subf %add3A_338, %get3A_2093 : vector<16xf32>
      %abs3A_2095 = math.absf %sub3A_2094 : vector<16xf32>
      %add3A_2096 = arith.addf %add3A_2089, %abs3A_2095 : vector<16xf32>
      %get3A_2097 = arith.constant 199 : i32
      %get3A_2098 = arith.index_cast %get3A_2097 : i32 to index
      %get3A_2099 = arith.constant 32 : index
      %get3A_2100 = tpu.vector_load %arg22[%get3A_2098, %get3A_2099] {strides = array<i32>} : memref<200x128xf32, #tpu.memory_space<vmem>>, vector<16xf32>,
      %sub3A_2101 = arith.subf %get3A_382, %get3A_2100 : vector<16xf32>
      %abs3A_2102 = math.absf %sub3A_2101 : vector<16xf32>
      %add3A_2103 = arith.addf %add3A_2096, %abs3A_2102 : vector<16xf32>
      %get3A_2104 = arith.constant 199 : i32
      %get3A_2105 = arith.index_cast %get3A_2104 : i32 to index
      %get3A_2106 = arith.constant 48 : index
      %get3A_2107 = tpu.vector_load %arg21[%get3A_2105, %get3A_2106] {strides = array<i32>} : memref<200x128xf32, #tpu.memory_space<vmem>>, vector<16xf32>,
      %sub3A_2108 = arith.subf %add3A_345, %get3A_2107 : vector<16xf32>
      %abs3A_2109 = math.absf %sub3A_2108 : vector<16xf32>
      %add3A_2110 = arith.addf %add3A_2103, %abs3A_2109 : vector<16xf32>
      %get3A_2111 = arith.constant 199 : i32
      %get3A_2112 = arith.index_cast %get3A_2111 : i32 to index
      %get3A_2113 = arith.constant 48 : index
      %get3A_2114 = tpu.vector_load %arg22[%get3A_2112, %get3A_2113] {strides = array<i32>} : memref<200x128xf32, #tpu.memory_space<vmem>>, vector<16xf32>,
      %sub3A_2115 = arith.subf %get3A_385, %get3A_2114 : vector<16xf32>
      %abs3A_2116 = math.absf %sub3A_2115 : vector<16xf32>
      %add3A_2117 = arith.addf %add3A_2110, %abs3A_2116 : vector<16xf32>
      %get3A_2118 = arith.constant 199 : i32
      %get3A_2119 = arith.index_cast %get3A_2118 : i32 to index
      %get3A_2120 = arith.constant 64 : index
      %get3A_2121 = tpu.vector_load %arg21[%get3A_2119, %get3A_2120] {strides = array<i32>} : memref<200x128xf32, #tpu.memory_space<vmem>>, vector<16xf32>,
      %sub3A_2122 = arith.subf %add3A_352, %get3A_2121 : vector<16xf32>
      %abs3A_2123 = math.absf %sub3A_2122 : vector<16xf32>
      %add3A_2124 = arith.addf %add3A_2117, %abs3A_2123 : vector<16xf32>
      %get3A_2125 = arith.constant 199 : i32
      %get3A_2126 = arith.index_cast %get3A_2125 : i32 to index
      %get3A_2127 = arith.constant 64 : index
      %get3A_2128 = tpu.vector_load %arg22[%get3A_2126, %get3A_2127] {strides = array<i32>} : memref<200x128xf32, #tpu.memory_space<vmem>>, vector<16xf32>,
      %sub3A_2129 = arith.subf %get3A_388, %get3A_2128 : vector<16xf32>
      %abs3A_2130 = math.absf %sub3A_2129 : vector<16xf32>
      %add3A_2131 = arith.addf %add3A_2124, %abs3A_2130 : vector<16xf32>
      %get3A_2132 = arith.constant 199 : i32
      %get3A_2133 = arith.index_cast %get3A_2132 : i32 to index
      %get3A_2134 = arith.constant 80 : index
      %get3A_2135 = tpu.vector_load %arg21[%get3A_2133, %get3A_2134] {strides = array<i32>} : memref<200x128xf32, #tpu.memory_space<vmem>>, vector<16xf32>,
      %sub3A_2136 = arith.subf %add3A_359, %get3A_2135 : vector<16xf32>
      %abs3A_2137 = math.absf %sub3A_2136 : vector<16xf32>
      %add3A_2138 = arith.addf %add3A_2131, %abs3A_2137 : vector<16xf32>
      %get3A_2139 = arith.constant 199 : i32
      %get3A_2140 = arith.index_cast %get3A_2139 : i32 to index
      %get3A_2141 = arith.constant 80 : index
      %get3A_2142 = tpu.vector_load %arg22[%get3A_2140, %get3A_2141] {strides = array<i32>} : memref<200x128xf32, #tpu.memory_space<vmem>>, vector<16xf32>,
      %sub3A_2143 = arith.subf %get3A_391, %get3A_2142 : vector<16xf32>
      %abs3A_2144 = math.absf %sub3A_2143 : vector<16xf32>
      %add3A_2145 = arith.addf %add3A_2138, %abs3A_2144 : vector<16xf32>
      %get3A_2146 = arith.constant 199 : i32
      %get3A_2147 = arith.index_cast %get3A_2146 : i32 to index
      %get3A_2148 = arith.constant 96 : index
      %get3A_2149 = tpu.vector_load %arg21[%get3A_2147, %get3A_2148] {strides = array<i32>} : memref<200x128xf32, #tpu.memory_space<vmem>>, vector<16xf32>,
      %sub3A_2150 = arith.subf %add3A_366, %get3A_2149 : vector<16xf32>
      %abs3A_2151 = math.absf %sub3A_2150 : vector<16xf32>
      %add3A_2152 = arith.addf %add3A_2145, %abs3A_2151 : vector<16xf32>
      %get3A_2153 = arith.constant 199 : i32
      %get3A_2154 = arith.index_cast %get3A_2153 : i32 to index
      %get3A_2155 = arith.constant 96 : index
      %get3A_2156 = tpu.vector_load %arg22[%get3A_2154, %get3A_2155] {strides = array<i32>} : memref<200x128xf32, #tpu.memory_space<vmem>>, vector<16xf32>,
      %sub3A_2157 = arith.subf %get3A_394, %get3A_2156 : vector<16xf32>
      %abs3A_2158 = math.absf %sub3A_2157 : vector<16xf32>
      %add3A_2159 = arith.addf %add3A_2152, %abs3A_2158 : vector<16xf32>
      %get3A_2160 = arith.constant 199 : i32
      %get3A_2161 = arith.index_cast %get3A_2160 : i32 to index
      %get3A_2162 = arith.constant 112 : index
      %get3A_2163 = tpu.vector_load %arg21[%get3A_2161, %get3A_2162] {strides = array<i32>} : memref<200x128xf32, #tpu.memory_space<vmem>>, vector<16xf32>,
      %sub3A_2164 = arith.subf %add3A_373, %get3A_2163 : vector<16xf32>
      %abs3A_2165 = math.absf %sub3A_2164 : vector<16xf32>
      %add3A_2166 = arith.addf %add3A_2159, %abs3A_2165 : vector<16xf32>
      %get3A_2167 = arith.constant 199 : i32
      %get3A_2168 = arith.index_cast %get3A_2167 : i32 to index
      %get3A_2169 = arith.constant 112 : index
      %get3A_2170 = tpu.vector_load %arg22[%get3A_2168, %get3A_2169] {strides = array<i32>} : memref<200x128xf32, #tpu.memory_space<vmem>>, vector<16xf32>,
      %sub3A_2171 = arith.subf %get3A_397, %get3A_2170 : vector<16xf32>
      %abs3A_2172 = math.absf %sub3A_2171 : vector<16xf32>
      %add3A_2173 = arith.addf %add3A_2166, %abs3A_2172 : vector<16xf32>
      %reduce_sum3A_2174 = arith.constant true
      %reduce_sum3A_2175 = vector.broadcast %reduce_sum3A_2174 : i1 to vector<16xi1>
      %reduce_sum3A_2176 = tpu.scan <sum>, %add3A_2173 masked %reduce_sum3A_2175 : vector<16xf32>, vector<16xi1> -> vector<16xf32>
      %reduce_sum3A_2177 = vector.extract %reduce_sum3A_2176[15] : f32 from vector<16xf32>
      %broadcast_in_dim3A_2178 = vector.broadcast %reduce_sum3A_2177 : f32 to vector<16xf32>
      %select_n3A_2179 = arith.select %eq3A_44, %broadcast_in_dim3A_2178, %select_n3A_2062 : vector<16xi1>, vector<16xf32>
      %get3A_2180 = arith.constant 199 : i32
      %get3A_2181 = arith.index_cast %get3A_2180 : i32 to index
      %get3A_2182 = arith.constant 0 : index
      %get3A_2183 = tpu.vector_load %arg21[%get3A_2181, %get3A_2182] {strides = array<i32>} : memref<200x128xf32, #tpu.memory_space<vmem>>, vector<16xf32>,
      %sub3A_2184 = arith.subf %add3A_324, %get3A_2183 : vector<16xf32>
      %abs3A_2185 = math.absf %sub3A_2184 : vector<16xf32>
      %get3A_2186 = arith.constant 199 : i32
      %get3A_2187 = arith.index_cast %get3A_2186 : i32 to index
      %get3A_2188 = arith.constant 0 : index
      %get3A_2189 = tpu.vector_load %arg22[%get3A_2187, %get3A_2188] {strides = array<i32>} : memref<200x128xf32, #tpu.memory_space<vmem>>, vector<16xf32>,
      %sub3A_2190 = arith.subf %get3A_376, %get3A_2189 : vector<16xf32>
      %abs3A_2191 = math.absf %sub3A_2190 : vector<16xf32>
      %add3A_2192 = arith.addf %abs3A_2185, %abs3A_2191 : vector<16xf32>
      %get3A_2193 = arith.constant 199 : i32
      %get3A_2194 = arith.index_cast %get3A_2193 : i32 to index
      %get3A_2195 = arith.constant 16 : index
      %get3A_2196 = tpu.vector_load %arg21[%get3A_2194, %get3A_2195] {strides = array<i32>} : memref<200x128xf32, #tpu.memory_space<vmem>>, vector<16xf32>,
      %sub3A_2197 = arith.subf %add3A_331, %get3A_2196 : vector<16xf32>
      %abs3A_2198 = math.absf %sub3A_2197 : vector<16xf32>
      %add3A_2199 = arith.addf %add3A_2192, %abs3A_2198 : vector<16xf32>
      %get3A_2200 = arith.constant 199 : i32
      %get3A_2201 = arith.index_cast %get3A_2200 : i32 to index
      %get3A_2202 = arith.constant 16 : index
      %get3A_2203 = tpu.vector_load %arg22[%get3A_2201, %get3A_2202] {strides = array<i32>} : memref<200x128xf32, #tpu.memory_space<vmem>>, vector<16xf32>,
      %sub3A_2204 = arith.subf %get3A_379, %get3A_2203 : vector<16xf32>
      %abs3A_2205 = math.absf %sub3A_2204 : vector<16xf32>
      %add3A_2206 = arith.addf %add3A_2199, %abs3A_2205 : vector<16xf32>
      %get3A_2207 = arith.constant 199 : i32
      %get3A_2208 = arith.index_cast %get3A_2207 : i32 to index
      %get3A_2209 = arith.constant 32 : index
      %get3A_2210 = tpu.vector_load %arg21[%get3A_2208, %get3A_2209] {strides = array<i32>} : memref<200x128xf32, #tpu.memory_space<vmem>>, vector<16xf32>,
      %sub3A_2211 = arith.subf %add3A_338, %get3A_2210 : vector<16xf32>
      %abs3A_2212 = math.absf %sub3A_2211 : vector<16xf32>
      %add3A_2213 = arith.addf %add3A_2206, %abs3A_2212 : vector<16xf32>
      %get3A_2214 = arith.constant 199 : i32
      %get3A_2215 = arith.index_cast %get3A_2214 : i32 to index
      %get3A_2216 = arith.constant 32 : index
      %get3A_2217 = tpu.vector_load %arg22[%get3A_2215, %get3A_2216] {strides = array<i32>} : memref<200x128xf32, #tpu.memory_space<vmem>>, vector<16xf32>,
      %sub3A_2218 = arith.subf %get3A_382, %get3A_2217 : vector<16xf32>
      %abs3A_2219 = math.absf %sub3A_2218 : vector<16xf32>
      %add3A_2220 = arith.addf %add3A_2213, %abs3A_2219 : vector<16xf32>
      %get3A_2221 = arith.constant 199 : i32
      %get3A_2222 = arith.index_cast %get3A_2221 : i32 to index
      %get3A_2223 = arith.constant 48 : index
      %get3A_2224 = tpu.vector_load %arg21[%get3A_2222, %get3A_2223] {strides = array<i32>} : memref<200x128xf32, #tpu.memory_space<vmem>>, vector<16xf32>,
      %sub3A_2225 = arith.subf %add3A_345, %get3A_2224 : vector<16xf32>
      %abs3A_2226 = math.absf %sub3A_2225 : vector<16xf32>
      %add3A_2227 = arith.addf %add3A_2220, %abs3A_2226 : vector<16xf32>
      %get3A_2228 = arith.constant 199 : i32
      %get3A_2229 = arith.index_cast %get3A_2228 : i32 to index
      %get3A_2230 = arith.constant 48 : index
      %get3A_2231 = tpu.vector_load %arg22[%get3A_2229, %get3A_2230] {strides = array<i32>} : memref<200x128xf32, #tpu.memory_space<vmem>>, vector<16xf32>,
      %sub3A_2232 = arith.subf %get3A_385, %get3A_2231 : vector<16xf32>
      %abs3A_2233 = math.absf %sub3A_2232 : vector<16xf32>
      %add3A_2234 = arith.addf %add3A_2227, %abs3A_2233 : vector<16xf32>
      %get3A_2235 = arith.constant 199 : i32
      %get3A_2236 = arith.index_cast %get3A_2235 : i32 to index
      %get3A_2237 = arith.constant 64 : index
      %get3A_2238 = tpu.vector_load %arg21[%get3A_2236, %get3A_2237] {strides = array<i32>} : memref<200x128xf32, #tpu.memory_space<vmem>>, vector<16xf32>,
      %sub3A_2239 = arith.subf %add3A_352, %get3A_2238 : vector<16xf32>
      %abs3A_2240 = math.absf %sub3A_2239 : vector<16xf32>
      %add3A_2241 = arith.addf %add3A_2234, %abs3A_2240 : vector<16xf32>
      %get3A_2242 = arith.constant 199 : i32
      %get3A_2243 = arith.index_cast %get3A_2242 : i32 to index
      %get3A_2244 = arith.constant 64 : index
      %get3A_2245 = tpu.vector_load %arg22[%get3A_2243, %get3A_2244] {strides = array<i32>} : memref<200x128xf32, #tpu.memory_space<vmem>>, vector<16xf32>,
      %sub3A_2246 = arith.subf %get3A_388, %get3A_2245 : vector<16xf32>
      %abs3A_2247 = math.absf %sub3A_2246 : vector<16xf32>
      %add3A_2248 = arith.addf %add3A_2241, %abs3A_2247 : vector<16xf32>
      %get3A_2249 = arith.constant 199 : i32
      %get3A_2250 = arith.index_cast %get3A_2249 : i32 to index
      %get3A_2251 = arith.constant 80 : index
      %get3A_2252 = tpu.vector_load %arg21[%get3A_2250, %get3A_2251] {strides = array<i32>} : memref<200x128xf32, #tpu.memory_space<vmem>>, vector<16xf32>,
      %sub3A_2253 = arith.subf %add3A_359, %get3A_2252 : vector<16xf32>
      %abs3A_2254 = math.absf %sub3A_2253 : vector<16xf32>
      %add3A_2255 = arith.addf %add3A_2248, %abs3A_2254 : vector<16xf32>
      %get3A_2256 = arith.constant 199 : i32
      %get3A_2257 = arith.index_cast %get3A_2256 : i32 to index
      %get3A_2258 = arith.constant 80 : index
      %get3A_2259 = tpu.vector_load %arg22[%get3A_2257, %get3A_2258] {strides = array<i32>} : memref<200x128xf32, #tpu.memory_space<vmem>>, vector<16xf32>,
      %sub3A_2260 = arith.subf %get3A_391, %get3A_2259 : vector<16xf32>
      %abs3A_2261 = math.absf %sub3A_2260 : vector<16xf32>
      %add3A_2262 = arith.addf %add3A_2255, %abs3A_2261 : vector<16xf32>
      %get3A_2263 = arith.constant 199 : i32
      %get3A_2264 = arith.index_cast %get3A_2263 : i32 to index
      %get3A_2265 = arith.constant 96 : index
      %get3A_2266 = tpu.vector_load %arg21[%get3A_2264, %get3A_2265] {strides = array<i32>} : memref<200x128xf32, #tpu.memory_space<vmem>>, vector<16xf32>,
      %sub3A_2267 = arith.subf %add3A_366, %get3A_2266 : vector<16xf32>
      %abs3A_2268 = math.absf %sub3A_2267 : vector<16xf32>
      %add3A_2269 = arith.addf %add3A_2262, %abs3A_2268 : vector<16xf32>
      %get3A_2270 = arith.constant 199 : i32
      %get3A_2271 = arith.index_cast %get3A_2270 : i32 to index
      %get3A_2272 = arith.constant 96 : index
      %get3A_2273 = tpu.vector_load %arg22[%get3A_2271, %get3A_2272] {strides = array<i32>} : memref<200x128xf32, #tpu.memory_space<vmem>>, vector<16xf32>,
      %sub3A_2274 = arith.subf %get3A_394, %get3A_2273 : vector<16xf32>
      %abs3A_2275 = math.absf %sub3A_2274 : vector<16xf32>
      %add3A_2276 = arith.addf %add3A_2269, %abs3A_2275 : vector<16xf32>
      %get3A_2277 = arith.constant 199 : i32
      %get3A_2278 = arith.index_cast %get3A_2277 : i32 to index
      %get3A_2279 = arith.constant 112 : index
      %get3A_2280 = tpu.vector_load %arg21[%get3A_2278, %get3A_2279] {strides = array<i32>} : memref<200x128xf32, #tpu.memory_space<vmem>>, vector<16xf32>,
      %sub3A_2281 = arith.subf %add3A_373, %get3A_2280 : vector<16xf32>
      %abs3A_2282 = math.absf %sub3A_2281 : vector<16xf32>
      %add3A_2283 = arith.addf %add3A_2276, %abs3A_2282 : vector<16xf32>
      %get3A_2284 = arith.constant 199 : i32
      %get3A_2285 = arith.index_cast %get3A_2284 : i32 to index
      %get3A_2286 = arith.constant 112 : index
      %get3A_2287 = tpu.vector_load %arg22[%get3A_2285, %get3A_2286] {strides = array<i32>} : memref<200x128xf32, #tpu.memory_space<vmem>>, vector<16xf32>,
      %sub3A_2288 = arith.subf %get3A_397, %get3A_2287 : vector<16xf32>
      %abs3A_2289 = math.absf %sub3A_2288 : vector<16xf32>
      %add3A_2290 = arith.addf %add3A_2283, %abs3A_2289 : vector<16xf32>
      %reduce_sum3A_2291 = arith.constant true
      %reduce_sum3A_2292 = vector.broadcast %reduce_sum3A_2291 : i1 to vector<16xi1>
      %reduce_sum3A_2293 = tpu.scan <sum>, %add3A_2290 masked %reduce_sum3A_2292 : vector<16xf32>, vector<16xi1> -> vector<16xf32>
      %reduce_sum3A_2294 = vector.extract %reduce_sum3A_2293[15] : f32 from vector<16xf32>
      %broadcast_in_dim3A_2295 = vector.broadcast %reduce_sum3A_2294 : f32 to vector<16xf32>
      %select_n3A_2296 = arith.select %eq3A_47, %broadcast_in_dim3A_2295, %select_n3A_2179 : vector<16xi1>, vector<16xf32>
      %sub3A_2297 = arith.subf %sub3A_409, %select_n3A_2296 : vector<16xf32>
      %mul3A_2298 = arith.mulf %mul3A_403, %gather3A_425 : vector<16xf32>
      %add3A_2299 = arith.addf %sub3A_2297, %mul3A_2298 : vector<16xf32>
      %add3A_2300 = arith.constant 192 : i32
      %add3A_2301 = vector.broadcast %add3A_2300 : i32 to vector<16xi32>
      %add3A_2302 = arith.addi %iota3A, %add3A_2301 : vector<16xi32>
      %add3A_2303 = arith.constant 192 : i32
      %add3A_2304 = vector.broadcast %add3A_2303 : i32 to vector<16xi32>
      %add3A_2305 = arith.addi %iota3A, %add3A_2304 : vector<16xi32>
      %lt3A = arith.constant 200 : i32
      %lt3A_2306 = vector.broadcast %lt3A : i32 to vector<16xi32>
      %lt3A_2307 = arith.cmpi slt, %add3A_2305, %lt3A_2306 : vector<16xi32>
      tpu.vector_store_idx %arg24[%broadcast_in_dim3A_317, %add3A_2302], %add3A_2299 masked %lt3A_2307 : memref<32x200xf32, #tpu.memory_space<vmem>>[vector<16xi32>, vector<16xi32>], vector<16xf32>, vector<16xi1>
    }
    %scan3A_108 = arith.constant 32 : i32
    "tpu.region"() ({
      %run_scoped3A = tpu.sem_alloc : memref<!tpu.dma_semaphore, #tpu.memory_space<semaphore_mem>>
      %dma_start3A_109 = arith.constant 0 : i32
      %dma_start3A_110 = tpu.memref_slice %arg9[%mul3A_50, %dma_start3A_109] : memref<1024x200xf32, #tpu.memory_space<hbm>> -> memref<32x200xf32, #tpu.memory_space<hbm>>
      %dma_start3A_111 = arith.constant 0 : i32
      %dma_start3A_112 = tpu.memref_slice %arg9[%mul3A_50, %dma_start3A_111] : memref<1024x200xf32, #tpu.memory_space<hbm>> -> memref<32x200xf32, #tpu.memory_space<hbm>>
      tpu.enqueue_dma source(%arg24 : memref<32x200xf32, #tpu.memory_space<vmem>>) target(%dma_start3A_112 : memref<32x200xf32, #tpu.memory_space<hbm>>) target_semaphore(%run_scoped3A : memref<!tpu.dma_semaphore, #tpu.memory_space<semaphore_mem>>)
      %dma_wait3A_113 = arith.constant 0 : i32
      %dma_wait3A_114 = tpu.memref_slice %arg9[%mul3A_50, %dma_wait3A_113] : memref<1024x200xf32, #tpu.memory_space<hbm>> -> memref<32x200xf32, #tpu.memory_space<hbm>>
      %dma_wait3A_115 = arith.constant 0 : i32
      %dma_wait3A_116 = tpu.memref_slice %arg9[%mul3A_50, %dma_wait3A_115] : memref<1024x200xf32, #tpu.memory_space<hbm>> -> memref<32x200xf32, #tpu.memory_space<hbm>>
      tpu.wait_dma2 semaphore(%run_scoped3A : memref<!tpu.dma_semaphore, #tpu.memory_space<semaphore_mem>>) src(%arg24 : memref<32x200xf32, #tpu.memory_space<vmem>>) dst(%dma_wait3A_116 : memref<32x200xf32, #tpu.memory_space<hbm>>)
      tpu.yield
    }) : () -> ()
    return
  }
}

</mosaic_0001>

<sc_bundles>
// kernel: kernel.3.cloned.1.call-start
scs
__scs_entry_jumppad:
0x0: {  	(pc) =	sbr.rel $0x88, $3  }
0x1: {  	(tag) =	ssettag $0x0;
	lr =	simm.s32 $0x1  }
0x2: {  	[smem:$0x3F9A] =	sst lr;
	_ =	strace $0xD0000000  }
0x3: {  	_ = 	snop  }
0x4: {  	_ = 	snop  }
0x5: {  	_ = 	snop  }
0x6: {  	_ = 	snop  }
0x7: {  	_ = 	snop  }
__scs_overlays_trampoline_lowered:
0x8: {  	[smem:$0x3FA9] =	sst s0  }
0x9: {  	[smem:$0x3FAA] =	sst s1  }
0xa: {  	[smem:$0x3FAB] =	sst s2  }
0xb: {  	[smem:$0x3FAC] =	sst s3  }
0xc: {  	[smem:$0x3FAD] =	sst s4  }
0xd: {  	[smem:$0x3FAE] =	sst s5  }
0xe: {  	[smem:$0x3FAF] =	sst s6  }
0xf: {  	[smem:$0x3FB0] =	sst s7  }
0x10: {  	[smem:$0x3FB1] =	sst s8  }
0x11: {  	[smem:$0x3FB2] =	sst s9;
	s0 =	simm.s32 @!p0 $0x0  }
0x12: {  	s1 =	sld [smem:$0x3F98];
	s0 =	simm.s32 @p0 $0x1  }
0x13: {  	[smem:$0x3FB3] =	sst s0;
	s0 =	simm.s32 @!p1 $0x0  }
0x14: {  	s2 =	sld [smem:$0x3F97];
	s0 =	simm.s32 @p1 $0x1  }
0x15: {  	[smem:$0x3FB4] =	sst s0;
	s0 =	simm.s32 @!p2 $0x0  }
0x16: {  	s3 =	sld [smem:$0x3FDB];
	s0 =	simm.s32 @p2 $0x1  }
0x17: {  	s4 =	simm.s32 $0x1BF5;
	[smem:$0x3FB6] =	sst s0  }
0x18: {  	s0 =	sld [smem:$0x3F99];
	_ =	swait.ge [sflag:s4], $0x0  }
0x19: {  	s7 =	sld [smem:$0x3F9A]  }
0x1a: {  	s8 =	sadd.s32 $0xFFFFE003, lr  }
0x1b: {  	s9 =	sadd.s32 $0xFFFFFEF7, lr;
	s5 =	simm.s32 $0xFFFFFFFF;
	p2 =	slt.u32 s8, $0xFFFFF086  }
0x1c: {  	p1 =	slt.u32 s9, $0xF7A;
	s5 =	simm.s32 @!p2 $0x0  }
0x1d: {  	s5 =	simm.s32 @p1 $0x1;
	p0 =	seq.s32 s7, s2  }
0x1e: {  	s7 =	smul.u32 @!p0 $0xF7A, s2;
	p2 =	seq.s32 @!p0 s5, $0x0  }
0x1f: {  	s9 =	smul.u32 $0xF7A, s1;
	s8 =	simm.s32 @!p0 $0x1BF5;
	p2 =	por !p2, p0  }
0x20: {  	[sflag:s8] =	ssyncset.s32 @!p0 $0xFFFFF086;
	s6 =	sadd.s32 @!p0 s3, s7;
	s7 =	simm.s32 @!p0 $0x108  }
0x21: {  	s3 =	sadd.s32 s3, s9;
	s6 =	sadd.s32 @!p0 $0x88, s6;
	s7 =	simm.s32 @p2 $0x1082  }
0x22: {  	[simem:s7], [sflag:s8] =	dma.local @!p0 [hbm:s6], $0xF7A  }
0x23: {  	s9 =	sor.u32 $0xD0000000, s2;
	s6 =	simm.s32 $0x108;
	_ =	swait.ge @!p0 [sflag:s8], $0x0  }
0x24: {  	s3 =	sadd.s32 $0x88, s3;
	s6 =	simm.s32 @!p1 $0x1082;
	[sflag:s4] =	ssyncset.s32 $0xFFFFF086  }
0x25: {  	[simem:s6], [sflag:s4] =	dma.local [hbm:s3], $0xF7A  }
0x26: {  	[smem:$0x3F9A] =	sst s1;
	(tag) =	ssettag s2;
	_ =	strace s9  }
0x27: {  	s1 =	sld [smem:$0x3FAA]  }
0x28: {  	s2 =	sld [smem:$0x3FAB]  }
0x29: {  	s4 =	sld [smem:$0x3FAD]  }
0x2a: {  	p0 =	seq.s32 s5, $0x0;
	s5 =	sld [smem:$0x3FAE]  }
0x2b: {  	s6 =	sld [smem:$0x3FAF]  }
0x2c: {  	s7 =	sld [smem:$0x3FB0]  }
0x2d: {  	s3 =	simm.s32 $0x108;
	s8 =	sld [smem:$0x3FB1]  }
0x2e: {  	s3 =	simm.s32 @!p0 $0x1082;
	s9 =	sld [smem:$0x3FB2]  }
0x2f: {  	lr =	sadd.s32 s0, s3;
	s0 =	sld [smem:$0x3FA9]  }
0x30: {  	s3 =	sld [smem:$0x3FAC]  }
0x31: {  	[smem:$0x3FB5] =	sst s10  }
0x32: {  	s10 =	sld [smem:$0x3FB3];
	_ =	sdelay $0x3  }
0x33: {  	p0 =	seq.s32 s10, $0x1;
	s10 =	sld [smem:$0x3FB5];
	_ =	sdelay $0x3  }
0x34: {  	[smem:$0x3FB5] =	sst s10  }
0x35: {  	s10 =	sld [smem:$0x3FB4];
	_ =	sdelay $0x3  }
0x36: {  	p1 =	seq.s32 s10, $0x1;
	s10 =	sld [smem:$0x3FB5];
	_ =	sdelay $0x3  }
0x37: {  	[smem:$0x3FB5] =	sst s10  }
0x38: {  	s10 =	sld [smem:$0x3FB6]  }
0x39: {  	_ = 	snop;
	(pc) =	sbr.ind lr, $3  }
0x3a: {  	_ = 	snop  }
0x3b: {  	_ = 	snop  }
0x3c: {  	p2 =	seq.s32 s10, $0x1;
	s10 =	sld [smem:$0x3FB5]  }
0x3d: {  	_ =	shalt  }
0x3e: {  	_ =	shalt  }
0x3f: {  	_ =	shalt  }
0x40: {  	_ =	shalt  }
0x41: {  	_ =	shalt  }
0x42: {  	_ =	shalt  }
0x43: {  	_ =	shalt  }
0x44: {  	_ =	shalt  }
0x45: {  	_ =	shalt  }
0x46: {  	_ =	shalt  }
0x47: {  	_ =	shalt  }
0x48: {  	_ =	shalt  }
0x49: {  	_ =	shalt  }
0x4a: {  	_ =	shalt  }
0x4b: {  	_ =	shalt  }
0x4c: {  	_ =	shalt  }
0x4d: {  	_ =	shalt  }
0x4e: {  	_ =	shalt  }
0x4f: {  	_ =	shalt  }
0x50: {  	_ =	shalt  }
0x51: {  	_ =	shalt  }
0x52: {  	_ =	shalt  }
0x53: {  	_ =	shalt  }
0x54: {  	_ =	shalt  }
0x55: {  	_ =	shalt  }
0x56: {  	_ =	shalt  }
0x57: {  	_ =	shalt  }
0x58: {  	_ =	shalt  }
0x59: {  	_ =	shalt  }
0x5a: {  	_ =	shalt  }
0x5b: {  	_ =	shalt  }
0x5c: {  	_ =	shalt  }
0x5d: {  	_ =	shalt  }
0x5e: {  	_ =	shalt  }
0x5f: {  	_ =	shalt  }
0x60: {  	_ =	shalt  }
0x61: {  	_ =	shalt  }
0x62: {  	_ =	shalt  }
0x63: {  	_ =	shalt  }
0x64: {  	_ =	shalt  }
0x65: {  	_ =	shalt  }
0x66: {  	_ =	shalt  }
0x67: {  	_ =	shalt  }
0x68: {  	_ =	shalt  }
0x69: {  	_ =	shalt  }
0x6a: {  	_ =	shalt  }
0x6b: {  	_ =	shalt  }
0x6c: {  	_ =	shalt  }
0x6d: {  	_ =	shalt  }
0x6e: {  	_ =	shalt  }
0x6f: {  	_ =	shalt  }
0x70: {  	_ =	shalt  }
0x71: {  	_ =	shalt  }
0x72: {  	_ =	shalt  }
0x73: {  	_ =	shalt  }
0x74: {  	_ =	shalt  }
0x75: {  	_ =	shalt  }
0x76: {  	_ =	shalt  }
0x77: {  	_ =	shalt  }
0x78: {  	_ =	shalt  }
0x79: {  	_ =	shalt  }
0x7a: {  	_ =	shalt  }
0x7b: {  	_ =	shalt  }
0x7c: {  	_ =	shalt  }
0x7d: {  	_ =	shalt  }
0x7e: {  	_ =	shalt  }
0x7f: {  	_ =	shalt  }
0x80: {  	_ =	shalt  }
0x81: {  	_ =	shalt  }
0x82: {  	_ =	shalt  }
0x83: {  	_ =	shalt  }
0x84: {  	_ =	shalt  }
0x85: {  	_ =	shalt  }
0x86: {  	_ =	shalt  }
0x87: {  	_ =	shalt  }
.Lfunc_end0:
.L_simem_size_0:
called_computation_lowered:
.L_overlay_start_0:
0x88: {  	s2 =	sld [smem:$0x3FD9]  }
0x89: {  	s3 =	sld [smem:$0x3FFE];
	_ =	sdelay $0x1  }
0x8a: {  	s1 =	srdreg.scid  }
0x8b: {  	s0 =	sand.u32 $0x1, s1  }
0x8c: {  	s17 =	sshll.u32 s0, $0xA;
	s2 =	sadd.s32 s3, s2  }
0x8d: {  	s2 =	sadd.s32 s2, s17  }
0x8e: {  	[smem:$0x3FC1] =	sst s2  }
0x8f: {  	_ = 	snop  }
0x90: {  	s2 =	sld [smem:$0x3FC7]  }
0x91: {  	s18 =	sld [smem:$0x3FC6]  }
0x92: {  	s4 =	sld [smem:$0x3FC5]  }
0x93: {  	s5 =	sld [smem:$0x3FD0];
	(tm) =	ssettm $0x1  }
0x94: {  	s6 =	sld [smem:$0x3FFB];
	_ =	sdelay $0x3  }
0x95: {  	_ =	strace s6  }
0x96: {  	s6 =	sld [smem:$0x3FFC];
	_ =	sdelay $0x3  }
0x97: {  	_ =	strace s6  }
0x98: {  	s6 =	sld [smem:$0x3FFD];
	_ =	sdelay $0x3  }
0x99: {  	_ =	strace s6  }
0x9a: {  	_ =	strace $0x8FFFFFFF  }
0x9b: {  	s19 =	sld [smem:$0x3FDB];
	_ =	sdelay $0x1  }
0x9c: {  	s7 =	simm.s32 $_scs_section_size  }
0x9d: {  	s8 =	simm.s32 $_size__tile_overlayer_lowered;
	s9 =	simm.s32 $_tile_overlayer_lowered  }
0x9e: {  	s22 =	simm.s32 $0x1BFF;
	s21 =	sshll.u32 s9, $0x1;
	s6 =	sadd.s32 s7, s19  }
0x9f: {  	s10 =	simm.s32 $0x0;
	s20 =	sshll.u32 s8, $0x1;
	s8 =	sadd.s32 s21, s6  }
0xa0: {  	[timem:s10], [sflag:s22] =	dma.local [hbm:s8], s20  }
0xa1: {  	_ =	swait.ge [sflag:s22], s20  }
0xa2: {  	s7 =	ssub.s32 $0x0, s20;
	[sflag:s22] =	ssyncset.done $0x0  }
0xa3: {  	[sflag:s22] =	ssyncadd.s32 s7;
	_ =	sdelay $0x1  }
0xa4: {  	s23 =	simm.s32 $0x1B8B  }
0xa5: {  	_ =	swait.ge [sflag:s23], $0x1  }
0xa6: {  	[sflag:s23] =	ssyncset.done $0x0  }
0xa7: {  	s25 =	simm.s32 $0x1B8E;
	s24 =	sld [smem:$0x3FFE];
	[sflag:s23] =	ssyncadd.s32 $0xFFFFFFFF  }
0xa8: {  	s26 =	simm.s32 $execute0_lowered;
	[smem:$0x3FD2] =	sst s25  }
0xa9: {  	s8 =	sshll.u32 s26, $0x1;
	_ =	strace $0x80000046;
	[dreg:$0x1] =	wrdreg $0xFFFFFFFF  }
0xaa: {  	s28 =	simm.s32 $_size_execute0_lowered;
	s6 =	sadd.s32 s6, s8;
	[dreg:$0x0] =	wrdreg $0x0  }
0xab: {  	s8 =	sshll.u32 s28, $0x1;
	[dreg:$0x2] =	wrdreg s6  }
0xac: {  	[dreg:$0x3] =	wrdreg s8  }
0xad: {  	[dreg:$0x4] =	wrdreg $0xC0  }
0xae: {  	_ =	task [dreg:s10], $0x5FFFF  }
0xaf: {  	[dreg:$0x1] =	wrdreg $0xFFFFFFFF  }
0xb0: {  	[dreg:$0x0] =	wrdreg $0x60  }
0xb1: {  	[dreg:$0x2] =	wrdreg s24  }
0xb2: {  	[dreg:$0x3] =	wrdreg s5  }
0xb3: {  	[dreg:$0x4] =	wrdreg s2  }
0xb4: {  	[dreg:$0x5] =	wrdreg s18  }
0xb5: {  	[dreg:$0x6] =	wrdreg s4  }
0xb6: {  	[dreg:$0x7] =	wrdreg $0x9  }
0xb7: {  	_ =	task.clear_ibuf [dreg:s10], $0x8FFFF;
	_ =	strace $0x90000046  }
0xb8: {  	s29 =	simm.s32 $0x9;
	_ =	strace $0x80000048  }
0xb9: {  	_ =	swait.ge [sflag:s29], $0x1  }
0xba: {  	[sflag:s29] =	ssyncadd.s32 $0xFFFFFFFF  }
0xbb: {  	_ =	strace $0x90000048  }
0xbc: {  	_ =	sfence  }
0xbd: {  	s30 =	sld [smem:$0x0];
	_ =	sdelay $0x2  }
0xbe: {  	s31 =	sshll.u32 s1, $0xD;
	s1 =	sshrl.u32 s1, $0x2  }
0xbf: {  	s3 =	sand.u32 $0x4000, s31;
	s1 =	sadd.s32 s1, s30  }
0xc0: {  	s0 =	sor.u32 s3, s0;
	s1 =	sshll.u32 s1, $0x11  }
0xc1: {  	s0 =	sor.u32 s1, s0  }
0xc2: {  	s0 =	sadd.s32 $0x8F2B, s0  }
0xc3: {  	[sflag:s0] =	ssyncadd.remote.s32 $0x1  }
0xc4: {  	_ =	sfence.sel $0xFFFF  }
0xc5: {  	[dreg:$0x0] =	wrdreg $0xFFFFFFFF;
	(pc) =	sbr.abs _section_cstart, $3  }
0xc6: {  	[dreg:$0x1] =	wrdreg $0xFFFFFFFF  }
0xc7: {  	_ =	task.clear_ibuf [dreg:s10], $0x2FFFF;
	_ =	strace $0x9FFFFFFF  }
0xc8: {  	(tm) =	ssettm $0x7FFFFFFF  }
0xc9: {  	_ =	shalt  }
tec
execute0_lowered:
.L_overlay_start_1:
0x0: {  	(tag) =	ssettag $0x1  }
0x1: {  	s0 =	rddreg [dreg:$0x0]  }
0x2: {  	s3 =	rddreg [dreg:$0x1]  }
0x3: {  	s1 =	rddreg [dreg:$0x2];
	v0 =	vlaneseq.u32  }
0x4: {  	s2 =	rddreg [dreg:$0x3];
	vm0 =	vmmov $0x1;
	vm1 =	vmmov $0x3;
	vm2 =	vmmov $0x7  }
0x5: {  	s4 =	srdreg.scid;
	s6 =	stileid.u32;
	s5 =	simm.s32 $0x0;
	vm3 =	vmmov $0xf;
	vm4 =	vmmov $0x1f;
	vm5 =	vmmov $0x3f  }
0x6: {  	vm6 =	vmmov $0x7f;
	vm7 =	vmmov $0xff;
	vm8 =	vmmov $0x1ff;
	s12 =	simm.s32 $0x228;
	s13 =	simm.s32 $0x2;
	s14 =	simm.s32 $0x4B28  }
0x7: {  	v6 =	vimm.s32 $0xC3C2C1C0;
	vm9 =	vmmov $0x3ff;
	vm10 =	vmmov $0x7ff;
	s15 =	simm.s32 $0x20;
	s16 =	simm.s32 $0x100;
	s19 =	simm.s32 $0x120  }
0x8: {  	vm11 =	vmmov $0xfff;
	vm12 =	vmmov $0x1fff;
	vm13 =	vcmask $0xF00;
	s22 =	simm.s32 $0x5AC8;
	s23 =	simm.s32 $0x1;
	s24 =	simm.s32 $0x68  }
0x9: {  	v7 =	vimm.s32 $0xC70;
	v8 =	vimm.s32 $0xC7C6C5C4;
	s25 =	simm.s32 $0x5CC8;
	s28 =	simm.s32 $0x160;
	s29 =	simm.s32 $0x124C8;
	v6 =	vunpack.c.0.s8.s32 v6  }
0xa: {  	vm14 =	vcmask $0x1F10;
	vm15 =	vcmask $0x1714;
	s30 =	simm.s32 $0x60;
	s31 =	simm.s32 $0x90C8;
	s17 =	simm.s32 $0x13148;
	v1 =	vmul.u32 $0x8, v0  }
0xb: {  	s18 =	simm.s32 $0x0;
	s4 =	sand.u32 $0x1, s4;
	s6 =	sshll.u32 s6, $0x6;
	v5 =	vand.u32 $0x7, v0;
	v6 =	vnsel vm13, $0xC7, v6;
	vm13 =	vcmask $0x300  }
0xc: {  	[smem:$0x7FF] =	sst s5;
	s26 =	sadd.s32 $0x400, s0;
	v8 =	vunpack.c.0.s8.s32 v8;
	s7 =	sshll.u32 s4, $0x5;
	v7 =	vsel vm13, $0xC00, v7;
	vm13 =	vcmask $0x704  }
0xd: {  	_ =	strace $0x80000047;
	s4 =	ssub.s32 $0x2, s4;
	[dreg:$0x6] =	wrdreg s26;
	v2 =	vor.u32 $0x1, v1;
	v7 =	vsel vm13, $0xC10, v7;
	vm13 =	vcmask $0xB08  }
0xe: {  	s26 =	simm.s32 $0xC0C8;
	v3 =	vor.u32 $0x80, v1;
	s6 =	sor.u32 s7, s6;
	s9 =	sshrl.u32 s4, $0x1;
	v7 =	vsel vm13, $0xC20, v7;
	vm13 =	vcmask $0xF0C  }
0xf: {  	s7 =	sadd.s32 $0x600, s0;
	s8 =	smul.u32 $0x19, s6;
	s4 =	ssub.s32 s4, s9;
	v6 =	vsel vm14, v8, v6;
	vm14 =	vcmask $0x1310;
	v7 =	vsel vm13, $0xC30, v7  }
0x10: {  	v4 =	vor.u32 $0x81, v1;
	s9 =	sadd.s32 s0, s6;
	v8 =	vor.u32 $0xC0, v0;
	s11 =	smax.u32 s4, $0x1;
	s4 =	simm.s32 $0x12B48;
	v7 =	vsel vm14, $0xC40, v7  }
0x11: {  	v6 =	vand.u32 $0xFF, v6;
	s10 =	sadd.s32 s8, s0;
	s3 =	sadd.s32 s3, s8;
	s0 =	simm.s32 $0xF4C8;
	v7 =	vsel vm15, $0xC50, v7;
	vm15 =	vcmask $0x1B18  }
0x12: {  	[dreg:$0x7] =	wrdreg s3;
	s10 =	sadd.s32 $0x3800, s10;
	vm13 =	vmmov $0x3fff;
	s3 =	simm.s32 $0x1C8;
	vm14 =	vmmov $0x7fff;
	v7 =	vsel vm15, $0xC60, v7  }
.LBB2_1:
0x13: {  	s6 =	rddreg [dreg:$0x7]  }
0x14: {  	[tilespmem:s12], [sflag:$0x2] =	stream.linear.gather [hbm4b:s6+s5], $0x1900, $0x38;
	[tilespmem:$0x14A48] =	vst v63  }
0x15: {  	_ =	swait.ge [sflag:s13], $0x1900  }
0x16: {  	[sflag:s13] =	ssyncset.done $0x0  }
0x17: {  	[sflag:s13] =	ssyncadd.s32 $0xFFFFE700  }
0x18: {  	[tilespmem:s5], [sflag:$0x2] =	stream.linear.gather [hbm4b:s9+s5], $0x100, $0x38;
	[tilespmem:$0x14A48] =	vst v63  }
0x19: {  	_ =	swait.ge [sflag:s13], $0x100  }
0x1a: {  	[sflag:s13] =	ssyncset.done $0x0  }
0x1b: {  	s20 =	rddreg [dreg:$0x6];
	[sflag:s13] =	ssyncadd.s32 $0xFFFFFF00  }
0x1c: {  	[tilespmem:s14], [sflag:$0x2] =	stream.linear.gather [hbm4b:s20+s5], $0xFA0, $0x38;
	[tilespmem:$0x14A48] =	vst v63  }
0x1d: {  	_ =	swait.ge [sflag:s13], $0xFA0  }
0x1e: {  	[sflag:s13] =	ssyncset.done $0x0  }
0x1f: {  	[sflag:s13] =	ssyncadd.s32 $0xFFFFF060  }
0x20: {  	v9 =	vld.idx.msk [tilespmem:v1+s5+$0x0], $0xffff  }
0x21: {  	v10 =	vld.idx.msk [tilespmem:v2+s5+$0x0], $0xffff;
	_ =	sdelay $0x3  }
0x22: {  	[tilespmem:$0x100] =	vst v9  }
0x23: {  	[tilespmem:$0x120] =	vst v10;
	v9 =	vshrl.u32 v9, $0x4  }
0x24: {  	[tilespmem:$0x140] =	vst v9  }
0x25: {  	v9 =	vld.idx.msk [tilespmem:v3+s5+$0x0], $0xffff  }
0x26: {  	v10 =	vld.idx.msk [tilespmem:v4+s5+$0x0], $0xffff;
	_ =	sdelay $0x3  }
0x27: {  	[tilespmem:$0x110] =	vst v9  }
0x28: {  	[tilespmem:$0x130] =	vst v10;
	v9 =	vshrl.u32 v9, $0x4  }
0x29: {  	s21 =	simm.s32 $0x1B28;
	[tilespmem:$0x150] =	vst v9  }
0x2a: {  	[tilespmem:s21], [sflag:$0x1] =	stream.indirect.gather [hbm4b:s1+s15], $0x80, s16, s15, $0xb8;
	[tilespmem:$0x14A48] =	vst v63  }
0x2b: {  	s8 =	simm.s32 $0x2B28  }
0x2c: {  	[tilespmem:s8], [sflag:$0x1] =	stream.indirect.gather [hbm4b:s2+s15], $0x80, s16, s15, $0xb8;
	[tilespmem:$0x14A48] =	vst v63  }
0x2d: {  	s20 =	rddreg [dreg:$0x4];
	s8 =	simm.s32 $0x3B28  }
0x2e: {  	[tilespmem:s8], [sflag:$0x1] =	stream.indirect.gather [hbm4b:s20+s15], $0x80, s19, s15, $0xb8;
	[tilespmem:$0x14A48] =	vst v63  }
0x2f: {  	s21 =	simm.s32 $0x140  }
0x30: {  	[tilespmem:s22], [sflag:$0x1] =	stream.indirect.gather [hbm4b:s7+s15], $0x10, s21, s15, $0xb8;
	[tilespmem:$0x14A48] =	vst v63  }
0x31: {  	_ =	swait.ge [sflag:s23], $0x1000  }
0x32: {  	[sflag:s23] =	ssyncset.done $0x0  }
0x33: {  	[sflag:s23] =	ssyncadd.s32 $0xFFFFF000  }
0x34: {  	_ =	swait.ge [sflag:s23], $0x1000  }
0x35: {  	[sflag:s23] =	ssyncset.done $0x0  }
0x36: {  	[sflag:s23] =	ssyncadd.s32 $0xFFFFF000  }
0x37: {  	_ =	swait.ge [sflag:s23], $0x1000  }
0x38: {  	[sflag:s23] =	ssyncset.done $0x0  }
0x39: {  	[sflag:s23] =	ssyncadd.s32 $0xFFFFF000  }
0x3a: {  	_ =	swait.ge [sflag:s23], $0x200  }
0x3b: {  	[sflag:s23] =	ssyncset.done $0x0  }
0x3c: {  	s20 =	simm.s32 $0x0;
	[sflag:s23] =	ssyncadd.s32 $0xFFFFFE00  }
.LBB2_2:
0x3d: {  	s6 =	smul.u32 $0x320, s20;
	_ =	sdelay $0x1  }
0x3e: {  	s6 =	sshra.s32 s6, $0x2  }
0x3f: {  	v9 =	vld [tilespmem:s6+$0x228];
	_ =	sdelay $0x4  }
0x40: {  	v9 =	vshrl.u32 v9, $0x4  }
0x41: {  	[tilespmem:$0x160] =	vst v9  }
0x42: {  	v9 =	vld [tilespmem:s6+$0x238];
	_ =	sdelay $0x4  }
0x43: {  	v9 =	vshrl.u32 v9, $0x4  }
0x44: {  	[tilespmem:$0x170] =	vst v9  }
0x45: {  	v9 =	vld [tilespmem:s6+$0x248];
	_ =	sdelay $0x4  }
0x46: {  	v9 =	vshrl.u32 v9, $0x4  }
0x47: {  	[tilespmem:$0x180] =	vst v9  }
0x48: {  	v9 =	vld [tilespmem:s6+$0x258];
	_ =	sdelay $0x4  }
0x49: {  	v9 =	vshrl.u32 v9, $0x4  }
0x4a: {  	[tilespmem:$0x190] =	vst v9  }
0x4b: {  	v9 =	vld [tilespmem:s6+$0x268];
	_ =	sdelay $0x4  }
0x4c: {  	v9 =	vshrl.u32 v9, $0x4  }
0x4d: {  	[tilespmem:$0x1A0] =	vst v9  }
0x4e: {  	v9 =	vld [tilespmem:s6+$0x278];
	_ =	sdelay $0x4  }
0x4f: {  	v9 =	vshrl.u32 v9, $0x4  }
0x50: {  	[tilespmem:$0x1B0] =	vst v9  }
0x51: {  	v9 =	vld [tilespmem:s6+$0x288];
	_ =	sdelay $0x4  }
0x52: {  	v9 =	vshrl.u32 v9, $0x4  }
0x53: {  	[tilespmem:$0x1C0] =	vst v9  }
0x54: {  	v9 =	vld [tilespmem:s6+$0x298];
	_ =	sdelay $0x4  }
0x55: {  	v9 =	vshrl.u32 v9, $0x4  }
0x56: {  	[tilespmem:$0x1D0] =	vst v9  }
0x57: {  	v9 =	vld [tilespmem:s6+$0x2A8];
	_ =	sdelay $0x4  }
0x58: {  	v9 =	vshrl.u32 v9, $0x4  }
0x59: {  	[tilespmem:$0x1E0] =	vst v9  }
0x5a: {  	v9 =	vld [tilespmem:s6+$0x2B8];
	_ =	sdelay $0x4  }
0x5b: {  	v9 =	vshrl.u32 v9, $0x4  }
0x5c: {  	[tilespmem:$0x1F0] =	vst v9  }
0x5d: {  	v9 =	vld [tilespmem:s6+$0x2C8];
	_ =	sdelay $0x4  }
0x5e: {  	v9 =	vshrl.u32 v9, $0x4  }
0x5f: {  	[tilespmem:$0x200] =	vst v9  }
0x60: {  	v9 =	vld [tilespmem:s6+$0x2D8];
	_ =	sdelay $0x4  }
0x61: {  	v9 =	vshrl.u32 v9, $0x4  }
0x62: {  	[tilespmem:$0x210] =	vst v9  }
0x63: {  	v9 =	vld [tilespmem:s6+$0x2E0];
	_ =	sdelay $0x4  }
0x64: {  	v9 =	vshrl.u32 v9, $0x4  }
0x65: {  	s21 =	sadd.s32 $0x228, s6;
	[tilespmem:$0x218] =	vst v9  }
0x66: {  	[tilespmem:s25], [sflag:$0x1] =	stream.indirect.gather [hbm4b:s1+s24], $0x80, s21, s24, $0xb8;
	[tilespmem:$0x14A48] =	vst v63  }
0x67: {  	_ = 	snop  }
0x68: {  	[tilespmem:s26], [sflag:$0x1] =	stream.indirect.gather [hbm4b:s2+s24], $0x80, s21, s24, $0xb8;
	[tilespmem:$0x14A48] =	vst v63  }
0x69: {  	_ = 	snop  }
0x6a: {  	[tilespmem:s29], [sflag:$0x1] =	stream.indirect.gather [hbm4b:s7+s24], $0x10, s28, s24, $0xb8;
	[tilespmem:$0x14A48] =	vst v63  }
0x6b: {  	s6 =	sadd.s32 $0x290, s6  }
0x6c: {  	[tilespmem:s31], [sflag:$0x1] =	stream.indirect.gather [hbm4b:s1+s30], $0x80, s6, s30, $0xb8;
	[tilespmem:$0x14A48] =	vst v63  }
0x6d: {  	_ = 	snop  }
0x6e: {  	[tilespmem:s0], [sflag:$0x1] =	stream.indirect.gather [hbm4b:s2+s30], $0x80, s6, s30, $0xb8;
	[tilespmem:$0x14A48] =	vst v63  }
0x6f: {  	_ = 	snop  }
0x70: {  	[tilespmem:s4], [sflag:$0x1] =	stream.indirect.gather [hbm4b:s7+s30], $0x10, s3, s30, $0xb8;
	[tilespmem:$0x14A48] =	vst v63  }
0x71: {  	_ =	swait.ge [sflag:s23], $0x3400  }
0x72: {  	[sflag:s23] =	ssyncset.done $0x0  }
0x73: {  	[sflag:s23] =	ssyncadd.s32 $0xFFFFCC00  }
0x74: {  	_ =	swait.ge [sflag:s23], $0x3400  }
0x75: {  	[sflag:s23] =	ssyncset.done $0x0  }
0x76: {  	[sflag:s23] =	ssyncadd.s32 $0xFFFFCC00  }
0x77: {  	_ =	swait.ge [sflag:s23], $0x680  }
0x78: {  	[sflag:s23] =	ssyncset.done $0x0  }
0x79: {  	[sflag:s23] =	ssyncadd.s32 $0xFFFFF980  }
0x7a: {  	_ =	swait.ge [sflag:s23], $0x3000  }
0x7b: {  	[sflag:s23] =	ssyncset.done $0x0  }
0x7c: {  	[sflag:s23] =	ssyncadd.s32 $0xFFFFD000  }
0x7d: {  	_ =	swait.ge [sflag:s23], $0x3000  }
0x7e: {  	[sflag:s23] =	ssyncset.done $0x0  }
0x7f: {  	[sflag:s23] =	ssyncadd.s32 $0xFFFFD000  }
0x80: {  	_ =	swait.ge [sflag:s23], $0x600  }
0x81: {  	[sflag:s23] =	ssyncset.done $0x0  }
0x82: {  	s21 =	sshll.u32 s20, $0x7;
	[sflag:s23] =	ssyncadd.s32 $0xFFFFFA00  }
0x83: {  	v9 =	vld [tilespmem:s21+$0x1B28]  }
0x84: {  	v10 =	vld [tilespmem:s21+$0x3B28]  }
0x85: {  	v11 =	vld [tilespmem:s21+$0x1B38]  }
0x86: {  	v12 =	vmov s20;
	v13 =	vld [tilespmem:s21+$0x3B38]  }
0x87: {  	v14 =	vld [tilespmem:s21+$0x1B48]  }
0x88: {  	v15 =	vld [tilespmem:s21+$0x3B48]  }
0x89: {  	v16 =	vld [tilespmem:s21+$0x1B58]  }
0x8a: {  	v17 =	vld [tilespmem:s21+$0x3B58]  }
0x8b: {  	v18 =	vld.idx.msk [tilespmem:v12+s19+$0x0], $0xffff  }
0x8c: {  	v19 =	vld.idx.msk [tilespmem:v12+s16+$0x0], $0xffff  }
0x8d: {  	v28 =	vld [tilespmem:s21+$0x1B68]  }
0x8e: {  	v29 =	vld [tilespmem:s21+$0x3B68]  }
0x8f: {  	v30 =	vld [tilespmem:s21+$0x1B78]  }
0x90: {  	v31 =	vld [tilespmem:s21+$0x3B78];
	v18 =	vshll.u32 v18, $0x3  }
0x91: {  	v20 =	vshll.u32 v12, $0x4;
	v32 =	vld [tilespmem:s21+$0x1B88];
	v19 =	vand.u32 $0xF, v19  }
0x92: {  	v33 =	vld [tilespmem:s21+$0x3B88];
	v19 =	vor.u32 v20, v19  }
0x93: {  	v34 =	vld [tilespmem:s21+$0x1B98]  }
0x94: {  	v35 =	vld [tilespmem:s21+$0x3B98]  }
0x95: {  	v18 =	vld.idx.msk [tilespmem:v18+s14+$0x0], $0xffff  }
0x96: {  	v26 =	vld [tilespmem:s21+$0x2B28]  }
0x97: {  	v36 =	vld.idx.msk [tilespmem:v19+s22+$0x0], $0xffff  }
0x98: {  	v24 =	vld [tilespmem:s21+$0x2B38]  }
0x99: {  	v22 =	vld [tilespmem:s21+$0x2B48]  }
0x9a: {  	v27 =	vadd.f32 v10, v9;
	v21 =	vadd.f32 v17, v16;
	v16 =	vld [tilespmem:s21+$0x2B78];
	v9 =	vmul.f32 $1.000000010e-01, v18  }
0x9b: {  	v25 =	vadd.f32 v13, v11;
	v23 =	vadd.f32 v15, v14;
	v14 =	vld [tilespmem:s21+$0x2B88]  }
0x9c: {  	v10 =	vmul.u32 $0xC8, v12;
	v17 =	vadd.f32 v31, v30;
	v12 =	vld [tilespmem:s21+$0x2B98];
	v11 =	vmul.f32 v36, v9  }
0x9d: {  	v15 =	vadd.f32 v33, v32;
	v13 =	vadd.f32 v35, v34;
	v20 =	vld [tilespmem:s21+$0x2B58]  }
0x9e: {  	v19 =	vadd.f32 v29, v28;
	v28 =	vor.u32 v5, v10;
	v18 =	vld [tilespmem:s21+$0x2B68];
	s21 =	simm.s32 $0x0;
	v11 =	vsub.f32 $1.200000000e+01, v11  }
.LBB2_3:
0x9f: {  	s6 =	sshll.u32 s21, $0xB  }
0xa0: {  	v29 =	vld [tilespmem:s6+$0x5CC8]  }
0xa1: {  	v30 =	vld [tilespmem:s6+$0xC0C8]  }
0xa2: {  	v31 =	vld [tilespmem:s6+$0x5CD8]  }
0xa3: {  	v32 =	vld [tilespmem:s6+$0xC0D8]  }
0xa4: {  	v33 =	vld [tilespmem:s6+$0x5D48]  }
0xa5: {  	v34 =	vld [tilespmem:s6+$0xC148]  }
0xa6: {  	v35 =	vld [tilespmem:s6+$0x5CE8]  }
0xa7: {  	v36 =	vld [tilespmem:s6+$0x5D58]  }
0xa8: {  	v37 =	vld [tilespmem:s6+$0xC0E8]  }
0xa9: {  	v38 =	vld [tilespmem:s6+$0x5CF8]  }
0xaa: {  	v63 =	vld [tilespmem:s6+$0x5D68]  }
0xab: {  	v39 =	vld [tilespmem:s6+$0xC0F8]  }
0xac: {  	v56 =	vld [tilespmem:s6+$0xC1A8]  }
0xad: {  	v41 =	vld [tilespmem:s6+$0x5DE8];
	v29 =	vsub.f32 v27, v29;
	v30 =	vsub.f32 v26, v30  }
0xae: {  	v42 =	vld [tilespmem:s6+$0xC168];
	v31 =	vsub.f32 v25, v31;
	v33 =	vsub.f32 v27, v33  }
0xaf: {  	v43 =	vld [tilespmem:s6+$0x5D78];
	v34 =	vsub.f32 v26, v34;
	v36 =	vsub.f32 v25, v36  }
0xb0: {  	v44 =	vld [tilespmem:s6+$0xC108];
	v35 =	vsub.f32 v23, v35;
	v37 =	vsub.f32 v22, v37  }
0xb1: {  	v45 =	vld [tilespmem:s6+$0xC178];
	v38 =	vsub.f32 v21, v38;
	v39 =	vsub.f32 v20, v39  }
0xb2: {  	v46 =	vld [tilespmem:s6+$0x5D18];
	v61 =	vsub.f32 v14, v56;
	v41 =	vsub.f32 v23, v41  }
0xb3: {  	v47 =	vld [tilespmem:s6+$0x5D88];
	v29 =	vand.u32 $0x7FFFFFFF, v29;
	v30 =	vand.u32 $0x7FFFFFFF, v30;
	v31 =	vand.u32 $0x7FFFFFFF, v31  }
0xb4: {  	v57 =	vld [tilespmem:s6+$0x5DB8];
	v33 =	vand.u32 $0x7FFFFFFF, v33;
	v34 =	vand.u32 $0x7FFFFFFF, v34;
	v29 =	vadd.f32 v30, v29  }
0xb5: {  	v36 =	vand.u32 $0x7FFFFFFF, v36;
	v30 =	vld [tilespmem:s6+$0xC158];
	v33 =	vadd.f32 v34, v33;
	v34 =	vsub.f32 v22, v42  }
0xb6: {  	v35 =	vand.u32 $0x7FFFFFFF, v35;
	v42 =	vld [tilespmem:s6+$0x5EE8];
	v29 =	vadd.f32 v31, v29;
	v31 =	vsub.f32 v24, v32  }
0xb7: {  	v37 =	vand.u32 $0x7FFFFFFF, v37;
	v33 =	vadd.f32 v36, v33;
	v36 =	vsub.f32 v21, v43;
	v43 =	vld [tilespmem:s6+$0xC2F8]  }
0xb8: {  	v48 =	vld [tilespmem:s6+$0xC118];
	v38 =	vand.u32 $0x7FFFFFFF, v38;
	v39 =	vand.u32 $0x7FFFFFFF, v39;
	v31 =	vand.u32 $0x7FFFFFFF, v31  }
0xb9: {  	v49 =	vld [tilespmem:s6+$0xC188];
	v41 =	vand.u32 $0x7FFFFFFF, v41;
	v32 =	vsub.f32 v23, v63;
	v29 =	vadd.f32 v31, v29  }
0xba: {  	v34 =	vand.u32 $0x7FFFFFFF, v34;
	v63 =	vsub.f32 v13, v57;
	v31 =	vld [tilespmem:s6+$0x5D08];
	v30 =	vsub.f32 v24, v30  }
0xbb: {  	v50 =	vld [tilespmem:s6+$0x5D28];
	v32 =	vand.u32 $0x7FFFFFFF, v32;
	v42 =	vsub.f32 v23, v42;
	v29 =	vadd.f32 v35, v29  }
0xbc: {  	v51 =	vld [tilespmem:s6+$0x5D98];
	v30 =	vand.u32 $0x7FFFFFFF, v30;
	v35 =	vsub.f32 v18, v44;
	v43 =	vsub.f32 v20, v43  }
0xbd: {  	v52 =	vld [tilespmem:s6+$0xC198];
	v36 =	vand.u32 $0x7FFFFFFF, v36;
	v30 =	vadd.f32 v30, v33;
	v33 =	vsub.f32 v20, v45  }
0xbe: {  	v53 =	vld [tilespmem:s6+$0x5D38];
	v42 =	vand.u32 $0x7FFFFFFF, v42;
	v29 =	vadd.f32 v37, v29;
	v37 =	vsub.f32 v17, v46  }
0xbf: {  	v54 =	vld [tilespmem:s6+$0x5DA8];
	v35 =	vand.u32 $0x7FFFFFFF, v35;
	v30 =	vadd.f32 v32, v30;
	v31 =	vsub.f32 v19, v31  }
0xc0: {  	v55 =	vld [tilespmem:s6+$0xC138];
	v43 =	vand.u32 $0x7FFFFFFF, v43;
	v32 =	vsub.f32 v19, v47;
	v29 =	vadd.f32 v38, v29  }
0xc1: {  	v40 =	vld [tilespmem:s6+$0xC248];
	v33 =	vand.u32 $0x7FFFFFFF, v33;
	v38 =	vsub.f32 v16, v48;
	v30 =	vadd.f32 v34, v30  }
0xc2: {  	v58 =	vld [tilespmem:s6+$0xC1B8];
	v37 =	vand.u32 $0x7FFFFFFF, v37;
	v34 =	vsub.f32 v18, v49;
	v29 =	vadd.f32 v39, v29  }
0xc3: {  	v59 =	vld [tilespmem:s6+$0x5DC8];
	v31 =	vand.u32 $0x7FFFFFFF, v31;
	v39 =	vsub.f32 v15, v50;
	v30 =	vadd.f32 v36, v30  }
0xc4: {  	v62 =	vld [tilespmem:s6+$0x5DD8];
	v32 =	vand.u32 $0x7FFFFFFF, v32;
	v36 =	vsub.f32 v17, v51;
	v29 =	vadd.f32 v31, v29  }
0xc5: {  	v38 =	vand.u32 $0x7FFFFFFF, v38;
	v31 =	vld [tilespmem:s6+$0xC128];
	v30 =	vadd.f32 v33, v30;
	v33 =	vsub.f32 v16, v52  }
0xc6: {  	v44 =	vld [tilespmem:s6+$0x5E48];
	v34 =	vand.u32 $0x7FFFFFFF, v34;
	v52 =	vsub.f32 v26, v40;
	v29 =	vadd.f32 v35, v29  }
0xc7: {  	v60 =	vld [tilespmem:s6+$0xC1C8];
	v39 =	vand.u32 $0x7FFFFFFF, v39;
	v35 =	vsub.f32 v13, v53;
	v30 =	vadd.f32 v32, v30  }
0xc8: {  	v56 =	vld [tilespmem:s6+$0x5E08];
	v36 =	vand.u32 $0x7FFFFFFF, v36;
	v32 =	vsub.f32 v15, v54;
	v29 =	vadd.f32 v37, v29  }
0xc9: {  	v33 =	vand.u32 $0x7FFFFFFF, v33;
	v54 =	vld [tilespmem:s6+$0xC1F8];
	v37 =	vsub.f32 v12, v55;
	v30 =	vadd.f32 v34, v30  }
0xca: {  	v51 =	vld [tilespmem:s6+$0x5DF8];
	v35 =	vand.u32 $0x7FFFFFFF, v35;
	v31 =	vsub.f32 v14, v31;
	v34 =	vsub.f32 v25, v62  }
0xcb: {  	v57 =	vld [tilespmem:s6+$0x5E78];
	v29 =	vadd.f32 v38, v29;
	v37 =	vand.u32 $0x7FFFFFFF, v37;
	v38 =	vsub.f32 v27, v44  }
0xcc: {  	v46 =	vld [tilespmem:s6+$0x5E58];
	v30 =	vadd.f32 v36, v30;
	v31 =	vand.u32 $0x7FFFFFFF, v31;
	v36 =	vsub.f32 v12, v58  }
0xcd: {  	v55 =	vld [tilespmem:s6+$0xC268];
	v34 =	vand.u32 $0x7FFFFFFF, v34;
	v29 =	vadd.f32 v39, v29;
	v39 =	vsub.f32 v27, v59  }
0xce: {  	v48 =	vld [tilespmem:s6+$0xC1E8];
	v38 =	vand.u32 $0x7FFFFFFF, v38;
	v40 =	vsub.f32 v20, v54;
	v30 =	vadd.f32 v33, v30  }
0xcf: {  	v50 =	vld [tilespmem:s6+$0xC258];
	v33 =	vsub.f32 v26, v60;
	v45 =	vand.u32 $0x7FFFFFFF, v36;
	v36 =	vsub.f32 v21, v51  }
0xd0: {  	v53 =	vld [tilespmem:s6+$0x5E68];
	v29 =	vadd.f32 v31, v29;
	v31 =	vand.u32 $0x7FFFFFFF, v32;
	v32 =	vand.u32 $0x7FFFFFFF, v61  }
0xd1: {  	v62 =	vld [tilespmem:s6+$0xC218];
	v47 =	vand.u32 $0x7FFFFFFF, v39;
	v39 =	vand.u32 $0x7FFFFFFF, v52;
	v30 =	vadd.f32 v31, v30  }
0xd2: {  	v31 =	vld [tilespmem:s6+$0xC1D8];
	v33 =	vand.u32 $0x7FFFFFFF, v33;
	v38 =	vadd.f32 v39, v38;
	v39 =	vsub.f32 v22, v55  }
0xd3: {  	v44 =	vld [tilespmem:s6+$0x5E28];
	v40 =	vand.u32 $0x7FFFFFFF, v40;
	v29 =	vadd.f32 v35, v29;
	v49 =	vadd.f32 v33, v47  }
0xd4: {  	v58 =	vld [tilespmem:s6+$0xC208];
	v36 =	vand.u32 $0x7FFFFFFF, v36;
	v33 =	vsub.f32 v24, v50;
	v32 =	vadd.f32 v32, v30  }
0xd5: {  	v59 =	vld [tilespmem:s6+$0xC278];
	v35 =	vand.u32 $0x7FFFFFFF, v63;
	v30 =	vadd.f32 v37, v29;
	v37 =	vsub.f32 v22, v48  }
0xd6: {  	v54 =	vld [tilespmem:s6+$0xC2B8];
	v39 =	vand.u32 $0x7FFFFFFF, v39;
	v29 =	vadd.f32 v35, v32;
	v35 =	vsub.f32 v25, v46  }
0xd7: {  	v60 =	vld [tilespmem:s6+$0x5E18];
	v33 =	vand.u32 $0x7FFFFFFF, v33;
	v32 =	vadd.f32 v34, v49;
	v31 =	vsub.f32 v24, v31  }
0xd8: {  	v51 =	vld [tilespmem:s6+$0xC2A8];
	v34 =	vsub.f32 v23, v53;
	v29 =	vadd.f32 v45, v29;
	v35 =	vand.u32 $0x7FFFFFFF, v35  }
0xd9: {  	v61 =	vld [tilespmem:s6+$0x5E88];
	v31 =	vand.u32 $0x7FFFFFFF, v31;
	v35 =	vadd.f32 v35, v38;
	v38 =	vsub.f32 v21, v57  }
0xda: {  	v55 =	vld [tilespmem:s6+$0x5EC8];
	v37 =	vand.u32 $0x7FFFFFFF, v37;
	v31 =	vadd.f32 v31, v32;
	v32 =	vsub.f32 v19, v56  }
0xdb: {  	v63 =	vld [tilespmem:s6+$0xC288];
	v34 =	vand.u32 $0x7FFFFFFF, v34;
	v33 =	vadd.f32 v33, v35;
	v35 =	vsub.f32 v20, v59  }
0xdc: {  	v47 =	vld [tilespmem:s6+$0xC298];
	v38 =	vand.u32 $0x7FFFFFFF, v38;
	v31 =	vadd.f32 v41, v31;
	v41 =	vsub.f32 v18, v58  }
0xdd: {  	v45 =	vld [tilespmem:s6+$0x5E98];
	v32 =	vand.u32 $0x7FFFFFFF, v32;
	v58 =	vsub.f32 v14, v51;
	v33 =	vadd.f32 v34, v33  }
0xde: {  	v50 =	vld [tilespmem:s6+$0xC238];
	v35 =	vand.u32 $0x7FFFFFFF, v35;
	v34 =	vsub.f32 v19, v61;
	v31 =	vadd.f32 v37, v31  }
0xdf: {  	v48 =	vld [tilespmem:s6+$0x5E38];
	v41 =	vand.u32 $0x7FFFFFFF, v41;
	v37 =	vsub.f32 v17, v60;
	v33 =	vadd.f32 v39, v33  }
0xe0: {  	v53 =	vld [tilespmem:s6+$0x5EB8];
	v34 =	vand.u32 $0x7FFFFFFF, v34;
	v39 =	vsub.f32 v18, v63;
	v31 =	vadd.f32 v36, v31  }
0xe1: {  	v46 =	vld [tilespmem:s6+$0xC228];
	v37 =	vand.u32 $0x7FFFFFFF, v37;
	v36 =	vsub.f32 v16, v62;
	v62 =	vsub.f32 v12, v54  }
0xe2: {  	v49 =	vld [tilespmem:s6+$0x5EA8];
	v33 =	vadd.f32 v38, v33;
	v39 =	vand.u32 $0x7FFFFFFF, v39;
	v38 =	vsub.f32 v17, v45  }
0xe3: {  	v56 =	vld [tilespmem:s6+$0xC2C8];
	v31 =	vadd.f32 v40, v31;
	v36 =	vand.u32 $0x7FFFFFFF, v36;
	v40 =	vsub.f32 v15, v44  }
0xe4: {  	v59 =	vld [tilespmem:s6+$0x5ED8];
	v33 =	vadd.f32 v35, v33;
	v52 =	vand.u32 $0x7FFFFFFF, v38;
	v35 =	vsub.f32 v16, v47  }
0xe5: {  	v44 =	vld [tilespmem:s6+$0x5FE8];
	v38 =	vsub.f32 v13, v53;
	v31 =	vadd.f32 v32, v31;
	v40 =	vand.u32 $0x7FFFFFFF, v40  }
0xe6: {  	v51 =	vld [tilespmem:s6+$0x5EF8];
	v32 =	vsub.f32 v14, v46;
	v33 =	vadd.f32 v34, v33;
	v35 =	vand.u32 $0x7FFFFFFF, v35  }
0xe7: {  	v61 =	vld [tilespmem:s6+$0x5F48];
	v34 =	vsub.f32 v15, v49;
	v38 =	vand.u32 $0x7FFFFFFF, v38;
	v31 =	vadd.f32 v41, v31  }
0xe8: {  	v60 =	vld [tilespmem:s6+$0xC2D8];
	v32 =	vand.u32 $0x7FFFFFFF, v32;
	v41 =	vsub.f32 v13, v48;
	v33 =	vadd.f32 v39, v33  }
0xe9: {  	v63 =	vld [tilespmem:s6+$0xC348];
	v57 =	vand.u32 $0x7FFFFFFF, v34;
	v39 =	vsub.f32 v25, v59;
	v31 =	vadd.f32 v37, v31  }
0xea: {  	v54 =	vld [tilespmem:s6+$0x5F08];
	v34 =	vand.u32 $0x7FFFFFFF, v58;
	v44 =	vsub.f32 v23, v44;
	v33 =	vadd.f32 v52, v33  }
0xeb: {  	v47 =	vld [tilespmem:s6+$0xC2E8];
	v41 =	vand.u32 $0x7FFFFFFF, v41;
	v37 =	vsub.f32 v12, v50;
	v31 =	vadd.f32 v36, v31  }
0xec: {  	v45 =	vld [tilespmem:s6+$0x5F58];
	v50 =	vand.u32 $0x7FFFFFFF, v39;
	v39 =	vsub.f32 v21, v51;
	v33 =	vadd.f32 v35, v33  }
0xed: {  	v53 =	vld [tilespmem:s6+$0xC368];
	v44 =	vand.u32 $0x7FFFFFFF, v44;
	v35 =	vsub.f32 v26, v56;
	v31 =	vadd.f32 v40, v31  }
0xee: {  	v49 =	vld [tilespmem:s6+$0xC358];
	v37 =	vand.u32 $0x7FFFFFFF, v37;
	v36 =	vsub.f32 v26, v63;
	v40 =	vsub.f32 v27, v55  }
0xef: {  	v58 =	vld [tilespmem:s6+$0x5F18];
	v35 =	vand.u32 $0x7FFFFFFF, v35;
	v31 =	vadd.f32 v32, v31;
	v32 =	vadd.f32 v57, v33  }
0xf0: {  	v52 =	vld [tilespmem:s6+$0x5F68];
	v46 =	vand.u32 $0x7FFFFFFF, v40;
	v33 =	vsub.f32 v24, v60;
	v40 =	vsub.f32 v22, v47  }
0xf1: {  	v59 =	vld [tilespmem:s6+$0x5F88];
	v39 =	vand.u32 $0x7FFFFFFF, v39;
	v48 =	vadd.f32 v35, v46;
	v31 =	vadd.f32 v41, v31  }
0xf2: {  	v51 =	vld [tilespmem:s6+$0x5FB8];
	v36 =	vand.u32 $0x7FFFFFFF, v36;
	v32 =	vadd.f32 v34, v32;
	v41 =	vsub.f32 v27, v61  }
0xf3: {  	v55 =	vld [tilespmem:s6+$0x5F78];
	v35 =	vsub.f32 v24, v49;
	v34 =	vand.u32 $0x7FFFFFFF, v62;
	v31 =	vadd.f32 v37, v31  }
0xf4: {  	v63 =	vld [tilespmem:s6+$0x5F98];
	v32 =	vadd.f32 v38, v32;
	v41 =	vand.u32 $0x7FFFFFFF, v41;
	v37 =	vsub.f32 v25, v45  }
0xf5: {  	v57 =	vld [tilespmem:s6+$0xC378];
	v33 =	vand.u32 $0x7FFFFFFF, v33;
	v38 =	vsub.f32 v23, v52;
	v36 =	vadd.f32 v36, v41  }
0xf6: {  	v56 =	vld [tilespmem:s6+$0xC308];
	v32 =	vadd.f32 v34, v32;
	v34 =	vadd.f32 v50, v48;
	v37 =	vand.u32 $0x7FFFFFFF, v37  }
0xf7: {  	v40 =	vand.u32 $0x7FFFFFFF, v40;
	v41 =	vsub.f32 v22, v53;
	v50 =	vld [tilespmem:s6+$0xC3A8];
	v36 =	vadd.f32 v37, v36  }
0xf8: {  	v60 =	vld [tilespmem:s6+$0xC318];
	v35 =	vand.u32 $0x7FFFFFFF, v35;
	v37 =	vsub.f32 v21, v55;
	v33 =	vadd.f32 v33, v34  }
0xf9: {  	v61 =	vld [tilespmem:s6+$0xC388];
	v38 =	vand.u32 $0x7FFFFFFF, v38;
	v34 =	vsub.f32 v19, v54;
	v35 =	vadd.f32 v35, v36  }
0xfa: {  	v47 =	vld [tilespmem:s6+$0x5F38];
	v41 =	vand.u32 $0x7FFFFFFF, v41;
	v36 =	vsub.f32 v20, v57;
	v33 =	vadd.f32 v42, v33  }
0xfb: {  	v46 =	vld [tilespmem:s6+$0xC398];
	v37 =	vand.u32 $0x7FFFFFFF, v37;
	v42 =	vsub.f32 v18, v56;
	v35 =	vadd.f32 v38, v35  }
0xfc: {  	v62 =	vld [tilespmem:s6+$0x5F28];
	v34 =	vand.u32 $0x7FFFFFFF, v34;
	v38 =	vsub.f32 v19, v59;
	v56 =	vsub.f32 v14, v50  }
0xfd: {  	v49 =	vld [tilespmem:s6+$0xC338];
	v36 =	vand.u32 $0x7FFFFFFF, v36;
	v33 =	vadd.f32 v40, v33;
	v40 =	vsub.f32 v17, v58  }
0xfe: {  	v45 =	vld [tilespmem:s6+$0xC328];
	v42 =	vand.u32 $0x7FFFFFFF, v42;
	v35 =	vadd.f32 v41, v35;
	v41 =	vsub.f32 v18, v61  }
0xff: {  	v48 =	vld [tilespmem:s6+$0x5FA8];
	v38 =	vand.u32 $0x7FFFFFFF, v38;
	v33 =	vadd.f32 v39, v33;
	v39 =	vsub.f32 v16, v60  }
0x100: {  	v52 =	vld [tilespmem:s6+$0xC3B8];
	v40 =	vand.u32 $0x7FFFFFFF, v40;
	v35 =	vadd.f32 v37, v35;
	v37 =	vsub.f32 v17, v63  }
0x101: {  	v57 =	vld [tilespmem:s6+$0x5FD8];
	v41 =	vand.u32 $0x7FFFFFFF, v41;
	v33 =	vadd.f32 v43, v33;
	v43 =	vsub.f32 v15, v62  }
0x102: {  	v53 =	vld [tilespmem:s6+$0x5FC8];
	v39 =	vand.u32 $0x7FFFFFFF, v39;
	v35 =	vadd.f32 v36, v35;
	v36 =	vsub.f32 v16, v46  }
0x103: {  	v37 =	vand.u32 $0x7FFFFFFF, v37;
	v46 =	vld [tilespmem:s6+$0x60E8];
	v33 =	vadd.f32 v34, v33;
	v34 =	vsub.f32 v14, v45  }
0x104: {  	v50 =	vld [tilespmem:s6+$0x5FF8];
	v43 =	vand.u32 $0x7FFFFFFF, v43;
	v35 =	vadd.f32 v38, v35;
	v38 =	vsub.f32 v15, v48  }
0x105: {  	v45 =	vld [tilespmem:s6+$0xC3F8];
	v36 =	vand.u32 $0x7FFFFFFF, v36;
	v33 =	vadd.f32 v42, v33;
	v42 =	vsub.f32 v13, v47  }
0x106: {  	v54 =	vld [tilespmem:s6+$0xC3C8];
	v34 =	vand.u32 $0x7FFFFFFF, v34;
	v35 =	vadd.f32 v41, v35;
	v41 =	vsub.f32 v25, v57  }
0x107: {  	v59 =	vld [tilespmem:s6+$0x6048];
	v55 =	vand.u32 $0x7FFFFFFF, v38;
	v33 =	vadd.f32 v40, v33;
	v40 =	vsub.f32 v12, v49  }
0x108: {  	v47 =	vld [tilespmem:s6+$0xC4F8];
	v38 =	vand.u32 $0x7FFFFFFF, v56;
	v46 =	vsub.f32 v23, v46;
	v35 =	vadd.f32 v37, v35  }
0x109: {  	v58 =	vld [tilespmem:s6+$0xC3D8];
	v37 =	vsub.f32 v12, v52;
	v49 =	vand.u32 $0x7FFFFFFF, v41;
	v41 =	vsub.f32 v21, v50  }
0x10a: {  	v63 =	vld [tilespmem:s6+$0xC3E8];
	v42 =	vand.u32 $0x7FFFFFFF, v42;
	v45 =	vsub.f32 v20, v45;
	v33 =	vadd.f32 v39, v33  }
0x10b: {  	v61 =	vld [tilespmem:s6+$0x6058];
	v39 =	vsub.f32 v13, v51;
	v40 =	vand.u32 $0x7FFFFFFF, v40;
	v35 =	vadd.f32 v36, v35  }
0x10c: {  	v60 =	vld [tilespmem:s6+$0xC448];
	v46 =	vand.u32 $0x7FFFFFFF, v46;
	v36 =	vsub.f32 v26, v54;
	v33 =	vadd.f32 v43, v33  }
0x10d: {  	v48 =	vld [tilespmem:s6+$0xC458];
	v37 =	vand.u32 $0x7FFFFFFF, v37;
	v47 =	vsub.f32 v20, v47;
	v43 =	vsub.f32 v27, v53  }
0x10e: {  	v56 =	vld [tilespmem:s6+$0xC478];
	v36 =	vand.u32 $0x7FFFFFFF, v36;
	v33 =	vadd.f32 v34, v33;
	v34 =	vadd.f32 v55, v35  }
0x10f: {  	v57 =	vld [tilespmem:s6+$0x6018];
	v62 =	vand.u32 $0x7FFFFFFF, v43;
	v35 =	vsub.f32 v24, v58;
	v43 =	vsub.f32 v22, v63  }
0x110: {  	v51 =	vld [tilespmem:s6+$0x6068];
	v41 =	vand.u32 $0x7FFFFFFF, v41;
	v36 =	vadd.f32 v36, v62;
	v33 =	vadd.f32 v42, v33  }
0x111: {  	v52 =	vld [tilespmem:s6+$0xC468];
	v45 =	vand.u32 $0x7FFFFFFF, v45;
	v34 =	vadd.f32 v38, v34;
	v42 =	vsub.f32 v27, v59  }
0x112: {  	v50 =	vld [tilespmem:s6+$0x60A8];
	v39 =	vand.u32 $0x7FFFFFFF, v39;
	v38 =	vsub.f32 v26, v60;
	v36 =	vadd.f32 v49, v36  }
0x113: {  	v53 =	vld [tilespmem:s6+$0x6008];
	v47 =	vand.u32 $0x7FFFFFFF, v47;
	v33 =	vadd.f32 v40, v33;
	v34 =	vadd.f32 v39, v34  }
0x114: {  	v54 =	vld [tilespmem:s6+$0x6078];
	v42 =	vand.u32 $0x7FFFFFFF, v42;
	v38 =	vand.u32 $0x7FFFFFFF, v38;
	v39 =	vsub.f32 v25, v61  }
0x115: {  	v55 =	vld [tilespmem:s6+$0xC408];
	v35 =	vand.u32 $0x7FFFFFFF, v35;
	v40 =	vsub.f32 v23, v51;
	v38 =	vadd.f32 v38, v42  }
0x116: {  	v58 =	vld [tilespmem:s6+$0x6088];
	v43 =	vand.u32 $0x7FFFFFFF, v43;
	v35 =	vadd.f32 v35, v36;
	v42 =	vsub.f32 v22, v52  }
0x117: {  	v63 =	vld [tilespmem:s6+$0xC428];
	v34 =	vadd.f32 v37, v34;
	v39 =	vand.u32 $0x7FFFFFFF, v39;
	v37 =	vsub.f32 v24, v48  }
0x118: {  	v59 =	vld [tilespmem:s6+$0xC418];
	v36 =	vsub.f32 v19, v53;
	v40 =	vand.u32 $0x7FFFFFFF, v40;
	v38 =	vadd.f32 v39, v38  }
0x119: {  	v52 =	vld [tilespmem:s6+$0xC4A8];
	v35 =	vadd.f32 v44, v35;
	v39 =	vsub.f32 v21, v54;
	v37 =	vand.u32 $0x7FFFFFFF, v37  }
0x11a: {  	v60 =	vld [tilespmem:s6+$0xC488];
	v42 =	vand.u32 $0x7FFFFFFF, v42;
	v44 =	vsub.f32 v18, v55;
	v37 =	vadd.f32 v37, v38  }
0x11b: {  	v61 =	vld [tilespmem:s6+$0x6028];
	v36 =	vand.u32 $0x7FFFFFFF, v36;
	v35 =	vadd.f32 v43, v35;
	v38 =	vsub.f32 v20, v56  }
0x11c: {  	v62 =	vld [tilespmem:s6+$0x6098];
	v39 =	vand.u32 $0x7FFFFFFF, v39;
	v43 =	vsub.f32 v17, v57;
	v37 =	vadd.f32 v40, v37  }
0x11d: {  	v49 =	vld [tilespmem:s6+$0x6038];
	v44 =	vand.u32 $0x7FFFFFFF, v44;
	v35 =	vadd.f32 v41, v35;
	v40 =	vsub.f32 v19, v58  }
0x11e: {  	v51 =	vld [tilespmem:s6+$0xC438];
	v38 =	vand.u32 $0x7FFFFFFF, v38;
	v41 =	vsub.f32 v16, v59;
	v58 =	vsub.f32 v14, v52  }
0x11f: {  	v48 =	vld [tilespmem:s6+$0xC498];
	v43 =	vand.u32 $0x7FFFFFFF, v43;
	v37 =	vadd.f32 v42, v37;
	v35 =	vadd.f32 v45, v35  }
0x120: {  	v53 =	vld [tilespmem:s6+$0x60B8];
	v40 =	vand.u32 $0x7FFFFFFF, v40;
	v42 =	vsub.f32 v18, v60;
	v45 =	vsub.f32 v15, v61  }
0x121: {  	v54 =	vld [tilespmem:s6+$0xC4B8];
	v41 =	vand.u32 $0x7FFFFFFF, v41;
	v37 =	vadd.f32 v39, v37;
	v35 =	vadd.f32 v36, v35  }
0x122: {  	v55 =	vld [tilespmem:s6+$0x60C8];
	v42 =	vand.u32 $0x7FFFFFFF, v42;
	v39 =	vsub.f32 v17, v62;
	v36 =	vsub.f32 v14, v63  }
0x123: {  	v59 =	vld [tilespmem:s6+$0x60D8];
	v45 =	vand.u32 $0x7FFFFFFF, v45;
	v37 =	vadd.f32 v38, v37;
	v35 =	vadd.f32 v44, v35  }
0x124: {  	v56 =	vld [tilespmem:s6+$0xC4C8];
	v39 =	vand.u32 $0x7FFFFFFF, v39;
	v38 =	vsub.f32 v16, v48;
	v44 =	vsub.f32 v13, v49  }
0x125: {  	v52 =	vld [tilespmem:s6+$0x6168];
	v36 =	vand.u32 $0x7FFFFFFF, v36;
	v37 =	vadd.f32 v40, v37;
	v35 =	vadd.f32 v43, v35  }
0x126: {  	v60 =	vld [tilespmem:s6+$0xC4D8];
	v38 =	vand.u32 $0x7FFFFFFF, v38;
	v40 =	vsub.f32 v15, v50;
	v43 =	vsub.f32 v12, v51  }
0x127: {  	v49 =	vld [tilespmem:s6+$0xC4E8];
	v44 =	vand.u32 $0x7FFFFFFF, v44;
	v37 =	vadd.f32 v42, v37;
	v35 =	vadd.f32 v41, v35  }
0x128: {  	v61 =	vld [tilespmem:s6+$0x6148];
	v57 =	vand.u32 $0x7FFFFFFF, v40;
	v41 =	vsub.f32 v13, v53;
	v42 =	vsub.f32 v25, v59  }
0x129: {  	v62 =	vld [tilespmem:s6+$0xC548];
	v40 =	vand.u32 $0x7FFFFFFF, v58;
	v37 =	vadd.f32 v39, v37;
	v35 =	vadd.f32 v45, v35  }
0x12a: {  	v63 =	vld [tilespmem:s6+$0x6158];
	v43 =	vand.u32 $0x7FFFFFFF, v43;
	v39 =	vsub.f32 v12, v54;
	v45 =	vsub.f32 v27, v55  }
0x12b: {  	v50 =	vld [tilespmem:s6+$0xC558];
	v41 =	vand.u32 $0x7FFFFFFF, v41;
	v37 =	vadd.f32 v38, v37;
	v35 =	vadd.f32 v36, v35  }
0x12c: {  	v51 =	vld [tilespmem:s6+$0x60F8];
	v38 =	vsub.f32 v26, v56;
	v48 =	vand.u32 $0x7FFFFFFF, v45;
	v45 =	vsub.f32 v22, v49  }
0x12d: {  	v53 =	vld [tilespmem:s6+$0xC568];
	v42 =	vand.u32 $0x7FFFFFFF, v42;
	v36 =	vadd.f32 v57, v37;
	v35 =	vadd.f32 v44, v35  }
0x12e: {  	v58 =	vld [tilespmem:s6+$0x6118];
	v38 =	vand.u32 $0x7FFFFFFF, v38;
	v44 =	vsub.f32 v27, v61;
	v37 =	vsub.f32 v24, v60  }
0x12f: {  	v59 =	vld [tilespmem:s6+$0x6188];
	v39 =	vand.u32 $0x7FFFFFFF, v39;
	v38 =	vadd.f32 v38, v48;
	v36 =	vadd.f32 v40, v36  }
0x130: {  	v54 =	vld [tilespmem:s6+$0x6108];
	v45 =	vand.u32 $0x7FFFFFFF, v45;
	v35 =	vadd.f32 v43, v35;
	v40 =	vsub.f32 v26, v62  }
0x131: {  	v55 =	vld [tilespmem:s6+$0x6178];
	v44 =	vand.u32 $0x7FFFFFFF, v44;
	v43 =	vsub.f32 v21, v51;
	v38 =	vadd.f32 v42, v38  }
0x132: {  	v56 =	vld [tilespmem:s6+$0xC508];
	v42 =	vsub.f32 v23, v52;
	v36 =	vadd.f32 v41, v36;
	v40 =	vand.u32 $0x7FFFFFFF, v40  }
0x133: {  	v49 =	vld [tilespmem:s6+$0xC598];
	v37 =	vand.u32 $0x7FFFFFFF, v37;
	v41 =	vsub.f32 v25, v63;
	v40 =	vadd.f32 v40, v44  }
0x134: {  	v57 =	vld [tilespmem:s6+$0xC578];
	v43 =	vand.u32 $0x7FFFFFFF, v43;
	v37 =	vadd.f32 v37, v38;
	v44 =	vsub.f32 v22, v53  }
0x135: {  	v60 =	vld [tilespmem:s6+$0xC518];
	v36 =	vadd.f32 v39, v36;
	v41 =	vand.u32 $0x7FFFFFFF, v41;
	v39 =	vsub.f32 v24, v50  }
0x136: {  	v61 =	vld [tilespmem:s6+$0xC588];
	v42 =	vand.u32 $0x7FFFFFFF, v42;
	v38 =	vsub.f32 v19, v54;
	v40 =	vadd.f32 v41, v40  }
0x137: {  	v53 =	vld [tilespmem:s6+$0xC5A8];
	v37 =	vadd.f32 v46, v37;
	v41 =	vsub.f32 v21, v55;
	v39 =	vand.u32 $0x7FFFFFFF, v39  }
0x138: {  	v48 =	vld [tilespmem:s6+$0xC528];
	v44 =	vand.u32 $0x7FFFFFFF, v44;
	v46 =	vsub.f32 v18, v56;
	v39 =	vadd.f32 v39, v40  }
0x139: {  	v62 =	vld [tilespmem:s6+$0x6128];
	v38 =	vand.u32 $0x7FFFFFFF, v38;
	v37 =	vadd.f32 v45, v37;
	v40 =	vsub.f32 v20, v57  }
0x13a: {  	v51 =	vld [tilespmem:s6+$0x61A8];
	v41 =	vand.u32 $0x7FFFFFFF, v41;
	v45 =	vsub.f32 v17, v58;
	v39 =	vadd.f32 v42, v39  }
0x13b: {  	v63 =	vld [tilespmem:s6+$0x6198];
	v46 =	vand.u32 $0x7FFFFFFF, v46;
	v37 =	vadd.f32 v43, v37;
	v42 =	vsub.f32 v19, v59  }
0x13c: {  	v52 =	vld [tilespmem:s6+$0xC538];
	v40 =	vand.u32 $0x7FFFFFFF, v40;
	v43 =	vsub.f32 v16, v60;
	v59 =	vsub.f32 v14, v53  }
0x13d: {  	v50 =	vld [tilespmem:s6+$0x6138];
	v45 =	vand.u32 $0x7FFFFFFF, v45;
	v39 =	vadd.f32 v44, v39;
	v37 =	vadd.f32 v47, v37  }
0x13e: {  	v54 =	vld [tilespmem:s6+$0x61B8];
	v42 =	vand.u32 $0x7FFFFFFF, v42;
	v44 =	vsub.f32 v18, v61;
	v47 =	vsub.f32 v15, v62  }
0x13f: {  	v55 =	vld [tilespmem:s6+$0xC5B8];
	v43 =	vand.u32 $0x7FFFFFFF, v43;
	v39 =	vadd.f32 v41, v39;
	v37 =	vadd.f32 v38, v37  }
0x140: {  	v44 =	vand.u32 $0x7FFFFFFF, v44;
	v41 =	vsub.f32 v17, v63;
	v38 =	vsub.f32 v14, v48;
	v48 =	vld [tilespmem:s6+$0x61E8]  }
0x141: {  	v60 =	vld [tilespmem:s6+$0x61D8];
	v47 =	vand.u32 $0x7FFFFFFF, v47;
	v39 =	vadd.f32 v40, v39;
	v37 =	vadd.f32 v46, v37  }
0x142: {  	v41 =	vand.u32 $0x7FFFFFFF, v41;
	v40 =	vsub.f32 v16, v49;
	v46 =	vsub.f32 v13, v50;
	v49 =	vld [tilespmem:s6+$0xC5F8]  }
0x143: {  	v38 =	vand.u32 $0x7FFFFFFF, v38;
	v50 =	vld [tilespmem:s6+$0x62E8];
	v39 =	vadd.f32 v42, v39;
	v37 =	vadd.f32 v45, v37  }
0x144: {  	v56 =	vld [tilespmem:s6+$0x61C8];
	v40 =	vand.u32 $0x7FFFFFFF, v40;
	v42 =	vsub.f32 v15, v51;
	v45 =	vsub.f32 v12, v52  }
0x145: {  	v46 =	vand.u32 $0x7FFFFFFF, v46;
	v51 =	vld [tilespmem:s6+$0xC6F8];
	v48 =	vsub.f32 v23, v48;
	v39 =	vadd.f32 v44, v39  }
0x146: {  	v57 =	vld [tilespmem:s6+$0xC5C8];
	v37 =	vadd.f32 v43, v37;
	v58 =	vand.u32 $0x7FFFFFFF, v42;
	v43 =	vsub.f32 v13, v54  }
0x147: {  	v42 =	vand.u32 $0x7FFFFFFF, v59;
	v44 =	vsub.f32 v25, v60;
	v54 =	vld [tilespmem:s6+$0xC5E8];
	v49 =	vsub.f32 v20, v49  }
0x148: {  	v61 =	vld [tilespmem:s6+$0xC5D8];
	v45 =	vand.u32 $0x7FFFFFFF, v45;
	v50 =	vsub.f32 v23, v50;
	v39 =	vadd.f32 v41, v39  }
0x149: {  	v62 =	vld [tilespmem:s6+$0x6248];
	v48 =	vand.u32 $0x7FFFFFFF, v48;
	v37 =	vadd.f32 v47, v37;
	v41 =	vsub.f32 v12, v55  }
0x14a: {  	v63 =	vld [tilespmem:s6+$0xC648];
	v43 =	vand.u32 $0x7FFFFFFF, v43;
	v47 =	vsub.f32 v27, v56;
	v51 =	vsub.f32 v20, v51  }
0x14b: {  	v52 =	vld [tilespmem:s6+$0x6258];
	v44 =	vand.u32 $0x7FFFFFFF, v44;
	v39 =	vadd.f32 v40, v39;
	v37 =	vadd.f32 v38, v37  }
0x14c: {  	v56 =	vld [tilespmem:s6+$0x61F8];
	v40 =	vsub.f32 v26, v57;
	v53 =	vand.u32 $0x7FFFFFFF, v47;
	v47 =	vsub.f32 v22, v54  }
0x14d: {  	v49 =	vand.u32 $0x7FFFFFFF, v49;
	v57 =	vld [tilespmem:s6+$0x6268];
	v38 =	vadd.f32 v58, v39;
	v37 =	vadd.f32 v46, v37  }
0x14e: {  	v59 =	vld [tilespmem:s6+$0x6208];
	v40 =	vand.u32 $0x7FFFFFFF, v40;
	v46 =	vsub.f32 v27, v62;
	v39 =	vsub.f32 v24, v61  }
0x14f: {  	v41 =	vand.u32 $0x7FFFFFFF, v41;
	v58 =	vld [tilespmem:s6+$0xC668];
	v40 =	vadd.f32 v40, v53;
	v38 =	vadd.f32 v42, v38  }
0x150: {  	v55 =	vld [tilespmem:s6+$0xC658];
	v47 =	vand.u32 $0x7FFFFFFF, v47;
	v37 =	vadd.f32 v45, v37;
	v42 =	vsub.f32 v26, v63  }
0x151: {  	v60 =	vld [tilespmem:s6+$0x6278];
	v46 =	vand.u32 $0x7FFFFFFF, v46;
	v45 =	vsub.f32 v21, v56;
	v40 =	vadd.f32 v44, v40  }
0x152: {  	v54 =	vld [tilespmem:s6+$0xC688];
	v44 =	vsub.f32 v23, v57;
	v38 =	vadd.f32 v43, v38;
	v42 =	vand.u32 $0x7FFFFFFF, v42  }
0x153: {  	v61 =	vld [tilespmem:s6+$0xC608];
	v39 =	vand.u32 $0x7FFFFFFF, v39;
	v43 =	vsub.f32 v25, v52;
	v42 =	vadd.f32 v42, v46  }
0x154: {  	v62 =	vld [tilespmem:s6+$0xC678];
	v45 =	vand.u32 $0x7FFFFFFF, v45;
	v39 =	vadd.f32 v39, v40;
	v46 =	vsub.f32 v22, v58  }
0x155: {  	v63 =	vld [tilespmem:s6+$0x6218];
	v38 =	vadd.f32 v41, v38;
	v43 =	vand.u32 $0x7FFFFFFF, v43;
	v41 =	vsub.f32 v24, v55  }
0x156: {  	v52 =	vld [tilespmem:s6+$0x6288];
	v44 =	vand.u32 $0x7FFFFFFF, v44;
	v40 =	vsub.f32 v19, v59;
	v42 =	vadd.f32 v43, v42  }
0x157: {  	v53 =	vld [tilespmem:s6+$0xC618];
	v39 =	vadd.f32 v48, v39;
	v43 =	vsub.f32 v21, v60;
	v41 =	vand.u32 $0x7FFFFFFF, v41  }
0x158: {  	v56 =	vld [tilespmem:s6+$0x6298];
	v46 =	vand.u32 $0x7FFFFFFF, v46;
	v48 =	vsub.f32 v18, v61;
	v41 =	vadd.f32 v41, v42  }
0x159: {  	v55 =	vld [tilespmem:s6+$0x6228];
	v40 =	vand.u32 $0x7FFFFFFF, v40;
	v39 =	vadd.f32 v47, v39;
	v42 =	vsub.f32 v20, v62  }
0x15a: {  	v57 =	vld [tilespmem:s6+$0xC628];
	v43 =	vand.u32 $0x7FFFFFFF, v43;
	v47 =	vsub.f32 v17, v63;
	v41 =	vadd.f32 v44, v41  }
0x15b: {  	v58 =	vld [tilespmem:s6+$0xC698];
	v48 =	vand.u32 $0x7FFFFFFF, v48;
	v39 =	vadd.f32 v45, v39;
	v44 =	vsub.f32 v19, v52  }
0x15c: {  	v62 =	vld [tilespmem:s6+$0xC6A8];
	v42 =	vand.u32 $0x7FFFFFFF, v42;
	v45 =	vsub.f32 v16, v53;
	v41 =	vadd.f32 v46, v41  }
0x15d: {  	v59 =	vld [tilespmem:s6+$0x6238];
	v47 =	vand.u32 $0x7FFFFFFF, v47;
	v39 =	vadd.f32 v49, v39;
	v46 =	vsub.f32 v18, v54  }
0x15e: {  	v60 =	vld [tilespmem:s6+$0x62A8];
	v44 =	vand.u32 $0x7FFFFFFF, v44;
	v49 =	vsub.f32 v15, v55;
	v41 =	vadd.f32 v43, v41  }
0x15f: {  	v61 =	vld [tilespmem:s6+$0xC638];
	v45 =	vand.u32 $0x7FFFFFFF, v45;
	v39 =	vadd.f32 v40, v39;
	v43 =	vsub.f32 v17, v56  }
0x160: {  	v63 =	vld [tilespmem:s6+$0x62B8];
	v46 =	vand.u32 $0x7FFFFFFF, v46;
	v40 =	vsub.f32 v14, v57;
	v41 =	vadd.f32 v42, v41  }
0x161: {  	v49 =	vand.u32 $0x7FFFFFFF, v49;
	v56 =	vsub.f32 v14, v62;
	v57 =	vld [tilespmem:s6+$0x62D8];
	v39 =	vadd.f32 v48, v39  }
0x162: {  	v52 =	vld [tilespmem:s6+$0xC6B8];
	v43 =	vand.u32 $0x7FFFFFFF, v43;
	v42 =	vsub.f32 v16, v58;
	v41 =	vadd.f32 v44, v41  }
0x163: {  	v53 =	vld [tilespmem:s6+$0x62C8];
	v40 =	vand.u32 $0x7FFFFFFF, v40;
	v48 =	vsub.f32 v13, v59;
	v39 =	vadd.f32 v47, v39  }
0x164: {  	v54 =	vld [tilespmem:s6+$0xC6C8];
	v42 =	vand.u32 $0x7FFFFFFF, v42;
	v44 =	vsub.f32 v15, v60;
	v41 =	vadd.f32 v46, v41  }
0x165: {  	v48 =	vand.u32 $0x7FFFFFFF, v48;
	v39 =	vadd.f32 v45, v39;
	v45 =	vsub.f32 v13, v63;
	v63 =	vld [tilespmem:s6+$0xC6E8]  }
0x166: {  	v58 =	vld [tilespmem:s6+$0xC6D8];
	v47 =	vsub.f32 v12, v61;
	v55 =	vand.u32 $0x7FFFFFFF, v44;
	v46 =	vsub.f32 v25, v57  }
0x167: {  	v59 =	vld [tilespmem:s6+$0x6348];
	v44 =	vand.u32 $0x7FFFFFFF, v56;
	v41 =	vadd.f32 v43, v41;
	v39 =	vadd.f32 v49, v39  }
0x168: {  	v60 =	vld [tilespmem:s6+$0xC748];
	v47 =	vand.u32 $0x7FFFFFFF, v47;
	v43 =	vsub.f32 v12, v52;
	v49 =	vsub.f32 v27, v53  }
0x169: {  	v45 =	vand.u32 $0x7FFFFFFF, v45;
	v41 =	vadd.f32 v42, v41;
	v39 =	vadd.f32 v40, v39  }
0x16a: {  	v61 =	vld [tilespmem:s6+$0x6358];
	v42 =	vsub.f32 v26, v54;
	v62 =	vand.u32 $0x7FFFFFFF, v49;
	v49 =	vsub.f32 v22, v63  }
0x16b: {  	v46 =	vand.u32 $0x7FFFFFFF, v46;
	v40 =	vadd.f32 v55, v41;
	v39 =	vadd.f32 v48, v39  }
0x16c: {  	v43 =	vand.u32 $0x7FFFFFFF, v43;
	v54 =	vld [tilespmem:s6+$0xC758];
	v48 =	vsub.f32 v27, v59;
	v41 =	vsub.f32 v24, v58  }
0x16d: {  	v56 =	vld [tilespmem:s6+$0x6368];
	v42 =	vand.u32 $0x7FFFFFFF, v42;
	v40 =	vadd.f32 v44, v40;
	v44 =	vsub.f32 v26, v60  }
0x16e: {  	v55 =	vld [tilespmem:s6+$0x62F8];
	v42 =	vadd.f32 v42, v62;
	v39 =	vadd.f32 v47, v39;
	v48 =	vand.u32 $0x7FFFFFFF, v48  }
0x16f: {  	v57 =	vld [tilespmem:s6+$0xC768];
	v40 =	vadd.f32 v45, v40;
	v44 =	vand.u32 $0x7FFFFFFF, v44;
	v45 =	vsub.f32 v25, v61  }
0x170: {  	v58 =	vld [tilespmem:s6+$0x6308];
	v41 =	vand.u32 $0x7FFFFFFF, v41;
	v42 =	vadd.f32 v46, v42;
	v44 =	vadd.f32 v44, v48  }
0x171: {  	v59 =	vld [tilespmem:s6+$0x6378];
	v40 =	vadd.f32 v43, v40;
	v45 =	vand.u32 $0x7FFFFFFF, v45;
	v43 =	vsub.f32 v24, v54  }
0x172: {  	v50 =	vand.u32 $0x7FFFFFFF, v50;
	v60 =	vld [tilespmem:s6+$0xC708];
	v41 =	vadd.f32 v41, v42;
	v44 =	vadd.f32 v45, v44  }
0x173: {  	v62 =	vld [tilespmem:s6+$0x6318];
	v46 =	vsub.f32 v23, v56;
	v47 =	vsub.f32 v21, v55;
	v43 =	vand.u32 $0x7FFFFFFF, v43  }
0x174: {  	v49 =	vand.u32 $0x7FFFFFFF, v49;
	v61 =	vld [tilespmem:s6+$0xC778];
	v41 =	vadd.f32 v50, v41;
	v43 =	vadd.f32 v43, v44  }
0x175: {  	v63 =	vld [tilespmem:s6+$0x6388];
	v46 =	vand.u32 $0x7FFFFFFF, v46;
	v48 =	vsub.f32 v22, v57;
	v42 =	vsub.f32 v19, v58  }
0x176: {  	v54 =	vld [tilespmem:s6+$0xC718];
	v47 =	vand.u32 $0x7FFFFFFF, v47;
	v41 =	vadd.f32 v49, v41;
	v43 =	vadd.f32 v46, v43  }
0x177: {  	v56 =	vld [tilespmem:s6+$0x6328];
	v48 =	vand.u32 $0x7FFFFFFF, v48;
	v45 =	vsub.f32 v21, v59;
	v50 =	vsub.f32 v18, v60  }
0x178: {  	v51 =	vand.u32 $0x7FFFFFFF, v51;
	v55 =	vld [tilespmem:s6+$0xC788];
	v41 =	vadd.f32 v47, v41;
	v43 =	vadd.f32 v48, v43  }
0x179: {  	v57 =	vld [tilespmem:s6+$0x6398];
	v45 =	vand.u32 $0x7FFFFFFF, v45;
	v44 =	vsub.f32 v20, v61;
	v49 =	vsub.f32 v17, v62  }
0x17a: {  	v58 =	vld [tilespmem:s6+$0xC728];
	v42 =	vand.u32 $0x7FFFFFFF, v42;
	v41 =	vadd.f32 v51, v41;
	v43 =	vadd.f32 v45, v43  }
0x17b: {  	v59 =	vld [tilespmem:s6+$0xC798];
	v44 =	vand.u32 $0x7FFFFFFF, v44;
	v46 =	vsub.f32 v19, v63;
	v47 =	vsub.f32 v16, v54  }
0x17c: {  	v50 =	vand.u32 $0x7FFFFFFF, v50;
	v63 =	vld [tilespmem:s6+$0xC7A8];
	v41 =	vadd.f32 v42, v41;
	v43 =	vadd.f32 v44, v43  }
0x17d: {  	v60 =	vld [tilespmem:s6+$0x6338];
	v46 =	vand.u32 $0x7FFFFFFF, v46;
	v48 =	vsub.f32 v18, v55;
	v51 =	vsub.f32 v15, v56  }
0x17e: {  	v61 =	vld [tilespmem:s6+$0x63A8];
	v49 =	vand.u32 $0x7FFFFFFF, v49;
	v41 =	vadd.f32 v50, v41;
	v43 =	vadd.f32 v46, v43  }
0x17f: {  	v62 =	vld [tilespmem:s6+$0xC738];
	v48 =	vand.u32 $0x7FFFFFFF, v48;
	v45 =	vsub.f32 v17, v57;
	v42 =	vsub.f32 v14, v58  }
0x180: {  	v54 =	vld [tilespmem:s6+$0x63B8];
	v47 =	vand.u32 $0x7FFFFFFF, v47;
	v41 =	vadd.f32 v49, v41;
	v43 =	vadd.f32 v48, v43  }
0x181: {  	v55 =	vld [tilespmem:s6+$0xC7B8];
	v45 =	vand.u32 $0x7FFFFFFF, v45;
	v44 =	vsub.f32 v16, v59;
	v59 =	vsub.f32 v14, v63  }
0x182: {  	v51 =	vand.u32 $0x7FFFFFFF, v51;
	v63 =	vld [tilespmem:s6+$0xC848];
	v41 =	vadd.f32 v47, v41;
	v43 =	vadd.f32 v45, v43  }
0x183: {  	v56 =	vld [tilespmem:s6+$0x63C8];
	v50 =	vsub.f32 v13, v60;
	v44 =	vand.u32 $0x7FFFFFFF, v44;
	v46 =	vsub.f32 v15, v61  }
0x184: {  	v57 =	vld [tilespmem:s6+$0xC7C8];
	v41 =	vadd.f32 v51, v41;
	v43 =	vadd.f32 v44, v43  }
0x185: {  	v42 =	vand.u32 $0x7FFFFFFF, v42;
	v49 =	vsub.f32 v12, v62;
	v62 =	vld [tilespmem:s6+$0x6448];
	v58 =	vand.u32 $0x7FFFFFFF, v46  }
0x186: {  	v60 =	vand.u32 $0x7FFFFFFF, v50;
	v61 =	vld [tilespmem:s6+$0x63D8];
	v41 =	vadd.f32 v42, v41;
	v42 =	vadd.f32 v58, v43  }
0x187: {  	v52 =	vld [tilespmem:s6+$0xC7D8];
	v46 =	vand.u32 $0x7FFFFFFF, v59;
	v47 =	vsub.f32 v13, v54;
	v50 =	vsub.f32 v26, v63  }
0x188: {  	v45 =	vsub.f32 v12, v55;
	v46 =	vadd.f32 v46, v42  }
0x189: {  	v47 =	vand.u32 $0x7FFFFFFF, v47;
	v51 =	vsub.f32 v27, v56;
	v44 =	vsub.f32 v26, v57  }
0x18a: {  	v48 =	vsub.f32 v27, v62;
	v55 =	vadd.f32 v47, v46;
	v46 =	vld [tilespmem:s6+$0x6458]  }
0x18b: {  	v56 =	vand.u32 $0x7FFFFFFF, v51;
	v57 =	vsub.f32 v25, v61;
	v44 =	vand.u32 $0x7FFFFFFF, v44;
	v58 =	vld [tilespmem:s6+$0x63E8]  }
0x18c: {  	v59 =	vld [tilespmem:s6+$0xC858];
	v62 =	vsub.f32 v24, v52;
	v50 =	vand.u32 $0x7FFFFFFF, v50;
	v44 =	vadd.f32 v44, v56  }
0x18d: {  	v61 =	vld [tilespmem:s6+$0xC7E8];
	v48 =	vand.u32 $0x7FFFFFFF, v48;
	v41 =	vadd.f32 v60, v41;
	v60 =	vand.u32 $0x7FFFFFFF, v57  }
0x18e: {  	v49 =	vand.u32 $0x7FFFFFFF, v49;
	v63 =	vld [tilespmem:s6+$0x6468];
	v48 =	vadd.f32 v50, v48;
	v44 =	vadd.f32 v60, v44  }
0x18f: {  	v53 =	vld [tilespmem:s6+$0x63F8];
	v42 =	vadd.f32 v49, v41;
	v47 =	vand.u32 $0x7FFFFFFF, v62;
	v46 =	vsub.f32 v25, v46  }
0x190: {  	v45 =	vand.u32 $0x7FFFFFFF, v45;
	v56 =	vld [tilespmem:s6+$0xC868];
	v51 =	vsub.f32 v23, v58;
	v44 =	vadd.f32 v47, v44  }
0x191: {  	v57 =	vld [tilespmem:s6+$0xC7F8];
	v43 =	vadd.f32 v45, v55;
	v45 =	vsub.f32 v24, v59;
	v46 =	vand.u32 $0x7FFFFFFF, v46  }
0x192: {  	v49 =	vsub.f32 v22, v61;
	v58 =	vld [tilespmem:s6+$0x6478];
	v51 =	vand.u32 $0x7FFFFFFF, v51;
	v46 =	vadd.f32 v46, v48  }
0x193: {  	v52 =	vsub.f32 v23, v63;
	v59 =	vld [tilespmem:s6+$0x6408];
	v44 =	vadd.f32 v51, v44;
	v45 =	vand.u32 $0x7FFFFFFF, v45  }
0x194: {  	v53 =	vsub.f32 v21, v53;
	v60 =	vld [tilespmem:s6+$0xC878];
	v49 =	vand.u32 $0x7FFFFFFF, v49;
	v45 =	vadd.f32 v45, v46  }
0x195: {  	v52 =	vand.u32 $0x7FFFFFFF, v52;
	v61 =	vld [tilespmem:s6+$0xC808];
	v50 =	vsub.f32 v22, v56;
	v44 =	vadd.f32 v49, v44  }
0x196: {  	v53 =	vand.u32 $0x7FFFFFFF, v53;
	v62 =	vld [tilespmem:s6+$0x6488];
	v47 =	vsub.f32 v20, v57;
	v45 =	vadd.f32 v52, v45  }
0x197: {  	v63 =	vld [tilespmem:s6+$0x6418];
	v50 =	vand.u32 $0x7FFFFFFF, v50;
	v44 =	vadd.f32 v53, v44;
	v48 =	vsub.f32 v21, v58  }
0x198: {  	v56 =	vld [tilespmem:s6+$0xC888];
	v47 =	vand.u32 $0x7FFFFFFF, v47;
	v51 =	vsub.f32 v19, v59;
	v45 =	vadd.f32 v50, v45  }
0x199: {  	v57 =	vld [tilespmem:s6+$0xC818];
	v44 =	vadd.f32 v47, v44;
	v48 =	vand.u32 $0x7FFFFFFF, v48;
	v46 =	vsub.f32 v20, v60  }
0x19a: {  	v49 =	vsub.f32 v18, v61;
	v58 =	vld [tilespmem:s6+$0x6498];
	v51 =	vand.u32 $0x7FFFFFFF, v51;
	v45 =	vadd.f32 v48, v45  }
0x19b: {  	v61 =	vld [tilespmem:s6+$0xC898];
	v44 =	vadd.f32 v51, v44;
	v46 =	vand.u32 $0x7FFFFFFF, v46;
	v52 =	vsub.f32 v19, v62  }
0x19c: {  	(xrf2) =	vadd.scan.msk.f32 $0xffff, v30;
	v59 =	vld [tilespmem:s6+$0x6428];
	v30 =	vand.u32 $0x7FFFFFFF, v49;
	v60 =	vsub.f32 v17, v63;
	v45 =	vadd.f32 v46, v45  }
0x19d: {  	v53 =	vld [tilespmem:s6+$0x6438];
	v30 =	vadd.f32 v30, v44;
	v52 =	vand.u32 $0x7FFFFFFF, v52;
	v50 =	vsub.f32 v18, v56  }
0x19e: {  	(xrf2) =	vadd.scan.msk.f32 $0xffff, v29;
	v47 =	vsub.f32 v16, v57;
	v62 =	vld [tilespmem:s6+$0xC828];
	v29 =	vand.u32 $0x7FFFFFFF, v60;
	v45 =	vadd.f32 v52, v45  }
0x19f: {  	v63 =	vld [tilespmem:s6+$0x64A8];
	v29 =	vadd.f32 v29, v30;
	v30 =	vand.u32 $0x7FFFFFFF, v50;
	v48 =	vsub.f32 v17, v58  }
0x1a0: {  	(xrf2) =	vadd.scan.msk.f32 $0xffff, v31;
	v31 =	vand.u32 $0x7FFFFFFF, v47;
	v30 =	vadd.f32 v30, v45  }
0x1a1: {  	s8 =	sshll.u32 s21, $0x4;
	(xrf2) =	vadd.scan.msk.f32 $0xffff, v32;
	v55 =	vld [tilespmem:s6+$0xC8A8];
	v29 =	vadd.f32 v31, v29;
	v31 =	vand.u32 $0x7FFFFFFF, v48;
	v52 =	vsub.f32 v15, v59  }
0x1a2: {  	(xrf2) =	vadd.scan.msk.f32 $0xffff, v33;
	v41 =	vor.u32 s8, v0;
	v54 =	vsub.f32 v16, v61;
	v30 =	vadd.f32 v31, v30;
	v31 =	vld [tilespmem:s6+$0xC838]  }
0x1a3: {  	(xrf2) =	vadd.scan.msk.f32 $0xffff, v34;
	v61 =	vsub.f32 v13, v53;
	v58 =	vld [tilespmem:s6+$0x64B8];
	v44 =	vsub.f32 v14, v62;
	v56 =	vand.u32 $0x7FFFFFFF, v52  }
0x1a4: {  	(xrf2) =	vadd.scan.msk.f32 $0xffff, v35;
	v32 =	vand.u32 $0x7FFFFFFF, v54;
	v57 =	vsub.f32 v15, v63;
	v29 =	vadd.f32 v56, v29  }
0x1a5: {  	(xrf2) =	vadd.scan.msk.f32 $0xffff, v36;
	v35 =	vand.u32 $0x7FFFFFFF, v61;
	v62 =	vld [tilespmem:s6+$0xC8B8];
	v60 =	vand.u32 $0x7FFFFFFF, v44;
	v30 =	vadd.f32 v32, v30  }
0x1a6: {  	(xrf2) =	vadd.scan.msk.f32 $0xffff, v37;
	v33 =	vand.u32 $0x7FFFFFFF, v57;
	v44 =	vsub.f32 v14, v55;
	v29 =	vadd.f32 v60, v29  }
0x1a7: {  	v63, _, _ =	vpop (xrf2);
	(xrf2) =	vadd.scan.msk.f32 $0xffff, v38;
	v59 =	vand.u32 $0xF8, v41;
	v30 =	vadd.f32 v33, v30;
	v31 =	vsub.f32 v12, v31  }
0x1a8: {  	(xrf2) =	vadd.scan.msk.f32 $0xffff, v39;
	v37 =	vand.u32 $0x7FFFFFFF, v44;
	v34 =	vsub.f32 v13, v58;
	v29 =	vadd.f32 v35, v29  }
0x1a9: {  	v45, _, _ =	vpop (xrf2);
	(xrf2) =	vadd.scan.msk.f32 $0xffff, v40;
	v32 =	vadd.s32 v28, v59;
	v30 =	vadd.f32 v37, v30;
	v31 =	vand.u32 $0x7FFFFFFF, v31  }
0x1aa: {  	v47 =	vsub.f32 v12, v62;
	v46, _, _ =	vpop (xrf2);
	(xrf2) =	vadd.scan.msk.f32 $0xffff, v42;
	v29 =	vadd.f32 v31, v29;
	v31 =	vand.u32 $0x7FFFFFFF, v34  }
0x1ab: {  	v48, _, _ =	vpop (xrf2);
	(xrf2) =	vadd.scan.msk.f32 $0xffff, v43;
	v35 =	vbroadcast v45, $0xF;
	v33 =	vbroadcast v63, $0xF;
	v30 =	vadd.f32 v31, v30  }
0x1ac: {  	v50, _, _ =	vpop (xrf2);
	v37 =	vbroadcast v46, $0xF;
	(xrf2) =	vadd.scan.msk.f32 $0xffff, v29;
	v29 =	vand.u32 $0x7FFFFFFF, v47  }
0x1ad: {  	v49 =	vbroadcast v48, $0xF;
	v33 =	vsel vm0, v33, v35;
	v29 =	vadd.f32 v29, v30  }
0x1ae: {  	v51, _, _ =	vpop (xrf2);
	v36 =	vbroadcast v50, $0xF;
	v33 =	vsel vm1, v33, v37;
	v31 =	vld.idx.msk [tilespmem:v32+s12+$0x0], $0xffff  }
0x1af: {  	v34 =	vbroadcast v51, $0xF;
	v33 =	vsel vm2, v33, v49;
	v30, _, _ =	vpop (xrf2)  }
0x1b0: {  	v33 =	vsel vm3, v33, v36;
	v30 =	vbroadcast v30, $0xF;
	v53, _, _ =	vpop (xrf2)  }
0x1b1: {  	v33 =	vsel vm4, v33, v34;
	(xrf2) =	vadd.scan.msk.f32 $0xffff, v29;
	v29, _, _ =	vpop (xrf2);
	v54 =	vbroadcast v53, $0xF  }
0x1b2: {  	v52 =	vshll.u32 v41, $0x4;
	v55, _, _ =	vpop (xrf2);
	v30 =	vsel vm5, v33, v30;
	v29 =	vbroadcast v29, $0xF  }
0x1b3: {  	v31 =	vand.u32 $0xF, v31;
	v56, _, _ =	vpop (xrf2);
	v30 =	vsel vm6, v30, v54;
	v57 =	vbroadcast v55, $0xF  }
0x1b4: {  	v31 =	vor.u32 v52, v31;
	v58, _, _ =	vpop (xrf2);
	v29 =	vsel vm7, v30, v29;
	v30 =	vbroadcast v56, $0xF  }
0x1b5: {  	v59, _, _ =	vpop (xrf2);
	v29 =	vsel vm8, v29, v57;
	v60 =	vbroadcast v58, $0xF  }
0x1b6: {  	v61, _, _ =	vpop (xrf2);
	v29 =	vsel vm9, v29, v30;
	v30 =	vbroadcast v59, $0xF  }
0x1b7: {  	v62, _, _ =	vpop (xrf2);
	v29 =	vsel vm10, v29, v60  }
0x1b8: {  	v29 =	vsel vm11, v29, v30;
	v30 =	vbroadcast v62, $0xF  }
0x1b9: {  	v31 =	vld.idx.msk [tilespmem:v31+s29+$0x0], $0xffff;
	v63 =	vbroadcast v61, $0xF;
	_ =	sdelay $0x1  }
0x1ba: {  	v29 =	vsel vm12, v29, v63  }
0x1bb: {  	v29 =	vsel vm13, v29, v30;
	v30, _, _ =	vpop (xrf2)  }
0x1bc: {  	p0 =	sne.s32 s21, $0xB;
	v29 =	vsel vm14, v29, v30  }
.Ltmp0:
0x1bd: {  	v30 =	vmul.f32 v31, v9;
	v29 =	vsub.f32 v11, v29;
	(pc) =	sbr.rel @p0 .LBB2_3-.Ltmp0, $3  }
0x1be: {  	_ = 	snop  }
0x1bf: {  	v29 =	vadd.f32 v29, v30;
	_ =	sdelay $0x1  }
0x1c0: {  	s21 =	sadd.s32 $0x1, s21;
	[tilespmem:v32+s17+$0x0] =	vst.idx.msk $0xffff, v29  }
0x1c1: {  	v28 =	vld [tilespmem:$0xBCC8]  }
0x1c2: {  	v29 =	vld [tilespmem:$0x120C8]  }
0x1c3: {  	v30 =	vld [tilespmem:$0xBCD8]  }
0x1c4: {  	v31 =	vld [tilespmem:$0x120D8]  }
0x1c5: {  	v32 =	vld [tilespmem:$0xBCE8]  }
0x1c6: {  	v33 =	vld [tilespmem:$0xBD48]  }
0x1c7: {  	v48 =	vld [tilespmem:$0x12148]  }
0x1c8: {  	v34 =	vld [tilespmem:$0x120E8]  }
0x1c9: {  	v49 =	vld [tilespmem:$0xBD58]  }
0x1ca: {  	v35 =	vld [tilespmem:$0xBCF8]  }
0x1cb: {  	v36 =	vld [tilespmem:$0x120F8]  }
0x1cc: {  	v52 =	vld [tilespmem:$0xBD68]  }
0x1cd: {  	v37 =	vld [tilespmem:$0xBD08];
	v28 =	vsub.f32 v27, v28  }
0x1ce: {  	v39 =	vld [tilespmem:$0xBE48];
	v29 =	vsub.f32 v26, v29;
	v30 =	vsub.f32 v25, v30  }
0x1cf: {  	v50 =	vld [tilespmem:$0x12158];
	v31 =	vsub.f32 v24, v31;
	v32 =	vsub.f32 v23, v32  }
0x1d0: {  	v53 =	vld [tilespmem:$0x12168];
	v33 =	vsub.f32 v27, v33;
	v51 =	vsub.f32 v22, v34  }
0x1d1: {  	v54 =	vld [tilespmem:$0x12108];
	v35 =	vsub.f32 v21, v35;
	v36 =	vsub.f32 v20, v36  }
0x1d2: {  	v55 =	vld [tilespmem:$0xBD78];
	v34 =	vsub.f32 v23, v52;
	v37 =	vsub.f32 v19, v37  }
0x1d3: {  	v56 =	vld [tilespmem:$0xBD18];
	v39 =	vsub.f32 v27, v39;
	v28 =	vand.u32 $0x7FFFFFFF, v28;
	v29 =	vand.u32 $0x7FFFFFFF, v29  }
0x1d4: {  	v57 =	vld [tilespmem:$0x12178];
	v30 =	vand.u32 $0x7FFFFFFF, v30;
	v31 =	vand.u32 $0x7FFFFFFF, v31;
	v32 =	vand.u32 $0x7FFFFFFF, v32  }
0x1d5: {  	v58 =	vld [tilespmem:$0x12118];
	v33 =	vand.u32 $0x7FFFFFFF, v33;
	v28 =	vadd.f32 v29, v28;
	v29 =	vsub.f32 v26, v48  }
0x1d6: {  	v38 =	vld [tilespmem:$0x121B8];
	v35 =	vand.u32 $0x7FFFFFFF, v35;
	v36 =	vand.u32 $0x7FFFFFFF, v36;
	v34 =	vand.u32 $0x7FFFFFFF, v34  }
0x1d7: {  	v59 =	vld [tilespmem:$0xBD88];
	v28 =	vadd.f32 v30, v28;
	v29 =	vand.u32 $0x7FFFFFFF, v29;
	v30 =	vsub.f32 v25, v49  }
0x1d8: {  	v60 =	vld [tilespmem:$0xBD28];
	v37 =	vand.u32 $0x7FFFFFFF, v37;
	v29 =	vadd.f32 v29, v33;
	v33 =	vsub.f32 v22, v53  }
0x1d9: {  	v61 =	vld [tilespmem:$0x12188];
	v28 =	vadd.f32 v31, v28;
	v30 =	vand.u32 $0x7FFFFFFF, v30;
	v31 =	vsub.f32 v24, v50  }
0x1da: {  	v62 =	vld [tilespmem:$0x12128];
	v39 =	vand.u32 $0x7FFFFFFF, v39;
	v29 =	vadd.f32 v30, v29;
	v30 =	vsub.f32 v21, v55  }
0x1db: {  	v63 =	vld [tilespmem:$0xBD98];
	v55 =	vsub.f32 v12, v38;
	v28 =	vadd.f32 v32, v28;
	v31 =	vand.u32 $0x7FFFFFFF, v31  }
0x1dc: {  	v40 =	vld [tilespmem:$0xBD38];
	v32 =	vand.u32 $0x7FFFFFFF, v51;
	v29 =	vadd.f32 v31, v29;
	v31 =	vsub.f32 v20, v57  }
0x1dd: {  	v33 =	vand.u32 $0x7FFFFFFF, v33;
	v57 =	vld [tilespmem:$0x121F8];
	v28 =	vadd.f32 v32, v28;
	v32 =	vsub.f32 v18, v54  }
0x1de: {  	v41 =	vld [tilespmem:$0x12198];
	v30 =	vand.u32 $0x7FFFFFFF, v30;
	v29 =	vadd.f32 v34, v29;
	v34 =	vsub.f32 v19, v59  }
0x1df: {  	v42 =	vld [tilespmem:$0x12138];
	v31 =	vand.u32 $0x7FFFFFFF, v31;
	v28 =	vadd.f32 v35, v28;
	v35 =	vsub.f32 v17, v56  }
0x1e0: {  	v43 =	vld [tilespmem:$0xBDA8];
	v32 =	vand.u32 $0x7FFFFFFF, v32;
	v29 =	vadd.f32 v33, v29;
	v33 =	vsub.f32 v18, v61  }
0x1e1: {  	v44 =	vld [tilespmem:$0xBDC8];
	v34 =	vand.u32 $0x7FFFFFFF, v34;
	v28 =	vadd.f32 v36, v28;
	v36 =	vsub.f32 v16, v58  }
0x1e2: {  	v45 =	vld [tilespmem:$0x121C8];
	v35 =	vand.u32 $0x7FFFFFFF, v35;
	v38 =	vsub.f32 v20, v57;
	v29 =	vadd.f32 v30, v29  }
0x1e3: {  	v46 =	vld [tilespmem:$0x121A8];
	v33 =	vand.u32 $0x7FFFFFFF, v33;
	v30 =	vsub.f32 v17, v63;
	v28 =	vadd.f32 v37, v28  }
0x1e4: {  	v47 =	vld [tilespmem:$0xBDD8];
	v36 =	vand.u32 $0x7FFFFFFF, v36;
	v37 =	vsub.f32 v15, v60;
	v29 =	vadd.f32 v31, v29  }
0x1e5: {  	v38 =	vand.u32 $0x7FFFFFFF, v38;
	v31 =	vsub.f32 v16, v41;
	v41 =	vld [tilespmem:$0x122E8];
	v28 =	vadd.f32 v32, v28  }
0x1e6: {  	v52 =	vld [tilespmem:$0x121E8];
	v30 =	vand.u32 $0x7FFFFFFF, v30;
	v32 =	vsub.f32 v14, v62;
	v29 =	vadd.f32 v34, v29  }
0x1e7: {  	v48 =	vld [tilespmem:$0xBDB8];
	v37 =	vand.u32 $0x7FFFFFFF, v37;
	v34 =	vsub.f32 v15, v43;
	v28 =	vadd.f32 v35, v28  }
0x1e8: {  	v49 =	vld [tilespmem:$0x121D8];
	v31 =	vand.u32 $0x7FFFFFFF, v31;
	v35 =	vsub.f32 v13, v40;
	v29 =	vadd.f32 v33, v29  }
0x1e9: {  	v32 =	vand.u32 $0x7FFFFFFF, v32;
	v40 =	vld [tilespmem:$0xBE08];
	v33 =	vsub.f32 v26, v45;
	v28 =	vadd.f32 v36, v28  }
0x1ea: {  	v50 =	vld [tilespmem:$0xBDE8];
	v34 =	vand.u32 $0x7FFFFFFF, v34;
	v36 =	vsub.f32 v12, v42;
	v41 =	vsub.f32 v22, v41  }
0x1eb: {  	v51 =	vld [tilespmem:$0x12248];
	v35 =	vand.u32 $0x7FFFFFFF, v35;
	v29 =	vadd.f32 v30, v29;
	v30 =	vsub.f32 v25, v47  }
0x1ec: {  	v42 =	vld [tilespmem:$0xBF08];
	v33 =	vand.u32 $0x7FFFFFFF, v33;
	v28 =	vadd.f32 v37, v28;
	v37 =	vsub.f32 v27, v44  }
0x1ed: {  	v53 =	vld [tilespmem:$0xBE58];
	v36 =	vand.u32 $0x7FFFFFFF, v36;
	v29 =	vadd.f32 v31, v29;
	v31 =	vsub.f32 v24, v49  }
0x1ee: {  	v54 =	vld [tilespmem:$0xBDF8];
	v41 =	vand.u32 $0x7FFFFFFF, v41;
	v40 =	vsub.f32 v19, v40;
	v28 =	vadd.f32 v32, v28  }
0x1ef: {  	v59 =	vld [tilespmem:$0x12268];
	v32 =	vsub.f32 v14, v46;
	v37 =	vand.u32 $0x7FFFFFFF, v37;
	v29 =	vadd.f32 v34, v29  }
0x1f0: {  	v56 =	vld [tilespmem:$0x12258];
	v30 =	vand.u32 $0x7FFFFFFF, v30;
	v33 =	vadd.f32 v33, v37;
	v34 =	vsub.f32 v23, v50  }
0x1f1: {  	v61 =	vld [tilespmem:$0xBE78];
	v31 =	vand.u32 $0x7FFFFFFF, v31;
	v37 =	vsub.f32 v26, v51;
	v42 =	vsub.f32 v19, v42  }
0x1f2: {  	v58 =	vld [tilespmem:$0xBE68];
	v28 =	vadd.f32 v35, v28;
	v32 =	vand.u32 $0x7FFFFFFF, v32;
	v35 =	vsub.f32 v13, v48  }
0x1f3: {  	v57 =	vld [tilespmem:$0xBEC8];
	v40 =	vand.u32 $0x7FFFFFFF, v40;
	v29 =	vadd.f32 v32, v29;
	v30 =	vadd.f32 v30, v33  }
0x1f4: {  	v63 =	vld [tilespmem:$0x12278];
	v32 =	vsub.f32 v22, v52;
	v37 =	vand.u32 $0x7FFFFFFF, v37;
	v33 =	vsub.f32 v25, v53  }
0x1f5: {  	v60 =	vld [tilespmem:$0x12208];
	v28 =	vadd.f32 v36, v28;
	v35 =	vand.u32 $0x7FFFFFFF, v35;
	v37 =	vadd.f32 v37, v39  }
0x1f6: {  	v62 =	vld [tilespmem:$0xBE18];
	v34 =	vand.u32 $0x7FFFFFFF, v34;
	v39 =	vsub.f32 v22, v59;
	v29 =	vadd.f32 v35, v29  }
0x1f7: {  	v45 =	vld [tilespmem:$0xBE88];
	v30 =	vadd.f32 v31, v30;
	v35 =	vsub.f32 v21, v54;
	v33 =	vand.u32 $0x7FFFFFFF, v33  }
0x1f8: {  	v47 =	vld [tilespmem:$0x12288];
	v42 =	vand.u32 $0x7FFFFFFF, v42;
	v31 =	vsub.f32 v24, v56;
	v33 =	vadd.f32 v33, v37  }
0x1f9: {  	v44 =	vld [tilespmem:$0x12218];
	v36 =	vand.u32 $0x7FFFFFFF, v55;
	v37 =	vsub.f32 v21, v61;
	v30 =	vadd.f32 v34, v30  }
0x1fa: {  	v54 =	vld [tilespmem:$0x122A8];
	v31 =	vand.u32 $0x7FFFFFFF, v31;
	v34 =	vsub.f32 v23, v58;
	v29 =	vadd.f32 v36, v29  }
0x1fb: {  	v49 =	vld [tilespmem:$0xBE98];
	v32 =	vand.u32 $0x7FFFFFFF, v32;
	v31 =	vadd.f32 v31, v33;
	v33 =	vsub.f32 v20, v63  }
0x1fc: {  	v55 =	vld [tilespmem:$0xBEB8];
	v30 =	vadd.f32 v32, v30;
	v34 =	vand.u32 $0x7FFFFFFF, v34;
	v32 =	vsub.f32 v18, v60  }
0x1fd: {  	v46 =	vld [tilespmem:$0xBE28];
	v35 =	vand.u32 $0x7FFFFFFF, v35;
	v31 =	vadd.f32 v34, v31;
	v34 =	vsub.f32 v19, v45  }
0x1fe: {  	v39 =	vand.u32 $0x7FFFFFFF, v39;
	v63 =	vld [tilespmem:$0x122D8];
	v30 =	vadd.f32 v35, v30;
	v35 =	vsub.f32 v17, v62  }
0x1ff: {  	v37 =	vand.u32 $0x7FFFFFFF, v37;
	v45 =	vld [tilespmem:$0xBEE8];
	v62 =	vsub.f32 v14, v54;
	v31 =	vadd.f32 v39, v31  }
0x200: {  	v51 =	vld [tilespmem:$0x12298];
	v33 =	vand.u32 $0x7FFFFFFF, v33;
	v39 =	vsub.f32 v18, v47;
	v30 =	vadd.f32 v38, v30  }
0x201: {  	v50 =	vld [tilespmem:$0xBE38];
	v32 =	vand.u32 $0x7FFFFFFF, v32;
	v38 =	vsub.f32 v16, v44;
	v44 =	vsub.f32 v13, v55  }
0x202: {  	v48 =	vld [tilespmem:$0x12228];
	v34 =	vand.u32 $0x7FFFFFFF, v34;
	v31 =	vadd.f32 v37, v31;
	v37 =	vsub.f32 v17, v49  }
0x203: {  	v53 =	vld [tilespmem:$0xBEA8];
	v35 =	vand.u32 $0x7FFFFFFF, v35;
	v49 =	vsub.f32 v24, v63;
	v30 =	vadd.f32 v40, v30  }
0x204: {  	v52 =	vld [tilespmem:$0x12238];
	v36 =	vand.u32 $0x7FFFFFFF, v62;
	v40 =	vsub.f32 v15, v46;
	v54 =	vsub.f32 v23, v45  }
0x205: {  	v55 =	vld [tilespmem:$0xBF68];
	v39 =	vand.u32 $0x7FFFFFFF, v39;
	v31 =	vadd.f32 v33, v31;
	v33 =	vsub.f32 v16, v51  }
0x206: {  	v59 =	vld [tilespmem:$0x122B8];
	v56 =	vand.u32 $0x7FFFFFFF, v37;
	v37 =	vsub.f32 v27, v57;
	v30 =	vadd.f32 v32, v30  }
0x207: {  	v38 =	vand.u32 $0x7FFFFFFF, v38;
	v46 =	vld [tilespmem:$0xBF48];
	v32 =	vsub.f32 v14, v48;
	v31 =	vadd.f32 v34, v31  }
0x208: {  	v61 =	vld [tilespmem:$0xBED8];
	v40 =	vand.u32 $0x7FFFFFFF, v40;
	v34 =	vsub.f32 v15, v53;
	v30 =	vadd.f32 v35, v30  }
0x209: {  	v58 =	vld [tilespmem:$0x122C8];
	v33 =	vand.u32 $0x7FFFFFFF, v33;
	v35 =	vsub.f32 v13, v50;
	v31 =	vadd.f32 v39, v31  }
0x20a: {  	v37 =	vand.u32 $0x7FFFFFFF, v37;
	v50 =	vld [tilespmem:$0xBEF8];
	v39 =	vsub.f32 v23, v55;
	v30 =	vadd.f32 v38, v30  }
0x20b: {  	v47 =	vld [tilespmem:$0x12348];
	v32 =	vand.u32 $0x7FFFFFFF, v32;
	v38 =	vsub.f32 v12, v52;
	v31 =	vadd.f32 v56, v31  }
0x20c: {  	v62 =	vld [tilespmem:$0xBF88];
	v34 =	vand.u32 $0x7FFFFFFF, v34;
	v30 =	vadd.f32 v40, v30;
	v40 =	vsub.f32 v27, v46  }
0x20d: {  	v53 =	vld [tilespmem:$0x122F8];
	v35 =	vand.u32 $0x7FFFFFFF, v35;
	v31 =	vadd.f32 v33, v31;
	v33 =	vsub.f32 v25, v61  }
0x20e: {  	v63 =	vld [tilespmem:$0xBF28];
	v52 =	vand.u32 $0x7FFFFFFF, v49;
	v30 =	vadd.f32 v32, v30;
	v32 =	vsub.f32 v26, v58  }
0x20f: {  	v48 =	vld [tilespmem:$0xBF58];
	v60 =	vand.u32 $0x7FFFFFFF, v38;
	v38 =	vsub.f32 v21, v50;
	v31 =	vadd.f32 v34, v31  }
0x210: {  	v51 =	vld [tilespmem:$0x12358];
	v30 =	vadd.f32 v35, v30;
	v35 =	vsub.f32 v12, v59;
	v32 =	vand.u32 $0x7FFFFFFF, v32  }
0x211: {  	v56 =	vld [tilespmem:$0x12368];
	v40 =	vand.u32 $0x7FFFFFFF, v40;
	v31 =	vadd.f32 v36, v31;
	v32 =	vadd.f32 v32, v37  }
0x212: {  	v57 =	vld [tilespmem:$0x12308];
	v34 =	vand.u32 $0x7FFFFFFF, v44;
	v36 =	vsub.f32 v26, v47;
	v37 =	vsub.f32 v20, v53  }
0x213: {  	v58 =	vld [tilespmem:$0xBF78];
	v33 =	vand.u32 $0x7FFFFFFF, v33;
	v30 =	vadd.f32 v60, v30;
	v31 =	vadd.f32 v34, v31  }
0x214: {  	v59 =	vld [tilespmem:$0xBF18];
	v32 =	vadd.f32 v33, v32;
	v36 =	vand.u32 $0x7FFFFFFF, v36;
	v34 =	vsub.f32 v25, v48  }
0x215: {  	v35 =	vand.u32 $0x7FFFFFFF, v35;
	v60 =	vld [tilespmem:$0x12378];
	v33 =	vsub.f32 v24, v51;
	v36 =	vadd.f32 v36, v40  }
0x216: {  	v53 =	vld [tilespmem:$0x123A8];
	v40 =	vsub.f32 v22, v56;
	v32 =	vadd.f32 v52, v32;
	v34 =	vand.u32 $0x7FFFFFFF, v34  }
0x217: {  	v44 =	vld [tilespmem:$0xC058];
	v31 =	vadd.f32 v35, v31;
	v35 =	vand.u32 $0x7FFFFFFF, v54;
	v34 =	vadd.f32 v34, v36  }
0x218: {  	v61 =	vld [tilespmem:$0x12318];
	v33 =	vand.u32 $0x7FFFFFFF, v33;
	v36 =	vsub.f32 v21, v58;
	v32 =	vadd.f32 v35, v32  }
0x219: {  	v39 =	vand.u32 $0x7FFFFFFF, v39;
	v54 =	vld [tilespmem:$0xBFB8];
	v35 =	vsub.f32 v18, v57;
	v33 =	vadd.f32 v33, v34  }
0x21a: {  	v45 =	vld [tilespmem:$0x12388];
	v38 =	vand.u32 $0x7FFFFFFF, v38;
	v34 =	vsub.f32 v20, v60;
	v32 =	vadd.f32 v41, v32  }
0x21b: {  	v49 =	vld [tilespmem:$0x12398];
	v37 =	vand.u32 $0x7FFFFFFF, v37;
	v41 =	vsub.f32 v17, v59;
	v59 =	vsub.f32 v14, v53  }
0x21c: {  	v47 =	vld [tilespmem:$0xBF98];
	v40 =	vand.u32 $0x7FFFFFFF, v40;
	v53 =	vsub.f32 v25, v44;
	v33 =	vadd.f32 v39, v33  }
0x21d: {  	v46 =	vld [tilespmem:$0x12328];
	v36 =	vand.u32 $0x7FFFFFFF, v36;
	v39 =	vsub.f32 v19, v62;
	v32 =	vadd.f32 v38, v32  }
0x21e: {  	v48 =	vld [tilespmem:$0xBF38];
	v35 =	vand.u32 $0x7FFFFFFF, v35;
	v38 =	vsub.f32 v16, v61;
	v61 =	vsub.f32 v13, v54  }
0x21f: {  	v34 =	vand.u32 $0x7FFFFFFF, v34;
	v62 =	vld [tilespmem:$0x12448];
	v33 =	vadd.f32 v40, v33;
	v40 =	vsub.f32 v18, v45  }
0x220: {  	v60 =	vld [tilespmem:$0xC048];
	v41 =	vand.u32 $0x7FFFFFFF, v41;
	v32 =	vadd.f32 v37, v32;
	v37 =	vsub.f32 v15, v63  }
0x221: {  	v51 =	vld [tilespmem:$0xBFA8];
	v39 =	vand.u32 $0x7FFFFFFF, v39;
	v33 =	vadd.f32 v36, v33;
	v36 =	vsub.f32 v17, v47  }
0x222: {  	v38 =	vand.u32 $0x7FFFFFFF, v38;
	v63 =	vld [tilespmem:$0x123D8];
	v32 =	vadd.f32 v42, v32;
	v42 =	vsub.f32 v14, v46  }
0x223: {  	v54 =	vld [tilespmem:$0xBFF8];
	v52 =	vand.u32 $0x7FFFFFFF, v40;
	v33 =	vadd.f32 v34, v33;
	v34 =	vsub.f32 v16, v49  }
0x224: {  	v50 =	vld [tilespmem:$0x12338];
	v37 =	vand.u32 $0x7FFFFFFF, v37;
	v49 =	vsub.f32 v26, v62;
	v32 =	vadd.f32 v35, v32  }
0x225: {  	v55 =	vld [tilespmem:$0xBFC8];
	v36 =	vand.u32 $0x7FFFFFFF, v36;
	v35 =	vsub.f32 v13, v48;
	v48 =	vsub.f32 v27, v60  }
0x226: {  	v56 =	vld [tilespmem:$0x123C8];
	v42 =	vand.u32 $0x7FFFFFFF, v42;
	v33 =	vadd.f32 v39, v33;
	v39 =	vsub.f32 v15, v51  }
0x227: {  	v45 =	vld [tilespmem:$0xBFE8];
	v34 =	vand.u32 $0x7FFFFFFF, v34;
	v51 =	vsub.f32 v24, v63;
	v32 =	vadd.f32 v41, v32  }
0x228: {  	v60 =	vld [tilespmem:$0xC078];
	v63 =	vsub.f32 v21, v54;
	v35 =	vand.u32 $0x7FFFFFFF, v35;
	v33 =	vadd.f32 v52, v33  }
0x229: {  	v57 =	vld [tilespmem:$0xBFD8];
	v41 =	vsub.f32 v12, v50;
	v58 =	vand.u32 $0x7FFFFFFF, v39;
	v32 =	vadd.f32 v38, v32  }
0x22a: {  	v47 =	vld [tilespmem:$0x12458];
	v39 =	vand.u32 $0x7FFFFFFF, v59;
	v43 =	vand.u32 $0x7FFFFFFF, v63;
	v33 =	vadd.f32 v36, v33  }
0x22b: {  	v41 =	vand.u32 $0x7FFFFFFF, v41;
	v36 =	vsub.f32 v26, v56;
	v32 =	vadd.f32 v37, v32  }
0x22c: {  	v50 =	vld [tilespmem:$0x123E8];
	v26 =	vand.u32 $0x7FFFFFFF, v49;
	v37 =	vsub.f32 v27, v55;
	v55 =	vsub.f32 v23, v45  }
0x22d: {  	v27 =	vand.u32 $0x7FFFFFFF, v48;
	v45 =	vsub.f32 v21, v60;
	v33 =	vadd.f32 v34, v33  }
0x22e: {  	v36 =	vand.u32 $0x7FFFFFFF, v36;
	v34 =	vsub.f32 v25, v57;
	v26 =	vadd.f32 v26, v27  }
0x22f: {  	v52 =	vld [tilespmem:$0xC068];
	v57 =	vsub.f32 v24, v47;
	v37 =	vand.u32 $0x7FFFFFFF, v37;
	v33 =	vadd.f32 v58, v33  }
0x230: {  	v25 =	vand.u32 $0x7FFFFFFF, v53;
	v32 =	vadd.f32 v42, v32;
	v46 =	vadd.f32 v36, v37  }
0x231: {  	v56 =	vld [tilespmem:$0x12468];
	v34 =	vand.u32 $0x7FFFFFFF, v34;
	v37 =	vsub.f32 v22, v50;
	v33 =	vadd.f32 v39, v33  }
0x232: {  	v40 =	vld [tilespmem:$0x12478];
	v32 =	vadd.f32 v35, v32;
	v35 =	vand.u32 $0x7FFFFFFF, v61;
	v34 =	vadd.f32 v34, v46  }
0x233: {  	v62 =	vld [tilespmem:$0xC008];
	v25 =	vadd.f32 v25, v26;
	v33 =	vadd.f32 v35, v33;
	v35 =	vand.u32 $0x7FFFFFFF, v51  }
0x234: {  	v58 =	vld [tilespmem:$0x123F8];
	v24 =	vand.u32 $0x7FFFFFFF, v57;
	v61 =	vsub.f32 v23, v52;
	v34 =	vadd.f32 v35, v34  }
0x235: {  	v44 =	vld [tilespmem:$0xC088];
	v59 =	vand.u32 $0x7FFFFFFF, v55;
	v24 =	vadd.f32 v24, v25;
	v32 =	vadd.f32 v41, v32  }
0x236: {  	v49 =	vld [tilespmem:$0x12418];
	v41 =	vsub.f32 v22, v56;
	v23 =	vand.u32 $0x7FFFFFFF, v61;
	v34 =	vadd.f32 v59, v34  }
0x237: {  	v48 =	vsub.f32 v20, v40;
	v60 =	vld [tilespmem:$0x124A8];
	v37 =	vand.u32 $0x7FFFFFFF, v37;
	v23 =	vadd.f32 v23, v24  }
0x238: {  	v42 =	vld [tilespmem:$0x12408];
	v36 =	vsub.f32 v19, v62;
	v22 =	vand.u32 $0x7FFFFFFF, v41;
	v34 =	vadd.f32 v37, v34  }
0x239: {  	v47 =	vld [tilespmem:$0x12488];
	v21 =	vand.u32 $0x7FFFFFFF, v45;
	v35 =	vsub.f32 v20, v58;
	v22 =	vadd.f32 v22, v23  }
0x23a: {  	v52 =	vsub.f32 v19, v44;
	v46 =	vld [tilespmem:$0xC018];
	v50 =	vand.u32 $0x7FFFFFFF, v36;
	v34 =	vadd.f32 v43, v34  }
0x23b: {  	v25 =	vsub.f32 v16, v49;
	v51 =	vld [tilespmem:$0xC098];
	v35 =	vand.u32 $0x7FFFFFFF, v35;
	v21 =	vadd.f32 v21, v22  }
0x23c: {  	v54 =	vld [tilespmem:$0x12498];
	v38 =	vsub.f32 v14, v60;
	v20 =	vand.u32 $0x7FFFFFFF, v48;
	v34 =	vadd.f32 v35, v34  }
0x23d: {  	v53 =	vld [tilespmem:$0xC028];
	v36 =	vadd.s32 v6, v10;
	v27 =	vsub.f32 v18, v42;
	v20 =	vadd.f32 v20, v21  }
0x23e: {  	v63 =	vld [tilespmem:$0xC0B8];
	v55 =	vsub.f32 v18, v47;
	v19 =	vand.u32 $0x7FFFFFFF, v52;
	v34 =	vadd.f32 v50, v34  }
0x23f: {  	v57 =	vld [tilespmem:$0xC0A8];
	v27 =	vand.u32 $0x7FFFFFFF, v27;
	v26 =	vsub.f32 v17, v46;
	v19 =	vadd.f32 v19, v20  }
0x240: {  	v18 =	vand.u32 $0x7FFFFFFF, v55;
	v59 =	vld [tilespmem:$0x12428];
	v58 =	vsub.f32 v17, v51;
	v27 =	vadd.f32 v27, v34  }
0x241: {  	v56 =	vld [tilespmem:$0x123B8];
	v61 =	vsub.f32 v16, v54;
	v26 =	vand.u32 $0x7FFFFFFF, v26;
	v18 =	vadd.f32 v18, v19  }
0x242: {  	v62 =	vld [tilespmem:$0xC038];
	v24 =	vsub.f32 v15, v53;
	v17 =	vand.u32 $0x7FFFFFFF, v58;
	v26 =	vadd.f32 v26, v27  }
0x243: {  	v25 =	vand.u32 $0x7FFFFFFF, v25;
	v41 =	vsub.f32 v13, v63;
	v17 =	vadd.f32 v17, v18  }
0x244: {  	v16 =	vand.u32 $0x7FFFFFFF, v61;
	v35 =	vsub.f32 v15, v57;
	v34 =	vld [tilespmem:$0x12438];
	v25 =	vadd.f32 v25, v26  }
0x245: {  	v24 =	vand.u32 $0x7FFFFFFF, v24;
	v37 =	vld [tilespmem:$0x124B8];
	v22 =	vsub.f32 v14, v59;
	v16 =	vadd.f32 v16, v17  }
0x246: {  	v23 =	vsub.f32 v12, v56;
	v15 =	vand.u32 $0x7FFFFFFF, v35;
	v24 =	vadd.f32 v24, v25  }
0x247: {  	v21 =	vsub.f32 v13, v62;
	v39 =	vand.u32 $0x7FFFFFFF, v22;
	v15 =	vadd.f32 v15, v16  }
0x248: {  	(xrf2) =	vadd.scan.msk.f32 $0xffff, v28;
	v23 =	vand.u32 $0x7FFFFFFF, v23;
	v14 =	vand.u32 $0x7FFFFFFF, v38;
	v40 =	vadd.f32 v39, v24  }
0x249: {  	(xrf2) =	vadd.scan.msk.f32 $0xffff, v29;
	v42 =	vand.u32 $0x7FFFFFFF, v21;
	v43 =	vsub.f32 v12, v34;
	v14 =	vadd.f32 v14, v15  }
0x24a: {  	(xrf2) =	vadd.scan.msk.f32 $0xffff, v30;
	v13 =	vand.u32 $0x7FFFFFFF, v41;
	v45 =	vsub.f32 v12, v37;
	v44 =	vadd.f32 v42, v40  }
0x24b: {  	(xrf2) =	vadd.scan.msk.f32 $0xffff, v31;
	v46 =	vadd.f32 v23, v33;
	v47 =	vand.u32 $0x7FFFFFFF, v43;
	v13 =	vadd.f32 v13, v14  }
0x24c: {  	(xrf2) =	vadd.scan.msk.f32 $0xffff, v32;
	v12 =	vand.u32 $0x7FFFFFFF, v45;
	v48 =	vadd.f32 v47, v44  }
0x24d: {  	v49 =	vld.idx.msk [tilespmem:v36+s12+$0x0], $0xffff;
	(xrf2) =	vadd.scan.msk.f32 $0xffff, v46;
	v12 =	vadd.f32 v12, v13  }
0x24e: {  	(xrf2) =	vadd.scan.msk.f32 $0xffff, v48  }
0x24f: {  	(xrf2) =	vadd.scan.msk.f32 $0xffff, v12;
	_ =	sdelay $0x2  }
0x250: {  	v51 =	vand.u32 $0xF, v49;
	v50, _, _ =	vpop (xrf2)  }
0x251: {  	v52, _, _ =	vpop (xrf2);
	v13 =	vor.u32 v7, v51  }
0x252: {  	v53, _, _ =	vpop (xrf2);
	v14 =	vbroadcast v52, $0xF;
	v12 =	vbroadcast v50, $0xF  }
0x253: {  	v54, _, _ =	vpop (xrf2);
	v15 =	vbroadcast v53, $0xF  }
0x254: {  	v55, _, _ =	vpop (xrf2);
	v56 =	vbroadcast v54, $0xF;
	v12 =	vsel vm0, v12, v14  }
0x255: {  	v58 =	vbroadcast v55, $0xF;
	v57, _, _ =	vpop (xrf2);
	v12 =	vsel vm1, v12, v15  }
0x256: {  	v60 =	vbroadcast v57, $0xF;
	v13 =	vld.idx.msk [tilespmem:v13+s29+$0x0], $0xffff;
	v12 =	vsel vm2, v12, v56;
	v59, _, _ =	vpop (xrf2)  }
0x257: {  	v12 =	vsel vm3, v12, v58;
	v61 =	vbroadcast v59, $0xF;
	v62, _, _ =	vpop (xrf2)  }
0x258: {  	v12 =	vsel vm4, v12, v60;
	v63 =	vbroadcast v62, $0xF  }
0x259: {  	s20 =	sadd.s32 $0x1, s20;
	v12 =	vsel vm5, v12, v61  }
0x25a: {  	p0 =	sne.s32 s20, $0x20;
	v10 =	vadd.s32 v8, v10;
	v12 =	vsel vm6, v12, v63  }
.Ltmp1:
0x25b: {  	v9 =	vmul.f32 v13, v9;
	v11 =	vsub.f32 v11, v12;
	(pc) =	sbr.rel @p0 .LBB2_2-.Ltmp1, $3  }
0x25c: {  	_ = 	snop  }
0x25d: {  	v9 =	vadd.f32 v11, v9;
	_ =	sdelay $0x1  }
0x25e: {  	[tilespmem:v10+s17+$0x0] =	vst.idx.msk $0xff, v9  }
0x25f: {  	s18 =	sadd.s32 $0x1, s18  }
0x260: {  	p0 =	sne.s32 s18, s11  }
.Ltmp2:
0x261: {  	_ = 	snop;
	(pc) =	sbr.rel @p0 .LBB2_1-.Ltmp2, $4  }
0x262: {  	[hbm4b:s10+s5] =	stream.linear.scatter [tilespmem:s17], [sflag:$0x2], $0x1900, $0x38;
	[tilespmem:$0x14A48] =	vst v63  }
0x263: {  	_ =	swait.ge [sflag:s13], $0x1900  }
0x264: {  	[sflag:s13] =	ssyncset.done $0x0  }
0x265: {  	[sflag:s13] =	ssyncadd.s32 $0xFFFFE700  }
0x266: {  	_ =	sfence.sel $0x180000  }
0x267: {  	[bflag:$0x0] =	sbarrier.arrive $0xFFFF  }
0x268: {  	_ =	strace $0x90000047  }
0x269: {  	s0 =	stileid.u32;
	[bflag:$0x2] =	sbarrier.arrive $0xFFFF  }
0x26a: {  	p0 =	sne.s32 s0, $0x0;
	s0 =	rddreg [dreg:$0x5]  }
0x26b: {  	s0 =	sadd.s32 @!p0 $0x100000, s0  }
0x26c: {  	[sflag:s0] =	ssyncadd.tile.s32 @!p0 $0x1;
	_ =	shalt  }
.Lfunc_end2:
_tile_overlayer_lowered:
.L_overlay_start_2:
0x26d: {  	(tag) =	ssettag $0x2  }
0x26e: {  	s0 =	rddreg [dreg:$0x0];
	s2 =	stileid.u32  }
0x26f: {  	s1 =	rddreg [dreg:$0x1];
	p0 =	sne.s32 s2, $0x0  }
0x270: {  	s3 =	rddreg [dreg:$0x2];
	[bflag:$0x3] =	sbarrier.arrive $0xFFFF;
	s2 =	simm.s32 @!p0 $0x1C02  }
0x271: {  	[timem:s3], [sflag:s2] =	dma.local @!p0 [hbm:s0], s1  }
0x272: {  	s0 =	simm.s32 @!p0 $0x2  }
0x273: {  	_ =	swait.ge @!p0 [sflag:s0], s1  }
0x274: {  	s1 =	ssub.s32 @!p0 $0x0, s1;
	[sflag:s0] =	ssyncset.done @!p0 $0x0  }
0x275: {  	[sflag:s0] =	ssyncadd.s32 @!p0 s1  }
0x276: {  	[bflag:$0x3] =	sbarrier.arrive $0xFFFF  }
0x277: {  	_ =	shalt  }

</sc_bundles>
